<compile_context>
chip_gen: v7x
topology: tpu7x:2x2x1
jax: 0.10.2.dev20260603
libtpu: 0.0.44.dev20260713+nightly
codegen_flags: <defaults>
</compile_context>

<pallas_src>
import functools

import jax
import jax.numpy as jnp
from jax import lax
from jax.experimental import pallas as pl
from jax.experimental.pallas import tpu as pltpu
from jax.experimental.pallas import tpu_sc as plsc

_PW = 48


def _matmul_body(w_ref, x_ref, out_ref):
    h = x_ref.shape[0] // 2
    dn = (((1,), (1,)), ((), ()))
    out_ref[:, :h] = lax.dot_general(
        w_ref[...], x_ref[:h, :], dimension_numbers=dn,
        preferred_element_type=jnp.float32)
    out_ref[:, h:] = lax.dot_general(
        w_ref[...], x_ref[h:, :], dimension_numbers=dn,
        preferred_element_type=jnp.float32)


def _sc_key(f):
    bu = lax.bitcast_convert_type(f, jnp.uint32)
    key = jnp.where((bu >> 31) == 0, bu | jnp.uint32(0x80000000), ~bu)
    return jnp.where(f == 0.0, jnp.uint32(0x80000000), key)


def _sc_thresh_body(logits, params, row_v, keys_v, hist_v, tbuf_v, pbuf_v,
                    ckey_v, cidx_v, tix_v, *, E, T, k, TB):
    c = lax.axis_index("c")
    s = lax.axis_index("s")
    NV = T // 16
    NVB = TB // 16
    NB = T // TB
    lane = lax.iota(jnp.int32, 16)
    lane_base = lane * 256
    ones16 = jnp.ones((16,), jnp.int32)

    pltpu.sync_copy(logits.at[s], row_v)

    def zero_hist():
        def zh(j, _):
            hist_v[pl.ds(j * 16, 16)] = jnp.zeros((16,), jnp.int32)
            return 0
        lax.fori_loop(0, (16 * 256) // 16, zh, 0, unroll=8)

    def fold_and_pick(k_rem):
        def fc(ci, _):
            def fl(l, a):
                a = a + hist_v[pl.ds(l * 256 + ci * 16, 16)]
                hist_v[pl.ds(l * 256 + ci * 16, 16)] = jnp.zeros(
                    (16,), jnp.int32)
                return a
            acc = lax.fori_loop(0, 16, fl, jnp.zeros((16,), jnp.int32), unroll=4)
            plsc.store_scatter(tbuf_v, [lane * 16 + ci], acc)
            return 0
        lax.fori_loop(0, 16, fc, 0)

        def gsum(j, a):
            return a + tbuf_v[pl.ds(j * 16, 16)]
        g = lax.fori_loop(0, 16, gsum, jnp.zeros((16,), jnp.int32))
        sg = lax.rev(plsc.cumsum(lax.rev(g, (0,))), (0,)) - g
        mg = (sg < k_rem) & (sg + g >= k_rem)
        ci = jnp.sum(jnp.where(mg, lane, 0))
        s_chunk = jnp.sum(jnp.where(mg, sg, 0))
        t = plsc.load_gather(tbuf_v, [lane * 16 + ci])
        st = lax.rev(plsc.cumsum(lax.rev(t, (0,))), (0,)) - t + s_chunk
        mt = (st < k_rem) & (st + t >= k_rem)
        j = jnp.sum(jnp.where(mt, lane, 0))
        s_above = jnp.sum(jnp.where(mt, st, 0))
        return ci * 16 + j, k_rem - s_above

    zero_hist()

    def r1(i, _):
        f = row_v[pl.ds(i * 16, 16)]
        key = _sc_key(f)
        keys_v[pl.ds(i * 16, 16)] = key
        d = ((key >> 24) & 255).astype(jnp.int32)
        plsc.addupdate_scatter(hist_v, [lane_base + d], ones16)
        return 0
    lax.fori_loop(0, NV, r1, 0, unroll=8)
    bin0, k_rem = fold_and_pick(jnp.int32(k))
    prefix = bin0.astype(jnp.uint32) << 24

    p24 = prefix >> 24

    def cpass(i, off):
        key = keys_v[pl.ds(i * 16, 16)]
        m2 = (key >> 24) == p24
        plsc.store_compressed(ckey_v.at[pl.ds(off, 16)], key, mask=m2)
        plsc.store_compressed(cidx_v.at[pl.ds(off, 16)], i * 16 + lane,
                              mask=m2)
        return off + jnp.sum(m2.astype(jnp.int32))
    n1 = lax.fori_loop(0, NV, cpass, jnp.int32(0), unroll=8)
    nvc = (n1 + 15) >> 4

    for shift in (16, 8, 0):
        hs = shift + 8

        def rb(i, _, hs=hs, shift=shift, prefix=prefix):
            key = ckey_v[pl.ds(i * 16, 16)]
            act = ((key >> hs) == (prefix >> hs)) & ((i * 16 + lane) < n1)
            d = ((key >> shift) & 255).astype(jnp.int32)
            plsc.addupdate_scatter(hist_v, [lane_base + d], ones16, mask=act)
            return 0
        lax.fori_loop(0, nvc, rb, 0)
        bin_, k_rem = fold_and_pick(k_rem)
        prefix = prefix | (bin_.astype(jnp.uint32) << shift)

    tkey = prefix
    allowed = k_rem

    tki = lax.bitcast_convert_type(jnp.zeros((16,), jnp.uint32) + tkey,
                                   jnp.int32)
    plsc.store_scatter(
        pbuf_v, [lane],
        jnp.where(lane == 0, tki, allowed), mask=lane < 2)

    def tpass(i, off):
        key = ckey_v[pl.ds(i * 16, 16)]
        idxv = cidx_v[pl.ds(i * 16, 16)]
        m = (key == tkey) & ((i * 16 + lane) < n1)
        plsc.store_compressed(tix_v.at[pl.ds(off, 16)], idxv, mask=m)
        return off + jnp.sum(m.astype(jnp.int32))
    nt = lax.fori_loop(0, nvc, tpass, jnp.int32(0))
    ntv = (nt + 15) >> 4

    def tb(blk, _):
        def ti(i, r):
            idxv = tix_v[pl.ds(i * 16, 16)]
            mm = (idxv < blk * TB) & ((i * 16 + lane) < nt)
            return r + jnp.sum(mm.astype(jnp.int32))
        run = lax.fori_loop(0, ntv, ti, jnp.int32(0))
        plsc.store_scatter(
            pbuf_v, [jnp.full((16,), 2, jnp.int32) + blk],
            jnp.full((16,), 1, jnp.int32) * run, mask=lane == 0)
        return 0
    lax.fori_loop(0, NB, tb, 0)

    @pl.when(c == 0)
    def _():
        pltpu.sync_copy(pbuf_v, params.at[s])


def _sc_assign_body(logits, params, eout, wout,
                    col_v, ptab_v, oute_v, outw_v, sem,
                    *, E, T, k, TB):
    c = lax.axis_index("c")
    s = lax.axis_index("s")
    wid = c * 16 + s
    base = wid * TB
    NVB = TB // 16
    lane = lax.iota(jnp.int32, 16)

    col_cp = pltpu.async_copy(logits.at[:, pl.ds(base, TB)], col_v, sem)
    pltpu.sync_copy(params, ptab_v)
    col_cp.wait()

    def _lane0(v):
        return jnp.sum(jnp.where(lane == 0, v, 0))

    te, alw, bpre = [], [], []
    widv = jnp.zeros((16,), jnp.int32) + (2 + wid)
    for e in range(E):
        row = ptab_v[e, pl.ds(0, 16)]
        rowu = lax.bitcast_convert_type(row, jnp.uint32)
        te.append(jnp.sum(jnp.where(lane == 0, rowu, jnp.uint32(0))))
        alw.append(jnp.sum(jnp.where(lane == 1, row, 0)))
        bpre.append(_lane0(plsc.load_gather(
            ptab_v, [jnp.full((16,), e, jnp.int32), widv])))
    minus_inf = jnp.full((16,), -jnp.inf, jnp.float32)

    def p3(i, runs):
        ls = [col_v[e, pl.ds(i * 16, 16)] for e in range(E)]
        m = minus_inf
        for e in range(E):
            m = jnp.maximum(m, ls[e])
        den = jnp.zeros((16,), jnp.float32)
        for e in range(E):
            den = den + jnp.exp(ls[e] - m)
        estar = jnp.full((16,), -1, jnp.int32)
        val = jnp.zeros((16,), jnp.float32)
        new_runs = []
        for e in range(E):
            f = ls[e]
            key = _sc_key(f)
            eqm = key == te[e]
            ic = plsc.cumsum(eqm.astype(jnp.int32))
            sel = (key > te[e]) | (eqm & ((bpre[e] + runs[e] + ic) <= alw[e]))
            estar = jnp.where(sel, jnp.int32(e), estar)
            val = jnp.where(sel, f, val)
            new_runs.append(runs[e] + jnp.sum(jnp.where(lane == 15, ic, 0)))
        picked = estar >= 0
        w = jnp.exp(val - m) / den
        oute_v[pl.ds(i * 16, 16)] = jnp.maximum(estar, jnp.int32(0))
        outw_v[pl.ds(i * 16, 16)] = jnp.where(picked, w, jnp.float32(1.0))
        return tuple(new_runs)
    lax.fori_loop(0, NVB, p3, tuple(jnp.int32(0) for _ in range(E)))

    pltpu.sync_copy(oute_v, eout.at[pl.ds(base, TB)])
    pltpu.sync_copy(outw_v, wout.at[pl.ds(base, TB)])


def _sc_select(logits, *, E, T, k):
    NB = 32
    TB = T // NB
    mesh = plsc.VectorSubcoreMesh(core_axis_name="c", subcore_axis_name="s")
    cp = pltpu.CompilerParams(needs_layout_passes=False)

    thresh = pl.kernel(
        functools.partial(_sc_thresh_body, E=E, T=T, k=k, TB=TB),
        out_type=jax.ShapeDtypeStruct((E, _PW), jnp.int32),
        mesh=mesh,
        scratch_types=[
            pltpu.VMEM((T,), jnp.float32),
            pltpu.VMEM((T,), jnp.uint32),
            pltpu.VMEM((16 * 256,), jnp.int32),
            pltpu.VMEM((256,), jnp.int32),
            pltpu.VMEM((_PW,), jnp.int32),
            pltpu.VMEM((T + 32,), jnp.uint32),
            pltpu.VMEM((T + 32,), jnp.int32),
            pltpu.VMEM((T + 32,), jnp.int32),
        ],
        compiler_params=cp,
    )
    params = thresh(logits)

    assign = pl.kernel(
        functools.partial(_sc_assign_body, E=E, T=T, k=k, TB=TB),
        out_type=(
            jax.ShapeDtypeStruct((T,), jnp.int32),
            jax.ShapeDtypeStruct((T,), jnp.float32),
        ),
        mesh=mesh,
        scratch_types=[
            pltpu.VMEM((E, TB), jnp.float32),
            pltpu.VMEM((E, _PW), jnp.int32),
            pltpu.VMEM((TB,), jnp.int32),
            pltpu.VMEM((TB,), jnp.float32),
            pltpu.SemaphoreType.DMA,
        ],
        compiler_params=cp,
    )
    return assign(logits, params)


def kernel(x, W_gate):
    B, S, D = x.shape
    E = W_gate.shape[0]
    T = B * S
    k = min(int(T / E * 1.0), T)

    xf = x.reshape(T, D)
    TBLK = 1024
    logits = pl.pallas_call(
        _matmul_body,
        grid=(T // TBLK,),
        in_specs=[
            pl.BlockSpec((E, D), lambda i: (0, 0)),
            pl.BlockSpec((TBLK, D), lambda i: (i, 0)),
        ],
        out_specs=pl.BlockSpec((E, TBLK), lambda i: (0, i)),
        out_shape=jax.ShapeDtypeStruct((E, T), jnp.float32),
    )(W_gate, xf)

    expert, weight = _sc_select(logits, E=E, T=T, k=k)

    expert_out = expert.reshape(B, S, 1)
    weight_out = weight.reshape(B, S, 1).astype(x.dtype)
    aux_loss = jnp.array(0.0, dtype=x.dtype)
    return (expert_out, weight_out, aux_loss)

# --- scband reference (transcript-rebuilt; emitter-appended) ---
"""Pipeline reference for scband-expert-choice-router-4011499454964 (READ-ONLY COPY).

The authoritative reference and input builder live on the scoring server;
editing this copy changes nothing except your own understanding.
"""

import jax, jax.numpy as jnp
import numpy as np

D_MODEL = 2048
NUM_EXPERTS = 16
CAPACITY_FACTOR = 1.0


def setup_inputs(seed: int = 0) -> dict:
    key = jax.random.key(seed)
    kx, kw = jax.random.split(key)
    x = jax.random.normal(kx, (2, 4096, D_MODEL), dtype=jnp.float32)
    # gate: nn.Linear(d_model, num_experts, bias=False) -> weight [num_experts, d_model]
    W_gate = jax.random.normal(kw, (NUM_EXPERTS, D_MODEL), dtype=jnp.float32) * (1.0 / np.sqrt(D_MODEL))
    return {"x": x, "W_gate": W_gate}


def reference(x, W_gate):
    batch, seq_len, d_model = x.shape
    num_experts = W_gate.shape[0]
    num_tokens = batch * seq_len
    capacity = int(num_tokens / num_experts * CAPACITY_FACTOR)
    # gate linear (no bias)
    logits = jnp.einsum('bsd,ed->bse', x, W_gate)
    logits_flat = logits.reshape(num_tokens, num_experts)
    expert_logits = logits_flat.T  # [E, num_tokens]
    top_k = min(capacity, num_tokens)
    _, top_token_indices = jax.lax.top_k(expert_logits, top_k)  # [E, top_k]
    probs_flat = jax.nn.softmax(logits_flat, axis=-1)  # [num_tokens, E]
    # sequential overwrite semantics: later experts win, matching torch loop order
    flat_expert = jnp.zeros((num_tokens,), dtype=jnp.int32)
    flat_weight = jnp.ones((num_tokens,), dtype=x.dtype)
    for expert_id in range(num_experts):
        token_ids = top_token_indices[expert_id]  # unique within an expert
        flat_expert = flat_expert.at[token_ids].set(expert_id)
        flat_weight = flat_weight.at[token_ids].set(probs_flat[token_ids, expert_id])
    expert_indices_out = flat_expert.reshape(batch, seq_len, 1)
    expert_weights_out = flat_weight.reshape(batch, seq_len, 1)
    aux_loss = jnp.array(0.0, dtype=x.dtype)
    return (expert_indices_out, expert_weights_out, aux_loss)

if __name__ == "__main__":
    import jax
    _d = setup_inputs()
    print(jax.jit(kernel)(*tuple(_d.values())))

</pallas_src>

<mosaic_0001>
#map = affine_map<(d0, d1) -> (0, 0)>
module attributes {stable_mosaic.version = 14 : i64} {
  func.func @_sc_thresh_body(%arg0: i32, %arg1: i32, %arg2: memref<16x8192xf32, #tpu.memory_space<hbm>>, %arg3: memref<16x48xi32, #tpu.memory_space<hbm>>, %arg4: memref<8192xf32, #tpu.memory_space<vmem>>, %arg5: memref<8192xi32, #tpu.memory_space<vmem>>, %arg6: memref<4096xi32, #tpu.memory_space<vmem>>, %arg7: memref<256xi32, #tpu.memory_space<vmem>>, %arg8: memref<48xi32, #tpu.memory_space<vmem>>, %arg9: memref<8224xi32, #tpu.memory_space<vmem>>, %arg10: memref<8224xi32, #tpu.memory_space<vmem>>, %arg11: memref<8224xi32, #tpu.memory_space<vmem>>) attributes {dimension_semantics = [#tpu.dimension_semantics<core_parallel>, #tpu.dimension_semantics<subcore_parallel>], iteration_bounds = array<i64: 2, 16>, scalar_prefetch = 0 : i64, scratch_operands = 8 : i64, tpu.core_type = #tpu.core_type<sc_vector_subcore>, window_params = [{transform_indices = #map}, {transform_indices = #map}]} {
    %iota3A = tpu.iota {dimensions = array<i32: 0>} : vector<16xi32>
    %mul3A = arith.constant 256 : i32
    %mul3A_0 = vector.broadcast %mul3A : i32 to vector<16xi32>
    %mul3A_1 = arith.muli %iota3A, %mul3A_0 : vector<16xi32>
    %broadcast_in_dim3A = arith.constant 1 : i32
    %broadcast_in_dim3A_2 = vector.broadcast %broadcast_in_dim3A : i32 to vector<16xi32>
    "tpu.region"() ({
      %run_scoped3A = tpu.sem_alloc : memref<!tpu.dma_semaphore, #tpu.memory_space<semaphore_mem>>
      %dma_start3A = arith.constant 0 : i32
      %dma_start3A_482 = tpu.memref_slice %arg2[%arg1, %dma_start3A] : memref<16x8192xf32, #tpu.memory_space<hbm>> -> memref<1x8192xf32, #tpu.memory_space<hbm>>
      %dma_start3A_483 = tpu.memref_squeeze %dma_start3A_482 : memref<1x8192xf32, #tpu.memory_space<hbm>> -> memref<8192xf32, #tpu.memory_space<hbm>>
      %dma_start3A_484 = arith.constant 0 : i32
      %dma_start3A_485 = tpu.memref_slice %arg2[%arg1, %dma_start3A_484] : memref<16x8192xf32, #tpu.memory_space<hbm>> -> memref<1x8192xf32, #tpu.memory_space<hbm>>
      %dma_start3A_486 = tpu.memref_squeeze %dma_start3A_485 : memref<1x8192xf32, #tpu.memory_space<hbm>> -> memref<8192xf32, #tpu.memory_space<hbm>>
      tpu.enqueue_dma source(%dma_start3A_486 : memref<8192xf32, #tpu.memory_space<hbm>>) target(%arg4 : memref<8192xf32, #tpu.memory_space<vmem>>) target_semaphore(%run_scoped3A : memref<!tpu.dma_semaphore, #tpu.memory_space<semaphore_mem>>)
      %dma_wait3A = arith.constant 0 : i32
      %dma_wait3A_487 = tpu.memref_slice %arg2[%arg1, %dma_wait3A] : memref<16x8192xf32, #tpu.memory_space<hbm>> -> memref<1x8192xf32, #tpu.memory_space<hbm>>
      %dma_wait3A_488 = tpu.memref_squeeze %dma_wait3A_487 : memref<1x8192xf32, #tpu.memory_space<hbm>> -> memref<8192xf32, #tpu.memory_space<hbm>>
      %dma_wait3A_489 = arith.constant 0 : i32
      %dma_wait3A_490 = tpu.memref_slice %arg2[%arg1, %dma_wait3A_489] : memref<16x8192xf32, #tpu.memory_space<hbm>> -> memref<1x8192xf32, #tpu.memory_space<hbm>>
      %dma_wait3A_491 = tpu.memref_squeeze %dma_wait3A_490 : memref<1x8192xf32, #tpu.memory_space<hbm>> -> memref<8192xf32, #tpu.memory_space<hbm>>
      tpu.wait_dma2 semaphore(%run_scoped3A : memref<!tpu.dma_semaphore, #tpu.memory_space<semaphore_mem>>) src(%dma_wait3A_491 : memref<8192xf32, #tpu.memory_space<hbm>>) dst(%arg4 : memref<8192xf32, #tpu.memory_space<vmem>>)
      tpu.yield
    }) : () -> ()
    %scan3A = arith.constant 0 : i32
    %scan3A_3 = arith.constant 0 : i32
    %scan3A_4 = arith.constant 256 : i32
    %scan3A_5 = arith.addi %scan3A_3, %scan3A_4 : i32
    %scan3A_6 = arith.constant 8 : i32
    %scan3A_7 = scf.for %scan3A_482 = %scan3A_3 to %scan3A_5 step %scan3A_6 iter_args(%scan3A_483 = %scan3A) -> (i32)  : i32 {
      %broadcast_in_dim3A_484 = arith.constant 0 : i32
      %broadcast_in_dim3A_485 = vector.broadcast %broadcast_in_dim3A_484 : i32 to vector<16xi32>
      %mul3A_486 = arith.constant 16 : i32
      %mul3A_487 = arith.muli %scan3A_482, %mul3A_486 : i32
      %swap3A = arith.index_cast %mul3A_487 : i32 to index
      %swap3A_488 = tpu.vector_load %arg6[%swap3A] {strides = array<i32>} : memref<4096xi32, #tpu.memory_space<vmem>>, vector<16xi32>,
      tpu.vector_store %arg6[%swap3A], %broadcast_in_dim3A_485 {strides = array<i32>} : memref<4096xi32, #tpu.memory_space<vmem>>, vector<16xi32>,
      %scan3A_489 = arith.constant 0 : i32
      %scan3A_490 = arith.constant 1 : i32
      %scan3A_491 = arith.addi %scan3A_482, %scan3A_490 : i32
      %broadcast_in_dim3A_492 = arith.constant 0 : i32
      %broadcast_in_dim3A_493 = vector.broadcast %broadcast_in_dim3A_492 : i32 to vector<16xi32>
      %mul3A_494 = arith.constant 16 : i32
      %mul3A_495 = arith.muli %scan3A_491, %mul3A_494 : i32
      %swap3A_496 = arith.index_cast %mul3A_495 : i32 to index
      %swap3A_497 = tpu.vector_load %arg6[%swap3A_496] {strides = array<i32>} : memref<4096xi32, #tpu.memory_space<vmem>>, vector<16xi32>,
      tpu.vector_store %arg6[%swap3A_496], %broadcast_in_dim3A_493 {strides = array<i32>} : memref<4096xi32, #tpu.memory_space<vmem>>, vector<16xi32>,
      %scan3A_498 = arith.constant 0 : i32
      %scan3A_499 = arith.constant 2 : i32
      %scan3A_500 = arith.addi %scan3A_482, %scan3A_499 : i32
      %broadcast_in_dim3A_501 = arith.constant 0 : i32
      %broadcast_in_dim3A_502 = vector.broadcast %broadcast_in_dim3A_501 : i32 to vector<16xi32>
      %mul3A_503 = arith.constant 16 : i32
      %mul3A_504 = arith.muli %scan3A_500, %mul3A_503 : i32
      %swap3A_505 = arith.index_cast %mul3A_504 : i32 to index
      %swap3A_506 = tpu.vector_load %arg6[%swap3A_505] {strides = array<i32>} : memref<4096xi32, #tpu.memory_space<vmem>>, vector<16xi32>,
      tpu.vector_store %arg6[%swap3A_505], %broadcast_in_dim3A_502 {strides = array<i32>} : memref<4096xi32, #tpu.memory_space<vmem>>, vector<16xi32>,
      %scan3A_507 = arith.constant 0 : i32
      %scan3A_508 = arith.constant 3 : i32
      %scan3A_509 = arith.addi %scan3A_482, %scan3A_508 : i32
      %broadcast_in_dim3A_510 = arith.constant 0 : i32
      %broadcast_in_dim3A_511 = vector.broadcast %broadcast_in_dim3A_510 : i32 to vector<16xi32>
      %mul3A_512 = arith.constant 16 : i32
      %mul3A_513 = arith.muli %scan3A_509, %mul3A_512 : i32
      %swap3A_514 = arith.index_cast %mul3A_513 : i32 to index
      %swap3A_515 = tpu.vector_load %arg6[%swap3A_514] {strides = array<i32>} : memref<4096xi32, #tpu.memory_space<vmem>>, vector<16xi32>,
      tpu.vector_store %arg6[%swap3A_514], %broadcast_in_dim3A_511 {strides = array<i32>} : memref<4096xi32, #tpu.memory_space<vmem>>, vector<16xi32>,
      %scan3A_516 = arith.constant 0 : i32
      %scan3A_517 = arith.constant 4 : i32
      %scan3A_518 = arith.addi %scan3A_482, %scan3A_517 : i32
      %broadcast_in_dim3A_519 = arith.constant 0 : i32
      %broadcast_in_dim3A_520 = vector.broadcast %broadcast_in_dim3A_519 : i32 to vector<16xi32>
      %mul3A_521 = arith.constant 16 : i32
      %mul3A_522 = arith.muli %scan3A_518, %mul3A_521 : i32
      %swap3A_523 = arith.index_cast %mul3A_522 : i32 to index
      %swap3A_524 = tpu.vector_load %arg6[%swap3A_523] {strides = array<i32>} : memref<4096xi32, #tpu.memory_space<vmem>>, vector<16xi32>,
      tpu.vector_store %arg6[%swap3A_523], %broadcast_in_dim3A_520 {strides = array<i32>} : memref<4096xi32, #tpu.memory_space<vmem>>, vector<16xi32>,
      %scan3A_525 = arith.constant 0 : i32
      %scan3A_526 = arith.constant 5 : i32
      %scan3A_527 = arith.addi %scan3A_482, %scan3A_526 : i32
      %broadcast_in_dim3A_528 = arith.constant 0 : i32
      %broadcast_in_dim3A_529 = vector.broadcast %broadcast_in_dim3A_528 : i32 to vector<16xi32>
      %mul3A_530 = arith.constant 16 : i32
      %mul3A_531 = arith.muli %scan3A_527, %mul3A_530 : i32
      %swap3A_532 = arith.index_cast %mul3A_531 : i32 to index
      %swap3A_533 = tpu.vector_load %arg6[%swap3A_532] {strides = array<i32>} : memref<4096xi32, #tpu.memory_space<vmem>>, vector<16xi32>,
      tpu.vector_store %arg6[%swap3A_532], %broadcast_in_dim3A_529 {strides = array<i32>} : memref<4096xi32, #tpu.memory_space<vmem>>, vector<16xi32>,
      %scan3A_534 = arith.constant 0 : i32
      %scan3A_535 = arith.constant 6 : i32
      %scan3A_536 = arith.addi %scan3A_482, %scan3A_535 : i32
      %broadcast_in_dim3A_537 = arith.constant 0 : i32
      %broadcast_in_dim3A_538 = vector.broadcast %broadcast_in_dim3A_537 : i32 to vector<16xi32>
      %mul3A_539 = arith.constant 16 : i32
      %mul3A_540 = arith.muli %scan3A_536, %mul3A_539 : i32
      %swap3A_541 = arith.index_cast %mul3A_540 : i32 to index
      %swap3A_542 = tpu.vector_load %arg6[%swap3A_541] {strides = array<i32>} : memref<4096xi32, #tpu.memory_space<vmem>>, vector<16xi32>,
      tpu.vector_store %arg6[%swap3A_541], %broadcast_in_dim3A_538 {strides = array<i32>} : memref<4096xi32, #tpu.memory_space<vmem>>, vector<16xi32>,
      %scan3A_543 = arith.constant 0 : i32
      %scan3A_544 = arith.constant 7 : i32
      %scan3A_545 = arith.addi %scan3A_482, %scan3A_544 : i32
      %broadcast_in_dim3A_546 = arith.constant 0 : i32
      %broadcast_in_dim3A_547 = vector.broadcast %broadcast_in_dim3A_546 : i32 to vector<16xi32>
      %mul3A_548 = arith.constant 16 : i32
      %mul3A_549 = arith.muli %scan3A_545, %mul3A_548 : i32
      %swap3A_550 = arith.index_cast %mul3A_549 : i32 to index
      %swap3A_551 = tpu.vector_load %arg6[%swap3A_550] {strides = array<i32>} : memref<4096xi32, #tpu.memory_space<vmem>>, vector<16xi32>,
      tpu.vector_store %arg6[%swap3A_550], %broadcast_in_dim3A_547 {strides = array<i32>} : memref<4096xi32, #tpu.memory_space<vmem>>, vector<16xi32>,
      %scan3A_552 = arith.constant 0 : i32
      scf.yield %scan3A_552 : i32
    }
    %scan3A_8 = arith.constant 256 : i32
    %scan3A_9 = arith.constant 0 : i32
    %scan3A_10 = arith.constant 0 : i32
    %scan3A_11 = arith.constant 512 : i32
    %scan3A_12 = arith.addi %scan3A_10, %scan3A_11 : i32
    %scan3A_13 = arith.constant 8 : i32
    %scan3A_14 = scf.for %scan3A_482 = %scan3A_10 to %scan3A_12 step %scan3A_13 iter_args(%scan3A_483 = %scan3A_9) -> (i32)  : i32 {
      %mul3A_484 = arith.constant 16 : i32
      %mul3A_485 = arith.muli %scan3A_482, %mul3A_484 : i32
      %get3A = arith.index_cast %mul3A_485 : i32 to index
      %get3A_486 = tpu.vector_load %arg4[%get3A] {strides = array<i32>} : memref<8192xf32, #tpu.memory_space<vmem>>, vector<16xf32>,
      %bitcast_convert_type3A_487 = tpu.bitcast %get3A_486 : vector<16xf32> -> vector<16xi32>
      %shift_right_logical3A_488 = arith.constant 31 : i32
      %shift_right_logical3A_489 = vector.broadcast %shift_right_logical3A_488 : i32 to vector<16xi32>
      %shift_right_logical3A_490 = arith.shrui %bitcast_convert_type3A_487, %shift_right_logical3A_489 : vector<16xi32>
      %eq3A_491 = arith.constant 0 : i32
      %eq3A_492 = vector.broadcast %eq3A_491 : i32 to vector<16xi32>
      %eq3A_493 = arith.cmpi eq, %shift_right_logical3A_490, %eq3A_492 : vector<16xi32>
      %or3A_494 = arith.constant -2147483648 : i32
      %or3A_495 = vector.broadcast %or3A_494 : i32 to vector<16xi32>
      %or3A_496 = arith.ori %bitcast_convert_type3A_487, %or3A_495 : vector<16xi32>
      %not3A = arith.constant dense<-1> : vector<16xi32>
      %not3A_497 = arith.xori %bitcast_convert_type3A_487, %not3A : vector<16xi32>
      %select_n3A_498 = arith.select %eq3A_493, %or3A_496, %not3A_497 : vector<16xi1>, vector<16xi32>
      %eq3A_499 = arith.constant 0.000000e+00 : f32
      %eq3A_500 = vector.broadcast %eq3A_499 : f32 to vector<16xf32>
      %eq3A_501 = arith.cmpf oeq, %get3A_486, %eq3A_500 : vector<16xf32>
      %jit3A_502 = arith.constant -2147483648 : i32
      %broadcast_in_dim3A_503 = vector.broadcast %jit3A_502 : i32 to vector<16xi32>
      %select_n3A_504 = arith.select %eq3A_501, %broadcast_in_dim3A_503, %select_n3A_498 : vector<16xi1>, vector<16xi32>
      %mul3A_505 = arith.constant 16 : i32
      %mul3A_506 = arith.muli %scan3A_482, %mul3A_505 : i32
      %swap3A = arith.index_cast %mul3A_506 : i32 to index
      %swap3A_507 = tpu.vector_load %arg5[%swap3A] {strides = array<i32>} : memref<8192xi32, #tpu.memory_space<vmem>>, vector<16xi32>,
      tpu.vector_store %arg5[%swap3A], %select_n3A_504 {strides = array<i32>} : memref<8192xi32, #tpu.memory_space<vmem>>, vector<16xi32>,
      %shift_right_logical3A_508 = arith.constant 24 : i32
      %shift_right_logical3A_509 = vector.broadcast %shift_right_logical3A_508 : i32 to vector<16xi32>
      %shift_right_logical3A_510 = arith.shrui %select_n3A_504, %shift_right_logical3A_509 : vector<16xi32>
      %and3A_511 = arith.constant 255 : i32
      %and3A_512 = vector.broadcast %and3A_511 : i32 to vector<16xi32>
      %and3A_513 = arith.andi %shift_right_logical3A_510, %and3A_512 : vector<16xi32>
      %add3A_514 = arith.addi %mul3A_1, %and3A_513 : vector<16xi32>
      tpu.vector_store_idx %arg6[%add3A_514], %broadcast_in_dim3A_2 {add = true} : memref<4096xi32, #tpu.memory_space<vmem>>[vector<16xi32>], vector<16xi32>,
      %scan3A_515 = arith.constant 0 : i32
      %scan3A_516 = arith.constant 1 : i32
      %scan3A_517 = arith.addi %scan3A_482, %scan3A_516 : i32
      %mul3A_518 = arith.constant 16 : i32
      %mul3A_519 = arith.muli %scan3A_517, %mul3A_518 : i32
      %get3A_520 = arith.index_cast %mul3A_519 : i32 to index
      %get3A_521 = tpu.vector_load %arg4[%get3A_520] {strides = array<i32>} : memref<8192xf32, #tpu.memory_space<vmem>>, vector<16xf32>,
      %bitcast_convert_type3A_522 = tpu.bitcast %get3A_521 : vector<16xf32> -> vector<16xi32>
      %shift_right_logical3A_523 = arith.constant 31 : i32
      %shift_right_logical3A_524 = vector.broadcast %shift_right_logical3A_523 : i32 to vector<16xi32>
      %shift_right_logical3A_525 = arith.shrui %bitcast_convert_type3A_522, %shift_right_logical3A_524 : vector<16xi32>
      %eq3A_526 = arith.constant 0 : i32
      %eq3A_527 = vector.broadcast %eq3A_526 : i32 to vector<16xi32>
      %eq3A_528 = arith.cmpi eq, %shift_right_logical3A_525, %eq3A_527 : vector<16xi32>
      %or3A_529 = arith.constant -2147483648 : i32
      %or3A_530 = vector.broadcast %or3A_529 : i32 to vector<16xi32>
      %or3A_531 = arith.ori %bitcast_convert_type3A_522, %or3A_530 : vector<16xi32>
      %not3A_532 = arith.constant dense<-1> : vector<16xi32>
      %not3A_533 = arith.xori %bitcast_convert_type3A_522, %not3A_532 : vector<16xi32>
      %select_n3A_534 = arith.select %eq3A_528, %or3A_531, %not3A_533 : vector<16xi1>, vector<16xi32>
      %eq3A_535 = arith.constant 0.000000e+00 : f32
      %eq3A_536 = vector.broadcast %eq3A_535 : f32 to vector<16xf32>
      %eq3A_537 = arith.cmpf oeq, %get3A_521, %eq3A_536 : vector<16xf32>
      %jit3A_538 = arith.constant -2147483648 : i32
      %broadcast_in_dim3A_539 = vector.broadcast %jit3A_538 : i32 to vector<16xi32>
      %select_n3A_540 = arith.select %eq3A_537, %broadcast_in_dim3A_539, %select_n3A_534 : vector<16xi1>, vector<16xi32>
      %mul3A_541 = arith.constant 16 : i32
      %mul3A_542 = arith.muli %scan3A_517, %mul3A_541 : i32
      %swap3A_543 = arith.index_cast %mul3A_542 : i32 to index
      %swap3A_544 = tpu.vector_load %arg5[%swap3A_543] {strides = array<i32>} : memref<8192xi32, #tpu.memory_space<vmem>>, vector<16xi32>,
      tpu.vector_store %arg5[%swap3A_543], %select_n3A_540 {strides = array<i32>} : memref<8192xi32, #tpu.memory_space<vmem>>, vector<16xi32>,
      %shift_right_logical3A_545 = arith.constant 24 : i32
      %shift_right_logical3A_546 = vector.broadcast %shift_right_logical3A_545 : i32 to vector<16xi32>
      %shift_right_logical3A_547 = arith.shrui %select_n3A_540, %shift_right_logical3A_546 : vector<16xi32>
      %and3A_548 = arith.constant 255 : i32
      %and3A_549 = vector.broadcast %and3A_548 : i32 to vector<16xi32>
      %and3A_550 = arith.andi %shift_right_logical3A_547, %and3A_549 : vector<16xi32>
      %add3A_551 = arith.addi %mul3A_1, %and3A_550 : vector<16xi32>
      tpu.vector_store_idx %arg6[%add3A_551], %broadcast_in_dim3A_2 {add = true} : memref<4096xi32, #tpu.memory_space<vmem>>[vector<16xi32>], vector<16xi32>,
      %scan3A_552 = arith.constant 0 : i32
      %scan3A_553 = arith.constant 2 : i32
      %scan3A_554 = arith.addi %scan3A_482, %scan3A_553 : i32
      %mul3A_555 = arith.constant 16 : i32
      %mul3A_556 = arith.muli %scan3A_554, %mul3A_555 : i32
      %get3A_557 = arith.index_cast %mul3A_556 : i32 to index
      %get3A_558 = tpu.vector_load %arg4[%get3A_557] {strides = array<i32>} : memref<8192xf32, #tpu.memory_space<vmem>>, vector<16xf32>,
      %bitcast_convert_type3A_559 = tpu.bitcast %get3A_558 : vector<16xf32> -> vector<16xi32>
      %shift_right_logical3A_560 = arith.constant 31 : i32
      %shift_right_logical3A_561 = vector.broadcast %shift_right_logical3A_560 : i32 to vector<16xi32>
      %shift_right_logical3A_562 = arith.shrui %bitcast_convert_type3A_559, %shift_right_logical3A_561 : vector<16xi32>
      %eq3A_563 = arith.constant 0 : i32
      %eq3A_564 = vector.broadcast %eq3A_563 : i32 to vector<16xi32>
      %eq3A_565 = arith.cmpi eq, %shift_right_logical3A_562, %eq3A_564 : vector<16xi32>
      %or3A_566 = arith.constant -2147483648 : i32
      %or3A_567 = vector.broadcast %or3A_566 : i32 to vector<16xi32>
      %or3A_568 = arith.ori %bitcast_convert_type3A_559, %or3A_567 : vector<16xi32>
      %not3A_569 = arith.constant dense<-1> : vector<16xi32>
      %not3A_570 = arith.xori %bitcast_convert_type3A_559, %not3A_569 : vector<16xi32>
      %select_n3A_571 = arith.select %eq3A_565, %or3A_568, %not3A_570 : vector<16xi1>, vector<16xi32>
      %eq3A_572 = arith.constant 0.000000e+00 : f32
      %eq3A_573 = vector.broadcast %eq3A_572 : f32 to vector<16xf32>
      %eq3A_574 = arith.cmpf oeq, %get3A_558, %eq3A_573 : vector<16xf32>
      %jit3A_575 = arith.constant -2147483648 : i32
      %broadcast_in_dim3A_576 = vector.broadcast %jit3A_575 : i32 to vector<16xi32>
      %select_n3A_577 = arith.select %eq3A_574, %broadcast_in_dim3A_576, %select_n3A_571 : vector<16xi1>, vector<16xi32>
      %mul3A_578 = arith.constant 16 : i32
      %mul3A_579 = arith.muli %scan3A_554, %mul3A_578 : i32
      %swap3A_580 = arith.index_cast %mul3A_579 : i32 to index
      %swap3A_581 = tpu.vector_load %arg5[%swap3A_580] {strides = array<i32>} : memref<8192xi32, #tpu.memory_space<vmem>>, vector<16xi32>,
      tpu.vector_store %arg5[%swap3A_580], %select_n3A_577 {strides = array<i32>} : memref<8192xi32, #tpu.memory_space<vmem>>, vector<16xi32>,
      %shift_right_logical3A_582 = arith.constant 24 : i32
      %shift_right_logical3A_583 = vector.broadcast %shift_right_logical3A_582 : i32 to vector<16xi32>
      %shift_right_logical3A_584 = arith.shrui %select_n3A_577, %shift_right_logical3A_583 : vector<16xi32>
      %and3A_585 = arith.constant 255 : i32
      %and3A_586 = vector.broadcast %and3A_585 : i32 to vector<16xi32>
      %and3A_587 = arith.andi %shift_right_logical3A_584, %and3A_586 : vector<16xi32>
      %add3A_588 = arith.addi %mul3A_1, %and3A_587 : vector<16xi32>
      tpu.vector_store_idx %arg6[%add3A_588], %broadcast_in_dim3A_2 {add = true} : memref<4096xi32, #tpu.memory_space<vmem>>[vector<16xi32>], vector<16xi32>,
      %scan3A_589 = arith.constant 0 : i32
      %scan3A_590 = arith.constant 3 : i32
      %scan3A_591 = arith.addi %scan3A_482, %scan3A_590 : i32
      %mul3A_592 = arith.constant 16 : i32
      %mul3A_593 = arith.muli %scan3A_591, %mul3A_592 : i32
      %get3A_594 = arith.index_cast %mul3A_593 : i32 to index
      %get3A_595 = tpu.vector_load %arg4[%get3A_594] {strides = array<i32>} : memref<8192xf32, #tpu.memory_space<vmem>>, vector<16xf32>,
      %bitcast_convert_type3A_596 = tpu.bitcast %get3A_595 : vector<16xf32> -> vector<16xi32>
      %shift_right_logical3A_597 = arith.constant 31 : i32
      %shift_right_logical3A_598 = vector.broadcast %shift_right_logical3A_597 : i32 to vector<16xi32>
      %shift_right_logical3A_599 = arith.shrui %bitcast_convert_type3A_596, %shift_right_logical3A_598 : vector<16xi32>
      %eq3A_600 = arith.constant 0 : i32
      %eq3A_601 = vector.broadcast %eq3A_600 : i32 to vector<16xi32>
      %eq3A_602 = arith.cmpi eq, %shift_right_logical3A_599, %eq3A_601 : vector<16xi32>
      %or3A_603 = arith.constant -2147483648 : i32
      %or3A_604 = vector.broadcast %or3A_603 : i32 to vector<16xi32>
      %or3A_605 = arith.ori %bitcast_convert_type3A_596, %or3A_604 : vector<16xi32>
      %not3A_606 = arith.constant dense<-1> : vector<16xi32>
      %not3A_607 = arith.xori %bitcast_convert_type3A_596, %not3A_606 : vector<16xi32>
      %select_n3A_608 = arith.select %eq3A_602, %or3A_605, %not3A_607 : vector<16xi1>, vector<16xi32>
      %eq3A_609 = arith.constant 0.000000e+00 : f32
      %eq3A_610 = vector.broadcast %eq3A_609 : f32 to vector<16xf32>
      %eq3A_611 = arith.cmpf oeq, %get3A_595, %eq3A_610 : vector<16xf32>
      %jit3A_612 = arith.constant -2147483648 : i32
      %broadcast_in_dim3A_613 = vector.broadcast %jit3A_612 : i32 to vector<16xi32>
      %select_n3A_614 = arith.select %eq3A_611, %broadcast_in_dim3A_613, %select_n3A_608 : vector<16xi1>, vector<16xi32>
      %mul3A_615 = arith.constant 16 : i32
      %mul3A_616 = arith.muli %scan3A_591, %mul3A_615 : i32
      %swap3A_617 = arith.index_cast %mul3A_616 : i32 to index
      %swap3A_618 = tpu.vector_load %arg5[%swap3A_617] {strides = array<i32>} : memref<8192xi32, #tpu.memory_space<vmem>>, vector<16xi32>,
      tpu.vector_store %arg5[%swap3A_617], %select_n3A_614 {strides = array<i32>} : memref<8192xi32, #tpu.memory_space<vmem>>, vector<16xi32>,
      %shift_right_logical3A_619 = arith.constant 24 : i32
      %shift_right_logical3A_620 = vector.broadcast %shift_right_logical3A_619 : i32 to vector<16xi32>
      %shift_right_logical3A_621 = arith.shrui %select_n3A_614, %shift_right_logical3A_620 : vector<16xi32>
      %and3A_622 = arith.constant 255 : i32
      %and3A_623 = vector.broadcast %and3A_622 : i32 to vector<16xi32>
      %and3A_624 = arith.andi %shift_right_logical3A_621, %and3A_623 : vector<16xi32>
      %add3A_625 = arith.addi %mul3A_1, %and3A_624 : vector<16xi32>
      tpu.vector_store_idx %arg6[%add3A_625], %broadcast_in_dim3A_2 {add = true} : memref<4096xi32, #tpu.memory_space<vmem>>[vector<16xi32>], vector<16xi32>,
      %scan3A_626 = arith.constant 0 : i32
      %scan3A_627 = arith.constant 4 : i32
      %scan3A_628 = arith.addi %scan3A_482, %scan3A_627 : i32
      %mul3A_629 = arith.constant 16 : i32
      %mul3A_630 = arith.muli %scan3A_628, %mul3A_629 : i32
      %get3A_631 = arith.index_cast %mul3A_630 : i32 to index
      %get3A_632 = tpu.vector_load %arg4[%get3A_631] {strides = array<i32>} : memref<8192xf32, #tpu.memory_space<vmem>>, vector<16xf32>,
      %bitcast_convert_type3A_633 = tpu.bitcast %get3A_632 : vector<16xf32> -> vector<16xi32>
      %shift_right_logical3A_634 = arith.constant 31 : i32
      %shift_right_logical3A_635 = vector.broadcast %shift_right_logical3A_634 : i32 to vector<16xi32>
      %shift_right_logical3A_636 = arith.shrui %bitcast_convert_type3A_633, %shift_right_logical3A_635 : vector<16xi32>
      %eq3A_637 = arith.constant 0 : i32
      %eq3A_638 = vector.broadcast %eq3A_637 : i32 to vector<16xi32>
      %eq3A_639 = arith.cmpi eq, %shift_right_logical3A_636, %eq3A_638 : vector<16xi32>
      %or3A_640 = arith.constant -2147483648 : i32
      %or3A_641 = vector.broadcast %or3A_640 : i32 to vector<16xi32>
      %or3A_642 = arith.ori %bitcast_convert_type3A_633, %or3A_641 : vector<16xi32>
      %not3A_643 = arith.constant dense<-1> : vector<16xi32>
      %not3A_644 = arith.xori %bitcast_convert_type3A_633, %not3A_643 : vector<16xi32>
      %select_n3A_645 = arith.select %eq3A_639, %or3A_642, %not3A_644 : vector<16xi1>, vector<16xi32>
      %eq3A_646 = arith.constant 0.000000e+00 : f32
      %eq3A_647 = vector.broadcast %eq3A_646 : f32 to vector<16xf32>
      %eq3A_648 = arith.cmpf oeq, %get3A_632, %eq3A_647 : vector<16xf32>
      %jit3A_649 = arith.constant -2147483648 : i32
      %broadcast_in_dim3A_650 = vector.broadcast %jit3A_649 : i32 to vector<16xi32>
      %select_n3A_651 = arith.select %eq3A_648, %broadcast_in_dim3A_650, %select_n3A_645 : vector<16xi1>, vector<16xi32>
      %mul3A_652 = arith.constant 16 : i32
      %mul3A_653 = arith.muli %scan3A_628, %mul3A_652 : i32
      %swap3A_654 = arith.index_cast %mul3A_653 : i32 to index
      %swap3A_655 = tpu.vector_load %arg5[%swap3A_654] {strides = array<i32>} : memref<8192xi32, #tpu.memory_space<vmem>>, vector<16xi32>,
      tpu.vector_store %arg5[%swap3A_654], %select_n3A_651 {strides = array<i32>} : memref<8192xi32, #tpu.memory_space<vmem>>, vector<16xi32>,
      %shift_right_logical3A_656 = arith.constant 24 : i32
      %shift_right_logical3A_657 = vector.broadcast %shift_right_logical3A_656 : i32 to vector<16xi32>
      %shift_right_logical3A_658 = arith.shrui %select_n3A_651, %shift_right_logical3A_657 : vector<16xi32>
      %and3A_659 = arith.constant 255 : i32
      %and3A_660 = vector.broadcast %and3A_659 : i32 to vector<16xi32>
      %and3A_661 = arith.andi %shift_right_logical3A_658, %and3A_660 : vector<16xi32>
      %add3A_662 = arith.addi %mul3A_1, %and3A_661 : vector<16xi32>
      tpu.vector_store_idx %arg6[%add3A_662], %broadcast_in_dim3A_2 {add = true} : memref<4096xi32, #tpu.memory_space<vmem>>[vector<16xi32>], vector<16xi32>,
      %scan3A_663 = arith.constant 0 : i32
      %scan3A_664 = arith.constant 5 : i32
      %scan3A_665 = arith.addi %scan3A_482, %scan3A_664 : i32
      %mul3A_666 = arith.constant 16 : i32
      %mul3A_667 = arith.muli %scan3A_665, %mul3A_666 : i32
      %get3A_668 = arith.index_cast %mul3A_667 : i32 to index
      %get3A_669 = tpu.vector_load %arg4[%get3A_668] {strides = array<i32>} : memref<8192xf32, #tpu.memory_space<vmem>>, vector<16xf32>,
      %bitcast_convert_type3A_670 = tpu.bitcast %get3A_669 : vector<16xf32> -> vector<16xi32>
      %shift_right_logical3A_671 = arith.constant 31 : i32
      %shift_right_logical3A_672 = vector.broadcast %shift_right_logical3A_671 : i32 to vector<16xi32>
      %shift_right_logical3A_673 = arith.shrui %bitcast_convert_type3A_670, %shift_right_logical3A_672 : vector<16xi32>
      %eq3A_674 = arith.constant 0 : i32
      %eq3A_675 = vector.broadcast %eq3A_674 : i32 to vector<16xi32>
      %eq3A_676 = arith.cmpi eq, %shift_right_logical3A_673, %eq3A_675 : vector<16xi32>
      %or3A_677 = arith.constant -2147483648 : i32
      %or3A_678 = vector.broadcast %or3A_677 : i32 to vector<16xi32>
      %or3A_679 = arith.ori %bitcast_convert_type3A_670, %or3A_678 : vector<16xi32>
      %not3A_680 = arith.constant dense<-1> : vector<16xi32>
      %not3A_681 = arith.xori %bitcast_convert_type3A_670, %not3A_680 : vector<16xi32>
      %select_n3A_682 = arith.select %eq3A_676, %or3A_679, %not3A_681 : vector<16xi1>, vector<16xi32>
      %eq3A_683 = arith.constant 0.000000e+00 : f32
      %eq3A_684 = vector.broadcast %eq3A_683 : f32 to vector<16xf32>
      %eq3A_685 = arith.cmpf oeq, %get3A_669, %eq3A_684 : vector<16xf32>
      %jit3A_686 = arith.constant -2147483648 : i32
      %broadcast_in_dim3A_687 = vector.broadcast %jit3A_686 : i32 to vector<16xi32>
      %select_n3A_688 = arith.select %eq3A_685, %broadcast_in_dim3A_687, %select_n3A_682 : vector<16xi1>, vector<16xi32>
      %mul3A_689 = arith.constant 16 : i32
      %mul3A_690 = arith.muli %scan3A_665, %mul3A_689 : i32
      %swap3A_691 = arith.index_cast %mul3A_690 : i32 to index
      %swap3A_692 = tpu.vector_load %arg5[%swap3A_691] {strides = array<i32>} : memref<8192xi32, #tpu.memory_space<vmem>>, vector<16xi32>,
      tpu.vector_store %arg5[%swap3A_691], %select_n3A_688 {strides = array<i32>} : memref<8192xi32, #tpu.memory_space<vmem>>, vector<16xi32>,
      %shift_right_logical3A_693 = arith.constant 24 : i32
      %shift_right_logical3A_694 = vector.broadcast %shift_right_logical3A_693 : i32 to vector<16xi32>
      %shift_right_logical3A_695 = arith.shrui %select_n3A_688, %shift_right_logical3A_694 : vector<16xi32>
      %and3A_696 = arith.constant 255 : i32
      %and3A_697 = vector.broadcast %and3A_696 : i32 to vector<16xi32>
      %and3A_698 = arith.andi %shift_right_logical3A_695, %and3A_697 : vector<16xi32>
      %add3A_699 = arith.addi %mul3A_1, %and3A_698 : vector<16xi32>
      tpu.vector_store_idx %arg6[%add3A_699], %broadcast_in_dim3A_2 {add = true} : memref<4096xi32, #tpu.memory_space<vmem>>[vector<16xi32>], vector<16xi32>,
      %scan3A_700 = arith.constant 0 : i32
      %scan3A_701 = arith.constant 6 : i32
      %scan3A_702 = arith.addi %scan3A_482, %scan3A_701 : i32
      %mul3A_703 = arith.constant 16 : i32
      %mul3A_704 = arith.muli %scan3A_702, %mul3A_703 : i32
      %get3A_705 = arith.index_cast %mul3A_704 : i32 to index
      %get3A_706 = tpu.vector_load %arg4[%get3A_705] {strides = array<i32>} : memref<8192xf32, #tpu.memory_space<vmem>>, vector<16xf32>,
      %bitcast_convert_type3A_707 = tpu.bitcast %get3A_706 : vector<16xf32> -> vector<16xi32>
      %shift_right_logical3A_708 = arith.constant 31 : i32
      %shift_right_logical3A_709 = vector.broadcast %shift_right_logical3A_708 : i32 to vector<16xi32>
      %shift_right_logical3A_710 = arith.shrui %bitcast_convert_type3A_707, %shift_right_logical3A_709 : vector<16xi32>
      %eq3A_711 = arith.constant 0 : i32
      %eq3A_712 = vector.broadcast %eq3A_711 : i32 to vector<16xi32>
      %eq3A_713 = arith.cmpi eq, %shift_right_logical3A_710, %eq3A_712 : vector<16xi32>
      %or3A_714 = arith.constant -2147483648 : i32
      %or3A_715 = vector.broadcast %or3A_714 : i32 to vector<16xi32>
      %or3A_716 = arith.ori %bitcast_convert_type3A_707, %or3A_715 : vector<16xi32>
      %not3A_717 = arith.constant dense<-1> : vector<16xi32>
      %not3A_718 = arith.xori %bitcast_convert_type3A_707, %not3A_717 : vector<16xi32>
      %select_n3A_719 = arith.select %eq3A_713, %or3A_716, %not3A_718 : vector<16xi1>, vector<16xi32>
      %eq3A_720 = arith.constant 0.000000e+00 : f32
      %eq3A_721 = vector.broadcast %eq3A_720 : f32 to vector<16xf32>
      %eq3A_722 = arith.cmpf oeq, %get3A_706, %eq3A_721 : vector<16xf32>
      %jit3A_723 = arith.constant -2147483648 : i32
      %broadcast_in_dim3A_724 = vector.broadcast %jit3A_723 : i32 to vector<16xi32>
      %select_n3A_725 = arith.select %eq3A_722, %broadcast_in_dim3A_724, %select_n3A_719 : vector<16xi1>, vector<16xi32>
      %mul3A_726 = arith.constant 16 : i32
      %mul3A_727 = arith.muli %scan3A_702, %mul3A_726 : i32
      %swap3A_728 = arith.index_cast %mul3A_727 : i32 to index
      %swap3A_729 = tpu.vector_load %arg5[%swap3A_728] {strides = array<i32>} : memref<8192xi32, #tpu.memory_space<vmem>>, vector<16xi32>,
      tpu.vector_store %arg5[%swap3A_728], %select_n3A_725 {strides = array<i32>} : memref<8192xi32, #tpu.memory_space<vmem>>, vector<16xi32>,
      %shift_right_logical3A_730 = arith.constant 24 : i32
      %shift_right_logical3A_731 = vector.broadcast %shift_right_logical3A_730 : i32 to vector<16xi32>
      %shift_right_logical3A_732 = arith.shrui %select_n3A_725, %shift_right_logical3A_731 : vector<16xi32>
      %and3A_733 = arith.constant 255 : i32
      %and3A_734 = vector.broadcast %and3A_733 : i32 to vector<16xi32>
      %and3A_735 = arith.andi %shift_right_logical3A_732, %and3A_734 : vector<16xi32>
      %add3A_736 = arith.addi %mul3A_1, %and3A_735 : vector<16xi32>
      tpu.vector_store_idx %arg6[%add3A_736], %broadcast_in_dim3A_2 {add = true} : memref<4096xi32, #tpu.memory_space<vmem>>[vector<16xi32>], vector<16xi32>,
      %scan3A_737 = arith.constant 0 : i32
      %scan3A_738 = arith.constant 7 : i32
      %scan3A_739 = arith.addi %scan3A_482, %scan3A_738 : i32
      %mul3A_740 = arith.constant 16 : i32
      %mul3A_741 = arith.muli %scan3A_739, %mul3A_740 : i32
      %get3A_742 = arith.index_cast %mul3A_741 : i32 to index
      %get3A_743 = tpu.vector_load %arg4[%get3A_742] {strides = array<i32>} : memref<8192xf32, #tpu.memory_space<vmem>>, vector<16xf32>,
      %bitcast_convert_type3A_744 = tpu.bitcast %get3A_743 : vector<16xf32> -> vector<16xi32>
      %shift_right_logical3A_745 = arith.constant 31 : i32
      %shift_right_logical3A_746 = vector.broadcast %shift_right_logical3A_745 : i32 to vector<16xi32>
      %shift_right_logical3A_747 = arith.shrui %bitcast_convert_type3A_744, %shift_right_logical3A_746 : vector<16xi32>
      %eq3A_748 = arith.constant 0 : i32
      %eq3A_749 = vector.broadcast %eq3A_748 : i32 to vector<16xi32>
      %eq3A_750 = arith.cmpi eq, %shift_right_logical3A_747, %eq3A_749 : vector<16xi32>
      %or3A_751 = arith.constant -2147483648 : i32
      %or3A_752 = vector.broadcast %or3A_751 : i32 to vector<16xi32>
      %or3A_753 = arith.ori %bitcast_convert_type3A_744, %or3A_752 : vector<16xi32>
      %not3A_754 = arith.constant dense<-1> : vector<16xi32>
      %not3A_755 = arith.xori %bitcast_convert_type3A_744, %not3A_754 : vector<16xi32>
      %select_n3A_756 = arith.select %eq3A_750, %or3A_753, %not3A_755 : vector<16xi1>, vector<16xi32>
      %eq3A_757 = arith.constant 0.000000e+00 : f32
      %eq3A_758 = vector.broadcast %eq3A_757 : f32 to vector<16xf32>
      %eq3A_759 = arith.cmpf oeq, %get3A_743, %eq3A_758 : vector<16xf32>
      %jit3A_760 = arith.constant -2147483648 : i32
      %broadcast_in_dim3A_761 = vector.broadcast %jit3A_760 : i32 to vector<16xi32>
      %select_n3A_762 = arith.select %eq3A_759, %broadcast_in_dim3A_761, %select_n3A_756 : vector<16xi1>, vector<16xi32>
      %mul3A_763 = arith.constant 16 : i32
      %mul3A_764 = arith.muli %scan3A_739, %mul3A_763 : i32
      %swap3A_765 = arith.index_cast %mul3A_764 : i32 to index
      %swap3A_766 = tpu.vector_load %arg5[%swap3A_765] {strides = array<i32>} : memref<8192xi32, #tpu.memory_space<vmem>>, vector<16xi32>,
      tpu.vector_store %arg5[%swap3A_765], %select_n3A_762 {strides = array<i32>} : memref<8192xi32, #tpu.memory_space<vmem>>, vector<16xi32>,
      %shift_right_logical3A_767 = arith.constant 24 : i32
      %shift_right_logical3A_768 = vector.broadcast %shift_right_logical3A_767 : i32 to vector<16xi32>
      %shift_right_logical3A_769 = arith.shrui %select_n3A_762, %shift_right_logical3A_768 : vector<16xi32>
      %and3A_770 = arith.constant 255 : i32
      %and3A_771 = vector.broadcast %and3A_770 : i32 to vector<16xi32>
      %and3A_772 = arith.andi %shift_right_logical3A_769, %and3A_771 : vector<16xi32>
      %add3A_773 = arith.addi %mul3A_1, %and3A_772 : vector<16xi32>
      tpu.vector_store_idx %arg6[%add3A_773], %broadcast_in_dim3A_2 {add = true} : memref<4096xi32, #tpu.memory_space<vmem>>[vector<16xi32>], vector<16xi32>,
      %scan3A_774 = arith.constant 0 : i32
      scf.yield %scan3A_774 : i32
    }
    %scan3A_15 = arith.constant 512 : i32
    %scan3A_16 = arith.constant 0 : i32
    %scan3A_17 = arith.constant 0 : i32
    %scan3A_18 = arith.constant 16 : i32
    %scan3A_19 = arith.addi %scan3A_17, %scan3A_18 : i32
    %scan3A_20 = arith.constant 1 : i32
    %scan3A_21 = scf.for %scan3A_482 = %scan3A_17 to %scan3A_19 step %scan3A_20 iter_args(%scan3A_483 = %scan3A_16) -> (i32)  : i32 {
      %broadcast_in_dim3A_484 = arith.constant 0 : i32
      %broadcast_in_dim3A_485 = vector.broadcast %broadcast_in_dim3A_484 : i32 to vector<16xi32>
      %scan3A_486 = arith.constant 0 : i32
      %scan3A_487 = arith.constant 16 : i32
      %scan3A_488 = arith.addi %scan3A_486, %scan3A_487 : i32
      %scan3A_489 = arith.constant 4 : i32
      %scan3A_490 = scf.for %scan3A_498 = %scan3A_486 to %scan3A_488 step %scan3A_489 iter_args(%scan3A_499 = %broadcast_in_dim3A_485) -> (vector<16xi32>)  : i32 {
        %mul3A_500 = arith.constant 256 : i32
        %mul3A_501 = arith.muli %scan3A_498, %mul3A_500 : i32
        %mul3A_502 = arith.constant 16 : i32
        %mul3A_503 = arith.muli %scan3A_482, %mul3A_502 : i32
        %add3A_504 = arith.addi %mul3A_501, %mul3A_503 : i32
        %get3A = arith.index_cast %add3A_504 : i32 to index
        %get3A_505 = tpu.vector_load %arg6[%get3A] {strides = array<i32>} : memref<4096xi32, #tpu.memory_space<vmem>>, vector<16xi32>,
        %add3A_506 = arith.addi %scan3A_499, %get3A_505 : vector<16xi32>
        %broadcast_in_dim3A_507 = arith.constant 0 : i32
        %broadcast_in_dim3A_508 = vector.broadcast %broadcast_in_dim3A_507 : i32 to vector<16xi32>
        %mul3A_509 = arith.constant 256 : i32
        %mul3A_510 = arith.muli %scan3A_498, %mul3A_509 : i32
        %mul3A_511 = arith.constant 16 : i32
        %mul3A_512 = arith.muli %scan3A_482, %mul3A_511 : i32
        %add3A_513 = arith.addi %mul3A_510, %mul3A_512 : i32
        %swap3A = arith.index_cast %add3A_513 : i32 to index
        %swap3A_514 = tpu.vector_load %arg6[%swap3A] {strides = array<i32>} : memref<4096xi32, #tpu.memory_space<vmem>>, vector<16xi32>,
        tpu.vector_store %arg6[%swap3A], %broadcast_in_dim3A_508 {strides = array<i32>} : memref<4096xi32, #tpu.memory_space<vmem>>, vector<16xi32>,
        %scan3A_515 = arith.constant 1 : i32
        %scan3A_516 = arith.addi %scan3A_498, %scan3A_515 : i32
        %mul3A_517 = arith.constant 256 : i32
        %mul3A_518 = arith.muli %scan3A_516, %mul3A_517 : i32
        %mul3A_519 = arith.constant 16 : i32
        %mul3A_520 = arith.muli %scan3A_482, %mul3A_519 : i32
        %add3A_521 = arith.addi %mul3A_518, %mul3A_520 : i32
        %get3A_522 = arith.index_cast %add3A_521 : i32 to index
        %get3A_523 = tpu.vector_load %arg6[%get3A_522] {strides = array<i32>} : memref<4096xi32, #tpu.memory_space<vmem>>, vector<16xi32>,
        %add3A_524 = arith.addi %add3A_506, %get3A_523 : vector<16xi32>
        %broadcast_in_dim3A_525 = arith.constant 0 : i32
        %broadcast_in_dim3A_526 = vector.broadcast %broadcast_in_dim3A_525 : i32 to vector<16xi32>
        %mul3A_527 = arith.constant 256 : i32
        %mul3A_528 = arith.muli %scan3A_516, %mul3A_527 : i32
        %mul3A_529 = arith.constant 16 : i32
        %mul3A_530 = arith.muli %scan3A_482, %mul3A_529 : i32
        %add3A_531 = arith.addi %mul3A_528, %mul3A_530 : i32
        %swap3A_532 = arith.index_cast %add3A_531 : i32 to index
        %swap3A_533 = tpu.vector_load %arg6[%swap3A_532] {strides = array<i32>} : memref<4096xi32, #tpu.memory_space<vmem>>, vector<16xi32>,
        tpu.vector_store %arg6[%swap3A_532], %broadcast_in_dim3A_526 {strides = array<i32>} : memref<4096xi32, #tpu.memory_space<vmem>>, vector<16xi32>,
        %scan3A_534 = arith.constant 2 : i32
        %scan3A_535 = arith.addi %scan3A_498, %scan3A_534 : i32
        %mul3A_536 = arith.constant 256 : i32
        %mul3A_537 = arith.muli %scan3A_535, %mul3A_536 : i32
        %mul3A_538 = arith.constant 16 : i32
        %mul3A_539 = arith.muli %scan3A_482, %mul3A_538 : i32
        %add3A_540 = arith.addi %mul3A_537, %mul3A_539 : i32
        %get3A_541 = arith.index_cast %add3A_540 : i32 to index
        %get3A_542 = tpu.vector_load %arg6[%get3A_541] {strides = array<i32>} : memref<4096xi32, #tpu.memory_space<vmem>>, vector<16xi32>,
        %add3A_543 = arith.addi %add3A_524, %get3A_542 : vector<16xi32>
        %broadcast_in_dim3A_544 = arith.constant 0 : i32
        %broadcast_in_dim3A_545 = vector.broadcast %broadcast_in_dim3A_544 : i32 to vector<16xi32>
        %mul3A_546 = arith.constant 256 : i32
        %mul3A_547 = arith.muli %scan3A_535, %mul3A_546 : i32
        %mul3A_548 = arith.constant 16 : i32
        %mul3A_549 = arith.muli %scan3A_482, %mul3A_548 : i32
        %add3A_550 = arith.addi %mul3A_547, %mul3A_549 : i32
        %swap3A_551 = arith.index_cast %add3A_550 : i32 to index
        %swap3A_552 = tpu.vector_load %arg6[%swap3A_551] {strides = array<i32>} : memref<4096xi32, #tpu.memory_space<vmem>>, vector<16xi32>,
        tpu.vector_store %arg6[%swap3A_551], %broadcast_in_dim3A_545 {strides = array<i32>} : memref<4096xi32, #tpu.memory_space<vmem>>, vector<16xi32>,
        %scan3A_553 = arith.constant 3 : i32
        %scan3A_554 = arith.addi %scan3A_498, %scan3A_553 : i32
        %mul3A_555 = arith.constant 256 : i32
        %mul3A_556 = arith.muli %scan3A_554, %mul3A_555 : i32
        %mul3A_557 = arith.constant 16 : i32
        %mul3A_558 = arith.muli %scan3A_482, %mul3A_557 : i32
        %add3A_559 = arith.addi %mul3A_556, %mul3A_558 : i32
        %get3A_560 = arith.index_cast %add3A_559 : i32 to index
        %get3A_561 = tpu.vector_load %arg6[%get3A_560] {strides = array<i32>} : memref<4096xi32, #tpu.memory_space<vmem>>, vector<16xi32>,
        %add3A_562 = arith.addi %add3A_543, %get3A_561 : vector<16xi32>
        %broadcast_in_dim3A_563 = arith.constant 0 : i32
        %broadcast_in_dim3A_564 = vector.broadcast %broadcast_in_dim3A_563 : i32 to vector<16xi32>
        %mul3A_565 = arith.constant 256 : i32
        %mul3A_566 = arith.muli %scan3A_554, %mul3A_565 : i32
        %mul3A_567 = arith.constant 16 : i32
        %mul3A_568 = arith.muli %scan3A_482, %mul3A_567 : i32
        %add3A_569 = arith.addi %mul3A_566, %mul3A_568 : i32
        %swap3A_570 = arith.index_cast %add3A_569 : i32 to index
        %swap3A_571 = tpu.vector_load %arg6[%swap3A_570] {strides = array<i32>} : memref<4096xi32, #tpu.memory_space<vmem>>, vector<16xi32>,
        tpu.vector_store %arg6[%swap3A_570], %broadcast_in_dim3A_564 {strides = array<i32>} : memref<4096xi32, #tpu.memory_space<vmem>>, vector<16xi32>,
        scf.yield %add3A_562 : vector<16xi32>
      }
      %scan3A_491 = arith.constant 16 : i32
      %mul3A_492 = arith.constant 16 : i32
      %mul3A_493 = vector.broadcast %mul3A_492 : i32 to vector<16xi32>
      %mul3A_494 = arith.muli %iota3A, %mul3A_493 : vector<16xi32>
      %add3A_495 = vector.broadcast %scan3A_482 : i32 to vector<16xi32>
      %add3A_496 = arith.addi %mul3A_494, %add3A_495 : vector<16xi32>
      tpu.vector_store_idx %arg7[%add3A_496], %scan3A_490 : memref<256xi32, #tpu.memory_space<vmem>>[vector<16xi32>], vector<16xi32>,
      %scan3A_497 = arith.constant 0 : i32
      scf.yield %scan3A_497 : i32
    }
    %scan3A_22 = arith.constant 16 : i32
    %broadcast_in_dim3A_23 = arith.constant 0 : i32
    %broadcast_in_dim3A_24 = vector.broadcast %broadcast_in_dim3A_23 : i32 to vector<16xi32>
    %scan3A_25 = arith.constant 0 : i32
    %scan3A_26 = arith.constant 16 : i32
    %scan3A_27 = arith.addi %scan3A_25, %scan3A_26 : i32
    %scan3A_28 = arith.constant 1 : i32
    %scan3A_29 = scf.for %scan3A_482 = %scan3A_25 to %scan3A_27 step %scan3A_28 iter_args(%scan3A_483 = %broadcast_in_dim3A_24) -> (vector<16xi32>)  : i32 {
      %mul3A_484 = arith.constant 16 : i32
      %mul3A_485 = arith.muli %scan3A_482, %mul3A_484 : i32
      %get3A = arith.index_cast %mul3A_485 : i32 to index
      %get3A_486 = tpu.vector_load %arg7[%get3A] {strides = array<i32>} : memref<256xi32, #tpu.memory_space<vmem>>, vector<16xi32>,
      %add3A_487 = arith.addi %scan3A_483, %get3A_486 : vector<16xi32>
      scf.yield %add3A_487 : vector<16xi32>
    }
    %scan3A_30 = arith.constant 16 : i32
    %rev3A = arith.constant 15 : i32
    %rev3A_31 = vector.broadcast %rev3A : i32 to vector<16xi32>
    %rev3A_32 = tpu.iota {dimensions = array<i32: 0>} : vector<16xi32>
    %rev3A_33 = arith.subi %rev3A_31, %rev3A_32 : vector<16xi32>
    %rev3A_34 = tpu.dynamic_gather %scan3A_29[%rev3A_33] in [0] : vector<16xi32>, vector<16xi32> -> vector<16xi32>
    %broadcast_in_dim3A_35 = arith.constant true
    %broadcast_in_dim3A_36 = vector.broadcast %broadcast_in_dim3A_35 : i1 to vector<16xi1>
    %masked_cumsum3A = tpu.scan <sum>, %rev3A_34 masked %broadcast_in_dim3A_36 : vector<16xi32>, vector<16xi1> -> vector<16xi32>
    %rev3A_37 = arith.constant 15 : i32
    %rev3A_38 = vector.broadcast %rev3A_37 : i32 to vector<16xi32>
    %rev3A_39 = tpu.iota {dimensions = array<i32: 0>} : vector<16xi32>
    %rev3A_40 = arith.subi %rev3A_38, %rev3A_39 : vector<16xi32>
    %rev3A_41 = tpu.dynamic_gather %masked_cumsum3A[%rev3A_40] in [0] : vector<16xi32>, vector<16xi32> -> vector<16xi32>
    %sub3A = arith.subi %rev3A_41, %scan3A_29 : vector<16xi32>
    %lt3A = arith.constant 512 : i32
    %lt3A_42 = vector.broadcast %lt3A : i32 to vector<16xi32>
    %lt3A_43 = arith.cmpi slt, %sub3A, %lt3A_42 : vector<16xi32>
    %add3A = arith.addi %sub3A, %scan3A_29 : vector<16xi32>
    %ge3A = arith.constant 512 : i32
    %ge3A_44 = vector.broadcast %ge3A : i32 to vector<16xi32>
    %ge3A_45 = arith.cmpi sge, %add3A, %ge3A_44 : vector<16xi32>
    %and3A = arith.andi %lt3A_43, %ge3A_45 : vector<16xi1>
    %jit3A = arith.constant 0 : i32
    %broadcast_in_dim3A_46 = vector.broadcast %jit3A : i32 to vector<16xi32>
    %select_n3A = arith.select %and3A, %iota3A, %broadcast_in_dim3A_46 : vector<16xi1>, vector<16xi32>
    %reduce_sum3A = arith.constant true
    %reduce_sum3A_47 = vector.broadcast %reduce_sum3A : i1 to vector<16xi1>
    %reduce_sum3A_48 = tpu.scan <sum>, %select_n3A masked %reduce_sum3A_47 : vector<16xi32>, vector<16xi1> -> vector<16xi32>
    %reduce_sum3A_49 = vector.extract %reduce_sum3A_48[15] : i32 from vector<16xi32>
    %jit3A_50 = arith.constant 0 : i32
    %broadcast_in_dim3A_51 = vector.broadcast %jit3A_50 : i32 to vector<16xi32>
    %select_n3A_52 = arith.select %and3A, %sub3A, %broadcast_in_dim3A_51 : vector<16xi1>, vector<16xi32>
    %reduce_sum3A_53 = arith.constant true
    %reduce_sum3A_54 = vector.broadcast %reduce_sum3A_53 : i1 to vector<16xi1>
    %reduce_sum3A_55 = tpu.scan <sum>, %select_n3A_52 masked %reduce_sum3A_54 : vector<16xi32>, vector<16xi1> -> vector<16xi32>
    %reduce_sum3A_56 = vector.extract %reduce_sum3A_55[15] : i32 from vector<16xi32>
    %mul3A_57 = arith.constant 16 : i32
    %mul3A_58 = vector.broadcast %mul3A_57 : i32 to vector<16xi32>
    %mul3A_59 = arith.muli %iota3A, %mul3A_58 : vector<16xi32>
    %add3A_60 = vector.broadcast %reduce_sum3A_49 : i32 to vector<16xi32>
    %add3A_61 = arith.addi %mul3A_59, %add3A_60 : vector<16xi32>
    %gather3A = tpu.vector_load_idx %arg7[%add3A_61] : memref<256xi32, #tpu.memory_space<vmem>>[vector<16xi32>], vector<16xi32>,
    %rev3A_62 = arith.constant 15 : i32
    %rev3A_63 = vector.broadcast %rev3A_62 : i32 to vector<16xi32>
    %rev3A_64 = tpu.iota {dimensions = array<i32: 0>} : vector<16xi32>
    %rev3A_65 = arith.subi %rev3A_63, %rev3A_64 : vector<16xi32>
    %rev3A_66 = tpu.dynamic_gather %gather3A[%rev3A_65] in [0] : vector<16xi32>, vector<16xi32> -> vector<16xi32>
    %broadcast_in_dim3A_67 = arith.constant true
    %broadcast_in_dim3A_68 = vector.broadcast %broadcast_in_dim3A_67 : i1 to vector<16xi1>
    %masked_cumsum3A_69 = tpu.scan <sum>, %rev3A_66 masked %broadcast_in_dim3A_68 : vector<16xi32>, vector<16xi1> -> vector<16xi32>
    %rev3A_70 = arith.constant 15 : i32
    %rev3A_71 = vector.broadcast %rev3A_70 : i32 to vector<16xi32>
    %rev3A_72 = tpu.iota {dimensions = array<i32: 0>} : vector<16xi32>
    %rev3A_73 = arith.subi %rev3A_71, %rev3A_72 : vector<16xi32>
    %rev3A_74 = tpu.dynamic_gather %masked_cumsum3A_69[%rev3A_73] in [0] : vector<16xi32>, vector<16xi32> -> vector<16xi32>
    %sub3A_75 = arith.subi %rev3A_74, %gather3A : vector<16xi32>
    %add3A_76 = vector.broadcast %reduce_sum3A_56 : i32 to vector<16xi32>
    %add3A_77 = arith.addi %sub3A_75, %add3A_76 : vector<16xi32>
    %lt3A_78 = arith.constant 512 : i32
    %lt3A_79 = vector.broadcast %lt3A_78 : i32 to vector<16xi32>
    %lt3A_80 = arith.cmpi slt, %add3A_77, %lt3A_79 : vector<16xi32>
    %add3A_81 = arith.addi %add3A_77, %gather3A : vector<16xi32>
    %ge3A_82 = arith.constant 512 : i32
    %ge3A_83 = vector.broadcast %ge3A_82 : i32 to vector<16xi32>
    %ge3A_84 = arith.cmpi sge, %add3A_81, %ge3A_83 : vector<16xi32>
    %and3A_85 = arith.andi %lt3A_80, %ge3A_84 : vector<16xi1>
    %jit3A_86 = arith.constant 0 : i32
    %broadcast_in_dim3A_87 = vector.broadcast %jit3A_86 : i32 to vector<16xi32>
    %select_n3A_88 = arith.select %and3A_85, %iota3A, %broadcast_in_dim3A_87 : vector<16xi1>, vector<16xi32>
    %reduce_sum3A_89 = arith.constant true
    %reduce_sum3A_90 = vector.broadcast %reduce_sum3A_89 : i1 to vector<16xi1>
    %reduce_sum3A_91 = tpu.scan <sum>, %select_n3A_88 masked %reduce_sum3A_90 : vector<16xi32>, vector<16xi1> -> vector<16xi32>
    %reduce_sum3A_92 = vector.extract %reduce_sum3A_91[15] : i32 from vector<16xi32>
    %jit3A_93 = arith.constant 0 : i32
    %broadcast_in_dim3A_94 = vector.broadcast %jit3A_93 : i32 to vector<16xi32>
    %select_n3A_95 = arith.select %and3A_85, %add3A_77, %broadcast_in_dim3A_94 : vector<16xi1>, vector<16xi32>
    %reduce_sum3A_96 = arith.constant true
    %reduce_sum3A_97 = vector.broadcast %reduce_sum3A_96 : i1 to vector<16xi1>
    %reduce_sum3A_98 = tpu.scan <sum>, %select_n3A_95 masked %reduce_sum3A_97 : vector<16xi32>, vector<16xi1> -> vector<16xi32>
    %reduce_sum3A_99 = vector.extract %reduce_sum3A_98[15] : i32 from vector<16xi32>
    %mul3A_100 = arith.constant 16 : i32
    %mul3A_101 = arith.muli %reduce_sum3A_49, %mul3A_100 : i32
    %add3A_102 = arith.addi %mul3A_101, %reduce_sum3A_92 : i32
    %sub3A_103 = arith.constant 512 : i32
    %sub3A_104 = arith.subi %sub3A_103, %reduce_sum3A_99 : i32
    %shift_left3A = arith.constant 24 : i32
    %shift_left3A_105 = arith.shli %add3A_102, %shift_left3A : i32
    %shift_right_logical3A = arith.constant 24 : i32
    %shift_right_logical3A_106 = arith.shrui %shift_left3A_105, %shift_right_logical3A : i32
    %scan3A_107 = arith.constant 0 : i32
    %scan3A_108 = arith.constant 0 : i32
    %scan3A_109 = arith.constant 512 : i32
    %scan3A_110 = arith.addi %scan3A_108, %scan3A_109 : i32
    %scan3A_111 = arith.constant 8 : i32
    %scan3A_112 = scf.for %scan3A_482 = %scan3A_108 to %scan3A_110 step %scan3A_111 iter_args(%scan3A_483 = %scan3A_107) -> (i32)  : i32 {
      %mul3A_484 = arith.constant 16 : i32
      %mul3A_485 = arith.muli %scan3A_482, %mul3A_484 : i32
      %get3A = arith.index_cast %mul3A_485 : i32 to index
      %get3A_486 = tpu.vector_load %arg5[%get3A] {strides = array<i32>} : memref<8192xi32, #tpu.memory_space<vmem>>, vector<16xi32>,
      %shift_right_logical3A_487 = arith.constant 24 : i32
      %shift_right_logical3A_488 = vector.broadcast %shift_right_logical3A_487 : i32 to vector<16xi32>
      %shift_right_logical3A_489 = arith.shrui %get3A_486, %shift_right_logical3A_488 : vector<16xi32>
      %eq3A_490 = vector.broadcast %shift_right_logical3A_106 : i32 to vector<16xi32>
      %eq3A_491 = arith.cmpi eq, %shift_right_logical3A_489, %eq3A_490 : vector<16xi32>
      %swap3A = arith.index_cast %scan3A_483 : i32 to index
      %swap3A_492 = tpu.vector_load %arg9[%swap3A] masked %eq3A_491 {strides = array<i32>} : memref<8224xi32, #tpu.memory_space<vmem>>, vector<16xi32>, vector<16xi1>
      tpu.vector_store %arg9[%swap3A], %get3A_486 masked %eq3A_491 {strides = array<i32>} : memref<8224xi32, #tpu.memory_space<vmem>>, vector<16xi32>, vector<16xi1>
      %mul3A_493 = arith.constant 16 : i32
      %mul3A_494 = arith.muli %scan3A_482, %mul3A_493 : i32
      %add3A_495 = vector.broadcast %mul3A_494 : i32 to vector<16xi32>
      %add3A_496 = arith.addi %add3A_495, %iota3A : vector<16xi32>
      %swap3A_497 = arith.index_cast %scan3A_483 : i32 to index
      %swap3A_498 = tpu.vector_load %arg10[%swap3A_497] masked %eq3A_491 {strides = array<i32>} : memref<8224xi32, #tpu.memory_space<vmem>>, vector<16xi32>, vector<16xi1>
      tpu.vector_store %arg10[%swap3A_497], %add3A_496 masked %eq3A_491 {strides = array<i32>} : memref<8224xi32, #tpu.memory_space<vmem>>, vector<16xi32>, vector<16xi1>
      %convert_element_type3A_499 = arith.extui %eq3A_491 : vector<16xi1> to vector<16xi32>
      %reduce_sum3A_500 = arith.constant true
      %reduce_sum3A_501 = vector.broadcast %reduce_sum3A_500 : i1 to vector<16xi1>
      %reduce_sum3A_502 = tpu.scan <sum>, %convert_element_type3A_499 masked %reduce_sum3A_501 : vector<16xi32>, vector<16xi1> -> vector<16xi32>
      %reduce_sum3A_503 = vector.extract %reduce_sum3A_502[15] : i32 from vector<16xi32>
      %add3A_504 = arith.addi %scan3A_483, %reduce_sum3A_503 : i32
      %scan3A_505 = arith.constant 1 : i32
      %scan3A_506 = arith.addi %scan3A_482, %scan3A_505 : i32
      %mul3A_507 = arith.constant 16 : i32
      %mul3A_508 = arith.muli %scan3A_506, %mul3A_507 : i32
      %get3A_509 = arith.index_cast %mul3A_508 : i32 to index
      %get3A_510 = tpu.vector_load %arg5[%get3A_509] {strides = array<i32>} : memref<8192xi32, #tpu.memory_space<vmem>>, vector<16xi32>,
      %shift_right_logical3A_511 = arith.constant 24 : i32
      %shift_right_logical3A_512 = vector.broadcast %shift_right_logical3A_511 : i32 to vector<16xi32>
      %shift_right_logical3A_513 = arith.shrui %get3A_510, %shift_right_logical3A_512 : vector<16xi32>
      %eq3A_514 = vector.broadcast %shift_right_logical3A_106 : i32 to vector<16xi32>
      %eq3A_515 = arith.cmpi eq, %shift_right_logical3A_513, %eq3A_514 : vector<16xi32>
      %swap3A_516 = arith.index_cast %add3A_504 : i32 to index
      %swap3A_517 = tpu.vector_load %arg9[%swap3A_516] masked %eq3A_515 {strides = array<i32>} : memref<8224xi32, #tpu.memory_space<vmem>>, vector<16xi32>, vector<16xi1>
      tpu.vector_store %arg9[%swap3A_516], %get3A_510 masked %eq3A_515 {strides = array<i32>} : memref<8224xi32, #tpu.memory_space<vmem>>, vector<16xi32>, vector<16xi1>
      %mul3A_518 = arith.constant 16 : i32
      %mul3A_519 = arith.muli %scan3A_506, %mul3A_518 : i32
      %add3A_520 = vector.broadcast %mul3A_519 : i32 to vector<16xi32>
      %add3A_521 = arith.addi %add3A_520, %iota3A : vector<16xi32>
      %swap3A_522 = arith.index_cast %add3A_504 : i32 to index
      %swap3A_523 = tpu.vector_load %arg10[%swap3A_522] masked %eq3A_515 {strides = array<i32>} : memref<8224xi32, #tpu.memory_space<vmem>>, vector<16xi32>, vector<16xi1>
      tpu.vector_store %arg10[%swap3A_522], %add3A_521 masked %eq3A_515 {strides = array<i32>} : memref<8224xi32, #tpu.memory_space<vmem>>, vector<16xi32>, vector<16xi1>
      %convert_element_type3A_524 = arith.extui %eq3A_515 : vector<16xi1> to vector<16xi32>
      %reduce_sum3A_525 = arith.constant true
      %reduce_sum3A_526 = vector.broadcast %reduce_sum3A_525 : i1 to vector<16xi1>
      %reduce_sum3A_527 = tpu.scan <sum>, %convert_element_type3A_524 masked %reduce_sum3A_526 : vector<16xi32>, vector<16xi1> -> vector<16xi32>
      %reduce_sum3A_528 = vector.extract %reduce_sum3A_527[15] : i32 from vector<16xi32>
      %add3A_529 = arith.addi %add3A_504, %reduce_sum3A_528 : i32
      %scan3A_530 = arith.constant 2 : i32
      %scan3A_531 = arith.addi %scan3A_482, %scan3A_530 : i32
      %mul3A_532 = arith.constant 16 : i32
      %mul3A_533 = arith.muli %scan3A_531, %mul3A_532 : i32
      %get3A_534 = arith.index_cast %mul3A_533 : i32 to index
      %get3A_535 = tpu.vector_load %arg5[%get3A_534] {strides = array<i32>} : memref<8192xi32, #tpu.memory_space<vmem>>, vector<16xi32>,
      %shift_right_logical3A_536 = arith.constant 24 : i32
      %shift_right_logical3A_537 = vector.broadcast %shift_right_logical3A_536 : i32 to vector<16xi32>
      %shift_right_logical3A_538 = arith.shrui %get3A_535, %shift_right_logical3A_537 : vector<16xi32>
      %eq3A_539 = vector.broadcast %shift_right_logical3A_106 : i32 to vector<16xi32>
      %eq3A_540 = arith.cmpi eq, %shift_right_logical3A_538, %eq3A_539 : vector<16xi32>
      %swap3A_541 = arith.index_cast %add3A_529 : i32 to index
      %swap3A_542 = tpu.vector_load %arg9[%swap3A_541] masked %eq3A_540 {strides = array<i32>} : memref<8224xi32, #tpu.memory_space<vmem>>, vector<16xi32>, vector<16xi1>
      tpu.vector_store %arg9[%swap3A_541], %get3A_535 masked %eq3A_540 {strides = array<i32>} : memref<8224xi32, #tpu.memory_space<vmem>>, vector<16xi32>, vector<16xi1>
      %mul3A_543 = arith.constant 16 : i32
      %mul3A_544 = arith.muli %scan3A_531, %mul3A_543 : i32
      %add3A_545 = vector.broadcast %mul3A_544 : i32 to vector<16xi32>
      %add3A_546 = arith.addi %add3A_545, %iota3A : vector<16xi32>
      %swap3A_547 = arith.index_cast %add3A_529 : i32 to index
      %swap3A_548 = tpu.vector_load %arg10[%swap3A_547] masked %eq3A_540 {strides = array<i32>} : memref<8224xi32, #tpu.memory_space<vmem>>, vector<16xi32>, vector<16xi1>
      tpu.vector_store %arg10[%swap3A_547], %add3A_546 masked %eq3A_540 {strides = array<i32>} : memref<8224xi32, #tpu.memory_space<vmem>>, vector<16xi32>, vector<16xi1>
      %convert_element_type3A_549 = arith.extui %eq3A_540 : vector<16xi1> to vector<16xi32>
      %reduce_sum3A_550 = arith.constant true
      %reduce_sum3A_551 = vector.broadcast %reduce_sum3A_550 : i1 to vector<16xi1>
      %reduce_sum3A_552 = tpu.scan <sum>, %convert_element_type3A_549 masked %reduce_sum3A_551 : vector<16xi32>, vector<16xi1> -> vector<16xi32>
      %reduce_sum3A_553 = vector.extract %reduce_sum3A_552[15] : i32 from vector<16xi32>
      %add3A_554 = arith.addi %add3A_529, %reduce_sum3A_553 : i32
      %scan3A_555 = arith.constant 3 : i32
      %scan3A_556 = arith.addi %scan3A_482, %scan3A_555 : i32
      %mul3A_557 = arith.constant 16 : i32
      %mul3A_558 = arith.muli %scan3A_556, %mul3A_557 : i32
      %get3A_559 = arith.index_cast %mul3A_558 : i32 to index
      %get3A_560 = tpu.vector_load %arg5[%get3A_559] {strides = array<i32>} : memref<8192xi32, #tpu.memory_space<vmem>>, vector<16xi32>,
      %shift_right_logical3A_561 = arith.constant 24 : i32
      %shift_right_logical3A_562 = vector.broadcast %shift_right_logical3A_561 : i32 to vector<16xi32>
      %shift_right_logical3A_563 = arith.shrui %get3A_560, %shift_right_logical3A_562 : vector<16xi32>
      %eq3A_564 = vector.broadcast %shift_right_logical3A_106 : i32 to vector<16xi32>
      %eq3A_565 = arith.cmpi eq, %shift_right_logical3A_563, %eq3A_564 : vector<16xi32>
      %swap3A_566 = arith.index_cast %add3A_554 : i32 to index
      %swap3A_567 = tpu.vector_load %arg9[%swap3A_566] masked %eq3A_565 {strides = array<i32>} : memref<8224xi32, #tpu.memory_space<vmem>>, vector<16xi32>, vector<16xi1>
      tpu.vector_store %arg9[%swap3A_566], %get3A_560 masked %eq3A_565 {strides = array<i32>} : memref<8224xi32, #tpu.memory_space<vmem>>, vector<16xi32>, vector<16xi1>
      %mul3A_568 = arith.constant 16 : i32
      %mul3A_569 = arith.muli %scan3A_556, %mul3A_568 : i32
      %add3A_570 = vector.broadcast %mul3A_569 : i32 to vector<16xi32>
      %add3A_571 = arith.addi %add3A_570, %iota3A : vector<16xi32>
      %swap3A_572 = arith.index_cast %add3A_554 : i32 to index
      %swap3A_573 = tpu.vector_load %arg10[%swap3A_572] masked %eq3A_565 {strides = array<i32>} : memref<8224xi32, #tpu.memory_space<vmem>>, vector<16xi32>, vector<16xi1>
      tpu.vector_store %arg10[%swap3A_572], %add3A_571 masked %eq3A_565 {strides = array<i32>} : memref<8224xi32, #tpu.memory_space<vmem>>, vector<16xi32>, vector<16xi1>
      %convert_element_type3A_574 = arith.extui %eq3A_565 : vector<16xi1> to vector<16xi32>
      %reduce_sum3A_575 = arith.constant true
      %reduce_sum3A_576 = vector.broadcast %reduce_sum3A_575 : i1 to vector<16xi1>
      %reduce_sum3A_577 = tpu.scan <sum>, %convert_element_type3A_574 masked %reduce_sum3A_576 : vector<16xi32>, vector<16xi1> -> vector<16xi32>
      %reduce_sum3A_578 = vector.extract %reduce_sum3A_577[15] : i32 from vector<16xi32>
      %add3A_579 = arith.addi %add3A_554, %reduce_sum3A_578 : i32
      %scan3A_580 = arith.constant 4 : i32
      %scan3A_581 = arith.addi %scan3A_482, %scan3A_580 : i32
      %mul3A_582 = arith.constant 16 : i32
      %mul3A_583 = arith.muli %scan3A_581, %mul3A_582 : i32
      %get3A_584 = arith.index_cast %mul3A_583 : i32 to index
      %get3A_585 = tpu.vector_load %arg5[%get3A_584] {strides = array<i32>} : memref<8192xi32, #tpu.memory_space<vmem>>, vector<16xi32>,
      %shift_right_logical3A_586 = arith.constant 24 : i32
      %shift_right_logical3A_587 = vector.broadcast %shift_right_logical3A_586 : i32 to vector<16xi32>
      %shift_right_logical3A_588 = arith.shrui %get3A_585, %shift_right_logical3A_587 : vector<16xi32>
      %eq3A_589 = vector.broadcast %shift_right_logical3A_106 : i32 to vector<16xi32>
      %eq3A_590 = arith.cmpi eq, %shift_right_logical3A_588, %eq3A_589 : vector<16xi32>
      %swap3A_591 = arith.index_cast %add3A_579 : i32 to index
      %swap3A_592 = tpu.vector_load %arg9[%swap3A_591] masked %eq3A_590 {strides = array<i32>} : memref<8224xi32, #tpu.memory_space<vmem>>, vector<16xi32>, vector<16xi1>
      tpu.vector_store %arg9[%swap3A_591], %get3A_585 masked %eq3A_590 {strides = array<i32>} : memref<8224xi32, #tpu.memory_space<vmem>>, vector<16xi32>, vector<16xi1>
      %mul3A_593 = arith.constant 16 : i32
      %mul3A_594 = arith.muli %scan3A_581, %mul3A_593 : i32
      %add3A_595 = vector.broadcast %mul3A_594 : i32 to vector<16xi32>
      %add3A_596 = arith.addi %add3A_595, %iota3A : vector<16xi32>
      %swap3A_597 = arith.index_cast %add3A_579 : i32 to index
      %swap3A_598 = tpu.vector_load %arg10[%swap3A_597] masked %eq3A_590 {strides = array<i32>} : memref<8224xi32, #tpu.memory_space<vmem>>, vector<16xi32>, vector<16xi1>
      tpu.vector_store %arg10[%swap3A_597], %add3A_596 masked %eq3A_590 {strides = array<i32>} : memref<8224xi32, #tpu.memory_space<vmem>>, vector<16xi32>, vector<16xi1>
      %convert_element_type3A_599 = arith.extui %eq3A_590 : vector<16xi1> to vector<16xi32>
      %reduce_sum3A_600 = arith.constant true
      %reduce_sum3A_601 = vector.broadcast %reduce_sum3A_600 : i1 to vector<16xi1>
      %reduce_sum3A_602 = tpu.scan <sum>, %convert_element_type3A_599 masked %reduce_sum3A_601 : vector<16xi32>, vector<16xi1> -> vector<16xi32>
      %reduce_sum3A_603 = vector.extract %reduce_sum3A_602[15] : i32 from vector<16xi32>
      %add3A_604 = arith.addi %add3A_579, %reduce_sum3A_603 : i32
      %scan3A_605 = arith.constant 5 : i32
      %scan3A_606 = arith.addi %scan3A_482, %scan3A_605 : i32
      %mul3A_607 = arith.constant 16 : i32
      %mul3A_608 = arith.muli %scan3A_606, %mul3A_607 : i32
      %get3A_609 = arith.index_cast %mul3A_608 : i32 to index
      %get3A_610 = tpu.vector_load %arg5[%get3A_609] {strides = array<i32>} : memref<8192xi32, #tpu.memory_space<vmem>>, vector<16xi32>,
      %shift_right_logical3A_611 = arith.constant 24 : i32
      %shift_right_logical3A_612 = vector.broadcast %shift_right_logical3A_611 : i32 to vector<16xi32>
      %shift_right_logical3A_613 = arith.shrui %get3A_610, %shift_right_logical3A_612 : vector<16xi32>
      %eq3A_614 = vector.broadcast %shift_right_logical3A_106 : i32 to vector<16xi32>
      %eq3A_615 = arith.cmpi eq, %shift_right_logical3A_613, %eq3A_614 : vector<16xi32>
      %swap3A_616 = arith.index_cast %add3A_604 : i32 to index
      %swap3A_617 = tpu.vector_load %arg9[%swap3A_616] masked %eq3A_615 {strides = array<i32>} : memref<8224xi32, #tpu.memory_space<vmem>>, vector<16xi32>, vector<16xi1>
      tpu.vector_store %arg9[%swap3A_616], %get3A_610 masked %eq3A_615 {strides = array<i32>} : memref<8224xi32, #tpu.memory_space<vmem>>, vector<16xi32>, vector<16xi1>
      %mul3A_618 = arith.constant 16 : i32
      %mul3A_619 = arith.muli %scan3A_606, %mul3A_618 : i32
      %add3A_620 = vector.broadcast %mul3A_619 : i32 to vector<16xi32>
      %add3A_621 = arith.addi %add3A_620, %iota3A : vector<16xi32>
      %swap3A_622 = arith.index_cast %add3A_604 : i32 to index
      %swap3A_623 = tpu.vector_load %arg10[%swap3A_622] masked %eq3A_615 {strides = array<i32>} : memref<8224xi32, #tpu.memory_space<vmem>>, vector<16xi32>, vector<16xi1>
      tpu.vector_store %arg10[%swap3A_622], %add3A_621 masked %eq3A_615 {strides = array<i32>} : memref<8224xi32, #tpu.memory_space<vmem>>, vector<16xi32>, vector<16xi1>
      %convert_element_type3A_624 = arith.extui %eq3A_615 : vector<16xi1> to vector<16xi32>
      %reduce_sum3A_625 = arith.constant true
      %reduce_sum3A_626 = vector.broadcast %reduce_sum3A_625 : i1 to vector<16xi1>
      %reduce_sum3A_627 = tpu.scan <sum>, %convert_element_type3A_624 masked %reduce_sum3A_626 : vector<16xi32>, vector<16xi1> -> vector<16xi32>
      %reduce_sum3A_628 = vector.extract %reduce_sum3A_627[15] : i32 from vector<16xi32>
      %add3A_629 = arith.addi %add3A_604, %reduce_sum3A_628 : i32
      %scan3A_630 = arith.constant 6 : i32
      %scan3A_631 = arith.addi %scan3A_482, %scan3A_630 : i32
      %mul3A_632 = arith.constant 16 : i32
      %mul3A_633 = arith.muli %scan3A_631, %mul3A_632 : i32
      %get3A_634 = arith.index_cast %mul3A_633 : i32 to index
      %get3A_635 = tpu.vector_load %arg5[%get3A_634] {strides = array<i32>} : memref<8192xi32, #tpu.memory_space<vmem>>, vector<16xi32>,
      %shift_right_logical3A_636 = arith.constant 24 : i32
      %shift_right_logical3A_637 = vector.broadcast %shift_right_logical3A_636 : i32 to vector<16xi32>
      %shift_right_logical3A_638 = arith.shrui %get3A_635, %shift_right_logical3A_637 : vector<16xi32>
      %eq3A_639 = vector.broadcast %shift_right_logical3A_106 : i32 to vector<16xi32>
      %eq3A_640 = arith.cmpi eq, %shift_right_logical3A_638, %eq3A_639 : vector<16xi32>
      %swap3A_641 = arith.index_cast %add3A_629 : i32 to index
      %swap3A_642 = tpu.vector_load %arg9[%swap3A_641] masked %eq3A_640 {strides = array<i32>} : memref<8224xi32, #tpu.memory_space<vmem>>, vector<16xi32>, vector<16xi1>
      tpu.vector_store %arg9[%swap3A_641], %get3A_635 masked %eq3A_640 {strides = array<i32>} : memref<8224xi32, #tpu.memory_space<vmem>>, vector<16xi32>, vector<16xi1>
      %mul3A_643 = arith.constant 16 : i32
      %mul3A_644 = arith.muli %scan3A_631, %mul3A_643 : i32
      %add3A_645 = vector.broadcast %mul3A_644 : i32 to vector<16xi32>
      %add3A_646 = arith.addi %add3A_645, %iota3A : vector<16xi32>
      %swap3A_647 = arith.index_cast %add3A_629 : i32 to index
      %swap3A_648 = tpu.vector_load %arg10[%swap3A_647] masked %eq3A_640 {strides = array<i32>} : memref<8224xi32, #tpu.memory_space<vmem>>, vector<16xi32>, vector<16xi1>
      tpu.vector_store %arg10[%swap3A_647], %add3A_646 masked %eq3A_640 {strides = array<i32>} : memref<8224xi32, #tpu.memory_space<vmem>>, vector<16xi32>, vector<16xi1>
      %convert_element_type3A_649 = arith.extui %eq3A_640 : vector<16xi1> to vector<16xi32>
      %reduce_sum3A_650 = arith.constant true
      %reduce_sum3A_651 = vector.broadcast %reduce_sum3A_650 : i1 to vector<16xi1>
      %reduce_sum3A_652 = tpu.scan <sum>, %convert_element_type3A_649 masked %reduce_sum3A_651 : vector<16xi32>, vector<16xi1> -> vector<16xi32>
      %reduce_sum3A_653 = vector.extract %reduce_sum3A_652[15] : i32 from vector<16xi32>
      %add3A_654 = arith.addi %add3A_629, %reduce_sum3A_653 : i32
      %scan3A_655 = arith.constant 7 : i32
      %scan3A_656 = arith.addi %scan3A_482, %scan3A_655 : i32
      %mul3A_657 = arith.constant 16 : i32
      %mul3A_658 = arith.muli %scan3A_656, %mul3A_657 : i32
      %get3A_659 = arith.index_cast %mul3A_658 : i32 to index
      %get3A_660 = tpu.vector_load %arg5[%get3A_659] {strides = array<i32>} : memref<8192xi32, #tpu.memory_space<vmem>>, vector<16xi32>,
      %shift_right_logical3A_661 = arith.constant 24 : i32
      %shift_right_logical3A_662 = vector.broadcast %shift_right_logical3A_661 : i32 to vector<16xi32>
      %shift_right_logical3A_663 = arith.shrui %get3A_660, %shift_right_logical3A_662 : vector<16xi32>
      %eq3A_664 = vector.broadcast %shift_right_logical3A_106 : i32 to vector<16xi32>
      %eq3A_665 = arith.cmpi eq, %shift_right_logical3A_663, %eq3A_664 : vector<16xi32>
      %swap3A_666 = arith.index_cast %add3A_654 : i32 to index
      %swap3A_667 = tpu.vector_load %arg9[%swap3A_666] masked %eq3A_665 {strides = array<i32>} : memref<8224xi32, #tpu.memory_space<vmem>>, vector<16xi32>, vector<16xi1>
      tpu.vector_store %arg9[%swap3A_666], %get3A_660 masked %eq3A_665 {strides = array<i32>} : memref<8224xi32, #tpu.memory_space<vmem>>, vector<16xi32>, vector<16xi1>
      %mul3A_668 = arith.constant 16 : i32
      %mul3A_669 = arith.muli %scan3A_656, %mul3A_668 : i32
      %add3A_670 = vector.broadcast %mul3A_669 : i32 to vector<16xi32>
      %add3A_671 = arith.addi %add3A_670, %iota3A : vector<16xi32>
      %swap3A_672 = arith.index_cast %add3A_654 : i32 to index
      %swap3A_673 = tpu.vector_load %arg10[%swap3A_672] masked %eq3A_665 {strides = array<i32>} : memref<8224xi32, #tpu.memory_space<vmem>>, vector<16xi32>, vector<16xi1>
      tpu.vector_store %arg10[%swap3A_672], %add3A_671 masked %eq3A_665 {strides = array<i32>} : memref<8224xi32, #tpu.memory_space<vmem>>, vector<16xi32>, vector<16xi1>
      %convert_element_type3A_674 = arith.extui %eq3A_665 : vector<16xi1> to vector<16xi32>
      %reduce_sum3A_675 = arith.constant true
      %reduce_sum3A_676 = vector.broadcast %reduce_sum3A_675 : i1 to vector<16xi1>
      %reduce_sum3A_677 = tpu.scan <sum>, %convert_element_type3A_674 masked %reduce_sum3A_676 : vector<16xi32>, vector<16xi1> -> vector<16xi32>
      %reduce_sum3A_678 = vector.extract %reduce_sum3A_677[15] : i32 from vector<16xi32>
      %add3A_679 = arith.addi %add3A_654, %reduce_sum3A_678 : i32
      scf.yield %add3A_679 : i32
    }
    %scan3A_113 = arith.constant 512 : i32
    %add3A_114 = arith.constant 15 : i32
    %add3A_115 = arith.addi %scan3A_112, %add3A_114 : i32
    %shift_right_arithmetic3A = arith.constant 4 : i32
    %shift_right_arithmetic3A_116 = arith.shrsi %add3A_115, %shift_right_arithmetic3A : i32
    %while3A = arith.constant 0 : i32
    %while3A_117 = arith.constant 0 : i32
    %while3A_118 = arith.subi %shift_right_arithmetic3A_116, %while3A : i32
    %while3A_119 = arith.addi %while3A, %while3A_118 : i32
    %while3A_120 = arith.constant 1 : i32
    %while3A_121 = arith.divsi %while3A_118, %while3A_120 : i32
    %while3A_122 = arith.muli %while3A_121, %while3A_120 : i32
    %while3A_123 = arith.addi %while3A, %while3A_122 : i32
    %while3A_124 = arith.constant 1 : i32
    %while3A_125 = scf.for %while3A_482 = %while3A to %while3A_123 step %while3A_124 iter_args(%while3A_483 = %while3A_117) -> (i32)  : i32 {
      %mul3A_484 = arith.constant 16 : i32
      %mul3A_485 = arith.muli %while3A_482, %mul3A_484 : i32
      %get3A = arith.index_cast %mul3A_485 : i32 to index
      %get3A_486 = tpu.vector_load %arg9[%get3A] {strides = array<i32>} : memref<8224xi32, #tpu.memory_space<vmem>>, vector<16xi32>,
      %shift_right_logical3A_487 = arith.constant 24 : i32
      %shift_right_logical3A_488 = vector.broadcast %shift_right_logical3A_487 : i32 to vector<16xi32>
      %shift_right_logical3A_489 = arith.shrui %get3A_486, %shift_right_logical3A_488 : vector<16xi32>
      %shift_right_logical3A_490 = arith.constant 24 : i32
      %shift_right_logical3A_491 = arith.shrui %shift_left3A_105, %shift_right_logical3A_490 : i32
      %eq3A_492 = vector.broadcast %shift_right_logical3A_491 : i32 to vector<16xi32>
      %eq3A_493 = arith.cmpi eq, %shift_right_logical3A_489, %eq3A_492 : vector<16xi32>
      %mul3A_494 = arith.constant 16 : i32
      %mul3A_495 = arith.muli %while3A_482, %mul3A_494 : i32
      %add3A_496 = vector.broadcast %mul3A_495 : i32 to vector<16xi32>
      %add3A_497 = arith.addi %add3A_496, %iota3A : vector<16xi32>
      %lt3A_498 = vector.broadcast %scan3A_112 : i32 to vector<16xi32>
      %lt3A_499 = arith.cmpi slt, %add3A_497, %lt3A_498 : vector<16xi32>
      %and3A_500 = arith.andi %eq3A_493, %lt3A_499 : vector<16xi1>
      %shift_right_logical3A_501 = arith.constant 16 : i32
      %shift_right_logical3A_502 = vector.broadcast %shift_right_logical3A_501 : i32 to vector<16xi32>
      %shift_right_logical3A_503 = arith.shrui %get3A_486, %shift_right_logical3A_502 : vector<16xi32>
      %and3A_504 = arith.constant 255 : i32
      %and3A_505 = vector.broadcast %and3A_504 : i32 to vector<16xi32>
      %and3A_506 = arith.andi %shift_right_logical3A_503, %and3A_505 : vector<16xi32>
      %add3A_507 = arith.addi %mul3A_1, %and3A_506 : vector<16xi32>
      tpu.vector_store_idx %arg6[%add3A_507], %broadcast_in_dim3A_2 masked %and3A_500 {add = true} : memref<4096xi32, #tpu.memory_space<vmem>>[vector<16xi32>], vector<16xi32>, vector<16xi1>
      %while3A_508 = arith.constant 0 : i32
      scf.yield %while3A_508 : i32
    }
    %while3A_126 = arith.constant 1 : i32
    %while3A_127 = scf.for %while3A_482 = %while3A_123 to %while3A_119 step %while3A_126 iter_args(%while3A_483 = %while3A_125) -> (i32)  : i32 {
      %mul3A_484 = arith.constant 16 : i32
      %mul3A_485 = arith.muli %while3A_482, %mul3A_484 : i32
      %get3A = arith.index_cast %mul3A_485 : i32 to index
      %get3A_486 = tpu.vector_load %arg9[%get3A] {strides = array<i32>} : memref<8224xi32, #tpu.memory_space<vmem>>, vector<16xi32>,
      %shift_right_logical3A_487 = arith.constant 24 : i32
      %shift_right_logical3A_488 = vector.broadcast %shift_right_logical3A_487 : i32 to vector<16xi32>
      %shift_right_logical3A_489 = arith.shrui %get3A_486, %shift_right_logical3A_488 : vector<16xi32>
      %shift_right_logical3A_490 = arith.constant 24 : i32
      %shift_right_logical3A_491 = arith.shrui %shift_left3A_105, %shift_right_logical3A_490 : i32
      %eq3A_492 = vector.broadcast %shift_right_logical3A_491 : i32 to vector<16xi32>
      %eq3A_493 = arith.cmpi eq, %shift_right_logical3A_489, %eq3A_492 : vector<16xi32>
      %mul3A_494 = arith.constant 16 : i32
      %mul3A_495 = arith.muli %while3A_482, %mul3A_494 : i32
      %add3A_496 = vector.broadcast %mul3A_495 : i32 to vector<16xi32>
      %add3A_497 = arith.addi %add3A_496, %iota3A : vector<16xi32>
      %lt3A_498 = vector.broadcast %scan3A_112 : i32 to vector<16xi32>
      %lt3A_499 = arith.cmpi slt, %add3A_497, %lt3A_498 : vector<16xi32>
      %and3A_500 = arith.andi %eq3A_493, %lt3A_499 : vector<16xi1>
      %shift_right_logical3A_501 = arith.constant 16 : i32
      %shift_right_logical3A_502 = vector.broadcast %shift_right_logical3A_501 : i32 to vector<16xi32>
      %shift_right_logical3A_503 = arith.shrui %get3A_486, %shift_right_logical3A_502 : vector<16xi32>
      %and3A_504 = arith.constant 255 : i32
      %and3A_505 = vector.broadcast %and3A_504 : i32 to vector<16xi32>
      %and3A_506 = arith.andi %shift_right_logical3A_503, %and3A_505 : vector<16xi32>
      %add3A_507 = arith.addi %mul3A_1, %and3A_506 : vector<16xi32>
      tpu.vector_store_idx %arg6[%add3A_507], %broadcast_in_dim3A_2 masked %and3A_500 {add = true} : memref<4096xi32, #tpu.memory_space<vmem>>[vector<16xi32>], vector<16xi32>, vector<16xi1>
      %while3A_508 = arith.constant 0 : i32
      scf.yield %while3A_508 : i32
    }
    %scan3A_128 = arith.constant 0 : i32
    %scan3A_129 = arith.constant 0 : i32
    %scan3A_130 = arith.constant 16 : i32
    %scan3A_131 = arith.addi %scan3A_129, %scan3A_130 : i32
    %scan3A_132 = arith.constant 1 : i32
    %scan3A_133 = scf.for %scan3A_482 = %scan3A_129 to %scan3A_131 step %scan3A_132 iter_args(%scan3A_483 = %scan3A_128) -> (i32)  : i32 {
      %broadcast_in_dim3A_484 = arith.constant 0 : i32
      %broadcast_in_dim3A_485 = vector.broadcast %broadcast_in_dim3A_484 : i32 to vector<16xi32>
      %scan3A_486 = arith.constant 0 : i32
      %scan3A_487 = arith.constant 16 : i32
      %scan3A_488 = arith.addi %scan3A_486, %scan3A_487 : i32
      %scan3A_489 = arith.constant 4 : i32
      %scan3A_490 = scf.for %scan3A_498 = %scan3A_486 to %scan3A_488 step %scan3A_489 iter_args(%scan3A_499 = %broadcast_in_dim3A_485) -> (vector<16xi32>)  : i32 {
        %mul3A_500 = arith.constant 256 : i32
        %mul3A_501 = arith.muli %scan3A_498, %mul3A_500 : i32
        %mul3A_502 = arith.constant 16 : i32
        %mul3A_503 = arith.muli %scan3A_482, %mul3A_502 : i32
        %add3A_504 = arith.addi %mul3A_501, %mul3A_503 : i32
        %get3A = arith.index_cast %add3A_504 : i32 to index
        %get3A_505 = tpu.vector_load %arg6[%get3A] {strides = array<i32>} : memref<4096xi32, #tpu.memory_space<vmem>>, vector<16xi32>,
        %add3A_506 = arith.addi %scan3A_499, %get3A_505 : vector<16xi32>
        %broadcast_in_dim3A_507 = arith.constant 0 : i32
        %broadcast_in_dim3A_508 = vector.broadcast %broadcast_in_dim3A_507 : i32 to vector<16xi32>
        %mul3A_509 = arith.constant 256 : i32
        %mul3A_510 = arith.muli %scan3A_498, %mul3A_509 : i32
        %mul3A_511 = arith.constant 16 : i32
        %mul3A_512 = arith.muli %scan3A_482, %mul3A_511 : i32
        %add3A_513 = arith.addi %mul3A_510, %mul3A_512 : i32
        %swap3A = arith.index_cast %add3A_513 : i32 to index
        %swap3A_514 = tpu.vector_load %arg6[%swap3A] {strides = array<i32>} : memref<4096xi32, #tpu.memory_space<vmem>>, vector<16xi32>,
        tpu.vector_store %arg6[%swap3A], %broadcast_in_dim3A_508 {strides = array<i32>} : memref<4096xi32, #tpu.memory_space<vmem>>, vector<16xi32>,
        %scan3A_515 = arith.constant 1 : i32
        %scan3A_516 = arith.addi %scan3A_498, %scan3A_515 : i32
        %mul3A_517 = arith.constant 256 : i32
        %mul3A_518 = arith.muli %scan3A_516, %mul3A_517 : i32
        %mul3A_519 = arith.constant 16 : i32
        %mul3A_520 = arith.muli %scan3A_482, %mul3A_519 : i32
        %add3A_521 = arith.addi %mul3A_518, %mul3A_520 : i32
        %get3A_522 = arith.index_cast %add3A_521 : i32 to index
        %get3A_523 = tpu.vector_load %arg6[%get3A_522] {strides = array<i32>} : memref<4096xi32, #tpu.memory_space<vmem>>, vector<16xi32>,
        %add3A_524 = arith.addi %add3A_506, %get3A_523 : vector<16xi32>
        %broadcast_in_dim3A_525 = arith.constant 0 : i32
        %broadcast_in_dim3A_526 = vector.broadcast %broadcast_in_dim3A_525 : i32 to vector<16xi32>
        %mul3A_527 = arith.constant 256 : i32
        %mul3A_528 = arith.muli %scan3A_516, %mul3A_527 : i32
        %mul3A_529 = arith.constant 16 : i32
        %mul3A_530 = arith.muli %scan3A_482, %mul3A_529 : i32
        %add3A_531 = arith.addi %mul3A_528, %mul3A_530 : i32
        %swap3A_532 = arith.index_cast %add3A_531 : i32 to index
        %swap3A_533 = tpu.vector_load %arg6[%swap3A_532] {strides = array<i32>} : memref<4096xi32, #tpu.memory_space<vmem>>, vector<16xi32>,
        tpu.vector_store %arg6[%swap3A_532], %broadcast_in_dim3A_526 {strides = array<i32>} : memref<4096xi32, #tpu.memory_space<vmem>>, vector<16xi32>,
        %scan3A_534 = arith.constant 2 : i32
        %scan3A_535 = arith.addi %scan3A_498, %scan3A_534 : i32
        %mul3A_536 = arith.constant 256 : i32
        %mul3A_537 = arith.muli %scan3A_535, %mul3A_536 : i32
        %mul3A_538 = arith.constant 16 : i32
        %mul3A_539 = arith.muli %scan3A_482, %mul3A_538 : i32
        %add3A_540 = arith.addi %mul3A_537, %mul3A_539 : i32
        %get3A_541 = arith.index_cast %add3A_540 : i32 to index
        %get3A_542 = tpu.vector_load %arg6[%get3A_541] {strides = array<i32>} : memref<4096xi32, #tpu.memory_space<vmem>>, vector<16xi32>,
        %add3A_543 = arith.addi %add3A_524, %get3A_542 : vector<16xi32>
        %broadcast_in_dim3A_544 = arith.constant 0 : i32
        %broadcast_in_dim3A_545 = vector.broadcast %broadcast_in_dim3A_544 : i32 to vector<16xi32>
        %mul3A_546 = arith.constant 256 : i32
        %mul3A_547 = arith.muli %scan3A_535, %mul3A_546 : i32
        %mul3A_548 = arith.constant 16 : i32
        %mul3A_549 = arith.muli %scan3A_482, %mul3A_548 : i32
        %add3A_550 = arith.addi %mul3A_547, %mul3A_549 : i32
        %swap3A_551 = arith.index_cast %add3A_550 : i32 to index
        %swap3A_552 = tpu.vector_load %arg6[%swap3A_551] {strides = array<i32>} : memref<4096xi32, #tpu.memory_space<vmem>>, vector<16xi32>,
        tpu.vector_store %arg6[%swap3A_551], %broadcast_in_dim3A_545 {strides = array<i32>} : memref<4096xi32, #tpu.memory_space<vmem>>, vector<16xi32>,
        %scan3A_553 = arith.constant 3 : i32
        %scan3A_554 = arith.addi %scan3A_498, %scan3A_553 : i32
        %mul3A_555 = arith.constant 256 : i32
        %mul3A_556 = arith.muli %scan3A_554, %mul3A_555 : i32
        %mul3A_557 = arith.constant 16 : i32
        %mul3A_558 = arith.muli %scan3A_482, %mul3A_557 : i32
        %add3A_559 = arith.addi %mul3A_556, %mul3A_558 : i32
        %get3A_560 = arith.index_cast %add3A_559 : i32 to index
        %get3A_561 = tpu.vector_load %arg6[%get3A_560] {strides = array<i32>} : memref<4096xi32, #tpu.memory_space<vmem>>, vector<16xi32>,
        %add3A_562 = arith.addi %add3A_543, %get3A_561 : vector<16xi32>
        %broadcast_in_dim3A_563 = arith.constant 0 : i32
        %broadcast_in_dim3A_564 = vector.broadcast %broadcast_in_dim3A_563 : i32 to vector<16xi32>
        %mul3A_565 = arith.constant 256 : i32
        %mul3A_566 = arith.muli %scan3A_554, %mul3A_565 : i32
        %mul3A_567 = arith.constant 16 : i32
        %mul3A_568 = arith.muli %scan3A_482, %mul3A_567 : i32
        %add3A_569 = arith.addi %mul3A_566, %mul3A_568 : i32
        %swap3A_570 = arith.index_cast %add3A_569 : i32 to index
        %swap3A_571 = tpu.vector_load %arg6[%swap3A_570] {strides = array<i32>} : memref<4096xi32, #tpu.memory_space<vmem>>, vector<16xi32>,
        tpu.vector_store %arg6[%swap3A_570], %broadcast_in_dim3A_564 {strides = array<i32>} : memref<4096xi32, #tpu.memory_space<vmem>>, vector<16xi32>,
        scf.yield %add3A_562 : vector<16xi32>
      }
      %scan3A_491 = arith.constant 16 : i32
      %mul3A_492 = arith.constant 16 : i32
      %mul3A_493 = vector.broadcast %mul3A_492 : i32 to vector<16xi32>
      %mul3A_494 = arith.muli %iota3A, %mul3A_493 : vector<16xi32>
      %add3A_495 = vector.broadcast %scan3A_482 : i32 to vector<16xi32>
      %add3A_496 = arith.addi %mul3A_494, %add3A_495 : vector<16xi32>
      tpu.vector_store_idx %arg7[%add3A_496], %scan3A_490 : memref<256xi32, #tpu.memory_space<vmem>>[vector<16xi32>], vector<16xi32>,
      %scan3A_497 = arith.constant 0 : i32
      scf.yield %scan3A_497 : i32
    }
    %scan3A_134 = arith.constant 16 : i32
    %broadcast_in_dim3A_135 = arith.constant 0 : i32
    %broadcast_in_dim3A_136 = vector.broadcast %broadcast_in_dim3A_135 : i32 to vector<16xi32>
    %scan3A_137 = arith.constant 0 : i32
    %scan3A_138 = arith.constant 16 : i32
    %scan3A_139 = arith.addi %scan3A_137, %scan3A_138 : i32
    %scan3A_140 = arith.constant 1 : i32
    %scan3A_141 = scf.for %scan3A_482 = %scan3A_137 to %scan3A_139 step %scan3A_140 iter_args(%scan3A_483 = %broadcast_in_dim3A_136) -> (vector<16xi32>)  : i32 {
      %mul3A_484 = arith.constant 16 : i32
      %mul3A_485 = arith.muli %scan3A_482, %mul3A_484 : i32
      %get3A = arith.index_cast %mul3A_485 : i32 to index
      %get3A_486 = tpu.vector_load %arg7[%get3A] {strides = array<i32>} : memref<256xi32, #tpu.memory_space<vmem>>, vector<16xi32>,
      %add3A_487 = arith.addi %scan3A_483, %get3A_486 : vector<16xi32>
      scf.yield %add3A_487 : vector<16xi32>
    }
    %scan3A_142 = arith.constant 16 : i32
    %rev3A_143 = arith.constant 15 : i32
    %rev3A_144 = vector.broadcast %rev3A_143 : i32 to vector<16xi32>
    %rev3A_145 = tpu.iota {dimensions = array<i32: 0>} : vector<16xi32>
    %rev3A_146 = arith.subi %rev3A_144, %rev3A_145 : vector<16xi32>
    %rev3A_147 = tpu.dynamic_gather %scan3A_141[%rev3A_146] in [0] : vector<16xi32>, vector<16xi32> -> vector<16xi32>
    %broadcast_in_dim3A_148 = arith.constant true
    %broadcast_in_dim3A_149 = vector.broadcast %broadcast_in_dim3A_148 : i1 to vector<16xi1>
    %masked_cumsum3A_150 = tpu.scan <sum>, %rev3A_147 masked %broadcast_in_dim3A_149 : vector<16xi32>, vector<16xi1> -> vector<16xi32>
    %rev3A_151 = arith.constant 15 : i32
    %rev3A_152 = vector.broadcast %rev3A_151 : i32 to vector<16xi32>
    %rev3A_153 = tpu.iota {dimensions = array<i32: 0>} : vector<16xi32>
    %rev3A_154 = arith.subi %rev3A_152, %rev3A_153 : vector<16xi32>
    %rev3A_155 = tpu.dynamic_gather %masked_cumsum3A_150[%rev3A_154] in [0] : vector<16xi32>, vector<16xi32> -> vector<16xi32>
    %sub3A_156 = arith.subi %rev3A_155, %scan3A_141 : vector<16xi32>
    %lt3A_157 = vector.broadcast %sub3A_104 : i32 to vector<16xi32>
    %lt3A_158 = arith.cmpi slt, %sub3A_156, %lt3A_157 : vector<16xi32>
    %add3A_159 = arith.addi %sub3A_156, %scan3A_141 : vector<16xi32>
    %ge3A_160 = vector.broadcast %sub3A_104 : i32 to vector<16xi32>
    %ge3A_161 = arith.cmpi sge, %add3A_159, %ge3A_160 : vector<16xi32>
    %and3A_162 = arith.andi %lt3A_158, %ge3A_161 : vector<16xi1>
    %jit3A_163 = arith.constant 0 : i32
    %broadcast_in_dim3A_164 = vector.broadcast %jit3A_163 : i32 to vector<16xi32>
    %select_n3A_165 = arith.select %and3A_162, %iota3A, %broadcast_in_dim3A_164 : vector<16xi1>, vector<16xi32>
    %reduce_sum3A_166 = arith.constant true
    %reduce_sum3A_167 = vector.broadcast %reduce_sum3A_166 : i1 to vector<16xi1>
    %reduce_sum3A_168 = tpu.scan <sum>, %select_n3A_165 masked %reduce_sum3A_167 : vector<16xi32>, vector<16xi1> -> vector<16xi32>
    %reduce_sum3A_169 = vector.extract %reduce_sum3A_168[15] : i32 from vector<16xi32>
    %jit3A_170 = arith.constant 0 : i32
    %broadcast_in_dim3A_171 = vector.broadcast %jit3A_170 : i32 to vector<16xi32>
    %select_n3A_172 = arith.select %and3A_162, %sub3A_156, %broadcast_in_dim3A_171 : vector<16xi1>, vector<16xi32>
    %reduce_sum3A_173 = arith.constant true
    %reduce_sum3A_174 = vector.broadcast %reduce_sum3A_173 : i1 to vector<16xi1>
    %reduce_sum3A_175 = tpu.scan <sum>, %select_n3A_172 masked %reduce_sum3A_174 : vector<16xi32>, vector<16xi1> -> vector<16xi32>
    %reduce_sum3A_176 = vector.extract %reduce_sum3A_175[15] : i32 from vector<16xi32>
    %mul3A_177 = arith.constant 16 : i32
    %mul3A_178 = vector.broadcast %mul3A_177 : i32 to vector<16xi32>
    %mul3A_179 = arith.muli %iota3A, %mul3A_178 : vector<16xi32>
    %add3A_180 = vector.broadcast %reduce_sum3A_169 : i32 to vector<16xi32>
    %add3A_181 = arith.addi %mul3A_179, %add3A_180 : vector<16xi32>
    %gather3A_182 = tpu.vector_load_idx %arg7[%add3A_181] : memref<256xi32, #tpu.memory_space<vmem>>[vector<16xi32>], vector<16xi32>,
    %rev3A_183 = arith.constant 15 : i32
    %rev3A_184 = vector.broadcast %rev3A_183 : i32 to vector<16xi32>
    %rev3A_185 = tpu.iota {dimensions = array<i32: 0>} : vector<16xi32>
    %rev3A_186 = arith.subi %rev3A_184, %rev3A_185 : vector<16xi32>
    %rev3A_187 = tpu.dynamic_gather %gather3A_182[%rev3A_186] in [0] : vector<16xi32>, vector<16xi32> -> vector<16xi32>
    %broadcast_in_dim3A_188 = arith.constant true
    %broadcast_in_dim3A_189 = vector.broadcast %broadcast_in_dim3A_188 : i1 to vector<16xi1>
    %masked_cumsum3A_190 = tpu.scan <sum>, %rev3A_187 masked %broadcast_in_dim3A_189 : vector<16xi32>, vector<16xi1> -> vector<16xi32>
    %rev3A_191 = arith.constant 15 : i32
    %rev3A_192 = vector.broadcast %rev3A_191 : i32 to vector<16xi32>
    %rev3A_193 = tpu.iota {dimensions = array<i32: 0>} : vector<16xi32>
    %rev3A_194 = arith.subi %rev3A_192, %rev3A_193 : vector<16xi32>
    %rev3A_195 = tpu.dynamic_gather %masked_cumsum3A_190[%rev3A_194] in [0] : vector<16xi32>, vector<16xi32> -> vector<16xi32>
    %sub3A_196 = arith.subi %rev3A_195, %gather3A_182 : vector<16xi32>
    %add3A_197 = vector.broadcast %reduce_sum3A_176 : i32 to vector<16xi32>
    %add3A_198 = arith.addi %sub3A_196, %add3A_197 : vector<16xi32>
    %lt3A_199 = vector.broadcast %sub3A_104 : i32 to vector<16xi32>
    %lt3A_200 = arith.cmpi slt, %add3A_198, %lt3A_199 : vector<16xi32>
    %add3A_201 = arith.addi %add3A_198, %gather3A_182 : vector<16xi32>
    %ge3A_202 = vector.broadcast %sub3A_104 : i32 to vector<16xi32>
    %ge3A_203 = arith.cmpi sge, %add3A_201, %ge3A_202 : vector<16xi32>
    %and3A_204 = arith.andi %lt3A_200, %ge3A_203 : vector<16xi1>
    %jit3A_205 = arith.constant 0 : i32
    %broadcast_in_dim3A_206 = vector.broadcast %jit3A_205 : i32 to vector<16xi32>
    %select_n3A_207 = arith.select %and3A_204, %iota3A, %broadcast_in_dim3A_206 : vector<16xi1>, vector<16xi32>
    %reduce_sum3A_208 = arith.constant true
    %reduce_sum3A_209 = vector.broadcast %reduce_sum3A_208 : i1 to vector<16xi1>
    %reduce_sum3A_210 = tpu.scan <sum>, %select_n3A_207 masked %reduce_sum3A_209 : vector<16xi32>, vector<16xi1> -> vector<16xi32>
    %reduce_sum3A_211 = vector.extract %reduce_sum3A_210[15] : i32 from vector<16xi32>
    %jit3A_212 = arith.constant 0 : i32
    %broadcast_in_dim3A_213 = vector.broadcast %jit3A_212 : i32 to vector<16xi32>
    %select_n3A_214 = arith.select %and3A_204, %add3A_198, %broadcast_in_dim3A_213 : vector<16xi1>, vector<16xi32>
    %reduce_sum3A_215 = arith.constant true
    %reduce_sum3A_216 = vector.broadcast %reduce_sum3A_215 : i1 to vector<16xi1>
    %reduce_sum3A_217 = tpu.scan <sum>, %select_n3A_214 masked %reduce_sum3A_216 : vector<16xi32>, vector<16xi1> -> vector<16xi32>
    %reduce_sum3A_218 = vector.extract %reduce_sum3A_217[15] : i32 from vector<16xi32>
    %mul3A_219 = arith.constant 16 : i32
    %mul3A_220 = arith.muli %reduce_sum3A_169, %mul3A_219 : i32
    %add3A_221 = arith.addi %mul3A_220, %reduce_sum3A_211 : i32
    %sub3A_222 = arith.subi %sub3A_104, %reduce_sum3A_218 : i32
    %shift_left3A_223 = arith.constant 16 : i32
    %shift_left3A_224 = arith.shli %add3A_221, %shift_left3A_223 : i32
    %or3A = arith.ori %shift_left3A_105, %shift_left3A_224 : i32
    %while3A_225 = arith.constant 0 : i32
    %while3A_226 = arith.constant 0 : i32
    %while3A_227 = arith.subi %shift_right_arithmetic3A_116, %while3A_225 : i32
    %while3A_228 = arith.addi %while3A_225, %while3A_227 : i32
    %while3A_229 = arith.constant 1 : i32
    %while3A_230 = arith.divsi %while3A_227, %while3A_229 : i32
    %while3A_231 = arith.muli %while3A_230, %while3A_229 : i32
    %while3A_232 = arith.addi %while3A_225, %while3A_231 : i32
    %while3A_233 = arith.constant 1 : i32
    %while3A_234 = scf.for %while3A_482 = %while3A_225 to %while3A_232 step %while3A_233 iter_args(%while3A_483 = %while3A_226) -> (i32)  : i32 {
      %mul3A_484 = arith.constant 16 : i32
      %mul3A_485 = arith.muli %while3A_482, %mul3A_484 : i32
      %get3A = arith.index_cast %mul3A_485 : i32 to index
      %get3A_486 = tpu.vector_load %arg9[%get3A] {strides = array<i32>} : memref<8224xi32, #tpu.memory_space<vmem>>, vector<16xi32>,
      %shift_right_logical3A_487 = arith.constant 16 : i32
      %shift_right_logical3A_488 = vector.broadcast %shift_right_logical3A_487 : i32 to vector<16xi32>
      %shift_right_logical3A_489 = arith.shrui %get3A_486, %shift_right_logical3A_488 : vector<16xi32>
      %shift_right_logical3A_490 = arith.constant 16 : i32
      %shift_right_logical3A_491 = arith.shrui %or3A, %shift_right_logical3A_490 : i32
      %eq3A_492 = vector.broadcast %shift_right_logical3A_491 : i32 to vector<16xi32>
      %eq3A_493 = arith.cmpi eq, %shift_right_logical3A_489, %eq3A_492 : vector<16xi32>
      %mul3A_494 = arith.constant 16 : i32
      %mul3A_495 = arith.muli %while3A_482, %mul3A_494 : i32
      %add3A_496 = vector.broadcast %mul3A_495 : i32 to vector<16xi32>
      %add3A_497 = arith.addi %add3A_496, %iota3A : vector<16xi32>
      %lt3A_498 = vector.broadcast %scan3A_112 : i32 to vector<16xi32>
      %lt3A_499 = arith.cmpi slt, %add3A_497, %lt3A_498 : vector<16xi32>
      %and3A_500 = arith.andi %eq3A_493, %lt3A_499 : vector<16xi1>
      %shift_right_logical3A_501 = arith.constant 8 : i32
      %shift_right_logical3A_502 = vector.broadcast %shift_right_logical3A_501 : i32 to vector<16xi32>
      %shift_right_logical3A_503 = arith.shrui %get3A_486, %shift_right_logical3A_502 : vector<16xi32>
      %and3A_504 = arith.constant 255 : i32
      %and3A_505 = vector.broadcast %and3A_504 : i32 to vector<16xi32>
      %and3A_506 = arith.andi %shift_right_logical3A_503, %and3A_505 : vector<16xi32>
      %add3A_507 = arith.addi %mul3A_1, %and3A_506 : vector<16xi32>
      tpu.vector_store_idx %arg6[%add3A_507], %broadcast_in_dim3A_2 masked %and3A_500 {add = true} : memref<4096xi32, #tpu.memory_space<vmem>>[vector<16xi32>], vector<16xi32>, vector<16xi1>
      %while3A_508 = arith.constant 0 : i32
      scf.yield %while3A_508 : i32
    }
    %while3A_235 = arith.constant 1 : i32
    %while3A_236 = scf.for %while3A_482 = %while3A_232 to %while3A_228 step %while3A_235 iter_args(%while3A_483 = %while3A_234) -> (i32)  : i32 {
      %mul3A_484 = arith.constant 16 : i32
      %mul3A_485 = arith.muli %while3A_482, %mul3A_484 : i32
      %get3A = arith.index_cast %mul3A_485 : i32 to index
      %get3A_486 = tpu.vector_load %arg9[%get3A] {strides = array<i32>} : memref<8224xi32, #tpu.memory_space<vmem>>, vector<16xi32>,
      %shift_right_logical3A_487 = arith.constant 16 : i32
      %shift_right_logical3A_488 = vector.broadcast %shift_right_logical3A_487 : i32 to vector<16xi32>
      %shift_right_logical3A_489 = arith.shrui %get3A_486, %shift_right_logical3A_488 : vector<16xi32>
      %shift_right_logical3A_490 = arith.constant 16 : i32
      %shift_right_logical3A_491 = arith.shrui %or3A, %shift_right_logical3A_490 : i32
      %eq3A_492 = vector.broadcast %shift_right_logical3A_491 : i32 to vector<16xi32>
      %eq3A_493 = arith.cmpi eq, %shift_right_logical3A_489, %eq3A_492 : vector<16xi32>
      %mul3A_494 = arith.constant 16 : i32
      %mul3A_495 = arith.muli %while3A_482, %mul3A_494 : i32
      %add3A_496 = vector.broadcast %mul3A_495 : i32 to vector<16xi32>
      %add3A_497 = arith.addi %add3A_496, %iota3A : vector<16xi32>
      %lt3A_498 = vector.broadcast %scan3A_112 : i32 to vector<16xi32>
      %lt3A_499 = arith.cmpi slt, %add3A_497, %lt3A_498 : vector<16xi32>
      %and3A_500 = arith.andi %eq3A_493, %lt3A_499 : vector<16xi1>
      %shift_right_logical3A_501 = arith.constant 8 : i32
      %shift_right_logical3A_502 = vector.broadcast %shift_right_logical3A_501 : i32 to vector<16xi32>
      %shift_right_logical3A_503 = arith.shrui %get3A_486, %shift_right_logical3A_502 : vector<16xi32>
      %and3A_504 = arith.constant 255 : i32
      %and3A_505 = vector.broadcast %and3A_504 : i32 to vector<16xi32>
      %and3A_506 = arith.andi %shift_right_logical3A_503, %and3A_505 : vector<16xi32>
      %add3A_507 = arith.addi %mul3A_1, %and3A_506 : vector<16xi32>
      tpu.vector_store_idx %arg6[%add3A_507], %broadcast_in_dim3A_2 masked %and3A_500 {add = true} : memref<4096xi32, #tpu.memory_space<vmem>>[vector<16xi32>], vector<16xi32>, vector<16xi1>
      %while3A_508 = arith.constant 0 : i32
      scf.yield %while3A_508 : i32
    }
    %scan3A_237 = arith.constant 0 : i32
    %scan3A_238 = arith.constant 0 : i32
    %scan3A_239 = arith.constant 16 : i32
    %scan3A_240 = arith.addi %scan3A_238, %scan3A_239 : i32
    %scan3A_241 = arith.constant 1 : i32
    %scan3A_242 = scf.for %scan3A_482 = %scan3A_238 to %scan3A_240 step %scan3A_241 iter_args(%scan3A_483 = %scan3A_237) -> (i32)  : i32 {
      %broadcast_in_dim3A_484 = arith.constant 0 : i32
      %broadcast_in_dim3A_485 = vector.broadcast %broadcast_in_dim3A_484 : i32 to vector<16xi32>
      %scan3A_486 = arith.constant 0 : i32
      %scan3A_487 = arith.constant 16 : i32
      %scan3A_488 = arith.addi %scan3A_486, %scan3A_487 : i32
      %scan3A_489 = arith.constant 4 : i32
      %scan3A_490 = scf.for %scan3A_498 = %scan3A_486 to %scan3A_488 step %scan3A_489 iter_args(%scan3A_499 = %broadcast_in_dim3A_485) -> (vector<16xi32>)  : i32 {
        %mul3A_500 = arith.constant 256 : i32
        %mul3A_501 = arith.muli %scan3A_498, %mul3A_500 : i32
        %mul3A_502 = arith.constant 16 : i32
        %mul3A_503 = arith.muli %scan3A_482, %mul3A_502 : i32
        %add3A_504 = arith.addi %mul3A_501, %mul3A_503 : i32
        %get3A = arith.index_cast %add3A_504 : i32 to index
        %get3A_505 = tpu.vector_load %arg6[%get3A] {strides = array<i32>} : memref<4096xi32, #tpu.memory_space<vmem>>, vector<16xi32>,
        %add3A_506 = arith.addi %scan3A_499, %get3A_505 : vector<16xi32>
        %broadcast_in_dim3A_507 = arith.constant 0 : i32
        %broadcast_in_dim3A_508 = vector.broadcast %broadcast_in_dim3A_507 : i32 to vector<16xi32>
        %mul3A_509 = arith.constant 256 : i32
        %mul3A_510 = arith.muli %scan3A_498, %mul3A_509 : i32
        %mul3A_511 = arith.constant 16 : i32
        %mul3A_512 = arith.muli %scan3A_482, %mul3A_511 : i32
        %add3A_513 = arith.addi %mul3A_510, %mul3A_512 : i32
        %swap3A = arith.index_cast %add3A_513 : i32 to index
        %swap3A_514 = tpu.vector_load %arg6[%swap3A] {strides = array<i32>} : memref<4096xi32, #tpu.memory_space<vmem>>, vector<16xi32>,
        tpu.vector_store %arg6[%swap3A], %broadcast_in_dim3A_508 {strides = array<i32>} : memref<4096xi32, #tpu.memory_space<vmem>>, vector<16xi32>,
        %scan3A_515 = arith.constant 1 : i32
        %scan3A_516 = arith.addi %scan3A_498, %scan3A_515 : i32
        %mul3A_517 = arith.constant 256 : i32
        %mul3A_518 = arith.muli %scan3A_516, %mul3A_517 : i32
        %mul3A_519 = arith.constant 16 : i32
        %mul3A_520 = arith.muli %scan3A_482, %mul3A_519 : i32
        %add3A_521 = arith.addi %mul3A_518, %mul3A_520 : i32
        %get3A_522 = arith.index_cast %add3A_521 : i32 to index
        %get3A_523 = tpu.vector_load %arg6[%get3A_522] {strides = array<i32>} : memref<4096xi32, #tpu.memory_space<vmem>>, vector<16xi32>,
        %add3A_524 = arith.addi %add3A_506, %get3A_523 : vector<16xi32>
        %broadcast_in_dim3A_525 = arith.constant 0 : i32
        %broadcast_in_dim3A_526 = vector.broadcast %broadcast_in_dim3A_525 : i32 to vector<16xi32>
        %mul3A_527 = arith.constant 256 : i32
        %mul3A_528 = arith.muli %scan3A_516, %mul3A_527 : i32
        %mul3A_529 = arith.constant 16 : i32
        %mul3A_530 = arith.muli %scan3A_482, %mul3A_529 : i32
        %add3A_531 = arith.addi %mul3A_528, %mul3A_530 : i32
        %swap3A_532 = arith.index_cast %add3A_531 : i32 to index
        %swap3A_533 = tpu.vector_load %arg6[%swap3A_532] {strides = array<i32>} : memref<4096xi32, #tpu.memory_space<vmem>>, vector<16xi32>,
        tpu.vector_store %arg6[%swap3A_532], %broadcast_in_dim3A_526 {strides = array<i32>} : memref<4096xi32, #tpu.memory_space<vmem>>, vector<16xi32>,
        %scan3A_534 = arith.constant 2 : i32
        %scan3A_535 = arith.addi %scan3A_498, %scan3A_534 : i32
        %mul3A_536 = arith.constant 256 : i32
        %mul3A_537 = arith.muli %scan3A_535, %mul3A_536 : i32
        %mul3A_538 = arith.constant 16 : i32
        %mul3A_539 = arith.muli %scan3A_482, %mul3A_538 : i32
        %add3A_540 = arith.addi %mul3A_537, %mul3A_539 : i32
        %get3A_541 = arith.index_cast %add3A_540 : i32 to index
        %get3A_542 = tpu.vector_load %arg6[%get3A_541] {strides = array<i32>} : memref<4096xi32, #tpu.memory_space<vmem>>, vector<16xi32>,
        %add3A_543 = arith.addi %add3A_524, %get3A_542 : vector<16xi32>
        %broadcast_in_dim3A_544 = arith.constant 0 : i32
        %broadcast_in_dim3A_545 = vector.broadcast %broadcast_in_dim3A_544 : i32 to vector<16xi32>
        %mul3A_546 = arith.constant 256 : i32
        %mul3A_547 = arith.muli %scan3A_535, %mul3A_546 : i32
        %mul3A_548 = arith.constant 16 : i32
        %mul3A_549 = arith.muli %scan3A_482, %mul3A_548 : i32
        %add3A_550 = arith.addi %mul3A_547, %mul3A_549 : i32
        %swap3A_551 = arith.index_cast %add3A_550 : i32 to index
        %swap3A_552 = tpu.vector_load %arg6[%swap3A_551] {strides = array<i32>} : memref<4096xi32, #tpu.memory_space<vmem>>, vector<16xi32>,
        tpu.vector_store %arg6[%swap3A_551], %broadcast_in_dim3A_545 {strides = array<i32>} : memref<4096xi32, #tpu.memory_space<vmem>>, vector<16xi32>,
        %scan3A_553 = arith.constant 3 : i32
        %scan3A_554 = arith.addi %scan3A_498, %scan3A_553 : i32
        %mul3A_555 = arith.constant 256 : i32
        %mul3A_556 = arith.muli %scan3A_554, %mul3A_555 : i32
        %mul3A_557 = arith.constant 16 : i32
        %mul3A_558 = arith.muli %scan3A_482, %mul3A_557 : i32
        %add3A_559 = arith.addi %mul3A_556, %mul3A_558 : i32
        %get3A_560 = arith.index_cast %add3A_559 : i32 to index
        %get3A_561 = tpu.vector_load %arg6[%get3A_560] {strides = array<i32>} : memref<4096xi32, #tpu.memory_space<vmem>>, vector<16xi32>,
        %add3A_562 = arith.addi %add3A_543, %get3A_561 : vector<16xi32>
        %broadcast_in_dim3A_563 = arith.constant 0 : i32
        %broadcast_in_dim3A_564 = vector.broadcast %broadcast_in_dim3A_563 : i32 to vector<16xi32>
        %mul3A_565 = arith.constant 256 : i32
        %mul3A_566 = arith.muli %scan3A_554, %mul3A_565 : i32
        %mul3A_567 = arith.constant 16 : i32
        %mul3A_568 = arith.muli %scan3A_482, %mul3A_567 : i32
        %add3A_569 = arith.addi %mul3A_566, %mul3A_568 : i32
        %swap3A_570 = arith.index_cast %add3A_569 : i32 to index
        %swap3A_571 = tpu.vector_load %arg6[%swap3A_570] {strides = array<i32>} : memref<4096xi32, #tpu.memory_space<vmem>>, vector<16xi32>,
        tpu.vector_store %arg6[%swap3A_570], %broadcast_in_dim3A_564 {strides = array<i32>} : memref<4096xi32, #tpu.memory_space<vmem>>, vector<16xi32>,
        scf.yield %add3A_562 : vector<16xi32>
      }
      %scan3A_491 = arith.constant 16 : i32
      %mul3A_492 = arith.constant 16 : i32
      %mul3A_493 = vector.broadcast %mul3A_492 : i32 to vector<16xi32>
      %mul3A_494 = arith.muli %iota3A, %mul3A_493 : vector<16xi32>
      %add3A_495 = vector.broadcast %scan3A_482 : i32 to vector<16xi32>
      %add3A_496 = arith.addi %mul3A_494, %add3A_495 : vector<16xi32>
      tpu.vector_store_idx %arg7[%add3A_496], %scan3A_490 : memref<256xi32, #tpu.memory_space<vmem>>[vector<16xi32>], vector<16xi32>,
      %scan3A_497 = arith.constant 0 : i32
      scf.yield %scan3A_497 : i32
    }
    %scan3A_243 = arith.constant 16 : i32
    %broadcast_in_dim3A_244 = arith.constant 0 : i32
    %broadcast_in_dim3A_245 = vector.broadcast %broadcast_in_dim3A_244 : i32 to vector<16xi32>
    %scan3A_246 = arith.constant 0 : i32
    %scan3A_247 = arith.constant 16 : i32
    %scan3A_248 = arith.addi %scan3A_246, %scan3A_247 : i32
    %scan3A_249 = arith.constant 1 : i32
    %scan3A_250 = scf.for %scan3A_482 = %scan3A_246 to %scan3A_248 step %scan3A_249 iter_args(%scan3A_483 = %broadcast_in_dim3A_245) -> (vector<16xi32>)  : i32 {
      %mul3A_484 = arith.constant 16 : i32
      %mul3A_485 = arith.muli %scan3A_482, %mul3A_484 : i32
      %get3A = arith.index_cast %mul3A_485 : i32 to index
      %get3A_486 = tpu.vector_load %arg7[%get3A] {strides = array<i32>} : memref<256xi32, #tpu.memory_space<vmem>>, vector<16xi32>,
      %add3A_487 = arith.addi %scan3A_483, %get3A_486 : vector<16xi32>
      scf.yield %add3A_487 : vector<16xi32>
    }
    %scan3A_251 = arith.constant 16 : i32
    %rev3A_252 = arith.constant 15 : i32
    %rev3A_253 = vector.broadcast %rev3A_252 : i32 to vector<16xi32>
    %rev3A_254 = tpu.iota {dimensions = array<i32: 0>} : vector<16xi32>
    %rev3A_255 = arith.subi %rev3A_253, %rev3A_254 : vector<16xi32>
    %rev3A_256 = tpu.dynamic_gather %scan3A_250[%rev3A_255] in [0] : vector<16xi32>, vector<16xi32> -> vector<16xi32>
    %broadcast_in_dim3A_257 = arith.constant true
    %broadcast_in_dim3A_258 = vector.broadcast %broadcast_in_dim3A_257 : i1 to vector<16xi1>
    %masked_cumsum3A_259 = tpu.scan <sum>, %rev3A_256 masked %broadcast_in_dim3A_258 : vector<16xi32>, vector<16xi1> -> vector<16xi32>
    %rev3A_260 = arith.constant 15 : i32
    %rev3A_261 = vector.broadcast %rev3A_260 : i32 to vector<16xi32>
    %rev3A_262 = tpu.iota {dimensions = array<i32: 0>} : vector<16xi32>
    %rev3A_263 = arith.subi %rev3A_261, %rev3A_262 : vector<16xi32>
    %rev3A_264 = tpu.dynamic_gather %masked_cumsum3A_259[%rev3A_263] in [0] : vector<16xi32>, vector<16xi32> -> vector<16xi32>
    %sub3A_265 = arith.subi %rev3A_264, %scan3A_250 : vector<16xi32>
    %lt3A_266 = vector.broadcast %sub3A_222 : i32 to vector<16xi32>
    %lt3A_267 = arith.cmpi slt, %sub3A_265, %lt3A_266 : vector<16xi32>
    %add3A_268 = arith.addi %sub3A_265, %scan3A_250 : vector<16xi32>
    %ge3A_269 = vector.broadcast %sub3A_222 : i32 to vector<16xi32>
    %ge3A_270 = arith.cmpi sge, %add3A_268, %ge3A_269 : vector<16xi32>
    %and3A_271 = arith.andi %lt3A_267, %ge3A_270 : vector<16xi1>
    %jit3A_272 = arith.constant 0 : i32
    %broadcast_in_dim3A_273 = vector.broadcast %jit3A_272 : i32 to vector<16xi32>
    %select_n3A_274 = arith.select %and3A_271, %iota3A, %broadcast_in_dim3A_273 : vector<16xi1>, vector<16xi32>
    %reduce_sum3A_275 = arith.constant true
    %reduce_sum3A_276 = vector.broadcast %reduce_sum3A_275 : i1 to vector<16xi1>
    %reduce_sum3A_277 = tpu.scan <sum>, %select_n3A_274 masked %reduce_sum3A_276 : vector<16xi32>, vector<16xi1> -> vector<16xi32>
    %reduce_sum3A_278 = vector.extract %reduce_sum3A_277[15] : i32 from vector<16xi32>
    %jit3A_279 = arith.constant 0 : i32
    %broadcast_in_dim3A_280 = vector.broadcast %jit3A_279 : i32 to vector<16xi32>
    %select_n3A_281 = arith.select %and3A_271, %sub3A_265, %broadcast_in_dim3A_280 : vector<16xi1>, vector<16xi32>
    %reduce_sum3A_282 = arith.constant true
    %reduce_sum3A_283 = vector.broadcast %reduce_sum3A_282 : i1 to vector<16xi1>
    %reduce_sum3A_284 = tpu.scan <sum>, %select_n3A_281 masked %reduce_sum3A_283 : vector<16xi32>, vector<16xi1> -> vector<16xi32>
    %reduce_sum3A_285 = vector.extract %reduce_sum3A_284[15] : i32 from vector<16xi32>
    %mul3A_286 = arith.constant 16 : i32
    %mul3A_287 = vector.broadcast %mul3A_286 : i32 to vector<16xi32>
    %mul3A_288 = arith.muli %iota3A, %mul3A_287 : vector<16xi32>
    %add3A_289 = vector.broadcast %reduce_sum3A_278 : i32 to vector<16xi32>
    %add3A_290 = arith.addi %mul3A_288, %add3A_289 : vector<16xi32>
    %gather3A_291 = tpu.vector_load_idx %arg7[%add3A_290] : memref<256xi32, #tpu.memory_space<vmem>>[vector<16xi32>], vector<16xi32>,
    %rev3A_292 = arith.constant 15 : i32
    %rev3A_293 = vector.broadcast %rev3A_292 : i32 to vector<16xi32>
    %rev3A_294 = tpu.iota {dimensions = array<i32: 0>} : vector<16xi32>
    %rev3A_295 = arith.subi %rev3A_293, %rev3A_294 : vector<16xi32>
    %rev3A_296 = tpu.dynamic_gather %gather3A_291[%rev3A_295] in [0] : vector<16xi32>, vector<16xi32> -> vector<16xi32>
    %broadcast_in_dim3A_297 = arith.constant true
    %broadcast_in_dim3A_298 = vector.broadcast %broadcast_in_dim3A_297 : i1 to vector<16xi1>
    %masked_cumsum3A_299 = tpu.scan <sum>, %rev3A_296 masked %broadcast_in_dim3A_298 : vector<16xi32>, vector<16xi1> -> vector<16xi32>
    %rev3A_300 = arith.constant 15 : i32
    %rev3A_301 = vector.broadcast %rev3A_300 : i32 to vector<16xi32>
    %rev3A_302 = tpu.iota {dimensions = array<i32: 0>} : vector<16xi32>
    %rev3A_303 = arith.subi %rev3A_301, %rev3A_302 : vector<16xi32>
    %rev3A_304 = tpu.dynamic_gather %masked_cumsum3A_299[%rev3A_303] in [0] : vector<16xi32>, vector<16xi32> -> vector<16xi32>
    %sub3A_305 = arith.subi %rev3A_304, %gather3A_291 : vector<16xi32>
    %add3A_306 = vector.broadcast %reduce_sum3A_285 : i32 to vector<16xi32>
    %add3A_307 = arith.addi %sub3A_305, %add3A_306 : vector<16xi32>
    %lt3A_308 = vector.broadcast %sub3A_222 : i32 to vector<16xi32>
    %lt3A_309 = arith.cmpi slt, %add3A_307, %lt3A_308 : vector<16xi32>
    %add3A_310 = arith.addi %add3A_307, %gather3A_291 : vector<16xi32>
    %ge3A_311 = vector.broadcast %sub3A_222 : i32 to vector<16xi32>
    %ge3A_312 = arith.cmpi sge, %add3A_310, %ge3A_311 : vector<16xi32>
    %and3A_313 = arith.andi %lt3A_309, %ge3A_312 : vector<16xi1>
    %jit3A_314 = arith.constant 0 : i32
    %broadcast_in_dim3A_315 = vector.broadcast %jit3A_314 : i32 to vector<16xi32>
    %select_n3A_316 = arith.select %and3A_313, %iota3A, %broadcast_in_dim3A_315 : vector<16xi1>, vector<16xi32>
    %reduce_sum3A_317 = arith.constant true
    %reduce_sum3A_318 = vector.broadcast %reduce_sum3A_317 : i1 to vector<16xi1>
    %reduce_sum3A_319 = tpu.scan <sum>, %select_n3A_316 masked %reduce_sum3A_318 : vector<16xi32>, vector<16xi1> -> vector<16xi32>
    %reduce_sum3A_320 = vector.extract %reduce_sum3A_319[15] : i32 from vector<16xi32>
    %jit3A_321 = arith.constant 0 : i32
    %broadcast_in_dim3A_322 = vector.broadcast %jit3A_321 : i32 to vector<16xi32>
    %select_n3A_323 = arith.select %and3A_313, %add3A_307, %broadcast_in_dim3A_322 : vector<16xi1>, vector<16xi32>
    %reduce_sum3A_324 = arith.constant true
    %reduce_sum3A_325 = vector.broadcast %reduce_sum3A_324 : i1 to vector<16xi1>
    %reduce_sum3A_326 = tpu.scan <sum>, %select_n3A_323 masked %reduce_sum3A_325 : vector<16xi32>, vector<16xi1> -> vector<16xi32>
    %reduce_sum3A_327 = vector.extract %reduce_sum3A_326[15] : i32 from vector<16xi32>
    %mul3A_328 = arith.constant 16 : i32
    %mul3A_329 = arith.muli %reduce_sum3A_278, %mul3A_328 : i32
    %add3A_330 = arith.addi %mul3A_329, %reduce_sum3A_320 : i32
    %sub3A_331 = arith.subi %sub3A_222, %reduce_sum3A_327 : i32
    %shift_left3A_332 = arith.constant 8 : i32
    %shift_left3A_333 = arith.shli %add3A_330, %shift_left3A_332 : i32
    %or3A_334 = arith.ori %or3A, %shift_left3A_333 : i32
    %while3A_335 = arith.constant 0 : i32
    %while3A_336 = arith.constant 0 : i32
    %while3A_337 = arith.subi %shift_right_arithmetic3A_116, %while3A_335 : i32
    %while3A_338 = arith.addi %while3A_335, %while3A_337 : i32
    %while3A_339 = arith.constant 1 : i32
    %while3A_340 = arith.divsi %while3A_337, %while3A_339 : i32
    %while3A_341 = arith.muli %while3A_340, %while3A_339 : i32
    %while3A_342 = arith.addi %while3A_335, %while3A_341 : i32
    %while3A_343 = arith.constant 1 : i32
    %while3A_344 = scf.for %while3A_482 = %while3A_335 to %while3A_342 step %while3A_343 iter_args(%while3A_483 = %while3A_336) -> (i32)  : i32 {
      %mul3A_484 = arith.constant 16 : i32
      %mul3A_485 = arith.muli %while3A_482, %mul3A_484 : i32
      %get3A = arith.index_cast %mul3A_485 : i32 to index
      %get3A_486 = tpu.vector_load %arg9[%get3A] {strides = array<i32>} : memref<8224xi32, #tpu.memory_space<vmem>>, vector<16xi32>,
      %shift_right_logical3A_487 = arith.constant 8 : i32
      %shift_right_logical3A_488 = vector.broadcast %shift_right_logical3A_487 : i32 to vector<16xi32>
      %shift_right_logical3A_489 = arith.shrui %get3A_486, %shift_right_logical3A_488 : vector<16xi32>
      %shift_right_logical3A_490 = arith.constant 8 : i32
      %shift_right_logical3A_491 = arith.shrui %or3A_334, %shift_right_logical3A_490 : i32
      %eq3A_492 = vector.broadcast %shift_right_logical3A_491 : i32 to vector<16xi32>
      %eq3A_493 = arith.cmpi eq, %shift_right_logical3A_489, %eq3A_492 : vector<16xi32>
      %mul3A_494 = arith.constant 16 : i32
      %mul3A_495 = arith.muli %while3A_482, %mul3A_494 : i32
      %add3A_496 = vector.broadcast %mul3A_495 : i32 to vector<16xi32>
      %add3A_497 = arith.addi %add3A_496, %iota3A : vector<16xi32>
      %lt3A_498 = vector.broadcast %scan3A_112 : i32 to vector<16xi32>
      %lt3A_499 = arith.cmpi slt, %add3A_497, %lt3A_498 : vector<16xi32>
      %and3A_500 = arith.andi %eq3A_493, %lt3A_499 : vector<16xi1>
      %shift_right_logical3A_501 = arith.constant 0 : i32
      %shift_right_logical3A_502 = vector.broadcast %shift_right_logical3A_501 : i32 to vector<16xi32>
      %shift_right_logical3A_503 = arith.shrui %get3A_486, %shift_right_logical3A_502 : vector<16xi32>
      %and3A_504 = arith.constant 255 : i32
      %and3A_505 = vector.broadcast %and3A_504 : i32 to vector<16xi32>
      %and3A_506 = arith.andi %shift_right_logical3A_503, %and3A_505 : vector<16xi32>
      %add3A_507 = arith.addi %mul3A_1, %and3A_506 : vector<16xi32>
      tpu.vector_store_idx %arg6[%add3A_507], %broadcast_in_dim3A_2 masked %and3A_500 {add = true} : memref<4096xi32, #tpu.memory_space<vmem>>[vector<16xi32>], vector<16xi32>, vector<16xi1>
      %while3A_508 = arith.constant 0 : i32
      scf.yield %while3A_508 : i32
    }
    %while3A_345 = arith.constant 1 : i32
    %while3A_346 = scf.for %while3A_482 = %while3A_342 to %while3A_338 step %while3A_345 iter_args(%while3A_483 = %while3A_344) -> (i32)  : i32 {
      %mul3A_484 = arith.constant 16 : i32
      %mul3A_485 = arith.muli %while3A_482, %mul3A_484 : i32
      %get3A = arith.index_cast %mul3A_485 : i32 to index
      %get3A_486 = tpu.vector_load %arg9[%get3A] {strides = array<i32>} : memref<8224xi32, #tpu.memory_space<vmem>>, vector<16xi32>,
      %shift_right_logical3A_487 = arith.constant 8 : i32
      %shift_right_logical3A_488 = vector.broadcast %shift_right_logical3A_487 : i32 to vector<16xi32>
      %shift_right_logical3A_489 = arith.shrui %get3A_486, %shift_right_logical3A_488 : vector<16xi32>
      %shift_right_logical3A_490 = arith.constant 8 : i32
      %shift_right_logical3A_491 = arith.shrui %or3A_334, %shift_right_logical3A_490 : i32
      %eq3A_492 = vector.broadcast %shift_right_logical3A_491 : i32 to vector<16xi32>
      %eq3A_493 = arith.cmpi eq, %shift_right_logical3A_489, %eq3A_492 : vector<16xi32>
      %mul3A_494 = arith.constant 16 : i32
      %mul3A_495 = arith.muli %while3A_482, %mul3A_494 : i32
      %add3A_496 = vector.broadcast %mul3A_495 : i32 to vector<16xi32>
      %add3A_497 = arith.addi %add3A_496, %iota3A : vector<16xi32>
      %lt3A_498 = vector.broadcast %scan3A_112 : i32 to vector<16xi32>
      %lt3A_499 = arith.cmpi slt, %add3A_497, %lt3A_498 : vector<16xi32>
      %and3A_500 = arith.andi %eq3A_493, %lt3A_499 : vector<16xi1>
      %shift_right_logical3A_501 = arith.constant 0 : i32
      %shift_right_logical3A_502 = vector.broadcast %shift_right_logical3A_501 : i32 to vector<16xi32>
      %shift_right_logical3A_503 = arith.shrui %get3A_486, %shift_right_logical3A_502 : vector<16xi32>
      %and3A_504 = arith.constant 255 : i32
      %and3A_505 = vector.broadcast %and3A_504 : i32 to vector<16xi32>
      %and3A_506 = arith.andi %shift_right_logical3A_503, %and3A_505 : vector<16xi32>
      %add3A_507 = arith.addi %mul3A_1, %and3A_506 : vector<16xi32>
      tpu.vector_store_idx %arg6[%add3A_507], %broadcast_in_dim3A_2 masked %and3A_500 {add = true} : memref<4096xi32, #tpu.memory_space<vmem>>[vector<16xi32>], vector<16xi32>, vector<16xi1>
      %while3A_508 = arith.constant 0 : i32
      scf.yield %while3A_508 : i32
    }
    %scan3A_347 = arith.constant 0 : i32
    %scan3A_348 = arith.constant 0 : i32
    %scan3A_349 = arith.constant 16 : i32
    %scan3A_350 = arith.addi %scan3A_348, %scan3A_349 : i32
    %scan3A_351 = arith.constant 1 : i32
    %scan3A_352 = scf.for %scan3A_482 = %scan3A_348 to %scan3A_350 step %scan3A_351 iter_args(%scan3A_483 = %scan3A_347) -> (i32)  : i32 {
      %broadcast_in_dim3A_484 = arith.constant 0 : i32
      %broadcast_in_dim3A_485 = vector.broadcast %broadcast_in_dim3A_484 : i32 to vector<16xi32>
      %scan3A_486 = arith.constant 0 : i32
      %scan3A_487 = arith.constant 16 : i32
      %scan3A_488 = arith.addi %scan3A_486, %scan3A_487 : i32
      %scan3A_489 = arith.constant 4 : i32
      %scan3A_490 = scf.for %scan3A_498 = %scan3A_486 to %scan3A_488 step %scan3A_489 iter_args(%scan3A_499 = %broadcast_in_dim3A_485) -> (vector<16xi32>)  : i32 {
        %mul3A_500 = arith.constant 256 : i32
        %mul3A_501 = arith.muli %scan3A_498, %mul3A_500 : i32
        %mul3A_502 = arith.constant 16 : i32
        %mul3A_503 = arith.muli %scan3A_482, %mul3A_502 : i32
        %add3A_504 = arith.addi %mul3A_501, %mul3A_503 : i32
        %get3A = arith.index_cast %add3A_504 : i32 to index
        %get3A_505 = tpu.vector_load %arg6[%get3A] {strides = array<i32>} : memref<4096xi32, #tpu.memory_space<vmem>>, vector<16xi32>,
        %add3A_506 = arith.addi %scan3A_499, %get3A_505 : vector<16xi32>
        %broadcast_in_dim3A_507 = arith.constant 0 : i32
        %broadcast_in_dim3A_508 = vector.broadcast %broadcast_in_dim3A_507 : i32 to vector<16xi32>
        %mul3A_509 = arith.constant 256 : i32
        %mul3A_510 = arith.muli %scan3A_498, %mul3A_509 : i32
        %mul3A_511 = arith.constant 16 : i32
        %mul3A_512 = arith.muli %scan3A_482, %mul3A_511 : i32
        %add3A_513 = arith.addi %mul3A_510, %mul3A_512 : i32
        %swap3A = arith.index_cast %add3A_513 : i32 to index
        %swap3A_514 = tpu.vector_load %arg6[%swap3A] {strides = array<i32>} : memref<4096xi32, #tpu.memory_space<vmem>>, vector<16xi32>,
        tpu.vector_store %arg6[%swap3A], %broadcast_in_dim3A_508 {strides = array<i32>} : memref<4096xi32, #tpu.memory_space<vmem>>, vector<16xi32>,
        %scan3A_515 = arith.constant 1 : i32
        %scan3A_516 = arith.addi %scan3A_498, %scan3A_515 : i32
        %mul3A_517 = arith.constant 256 : i32
        %mul3A_518 = arith.muli %scan3A_516, %mul3A_517 : i32
        %mul3A_519 = arith.constant 16 : i32
        %mul3A_520 = arith.muli %scan3A_482, %mul3A_519 : i32
        %add3A_521 = arith.addi %mul3A_518, %mul3A_520 : i32
        %get3A_522 = arith.index_cast %add3A_521 : i32 to index
        %get3A_523 = tpu.vector_load %arg6[%get3A_522] {strides = array<i32>} : memref<4096xi32, #tpu.memory_space<vmem>>, vector<16xi32>,
        %add3A_524 = arith.addi %add3A_506, %get3A_523 : vector<16xi32>
        %broadcast_in_dim3A_525 = arith.constant 0 : i32
        %broadcast_in_dim3A_526 = vector.broadcast %broadcast_in_dim3A_525 : i32 to vector<16xi32>
        %mul3A_527 = arith.constant 256 : i32
        %mul3A_528 = arith.muli %scan3A_516, %mul3A_527 : i32
        %mul3A_529 = arith.constant 16 : i32
        %mul3A_530 = arith.muli %scan3A_482, %mul3A_529 : i32
        %add3A_531 = arith.addi %mul3A_528, %mul3A_530 : i32
        %swap3A_532 = arith.index_cast %add3A_531 : i32 to index
        %swap3A_533 = tpu.vector_load %arg6[%swap3A_532] {strides = array<i32>} : memref<4096xi32, #tpu.memory_space<vmem>>, vector<16xi32>,
        tpu.vector_store %arg6[%swap3A_532], %broadcast_in_dim3A_526 {strides = array<i32>} : memref<4096xi32, #tpu.memory_space<vmem>>, vector<16xi32>,
        %scan3A_534 = arith.constant 2 : i32
        %scan3A_535 = arith.addi %scan3A_498, %scan3A_534 : i32
        %mul3A_536 = arith.constant 256 : i32
        %mul3A_537 = arith.muli %scan3A_535, %mul3A_536 : i32
        %mul3A_538 = arith.constant 16 : i32
        %mul3A_539 = arith.muli %scan3A_482, %mul3A_538 : i32
        %add3A_540 = arith.addi %mul3A_537, %mul3A_539 : i32
        %get3A_541 = arith.index_cast %add3A_540 : i32 to index
        %get3A_542 = tpu.vector_load %arg6[%get3A_541] {strides = array<i32>} : memref<4096xi32, #tpu.memory_space<vmem>>, vector<16xi32>,
        %add3A_543 = arith.addi %add3A_524, %get3A_542 : vector<16xi32>
        %broadcast_in_dim3A_544 = arith.constant 0 : i32
        %broadcast_in_dim3A_545 = vector.broadcast %broadcast_in_dim3A_544 : i32 to vector<16xi32>
        %mul3A_546 = arith.constant 256 : i32
        %mul3A_547 = arith.muli %scan3A_535, %mul3A_546 : i32
        %mul3A_548 = arith.constant 16 : i32
        %mul3A_549 = arith.muli %scan3A_482, %mul3A_548 : i32
        %add3A_550 = arith.addi %mul3A_547, %mul3A_549 : i32
        %swap3A_551 = arith.index_cast %add3A_550 : i32 to index
        %swap3A_552 = tpu.vector_load %arg6[%swap3A_551] {strides = array<i32>} : memref<4096xi32, #tpu.memory_space<vmem>>, vector<16xi32>,
        tpu.vector_store %arg6[%swap3A_551], %broadcast_in_dim3A_545 {strides = array<i32>} : memref<4096xi32, #tpu.memory_space<vmem>>, vector<16xi32>,
        %scan3A_553 = arith.constant 3 : i32
        %scan3A_554 = arith.addi %scan3A_498, %scan3A_553 : i32
        %mul3A_555 = arith.constant 256 : i32
        %mul3A_556 = arith.muli %scan3A_554, %mul3A_555 : i32
        %mul3A_557 = arith.constant 16 : i32
        %mul3A_558 = arith.muli %scan3A_482, %mul3A_557 : i32
        %add3A_559 = arith.addi %mul3A_556, %mul3A_558 : i32
        %get3A_560 = arith.index_cast %add3A_559 : i32 to index
        %get3A_561 = tpu.vector_load %arg6[%get3A_560] {strides = array<i32>} : memref<4096xi32, #tpu.memory_space<vmem>>, vector<16xi32>,
        %add3A_562 = arith.addi %add3A_543, %get3A_561 : vector<16xi32>
        %broadcast_in_dim3A_563 = arith.constant 0 : i32
        %broadcast_in_dim3A_564 = vector.broadcast %broadcast_in_dim3A_563 : i32 to vector<16xi32>
        %mul3A_565 = arith.constant 256 : i32
        %mul3A_566 = arith.muli %scan3A_554, %mul3A_565 : i32
        %mul3A_567 = arith.constant 16 : i32
        %mul3A_568 = arith.muli %scan3A_482, %mul3A_567 : i32
        %add3A_569 = arith.addi %mul3A_566, %mul3A_568 : i32
        %swap3A_570 = arith.index_cast %add3A_569 : i32 to index
        %swap3A_571 = tpu.vector_load %arg6[%swap3A_570] {strides = array<i32>} : memref<4096xi32, #tpu.memory_space<vmem>>, vector<16xi32>,
        tpu.vector_store %arg6[%swap3A_570], %broadcast_in_dim3A_564 {strides = array<i32>} : memref<4096xi32, #tpu.memory_space<vmem>>, vector<16xi32>,
        scf.yield %add3A_562 : vector<16xi32>
      }
      %scan3A_491 = arith.constant 16 : i32
      %mul3A_492 = arith.constant 16 : i32
      %mul3A_493 = vector.broadcast %mul3A_492 : i32 to vector<16xi32>
      %mul3A_494 = arith.muli %iota3A, %mul3A_493 : vector<16xi32>
      %add3A_495 = vector.broadcast %scan3A_482 : i32 to vector<16xi32>
      %add3A_496 = arith.addi %mul3A_494, %add3A_495 : vector<16xi32>
      tpu.vector_store_idx %arg7[%add3A_496], %scan3A_490 : memref<256xi32, #tpu.memory_space<vmem>>[vector<16xi32>], vector<16xi32>,
      %scan3A_497 = arith.constant 0 : i32
      scf.yield %scan3A_497 : i32
    }
    %scan3A_353 = arith.constant 16 : i32
    %broadcast_in_dim3A_354 = arith.constant 0 : i32
    %broadcast_in_dim3A_355 = vector.broadcast %broadcast_in_dim3A_354 : i32 to vector<16xi32>
    %scan3A_356 = arith.constant 0 : i32
    %scan3A_357 = arith.constant 16 : i32
    %scan3A_358 = arith.addi %scan3A_356, %scan3A_357 : i32
    %scan3A_359 = arith.constant 1 : i32
    %scan3A_360 = scf.for %scan3A_482 = %scan3A_356 to %scan3A_358 step %scan3A_359 iter_args(%scan3A_483 = %broadcast_in_dim3A_355) -> (vector<16xi32>)  : i32 {
      %mul3A_484 = arith.constant 16 : i32
      %mul3A_485 = arith.muli %scan3A_482, %mul3A_484 : i32
      %get3A = arith.index_cast %mul3A_485 : i32 to index
      %get3A_486 = tpu.vector_load %arg7[%get3A] {strides = array<i32>} : memref<256xi32, #tpu.memory_space<vmem>>, vector<16xi32>,
      %add3A_487 = arith.addi %scan3A_483, %get3A_486 : vector<16xi32>
      scf.yield %add3A_487 : vector<16xi32>
    }
    %scan3A_361 = arith.constant 16 : i32
    %rev3A_362 = arith.constant 15 : i32
    %rev3A_363 = vector.broadcast %rev3A_362 : i32 to vector<16xi32>
    %rev3A_364 = tpu.iota {dimensions = array<i32: 0>} : vector<16xi32>
    %rev3A_365 = arith.subi %rev3A_363, %rev3A_364 : vector<16xi32>
    %rev3A_366 = tpu.dynamic_gather %scan3A_360[%rev3A_365] in [0] : vector<16xi32>, vector<16xi32> -> vector<16xi32>
    %broadcast_in_dim3A_367 = arith.constant true
    %broadcast_in_dim3A_368 = vector.broadcast %broadcast_in_dim3A_367 : i1 to vector<16xi1>
    %masked_cumsum3A_369 = tpu.scan <sum>, %rev3A_366 masked %broadcast_in_dim3A_368 : vector<16xi32>, vector<16xi1> -> vector<16xi32>
    %rev3A_370 = arith.constant 15 : i32
    %rev3A_371 = vector.broadcast %rev3A_370 : i32 to vector<16xi32>
    %rev3A_372 = tpu.iota {dimensions = array<i32: 0>} : vector<16xi32>
    %rev3A_373 = arith.subi %rev3A_371, %rev3A_372 : vector<16xi32>
    %rev3A_374 = tpu.dynamic_gather %masked_cumsum3A_369[%rev3A_373] in [0] : vector<16xi32>, vector<16xi32> -> vector<16xi32>
    %sub3A_375 = arith.subi %rev3A_374, %scan3A_360 : vector<16xi32>
    %lt3A_376 = vector.broadcast %sub3A_331 : i32 to vector<16xi32>
    %lt3A_377 = arith.cmpi slt, %sub3A_375, %lt3A_376 : vector<16xi32>
    %add3A_378 = arith.addi %sub3A_375, %scan3A_360 : vector<16xi32>
    %ge3A_379 = vector.broadcast %sub3A_331 : i32 to vector<16xi32>
    %ge3A_380 = arith.cmpi sge, %add3A_378, %ge3A_379 : vector<16xi32>
    %and3A_381 = arith.andi %lt3A_377, %ge3A_380 : vector<16xi1>
    %jit3A_382 = arith.constant 0 : i32
    %broadcast_in_dim3A_383 = vector.broadcast %jit3A_382 : i32 to vector<16xi32>
    %select_n3A_384 = arith.select %and3A_381, %iota3A, %broadcast_in_dim3A_383 : vector<16xi1>, vector<16xi32>
    %reduce_sum3A_385 = arith.constant true
    %reduce_sum3A_386 = vector.broadcast %reduce_sum3A_385 : i1 to vector<16xi1>
    %reduce_sum3A_387 = tpu.scan <sum>, %select_n3A_384 masked %reduce_sum3A_386 : vector<16xi32>, vector<16xi1> -> vector<16xi32>
    %reduce_sum3A_388 = vector.extract %reduce_sum3A_387[15] : i32 from vector<16xi32>
    %jit3A_389 = arith.constant 0 : i32
    %broadcast_in_dim3A_390 = vector.broadcast %jit3A_389 : i32 to vector<16xi32>
    %select_n3A_391 = arith.select %and3A_381, %sub3A_375, %broadcast_in_dim3A_390 : vector<16xi1>, vector<16xi32>
    %reduce_sum3A_392 = arith.constant true
    %reduce_sum3A_393 = vector.broadcast %reduce_sum3A_392 : i1 to vector<16xi1>
    %reduce_sum3A_394 = tpu.scan <sum>, %select_n3A_391 masked %reduce_sum3A_393 : vector<16xi32>, vector<16xi1> -> vector<16xi32>
    %reduce_sum3A_395 = vector.extract %reduce_sum3A_394[15] : i32 from vector<16xi32>
    %mul3A_396 = arith.constant 16 : i32
    %mul3A_397 = vector.broadcast %mul3A_396 : i32 to vector<16xi32>
    %mul3A_398 = arith.muli %iota3A, %mul3A_397 : vector<16xi32>
    %add3A_399 = vector.broadcast %reduce_sum3A_388 : i32 to vector<16xi32>
    %add3A_400 = arith.addi %mul3A_398, %add3A_399 : vector<16xi32>
    %gather3A_401 = tpu.vector_load_idx %arg7[%add3A_400] : memref<256xi32, #tpu.memory_space<vmem>>[vector<16xi32>], vector<16xi32>,
    %rev3A_402 = arith.constant 15 : i32
    %rev3A_403 = vector.broadcast %rev3A_402 : i32 to vector<16xi32>
    %rev3A_404 = tpu.iota {dimensions = array<i32: 0>} : vector<16xi32>
    %rev3A_405 = arith.subi %rev3A_403, %rev3A_404 : vector<16xi32>
    %rev3A_406 = tpu.dynamic_gather %gather3A_401[%rev3A_405] in [0] : vector<16xi32>, vector<16xi32> -> vector<16xi32>
    %broadcast_in_dim3A_407 = arith.constant true
    %broadcast_in_dim3A_408 = vector.broadcast %broadcast_in_dim3A_407 : i1 to vector<16xi1>
    %masked_cumsum3A_409 = tpu.scan <sum>, %rev3A_406 masked %broadcast_in_dim3A_408 : vector<16xi32>, vector<16xi1> -> vector<16xi32>
    %rev3A_410 = arith.constant 15 : i32
    %rev3A_411 = vector.broadcast %rev3A_410 : i32 to vector<16xi32>
    %rev3A_412 = tpu.iota {dimensions = array<i32: 0>} : vector<16xi32>
    %rev3A_413 = arith.subi %rev3A_411, %rev3A_412 : vector<16xi32>
    %rev3A_414 = tpu.dynamic_gather %masked_cumsum3A_409[%rev3A_413] in [0] : vector<16xi32>, vector<16xi32> -> vector<16xi32>
    %sub3A_415 = arith.subi %rev3A_414, %gather3A_401 : vector<16xi32>
    %add3A_416 = vector.broadcast %reduce_sum3A_395 : i32 to vector<16xi32>
    %add3A_417 = arith.addi %sub3A_415, %add3A_416 : vector<16xi32>
    %lt3A_418 = vector.broadcast %sub3A_331 : i32 to vector<16xi32>
    %lt3A_419 = arith.cmpi slt, %add3A_417, %lt3A_418 : vector<16xi32>
    %add3A_420 = arith.addi %add3A_417, %gather3A_401 : vector<16xi32>
    %ge3A_421 = vector.broadcast %sub3A_331 : i32 to vector<16xi32>
    %ge3A_422 = arith.cmpi sge, %add3A_420, %ge3A_421 : vector<16xi32>
    %and3A_423 = arith.andi %lt3A_419, %ge3A_422 : vector<16xi1>
    %jit3A_424 = arith.constant 0 : i32
    %broadcast_in_dim3A_425 = vector.broadcast %jit3A_424 : i32 to vector<16xi32>
    %select_n3A_426 = arith.select %and3A_423, %iota3A, %broadcast_in_dim3A_425 : vector<16xi1>, vector<16xi32>
    %reduce_sum3A_427 = arith.constant true
    %reduce_sum3A_428 = vector.broadcast %reduce_sum3A_427 : i1 to vector<16xi1>
    %reduce_sum3A_429 = tpu.scan <sum>, %select_n3A_426 masked %reduce_sum3A_428 : vector<16xi32>, vector<16xi1> -> vector<16xi32>
    %reduce_sum3A_430 = vector.extract %reduce_sum3A_429[15] : i32 from vector<16xi32>
    %jit3A_431 = arith.constant 0 : i32
    %broadcast_in_dim3A_432 = vector.broadcast %jit3A_431 : i32 to vector<16xi32>
    %select_n3A_433 = arith.select %and3A_423, %add3A_417, %broadcast_in_dim3A_432 : vector<16xi1>, vector<16xi32>
    %reduce_sum3A_434 = arith.constant true
    %reduce_sum3A_435 = vector.broadcast %reduce_sum3A_434 : i1 to vector<16xi1>
    %reduce_sum3A_436 = tpu.scan <sum>, %select_n3A_433 masked %reduce_sum3A_435 : vector<16xi32>, vector<16xi1> -> vector<16xi32>
    %reduce_sum3A_437 = vector.extract %reduce_sum3A_436[15] : i32 from vector<16xi32>
    %mul3A_438 = arith.constant 16 : i32
    %mul3A_439 = arith.muli %reduce_sum3A_388, %mul3A_438 : i32
    %add3A_440 = arith.addi %mul3A_439, %reduce_sum3A_430 : i32
    %sub3A_441 = arith.subi %sub3A_331, %reduce_sum3A_437 : i32
    %shift_left3A_442 = arith.constant 0 : i32
    %shift_left3A_443 = arith.shli %add3A_440, %shift_left3A_442 : i32
    %or3A_444 = arith.ori %or3A_334, %shift_left3A_443 : i32
    %broadcast_in_dim3A_445 = arith.constant 0 : i32
    %broadcast_in_dim3A_446 = vector.broadcast %broadcast_in_dim3A_445 : i32 to vector<16xi32>
    %add3A_447 = vector.broadcast %or3A_444 : i32 to vector<16xi32>
    %add3A_448 = arith.addi %broadcast_in_dim3A_446, %add3A_447 : vector<16xi32>
    %bitcast_convert_type3A = tpu.bitcast %add3A_448 : vector<16xi32> -> vector<16xi32>
    %eq3A = arith.constant 0 : i32
    %eq3A_449 = vector.broadcast %eq3A : i32 to vector<16xi32>
    %eq3A_450 = arith.cmpi eq, %iota3A, %eq3A_449 : vector<16xi32>
    %broadcast_in_dim3A_451 = vector.broadcast %sub3A_441 : i32 to vector<16xi32>
    %select_n3A_452 = arith.select %eq3A_450, %bitcast_convert_type3A, %broadcast_in_dim3A_451 : vector<16xi1>, vector<16xi32>
    %lt3A_453 = arith.constant 2 : i32
    %lt3A_454 = vector.broadcast %lt3A_453 : i32 to vector<16xi32>
    %lt3A_455 = arith.cmpi slt, %iota3A, %lt3A_454 : vector<16xi32>
    tpu.vector_store_idx %arg8[%iota3A], %select_n3A_452 masked %lt3A_455 : memref<48xi32, #tpu.memory_space<vmem>>[vector<16xi32>], vector<16xi32>, vector<16xi1>
    %while3A_456 = arith.constant 0 : i32
    %while3A_457 = arith.constant 0 : i32
    %while3A_458 = arith.subi %shift_right_arithmetic3A_116, %while3A_456 : i32
    %while3A_459 = arith.addi %while3A_456, %while3A_458 : i32
    %while3A_460 = arith.constant 1 : i32
    %while3A_461 = arith.divsi %while3A_458, %while3A_460 : i32
    %while3A_462 = arith.muli %while3A_461, %while3A_460 : i32
    %while3A_463 = arith.addi %while3A_456, %while3A_462 : i32
    %while3A_464 = arith.constant 1 : i32
    %while3A_465 = scf.for %while3A_482 = %while3A_456 to %while3A_463 step %while3A_464 iter_args(%while3A_483 = %while3A_457) -> (i32)  : i32 {
      %mul3A_484 = arith.constant 16 : i32
      %mul3A_485 = arith.muli %while3A_482, %mul3A_484 : i32
      %get3A = arith.index_cast %mul3A_485 : i32 to index
      %get3A_486 = tpu.vector_load %arg9[%get3A] {strides = array<i32>} : memref<8224xi32, #tpu.memory_space<vmem>>, vector<16xi32>,
      %mul3A_487 = arith.constant 16 : i32
      %mul3A_488 = arith.muli %while3A_482, %mul3A_487 : i32
      %get3A_489 = arith.index_cast %mul3A_488 : i32 to index
      %get3A_490 = tpu.vector_load %arg10[%get3A_489] {strides = array<i32>} : memref<8224xi32, #tpu.memory_space<vmem>>, vector<16xi32>,
      %eq3A_491 = vector.broadcast %or3A_444 : i32 to vector<16xi32>
      %eq3A_492 = arith.cmpi eq, %get3A_486, %eq3A_491 : vector<16xi32>
      %mul3A_493 = arith.constant 16 : i32
      %mul3A_494 = arith.muli %while3A_482, %mul3A_493 : i32
      %add3A_495 = vector.broadcast %mul3A_494 : i32 to vector<16xi32>
      %add3A_496 = arith.addi %add3A_495, %iota3A : vector<16xi32>
      %lt3A_497 = vector.broadcast %scan3A_112 : i32 to vector<16xi32>
      %lt3A_498 = arith.cmpi slt, %add3A_496, %lt3A_497 : vector<16xi32>
      %and3A_499 = arith.andi %eq3A_492, %lt3A_498 : vector<16xi1>
      %swap3A = arith.index_cast %while3A_483 : i32 to index
      %swap3A_500 = tpu.vector_load %arg11[%swap3A] masked %and3A_499 {strides = array<i32>} : memref<8224xi32, #tpu.memory_space<vmem>>, vector<16xi32>, vector<16xi1>
      tpu.vector_store %arg11[%swap3A], %get3A_490 masked %and3A_499 {strides = array<i32>} : memref<8224xi32, #tpu.memory_space<vmem>>, vector<16xi32>, vector<16xi1>
      %convert_element_type3A_501 = arith.extui %and3A_499 : vector<16xi1> to vector<16xi32>
      %reduce_sum3A_502 = arith.constant true
      %reduce_sum3A_503 = vector.broadcast %reduce_sum3A_502 : i1 to vector<16xi1>
      %reduce_sum3A_504 = tpu.scan <sum>, %convert_element_type3A_501 masked %reduce_sum3A_503 : vector<16xi32>, vector<16xi1> -> vector<16xi32>
      %reduce_sum3A_505 = vector.extract %reduce_sum3A_504[15] : i32 from vector<16xi32>
      %add3A_506 = arith.addi %while3A_483, %reduce_sum3A_505 : i32
      scf.yield %add3A_506 : i32
    }
    %while3A_466 = arith.constant 1 : i32
    %while3A_467 = scf.for %while3A_482 = %while3A_463 to %while3A_459 step %while3A_466 iter_args(%while3A_483 = %while3A_465) -> (i32)  : i32 {
      %mul3A_484 = arith.constant 16 : i32
      %mul3A_485 = arith.muli %while3A_482, %mul3A_484 : i32
      %get3A = arith.index_cast %mul3A_485 : i32 to index
      %get3A_486 = tpu.vector_load %arg9[%get3A] {strides = array<i32>} : memref<8224xi32, #tpu.memory_space<vmem>>, vector<16xi32>,
      %mul3A_487 = arith.constant 16 : i32
      %mul3A_488 = arith.muli %while3A_482, %mul3A_487 : i32
      %get3A_489 = arith.index_cast %mul3A_488 : i32 to index
      %get3A_490 = tpu.vector_load %arg10[%get3A_489] {strides = array<i32>} : memref<8224xi32, #tpu.memory_space<vmem>>, vector<16xi32>,
      %eq3A_491 = vector.broadcast %or3A_444 : i32 to vector<16xi32>
      %eq3A_492 = arith.cmpi eq, %get3A_486, %eq3A_491 : vector<16xi32>
      %mul3A_493 = arith.constant 16 : i32
      %mul3A_494 = arith.muli %while3A_482, %mul3A_493 : i32
      %add3A_495 = vector.broadcast %mul3A_494 : i32 to vector<16xi32>
      %add3A_496 = arith.addi %add3A_495, %iota3A : vector<16xi32>
      %lt3A_497 = vector.broadcast %scan3A_112 : i32 to vector<16xi32>
      %lt3A_498 = arith.cmpi slt, %add3A_496, %lt3A_497 : vector<16xi32>
      %and3A_499 = arith.andi %eq3A_492, %lt3A_498 : vector<16xi1>
      %swap3A = arith.index_cast %while3A_483 : i32 to index
      %swap3A_500 = tpu.vector_load %arg11[%swap3A] masked %and3A_499 {strides = array<i32>} : memref<8224xi32, #tpu.memory_space<vmem>>, vector<16xi32>, vector<16xi1>
      tpu.vector_store %arg11[%swap3A], %get3A_490 masked %and3A_499 {strides = array<i32>} : memref<8224xi32, #tpu.memory_space<vmem>>, vector<16xi32>, vector<16xi1>
      %convert_element_type3A_501 = arith.extui %and3A_499 : vector<16xi1> to vector<16xi32>
      %reduce_sum3A_502 = arith.constant true
      %reduce_sum3A_503 = vector.broadcast %reduce_sum3A_502 : i1 to vector<16xi1>
      %reduce_sum3A_504 = tpu.scan <sum>, %convert_element_type3A_501 masked %reduce_sum3A_503 : vector<16xi32>, vector<16xi1> -> vector<16xi32>
      %reduce_sum3A_505 = vector.extract %reduce_sum3A_504[15] : i32 from vector<16xi32>
      %add3A_506 = arith.addi %while3A_483, %reduce_sum3A_505 : i32
      scf.yield %add3A_506 : i32
    }
    %add3A_468 = arith.constant 15 : i32
    %add3A_469 = arith.addi %while3A_467, %add3A_468 : i32
    %shift_right_arithmetic3A_470 = arith.constant 4 : i32
    %shift_right_arithmetic3A_471 = arith.shrsi %add3A_469, %shift_right_arithmetic3A_470 : i32
    %scan3A_472 = arith.constant 0 : i32
    %scan3A_473 = arith.constant 0 : i32
    %scan3A_474 = arith.constant 32 : i32
    %scan3A_475 = arith.addi %scan3A_473, %scan3A_474 : i32
    %scan3A_476 = arith.constant 1 : i32
    %scan3A_477 = scf.for %scan3A_482 = %scan3A_473 to %scan3A_475 step %scan3A_476 iter_args(%scan3A_483 = %scan3A_472) -> (i32)  : i32 {
      %while3A_484 = arith.constant 0 : i32
      %while3A_485 = arith.constant 0 : i32
      %while3A_486 = arith.subi %shift_right_arithmetic3A_471, %while3A_484 : i32
      %while3A_487 = arith.addi %while3A_484, %while3A_486 : i32
      %while3A_488 = arith.constant 1 : i32
      %while3A_489 = arith.divsi %while3A_486, %while3A_488 : i32
      %while3A_490 = arith.muli %while3A_489, %while3A_488 : i32
      %while3A_491 = arith.addi %while3A_484, %while3A_490 : i32
      %while3A_492 = arith.constant 1 : i32
      %while3A_493 = scf.for %while3A_508 = %while3A_484 to %while3A_491 step %while3A_492 iter_args(%while3A_509 = %while3A_485) -> (i32)  : i32 {
        %mul3A_510 = arith.constant 16 : i32
        %mul3A_511 = arith.muli %while3A_508, %mul3A_510 : i32
        %get3A = arith.index_cast %mul3A_511 : i32 to index
        %get3A_512 = tpu.vector_load %arg11[%get3A] {strides = array<i32>} : memref<8224xi32, #tpu.memory_space<vmem>>, vector<16xi32>,
        %mul3A_513 = arith.constant 256 : i32
        %mul3A_514 = arith.muli %scan3A_482, %mul3A_513 : i32
        %lt3A_515 = vector.broadcast %mul3A_514 : i32 to vector<16xi32>
        %lt3A_516 = arith.cmpi slt, %get3A_512, %lt3A_515 : vector<16xi32>
        %mul3A_517 = arith.constant 16 : i32
        %mul3A_518 = arith.muli %while3A_508, %mul3A_517 : i32
        %add3A_519 = vector.broadcast %mul3A_518 : i32 to vector<16xi32>
        %add3A_520 = arith.addi %add3A_519, %iota3A : vector<16xi32>
        %lt3A_521 = vector.broadcast %while3A_467 : i32 to vector<16xi32>
        %lt3A_522 = arith.cmpi slt, %add3A_520, %lt3A_521 : vector<16xi32>
        %and3A_523 = arith.andi %lt3A_516, %lt3A_522 : vector<16xi1>
        %convert_element_type3A_524 = arith.extui %and3A_523 : vector<16xi1> to vector<16xi32>
        %reduce_sum3A_525 = arith.constant true
        %reduce_sum3A_526 = vector.broadcast %reduce_sum3A_525 : i1 to vector<16xi1>
        %reduce_sum3A_527 = tpu.scan <sum>, %convert_element_type3A_524 masked %reduce_sum3A_526 : vector<16xi32>, vector<16xi1> -> vector<16xi32>
        %reduce_sum3A_528 = vector.extract %reduce_sum3A_527[15] : i32 from vector<16xi32>
        %add3A_529 = arith.addi %while3A_509, %reduce_sum3A_528 : i32
        scf.yield %add3A_529 : i32
      }
      %while3A_494 = arith.constant 1 : i32
      %while3A_495 = scf.for %while3A_508 = %while3A_491 to %while3A_487 step %while3A_494 iter_args(%while3A_509 = %while3A_493) -> (i32)  : i32 {
        %mul3A_510 = arith.constant 16 : i32
        %mul3A_511 = arith.muli %while3A_508, %mul3A_510 : i32
        %get3A = arith.index_cast %mul3A_511 : i32 to index
        %get3A_512 = tpu.vector_load %arg11[%get3A] {strides = array<i32>} : memref<8224xi32, #tpu.memory_space<vmem>>, vector<16xi32>,
        %mul3A_513 = arith.constant 256 : i32
        %mul3A_514 = arith.muli %scan3A_482, %mul3A_513 : i32
        %lt3A_515 = vector.broadcast %mul3A_514 : i32 to vector<16xi32>
        %lt3A_516 = arith.cmpi slt, %get3A_512, %lt3A_515 : vector<16xi32>
        %mul3A_517 = arith.constant 16 : i32
        %mul3A_518 = arith.muli %while3A_508, %mul3A_517 : i32
        %add3A_519 = vector.broadcast %mul3A_518 : i32 to vector<16xi32>
        %add3A_520 = arith.addi %add3A_519, %iota3A : vector<16xi32>
        %lt3A_521 = vector.broadcast %while3A_467 : i32 to vector<16xi32>
        %lt3A_522 = arith.cmpi slt, %add3A_520, %lt3A_521 : vector<16xi32>
        %and3A_523 = arith.andi %lt3A_516, %lt3A_522 : vector<16xi1>
        %convert_element_type3A_524 = arith.extui %and3A_523 : vector<16xi1> to vector<16xi32>
        %reduce_sum3A_525 = arith.constant true
        %reduce_sum3A_526 = vector.broadcast %reduce_sum3A_525 : i1 to vector<16xi1>
        %reduce_sum3A_527 = tpu.scan <sum>, %convert_element_type3A_524 masked %reduce_sum3A_526 : vector<16xi32>, vector<16xi1> -> vector<16xi32>
        %reduce_sum3A_528 = vector.extract %reduce_sum3A_527[15] : i32 from vector<16xi32>
        %add3A_529 = arith.addi %while3A_509, %reduce_sum3A_528 : i32
        scf.yield %add3A_529 : i32
      }
      %broadcast_in_dim3A_496 = arith.constant 2 : i32
      %broadcast_in_dim3A_497 = vector.broadcast %broadcast_in_dim3A_496 : i32 to vector<16xi32>
      %add3A_498 = vector.broadcast %scan3A_482 : i32 to vector<16xi32>
      %add3A_499 = arith.addi %broadcast_in_dim3A_497, %add3A_498 : vector<16xi32>
      %broadcast_in_dim3A_500 = arith.constant 1 : i32
      %broadcast_in_dim3A_501 = vector.broadcast %broadcast_in_dim3A_500 : i32 to vector<16xi32>
      %mul3A_502 = vector.broadcast %while3A_495 : i32 to vector<16xi32>
      %mul3A_503 = arith.muli %broadcast_in_dim3A_501, %mul3A_502 : vector<16xi32>
      %eq3A_504 = arith.constant 0 : i32
      %eq3A_505 = vector.broadcast %eq3A_504 : i32 to vector<16xi32>
      %eq3A_506 = arith.cmpi eq, %iota3A, %eq3A_505 : vector<16xi32>
      tpu.vector_store_idx %arg8[%add3A_499], %mul3A_503 masked %eq3A_506 : memref<48xi32, #tpu.memory_space<vmem>>[vector<16xi32>], vector<16xi32>, vector<16xi1>
      %scan3A_507 = arith.constant 0 : i32
      scf.yield %scan3A_507 : i32
    }
    %scan3A_478 = arith.constant 32 : i32
    %eq3A_479 = arith.constant 0 : i32
    %eq3A_480 = arith.cmpi eq, %arg0, %eq3A_479 : i32
    %convert_element_type3A = arith.extui %eq3A_480 : i1 to i32
    %cond3A = arith.constant 0 : i32
    %cond3A_481 = arith.cmpi ne, %convert_element_type3A, %cond3A : i32
    scf.if %cond3A_481 {
      "tpu.region"() ({
        %run_scoped3A = tpu.sem_alloc : memref<!tpu.dma_semaphore, #tpu.memory_space<semaphore_mem>>
        %dma_start3A = arith.constant 0 : i32
        %dma_start3A_482 = tpu.memref_slice %arg3[%arg1, %dma_start3A] : memref<16x48xi32, #tpu.memory_space<hbm>> -> memref<1x48xi32, #tpu.memory_space<hbm>>
        %dma_start3A_483 = tpu.memref_squeeze %dma_start3A_482 : memref<1x48xi32, #tpu.memory_space<hbm>> -> memref<48xi32, #tpu.memory_space<hbm>>
        %dma_start3A_484 = arith.constant 0 : i32
        %dma_start3A_485 = tpu.memref_slice %arg3[%arg1, %dma_start3A_484] : memref<16x48xi32, #tpu.memory_space<hbm>> -> memref<1x48xi32, #tpu.memory_space<hbm>>
        %dma_start3A_486 = tpu.memref_squeeze %dma_start3A_485 : memref<1x48xi32, #tpu.memory_space<hbm>> -> memref<48xi32, #tpu.memory_space<hbm>>
        tpu.enqueue_dma source(%arg8 : memref<48xi32, #tpu.memory_space<vmem>>) target(%dma_start3A_486 : memref<48xi32, #tpu.memory_space<hbm>>) target_semaphore(%run_scoped3A : memref<!tpu.dma_semaphore, #tpu.memory_space<semaphore_mem>>)
        %dma_wait3A = arith.constant 0 : i32
        %dma_wait3A_487 = tpu.memref_slice %arg3[%arg1, %dma_wait3A] : memref<16x48xi32, #tpu.memory_space<hbm>> -> memref<1x48xi32, #tpu.memory_space<hbm>>
        %dma_wait3A_488 = tpu.memref_squeeze %dma_wait3A_487 : memref<1x48xi32, #tpu.memory_space<hbm>> -> memref<48xi32, #tpu.memory_space<hbm>>
        %dma_wait3A_489 = arith.constant 0 : i32
        %dma_wait3A_490 = tpu.memref_slice %arg3[%arg1, %dma_wait3A_489] : memref<16x48xi32, #tpu.memory_space<hbm>> -> memref<1x48xi32, #tpu.memory_space<hbm>>
        %dma_wait3A_491 = tpu.memref_squeeze %dma_wait3A_490 : memref<1x48xi32, #tpu.memory_space<hbm>> -> memref<48xi32, #tpu.memory_space<hbm>>
        tpu.wait_dma2 semaphore(%run_scoped3A : memref<!tpu.dma_semaphore, #tpu.memory_space<semaphore_mem>>) src(%arg8 : memref<48xi32, #tpu.memory_space<vmem>>) dst(%dma_wait3A_491 : memref<48xi32, #tpu.memory_space<hbm>>)
        tpu.yield
      }) : () -> ()
    } else {
    }
    return
  }
}

#map = affine_map<(d0, d1) -> (0, 0)>
#map1 = affine_map<(d0, d1) -> (0)>
module attributes {stable_mosaic.version = 14 : i64} {
  func.func @_sc_assign_body(%arg0: i32, %arg1: i32, %arg2: memref<16x8192xf32, #tpu.memory_space<hbm>>, %arg3: memref<16x48xi32, #tpu.memory_space<hbm>>, %arg4: memref<8192xi32, #tpu.memory_space<hbm>>, %arg5: memref<8192xf32, #tpu.memory_space<hbm>>, %arg6: memref<16x256xf32, #tpu.memory_space<vmem>>, %arg7: memref<16x48xi32, #tpu.memory_space<vmem>>, %arg8: memref<256xi32, #tpu.memory_space<vmem>>, %arg9: memref<256xf32, #tpu.memory_space<vmem>>, %arg10: memref<!tpu.dma_semaphore, #tpu.memory_space<semaphore_mem>>) attributes {dimension_semantics = [#tpu.dimension_semantics<core_parallel>, #tpu.dimension_semantics<subcore_parallel>], iteration_bounds = array<i64: 2, 16>, scalar_prefetch = 0 : i64, scratch_operands = 5 : i64, tpu.core_type = #tpu.core_type<sc_vector_subcore>, window_params = [{transform_indices = #map}, {transform_indices = #map}, {transform_indices = #map1}, {transform_indices = #map1}]} {
    %mul3A = arith.constant 16 : i32
    %mul3A_0 = arith.muli %arg0, %mul3A : i32
    %add3A = arith.addi %mul3A_0, %arg1 : i32
    %mul3A_1 = arith.constant 256 : i32
    %mul3A_2 = arith.muli %add3A, %mul3A_1 : i32
    %iota3A = tpu.iota {dimensions = array<i32: 0>} : vector<16xi32>
    %dma_start3A = arith.constant 0 : i32
    %dma_start3A_3 = tpu.memref_slice %arg2[%dma_start3A, %mul3A_2] : memref<16x8192xf32, #tpu.memory_space<hbm>> -> memref<16x256xf32, #tpu.memory_space<hbm>>
    %dma_start3A_4 = arith.constant 0 : i32
    %dma_start3A_5 = tpu.memref_slice %arg2[%dma_start3A_4, %mul3A_2] : memref<16x8192xf32, #tpu.memory_space<hbm>> -> memref<16x256xf32, #tpu.memory_space<hbm>>
    tpu.enqueue_dma source(%dma_start3A_5 : memref<16x256xf32, #tpu.memory_space<hbm>>) target(%arg6 : memref<16x256xf32, #tpu.memory_space<vmem>>) target_semaphore(%arg10 : memref<!tpu.dma_semaphore, #tpu.memory_space<semaphore_mem>>)
    "tpu.region"() ({
      %run_scoped3A = tpu.sem_alloc : memref<!tpu.dma_semaphore, #tpu.memory_space<semaphore_mem>>
      tpu.enqueue_dma source(%arg3 : memref<16x48xi32, #tpu.memory_space<hbm>>) target(%arg7 : memref<16x48xi32, #tpu.memory_space<vmem>>) target_semaphore(%run_scoped3A : memref<!tpu.dma_semaphore, #tpu.memory_space<semaphore_mem>>)
      tpu.wait_dma2 semaphore(%run_scoped3A : memref<!tpu.dma_semaphore, #tpu.memory_space<semaphore_mem>>) src(%arg3 : memref<16x48xi32, #tpu.memory_space<hbm>>) dst(%arg7 : memref<16x48xi32, #tpu.memory_space<vmem>>)
      tpu.yield
    }) : () -> ()
    %dma_wait3A = arith.constant 0 : i32
    %dma_wait3A_6 = tpu.memref_slice %arg2[%dma_wait3A, %mul3A_2] : memref<16x8192xf32, #tpu.memory_space<hbm>> -> memref<16x256xf32, #tpu.memory_space<hbm>>
    %dma_wait3A_7 = arith.constant 0 : i32
    %dma_wait3A_8 = tpu.memref_slice %arg2[%dma_wait3A_7, %mul3A_2] : memref<16x8192xf32, #tpu.memory_space<hbm>> -> memref<16x256xf32, #tpu.memory_space<hbm>>
    tpu.wait_dma2 semaphore(%arg10 : memref<!tpu.dma_semaphore, #tpu.memory_space<semaphore_mem>>) src(%dma_wait3A_8 : memref<16x256xf32, #tpu.memory_space<hbm>>) dst(%arg6 : memref<16x256xf32, #tpu.memory_space<vmem>>)
    %broadcast_in_dim3A = arith.constant 0 : i32
    %broadcast_in_dim3A_9 = vector.broadcast %broadcast_in_dim3A : i32 to vector<16xi32>
    %add3A_10 = arith.constant 2 : i32
    %add3A_11 = arith.addi %add3A_10, %add3A : i32
    %add3A_12 = vector.broadcast %add3A_11 : i32 to vector<16xi32>
    %add3A_13 = arith.addi %broadcast_in_dim3A_9, %add3A_12 : vector<16xi32>
    %get3A = arith.constant 0 : i32
    %get3A_14 = arith.index_cast %get3A : i32 to index
    %get3A_15 = arith.constant 0 : index
    %get3A_16 = tpu.vector_load %arg7[%get3A_14, %get3A_15] {strides = array<i32>} : memref<16x48xi32, #tpu.memory_space<vmem>>, vector<16xi32>,
    %bitcast_convert_type3A = tpu.bitcast %get3A_16 : vector<16xi32> -> vector<16xi32>
    %eq3A = arith.constant 0 : i32
    %eq3A_17 = vector.broadcast %eq3A : i32 to vector<16xi32>
    %eq3A_18 = arith.cmpi eq, %iota3A, %eq3A_17 : vector<16xi32>
    %jit3A = arith.constant 0 : i32
    %broadcast_in_dim3A_19 = vector.broadcast %jit3A : i32 to vector<16xi32>
    %select_n3A = arith.select %eq3A_18, %bitcast_convert_type3A, %broadcast_in_dim3A_19 : vector<16xi1>, vector<16xi32>
    %reduce_sum3A = arith.constant true
    %reduce_sum3A_20 = vector.broadcast %reduce_sum3A : i1 to vector<16xi1>
    %reduce_sum3A_21 = tpu.scan <sum>, %select_n3A masked %reduce_sum3A_20 : vector<16xi32>, vector<16xi1> -> vector<16xi32>
    %reduce_sum3A_22 = vector.extract %reduce_sum3A_21[15] : i32 from vector<16xi32>
    %eq3A_23 = arith.constant 1 : i32
    %eq3A_24 = vector.broadcast %eq3A_23 : i32 to vector<16xi32>
    %eq3A_25 = arith.cmpi eq, %iota3A, %eq3A_24 : vector<16xi32>
    %jit3A_26 = arith.constant 0 : i32
    %broadcast_in_dim3A_27 = vector.broadcast %jit3A_26 : i32 to vector<16xi32>
    %select_n3A_28 = arith.select %eq3A_25, %get3A_16, %broadcast_in_dim3A_27 : vector<16xi1>, vector<16xi32>
    %reduce_sum3A_29 = arith.constant true
    %reduce_sum3A_30 = vector.broadcast %reduce_sum3A_29 : i1 to vector<16xi1>
    %reduce_sum3A_31 = tpu.scan <sum>, %select_n3A_28 masked %reduce_sum3A_30 : vector<16xi32>, vector<16xi1> -> vector<16xi32>
    %reduce_sum3A_32 = vector.extract %reduce_sum3A_31[15] : i32 from vector<16xi32>
    %broadcast_in_dim3A_33 = arith.constant 0 : i32
    %broadcast_in_dim3A_34 = vector.broadcast %broadcast_in_dim3A_33 : i32 to vector<16xi32>
    %gather3A = tpu.vector_load_idx %arg7[%broadcast_in_dim3A_34, %add3A_13] : memref<16x48xi32, #tpu.memory_space<vmem>>[vector<16xi32>, vector<16xi32>], vector<16xi32>,
    %eq3A_35 = arith.constant 0 : i32
    %eq3A_36 = vector.broadcast %eq3A_35 : i32 to vector<16xi32>
    %eq3A_37 = arith.cmpi eq, %iota3A, %eq3A_36 : vector<16xi32>
    %jit3A_38 = arith.constant 0 : i32
    %broadcast_in_dim3A_39 = vector.broadcast %jit3A_38 : i32 to vector<16xi32>
    %select_n3A_40 = arith.select %eq3A_37, %gather3A, %broadcast_in_dim3A_39 : vector<16xi1>, vector<16xi32>
    %reduce_sum3A_41 = arith.constant true
    %reduce_sum3A_42 = vector.broadcast %reduce_sum3A_41 : i1 to vector<16xi1>
    %reduce_sum3A_43 = tpu.scan <sum>, %select_n3A_40 masked %reduce_sum3A_42 : vector<16xi32>, vector<16xi1> -> vector<16xi32>
    %reduce_sum3A_44 = vector.extract %reduce_sum3A_43[15] : i32 from vector<16xi32>
    %get3A_45 = arith.constant 1 : i32
    %get3A_46 = arith.index_cast %get3A_45 : i32 to index
    %get3A_47 = arith.constant 0 : index
    %get3A_48 = tpu.vector_load %arg7[%get3A_46, %get3A_47] {strides = array<i32>} : memref<16x48xi32, #tpu.memory_space<vmem>>, vector<16xi32>,
    %bitcast_convert_type3A_49 = tpu.bitcast %get3A_48 : vector<16xi32> -> vector<16xi32>
    %eq3A_50 = arith.constant 0 : i32
    %eq3A_51 = vector.broadcast %eq3A_50 : i32 to vector<16xi32>
    %eq3A_52 = arith.cmpi eq, %iota3A, %eq3A_51 : vector<16xi32>
    %jit3A_53 = arith.constant 0 : i32
    %broadcast_in_dim3A_54 = vector.broadcast %jit3A_53 : i32 to vector<16xi32>
    %select_n3A_55 = arith.select %eq3A_52, %bitcast_convert_type3A_49, %broadcast_in_dim3A_54 : vector<16xi1>, vector<16xi32>
    %reduce_sum3A_56 = arith.constant true
    %reduce_sum3A_57 = vector.broadcast %reduce_sum3A_56 : i1 to vector<16xi1>
    %reduce_sum3A_58 = tpu.scan <sum>, %select_n3A_55 masked %reduce_sum3A_57 : vector<16xi32>, vector<16xi1> -> vector<16xi32>
    %reduce_sum3A_59 = vector.extract %reduce_sum3A_58[15] : i32 from vector<16xi32>
    %eq3A_60 = arith.constant 1 : i32
    %eq3A_61 = vector.broadcast %eq3A_60 : i32 to vector<16xi32>
    %eq3A_62 = arith.cmpi eq, %iota3A, %eq3A_61 : vector<16xi32>
    %jit3A_63 = arith.constant 0 : i32
    %broadcast_in_dim3A_64 = vector.broadcast %jit3A_63 : i32 to vector<16xi32>
    %select_n3A_65 = arith.select %eq3A_62, %get3A_48, %broadcast_in_dim3A_64 : vector<16xi1>, vector<16xi32>
    %reduce_sum3A_66 = arith.constant true
    %reduce_sum3A_67 = vector.broadcast %reduce_sum3A_66 : i1 to vector<16xi1>
    %reduce_sum3A_68 = tpu.scan <sum>, %select_n3A_65 masked %reduce_sum3A_67 : vector<16xi32>, vector<16xi1> -> vector<16xi32>
    %reduce_sum3A_69 = vector.extract %reduce_sum3A_68[15] : i32 from vector<16xi32>
    %broadcast_in_dim3A_70 = arith.constant 1 : i32
    %broadcast_in_dim3A_71 = vector.broadcast %broadcast_in_dim3A_70 : i32 to vector<16xi32>
    %gather3A_72 = tpu.vector_load_idx %arg7[%broadcast_in_dim3A_71, %add3A_13] : memref<16x48xi32, #tpu.memory_space<vmem>>[vector<16xi32>, vector<16xi32>], vector<16xi32>,
    %eq3A_73 = arith.constant 0 : i32
    %eq3A_74 = vector.broadcast %eq3A_73 : i32 to vector<16xi32>
    %eq3A_75 = arith.cmpi eq, %iota3A, %eq3A_74 : vector<16xi32>
    %jit3A_76 = arith.constant 0 : i32
    %broadcast_in_dim3A_77 = vector.broadcast %jit3A_76 : i32 to vector<16xi32>
    %select_n3A_78 = arith.select %eq3A_75, %gather3A_72, %broadcast_in_dim3A_77 : vector<16xi1>, vector<16xi32>
    %reduce_sum3A_79 = arith.constant true
    %reduce_sum3A_80 = vector.broadcast %reduce_sum3A_79 : i1 to vector<16xi1>
    %reduce_sum3A_81 = tpu.scan <sum>, %select_n3A_78 masked %reduce_sum3A_80 : vector<16xi32>, vector<16xi1> -> vector<16xi32>
    %reduce_sum3A_82 = vector.extract %reduce_sum3A_81[15] : i32 from vector<16xi32>
    %get3A_83 = arith.constant 2 : i32
    %get3A_84 = arith.index_cast %get3A_83 : i32 to index
    %get3A_85 = arith.constant 0 : index
    %get3A_86 = tpu.vector_load %arg7[%get3A_84, %get3A_85] {strides = array<i32>} : memref<16x48xi32, #tpu.memory_space<vmem>>, vector<16xi32>,
    %bitcast_convert_type3A_87 = tpu.bitcast %get3A_86 : vector<16xi32> -> vector<16xi32>
    %eq3A_88 = arith.constant 0 : i32
    %eq3A_89 = vector.broadcast %eq3A_88 : i32 to vector<16xi32>
    %eq3A_90 = arith.cmpi eq, %iota3A, %eq3A_89 : vector<16xi32>
    %jit3A_91 = arith.constant 0 : i32
    %broadcast_in_dim3A_92 = vector.broadcast %jit3A_91 : i32 to vector<16xi32>
    %select_n3A_93 = arith.select %eq3A_90, %bitcast_convert_type3A_87, %broadcast_in_dim3A_92 : vector<16xi1>, vector<16xi32>
    %reduce_sum3A_94 = arith.constant true
    %reduce_sum3A_95 = vector.broadcast %reduce_sum3A_94 : i1 to vector<16xi1>
    %reduce_sum3A_96 = tpu.scan <sum>, %select_n3A_93 masked %reduce_sum3A_95 : vector<16xi32>, vector<16xi1> -> vector<16xi32>
    %reduce_sum3A_97 = vector.extract %reduce_sum3A_96[15] : i32 from vector<16xi32>
    %eq3A_98 = arith.constant 1 : i32
    %eq3A_99 = vector.broadcast %eq3A_98 : i32 to vector<16xi32>
    %eq3A_100 = arith.cmpi eq, %iota3A, %eq3A_99 : vector<16xi32>
    %jit3A_101 = arith.constant 0 : i32
    %broadcast_in_dim3A_102 = vector.broadcast %jit3A_101 : i32 to vector<16xi32>
    %select_n3A_103 = arith.select %eq3A_100, %get3A_86, %broadcast_in_dim3A_102 : vector<16xi1>, vector<16xi32>
    %reduce_sum3A_104 = arith.constant true
    %reduce_sum3A_105 = vector.broadcast %reduce_sum3A_104 : i1 to vector<16xi1>
    %reduce_sum3A_106 = tpu.scan <sum>, %select_n3A_103 masked %reduce_sum3A_105 : vector<16xi32>, vector<16xi1> -> vector<16xi32>
    %reduce_sum3A_107 = vector.extract %reduce_sum3A_106[15] : i32 from vector<16xi32>
    %broadcast_in_dim3A_108 = arith.constant 2 : i32
    %broadcast_in_dim3A_109 = vector.broadcast %broadcast_in_dim3A_108 : i32 to vector<16xi32>
    %gather3A_110 = tpu.vector_load_idx %arg7[%broadcast_in_dim3A_109, %add3A_13] : memref<16x48xi32, #tpu.memory_space<vmem>>[vector<16xi32>, vector<16xi32>], vector<16xi32>,
    %eq3A_111 = arith.constant 0 : i32
    %eq3A_112 = vector.broadcast %eq3A_111 : i32 to vector<16xi32>
    %eq3A_113 = arith.cmpi eq, %iota3A, %eq3A_112 : vector<16xi32>
    %jit3A_114 = arith.constant 0 : i32
    %broadcast_in_dim3A_115 = vector.broadcast %jit3A_114 : i32 to vector<16xi32>
    %select_n3A_116 = arith.select %eq3A_113, %gather3A_110, %broadcast_in_dim3A_115 : vector<16xi1>, vector<16xi32>
    %reduce_sum3A_117 = arith.constant true
    %reduce_sum3A_118 = vector.broadcast %reduce_sum3A_117 : i1 to vector<16xi1>
    %reduce_sum3A_119 = tpu.scan <sum>, %select_n3A_116 masked %reduce_sum3A_118 : vector<16xi32>, vector<16xi1> -> vector<16xi32>
    %reduce_sum3A_120 = vector.extract %reduce_sum3A_119[15] : i32 from vector<16xi32>
    %get3A_121 = arith.constant 3 : i32
    %get3A_122 = arith.index_cast %get3A_121 : i32 to index
    %get3A_123 = arith.constant 0 : index
    %get3A_124 = tpu.vector_load %arg7[%get3A_122, %get3A_123] {strides = array<i32>} : memref<16x48xi32, #tpu.memory_space<vmem>>, vector<16xi32>,
    %bitcast_convert_type3A_125 = tpu.bitcast %get3A_124 : vector<16xi32> -> vector<16xi32>
    %eq3A_126 = arith.constant 0 : i32
    %eq3A_127 = vector.broadcast %eq3A_126 : i32 to vector<16xi32>
    %eq3A_128 = arith.cmpi eq, %iota3A, %eq3A_127 : vector<16xi32>
    %jit3A_129 = arith.constant 0 : i32
    %broadcast_in_dim3A_130 = vector.broadcast %jit3A_129 : i32 to vector<16xi32>
    %select_n3A_131 = arith.select %eq3A_128, %bitcast_convert_type3A_125, %broadcast_in_dim3A_130 : vector<16xi1>, vector<16xi32>
    %reduce_sum3A_132 = arith.constant true
    %reduce_sum3A_133 = vector.broadcast %reduce_sum3A_132 : i1 to vector<16xi1>
    %reduce_sum3A_134 = tpu.scan <sum>, %select_n3A_131 masked %reduce_sum3A_133 : vector<16xi32>, vector<16xi1> -> vector<16xi32>
    %reduce_sum3A_135 = vector.extract %reduce_sum3A_134[15] : i32 from vector<16xi32>
    %eq3A_136 = arith.constant 1 : i32
    %eq3A_137 = vector.broadcast %eq3A_136 : i32 to vector<16xi32>
    %eq3A_138 = arith.cmpi eq, %iota3A, %eq3A_137 : vector<16xi32>
    %jit3A_139 = arith.constant 0 : i32
    %broadcast_in_dim3A_140 = vector.broadcast %jit3A_139 : i32 to vector<16xi32>
    %select_n3A_141 = arith.select %eq3A_138, %get3A_124, %broadcast_in_dim3A_140 : vector<16xi1>, vector<16xi32>
    %reduce_sum3A_142 = arith.constant true
    %reduce_sum3A_143 = vector.broadcast %reduce_sum3A_142 : i1 to vector<16xi1>
    %reduce_sum3A_144 = tpu.scan <sum>, %select_n3A_141 masked %reduce_sum3A_143 : vector<16xi32>, vector<16xi1> -> vector<16xi32>
    %reduce_sum3A_145 = vector.extract %reduce_sum3A_144[15] : i32 from vector<16xi32>
    %broadcast_in_dim3A_146 = arith.constant 3 : i32
    %broadcast_in_dim3A_147 = vector.broadcast %broadcast_in_dim3A_146 : i32 to vector<16xi32>
    %gather3A_148 = tpu.vector_load_idx %arg7[%broadcast_in_dim3A_147, %add3A_13] : memref<16x48xi32, #tpu.memory_space<vmem>>[vector<16xi32>, vector<16xi32>], vector<16xi32>,
    %eq3A_149 = arith.constant 0 : i32
    %eq3A_150 = vector.broadcast %eq3A_149 : i32 to vector<16xi32>
    %eq3A_151 = arith.cmpi eq, %iota3A, %eq3A_150 : vector<16xi32>
    %jit3A_152 = arith.constant 0 : i32
    %broadcast_in_dim3A_153 = vector.broadcast %jit3A_152 : i32 to vector<16xi32>
    %select_n3A_154 = arith.select %eq3A_151, %gather3A_148, %broadcast_in_dim3A_153 : vector<16xi1>, vector<16xi32>
    %reduce_sum3A_155 = arith.constant true
    %reduce_sum3A_156 = vector.broadcast %reduce_sum3A_155 : i1 to vector<16xi1>
    %reduce_sum3A_157 = tpu.scan <sum>, %select_n3A_154 masked %reduce_sum3A_156 : vector<16xi32>, vector<16xi1> -> vector<16xi32>
    %reduce_sum3A_158 = vector.extract %reduce_sum3A_157[15] : i32 from vector<16xi32>
    %get3A_159 = arith.constant 4 : i32
    %get3A_160 = arith.index_cast %get3A_159 : i32 to index
    %get3A_161 = arith.constant 0 : index
    %get3A_162 = tpu.vector_load %arg7[%get3A_160, %get3A_161] {strides = array<i32>} : memref<16x48xi32, #tpu.memory_space<vmem>>, vector<16xi32>,
    %bitcast_convert_type3A_163 = tpu.bitcast %get3A_162 : vector<16xi32> -> vector<16xi32>
    %eq3A_164 = arith.constant 0 : i32
    %eq3A_165 = vector.broadcast %eq3A_164 : i32 to vector<16xi32>
    %eq3A_166 = arith.cmpi eq, %iota3A, %eq3A_165 : vector<16xi32>
    %jit3A_167 = arith.constant 0 : i32
    %broadcast_in_dim3A_168 = vector.broadcast %jit3A_167 : i32 to vector<16xi32>
    %select_n3A_169 = arith.select %eq3A_166, %bitcast_convert_type3A_163, %broadcast_in_dim3A_168 : vector<16xi1>, vector<16xi32>
    %reduce_sum3A_170 = arith.constant true
    %reduce_sum3A_171 = vector.broadcast %reduce_sum3A_170 : i1 to vector<16xi1>
    %reduce_sum3A_172 = tpu.scan <sum>, %select_n3A_169 masked %reduce_sum3A_171 : vector<16xi32>, vector<16xi1> -> vector<16xi32>
    %reduce_sum3A_173 = vector.extract %reduce_sum3A_172[15] : i32 from vector<16xi32>
    %eq3A_174 = arith.constant 1 : i32
    %eq3A_175 = vector.broadcast %eq3A_174 : i32 to vector<16xi32>
    %eq3A_176 = arith.cmpi eq, %iota3A, %eq3A_175 : vector<16xi32>
    %jit3A_177 = arith.constant 0 : i32
    %broadcast_in_dim3A_178 = vector.broadcast %jit3A_177 : i32 to vector<16xi32>
    %select_n3A_179 = arith.select %eq3A_176, %get3A_162, %broadcast_in_dim3A_178 : vector<16xi1>, vector<16xi32>
    %reduce_sum3A_180 = arith.constant true
    %reduce_sum3A_181 = vector.broadcast %reduce_sum3A_180 : i1 to vector<16xi1>
    %reduce_sum3A_182 = tpu.scan <sum>, %select_n3A_179 masked %reduce_sum3A_181 : vector<16xi32>, vector<16xi1> -> vector<16xi32>
    %reduce_sum3A_183 = vector.extract %reduce_sum3A_182[15] : i32 from vector<16xi32>
    %broadcast_in_dim3A_184 = arith.constant 4 : i32
    %broadcast_in_dim3A_185 = vector.broadcast %broadcast_in_dim3A_184 : i32 to vector<16xi32>
    %gather3A_186 = tpu.vector_load_idx %arg7[%broadcast_in_dim3A_185, %add3A_13] : memref<16x48xi32, #tpu.memory_space<vmem>>[vector<16xi32>, vector<16xi32>], vector<16xi32>,
    %eq3A_187 = arith.constant 0 : i32
    %eq3A_188 = vector.broadcast %eq3A_187 : i32 to vector<16xi32>
    %eq3A_189 = arith.cmpi eq, %iota3A, %eq3A_188 : vector<16xi32>
    %jit3A_190 = arith.constant 0 : i32
    %broadcast_in_dim3A_191 = vector.broadcast %jit3A_190 : i32 to vector<16xi32>
    %select_n3A_192 = arith.select %eq3A_189, %gather3A_186, %broadcast_in_dim3A_191 : vector<16xi1>, vector<16xi32>
    %reduce_sum3A_193 = arith.constant true
    %reduce_sum3A_194 = vector.broadcast %reduce_sum3A_193 : i1 to vector<16xi1>
    %reduce_sum3A_195 = tpu.scan <sum>, %select_n3A_192 masked %reduce_sum3A_194 : vector<16xi32>, vector<16xi1> -> vector<16xi32>
    %reduce_sum3A_196 = vector.extract %reduce_sum3A_195[15] : i32 from vector<16xi32>
    %get3A_197 = arith.constant 5 : i32
    %get3A_198 = arith.index_cast %get3A_197 : i32 to index
    %get3A_199 = arith.constant 0 : index
    %get3A_200 = tpu.vector_load %arg7[%get3A_198, %get3A_199] {strides = array<i32>} : memref<16x48xi32, #tpu.memory_space<vmem>>, vector<16xi32>,
    %bitcast_convert_type3A_201 = tpu.bitcast %get3A_200 : vector<16xi32> -> vector<16xi32>
    %eq3A_202 = arith.constant 0 : i32
    %eq3A_203 = vector.broadcast %eq3A_202 : i32 to vector<16xi32>
    %eq3A_204 = arith.cmpi eq, %iota3A, %eq3A_203 : vector<16xi32>
    %jit3A_205 = arith.constant 0 : i32
    %broadcast_in_dim3A_206 = vector.broadcast %jit3A_205 : i32 to vector<16xi32>
    %select_n3A_207 = arith.select %eq3A_204, %bitcast_convert_type3A_201, %broadcast_in_dim3A_206 : vector<16xi1>, vector<16xi32>
    %reduce_sum3A_208 = arith.constant true
    %reduce_sum3A_209 = vector.broadcast %reduce_sum3A_208 : i1 to vector<16xi1>
    %reduce_sum3A_210 = tpu.scan <sum>, %select_n3A_207 masked %reduce_sum3A_209 : vector<16xi32>, vector<16xi1> -> vector<16xi32>
    %reduce_sum3A_211 = vector.extract %reduce_sum3A_210[15] : i32 from vector<16xi32>
    %eq3A_212 = arith.constant 1 : i32
    %eq3A_213 = vector.broadcast %eq3A_212 : i32 to vector<16xi32>
    %eq3A_214 = arith.cmpi eq, %iota3A, %eq3A_213 : vector<16xi32>
    %jit3A_215 = arith.constant 0 : i32
    %broadcast_in_dim3A_216 = vector.broadcast %jit3A_215 : i32 to vector<16xi32>
    %select_n3A_217 = arith.select %eq3A_214, %get3A_200, %broadcast_in_dim3A_216 : vector<16xi1>, vector<16xi32>
    %reduce_sum3A_218 = arith.constant true
    %reduce_sum3A_219 = vector.broadcast %reduce_sum3A_218 : i1 to vector<16xi1>
    %reduce_sum3A_220 = tpu.scan <sum>, %select_n3A_217 masked %reduce_sum3A_219 : vector<16xi32>, vector<16xi1> -> vector<16xi32>
    %reduce_sum3A_221 = vector.extract %reduce_sum3A_220[15] : i32 from vector<16xi32>
    %broadcast_in_dim3A_222 = arith.constant 5 : i32
    %broadcast_in_dim3A_223 = vector.broadcast %broadcast_in_dim3A_222 : i32 to vector<16xi32>
    %gather3A_224 = tpu.vector_load_idx %arg7[%broadcast_in_dim3A_223, %add3A_13] : memref<16x48xi32, #tpu.memory_space<vmem>>[vector<16xi32>, vector<16xi32>], vector<16xi32>,
    %eq3A_225 = arith.constant 0 : i32
    %eq3A_226 = vector.broadcast %eq3A_225 : i32 to vector<16xi32>
    %eq3A_227 = arith.cmpi eq, %iota3A, %eq3A_226 : vector<16xi32>
    %jit3A_228 = arith.constant 0 : i32
    %broadcast_in_dim3A_229 = vector.broadcast %jit3A_228 : i32 to vector<16xi32>
    %select_n3A_230 = arith.select %eq3A_227, %gather3A_224, %broadcast_in_dim3A_229 : vector<16xi1>, vector<16xi32>
    %reduce_sum3A_231 = arith.constant true
    %reduce_sum3A_232 = vector.broadcast %reduce_sum3A_231 : i1 to vector<16xi1>
    %reduce_sum3A_233 = tpu.scan <sum>, %select_n3A_230 masked %reduce_sum3A_232 : vector<16xi32>, vector<16xi1> -> vector<16xi32>
    %reduce_sum3A_234 = vector.extract %reduce_sum3A_233[15] : i32 from vector<16xi32>
    %get3A_235 = arith.constant 6 : i32
    %get3A_236 = arith.index_cast %get3A_235 : i32 to index
    %get3A_237 = arith.constant 0 : index
    %get3A_238 = tpu.vector_load %arg7[%get3A_236, %get3A_237] {strides = array<i32>} : memref<16x48xi32, #tpu.memory_space<vmem>>, vector<16xi32>,
    %bitcast_convert_type3A_239 = tpu.bitcast %get3A_238 : vector<16xi32> -> vector<16xi32>
    %eq3A_240 = arith.constant 0 : i32
    %eq3A_241 = vector.broadcast %eq3A_240 : i32 to vector<16xi32>
    %eq3A_242 = arith.cmpi eq, %iota3A, %eq3A_241 : vector<16xi32>
    %jit3A_243 = arith.constant 0 : i32
    %broadcast_in_dim3A_244 = vector.broadcast %jit3A_243 : i32 to vector<16xi32>
    %select_n3A_245 = arith.select %eq3A_242, %bitcast_convert_type3A_239, %broadcast_in_dim3A_244 : vector<16xi1>, vector<16xi32>
    %reduce_sum3A_246 = arith.constant true
    %reduce_sum3A_247 = vector.broadcast %reduce_sum3A_246 : i1 to vector<16xi1>
    %reduce_sum3A_248 = tpu.scan <sum>, %select_n3A_245 masked %reduce_sum3A_247 : vector<16xi32>, vector<16xi1> -> vector<16xi32>
    %reduce_sum3A_249 = vector.extract %reduce_sum3A_248[15] : i32 from vector<16xi32>
    %eq3A_250 = arith.constant 1 : i32
    %eq3A_251 = vector.broadcast %eq3A_250 : i32 to vector<16xi32>
    %eq3A_252 = arith.cmpi eq, %iota3A, %eq3A_251 : vector<16xi32>
    %jit3A_253 = arith.constant 0 : i32
    %broadcast_in_dim3A_254 = vector.broadcast %jit3A_253 : i32 to vector<16xi32>
    %select_n3A_255 = arith.select %eq3A_252, %get3A_238, %broadcast_in_dim3A_254 : vector<16xi1>, vector<16xi32>
    %reduce_sum3A_256 = arith.constant true
    %reduce_sum3A_257 = vector.broadcast %reduce_sum3A_256 : i1 to vector<16xi1>
    %reduce_sum3A_258 = tpu.scan <sum>, %select_n3A_255 masked %reduce_sum3A_257 : vector<16xi32>, vector<16xi1> -> vector<16xi32>
    %reduce_sum3A_259 = vector.extract %reduce_sum3A_258[15] : i32 from vector<16xi32>
    %broadcast_in_dim3A_260 = arith.constant 6 : i32
    %broadcast_in_dim3A_261 = vector.broadcast %broadcast_in_dim3A_260 : i32 to vector<16xi32>
    %gather3A_262 = tpu.vector_load_idx %arg7[%broadcast_in_dim3A_261, %add3A_13] : memref<16x48xi32, #tpu.memory_space<vmem>>[vector<16xi32>, vector<16xi32>], vector<16xi32>,
    %eq3A_263 = arith.constant 0 : i32
    %eq3A_264 = vector.broadcast %eq3A_263 : i32 to vector<16xi32>
    %eq3A_265 = arith.cmpi eq, %iota3A, %eq3A_264 : vector<16xi32>
    %jit3A_266 = arith.constant 0 : i32
    %broadcast_in_dim3A_267 = vector.broadcast %jit3A_266 : i32 to vector<16xi32>
    %select_n3A_268 = arith.select %eq3A_265, %gather3A_262, %broadcast_in_dim3A_267 : vector<16xi1>, vector<16xi32>
    %reduce_sum3A_269 = arith.constant true
    %reduce_sum3A_270 = vector.broadcast %reduce_sum3A_269 : i1 to vector<16xi1>
    %reduce_sum3A_271 = tpu.scan <sum>, %select_n3A_268 masked %reduce_sum3A_270 : vector<16xi32>, vector<16xi1> -> vector<16xi32>
    %reduce_sum3A_272 = vector.extract %reduce_sum3A_271[15] : i32 from vector<16xi32>
    %get3A_273 = arith.constant 7 : i32
    %get3A_274 = arith.index_cast %get3A_273 : i32 to index
    %get3A_275 = arith.constant 0 : index
    %get3A_276 = tpu.vector_load %arg7[%get3A_274, %get3A_275] {strides = array<i32>} : memref<16x48xi32, #tpu.memory_space<vmem>>, vector<16xi32>,
    %bitcast_convert_type3A_277 = tpu.bitcast %get3A_276 : vector<16xi32> -> vector<16xi32>
    %eq3A_278 = arith.constant 0 : i32
    %eq3A_279 = vector.broadcast %eq3A_278 : i32 to vector<16xi32>
    %eq3A_280 = arith.cmpi eq, %iota3A, %eq3A_279 : vector<16xi32>
    %jit3A_281 = arith.constant 0 : i32
    %broadcast_in_dim3A_282 = vector.broadcast %jit3A_281 : i32 to vector<16xi32>
    %select_n3A_283 = arith.select %eq3A_280, %bitcast_convert_type3A_277, %broadcast_in_dim3A_282 : vector<16xi1>, vector<16xi32>
    %reduce_sum3A_284 = arith.constant true
    %reduce_sum3A_285 = vector.broadcast %reduce_sum3A_284 : i1 to vector<16xi1>
    %reduce_sum3A_286 = tpu.scan <sum>, %select_n3A_283 masked %reduce_sum3A_285 : vector<16xi32>, vector<16xi1> -> vector<16xi32>
    %reduce_sum3A_287 = vector.extract %reduce_sum3A_286[15] : i32 from vector<16xi32>
    %eq3A_288 = arith.constant 1 : i32
    %eq3A_289 = vector.broadcast %eq3A_288 : i32 to vector<16xi32>
    %eq3A_290 = arith.cmpi eq, %iota3A, %eq3A_289 : vector<16xi32>
    %jit3A_291 = arith.constant 0 : i32
    %broadcast_in_dim3A_292 = vector.broadcast %jit3A_291 : i32 to vector<16xi32>
    %select_n3A_293 = arith.select %eq3A_290, %get3A_276, %broadcast_in_dim3A_292 : vector<16xi1>, vector<16xi32>
    %reduce_sum3A_294 = arith.constant true
    %reduce_sum3A_295 = vector.broadcast %reduce_sum3A_294 : i1 to vector<16xi1>
    %reduce_sum3A_296 = tpu.scan <sum>, %select_n3A_293 masked %reduce_sum3A_295 : vector<16xi32>, vector<16xi1> -> vector<16xi32>
    %reduce_sum3A_297 = vector.extract %reduce_sum3A_296[15] : i32 from vector<16xi32>
    %broadcast_in_dim3A_298 = arith.constant 7 : i32
    %broadcast_in_dim3A_299 = vector.broadcast %broadcast_in_dim3A_298 : i32 to vector<16xi32>
    %gather3A_300 = tpu.vector_load_idx %arg7[%broadcast_in_dim3A_299, %add3A_13] : memref<16x48xi32, #tpu.memory_space<vmem>>[vector<16xi32>, vector<16xi32>], vector<16xi32>,
    %eq3A_301 = arith.constant 0 : i32
    %eq3A_302 = vector.broadcast %eq3A_301 : i32 to vector<16xi32>
    %eq3A_303 = arith.cmpi eq, %iota3A, %eq3A_302 : vector<16xi32>
    %jit3A_304 = arith.constant 0 : i32
    %broadcast_in_dim3A_305 = vector.broadcast %jit3A_304 : i32 to vector<16xi32>
    %select_n3A_306 = arith.select %eq3A_303, %gather3A_300, %broadcast_in_dim3A_305 : vector<16xi1>, vector<16xi32>
    %reduce_sum3A_307 = arith.constant true
    %reduce_sum3A_308 = vector.broadcast %reduce_sum3A_307 : i1 to vector<16xi1>
    %reduce_sum3A_309 = tpu.scan <sum>, %select_n3A_306 masked %reduce_sum3A_308 : vector<16xi32>, vector<16xi1> -> vector<16xi32>
    %reduce_sum3A_310 = vector.extract %reduce_sum3A_309[15] : i32 from vector<16xi32>
    %get3A_311 = arith.constant 8 : i32
    %get3A_312 = arith.index_cast %get3A_311 : i32 to index
    %get3A_313 = arith.constant 0 : index
    %get3A_314 = tpu.vector_load %arg7[%get3A_312, %get3A_313] {strides = array<i32>} : memref<16x48xi32, #tpu.memory_space<vmem>>, vector<16xi32>,
    %bitcast_convert_type3A_315 = tpu.bitcast %get3A_314 : vector<16xi32> -> vector<16xi32>
    %eq3A_316 = arith.constant 0 : i32
    %eq3A_317 = vector.broadcast %eq3A_316 : i32 to vector<16xi32>
    %eq3A_318 = arith.cmpi eq, %iota3A, %eq3A_317 : vector<16xi32>
    %jit3A_319 = arith.constant 0 : i32
    %broadcast_in_dim3A_320 = vector.broadcast %jit3A_319 : i32 to vector<16xi32>
    %select_n3A_321 = arith.select %eq3A_318, %bitcast_convert_type3A_315, %broadcast_in_dim3A_320 : vector<16xi1>, vector<16xi32>
    %reduce_sum3A_322 = arith.constant true
    %reduce_sum3A_323 = vector.broadcast %reduce_sum3A_322 : i1 to vector<16xi1>
    %reduce_sum3A_324 = tpu.scan <sum>, %select_n3A_321 masked %reduce_sum3A_323 : vector<16xi32>, vector<16xi1> -> vector<16xi32>
    %reduce_sum3A_325 = vector.extract %reduce_sum3A_324[15] : i32 from vector<16xi32>
    %eq3A_326 = arith.constant 1 : i32
    %eq3A_327 = vector.broadcast %eq3A_326 : i32 to vector<16xi32>
    %eq3A_328 = arith.cmpi eq, %iota3A, %eq3A_327 : vector<16xi32>
    %jit3A_329 = arith.constant 0 : i32
    %broadcast_in_dim3A_330 = vector.broadcast %jit3A_329 : i32 to vector<16xi32>
    %select_n3A_331 = arith.select %eq3A_328, %get3A_314, %broadcast_in_dim3A_330 : vector<16xi1>, vector<16xi32>
    %reduce_sum3A_332 = arith.constant true
    %reduce_sum3A_333 = vector.broadcast %reduce_sum3A_332 : i1 to vector<16xi1>
    %reduce_sum3A_334 = tpu.scan <sum>, %select_n3A_331 masked %reduce_sum3A_333 : vector<16xi32>, vector<16xi1> -> vector<16xi32>
    %reduce_sum3A_335 = vector.extract %reduce_sum3A_334[15] : i32 from vector<16xi32>
    %broadcast_in_dim3A_336 = arith.constant 8 : i32
    %broadcast_in_dim3A_337 = vector.broadcast %broadcast_in_dim3A_336 : i32 to vector<16xi32>
    %gather3A_338 = tpu.vector_load_idx %arg7[%broadcast_in_dim3A_337, %add3A_13] : memref<16x48xi32, #tpu.memory_space<vmem>>[vector<16xi32>, vector<16xi32>], vector<16xi32>,
    %eq3A_339 = arith.constant 0 : i32
    %eq3A_340 = vector.broadcast %eq3A_339 : i32 to vector<16xi32>
    %eq3A_341 = arith.cmpi eq, %iota3A, %eq3A_340 : vector<16xi32>
    %jit3A_342 = arith.constant 0 : i32
    %broadcast_in_dim3A_343 = vector.broadcast %jit3A_342 : i32 to vector<16xi32>
    %select_n3A_344 = arith.select %eq3A_341, %gather3A_338, %broadcast_in_dim3A_343 : vector<16xi1>, vector<16xi32>
    %reduce_sum3A_345 = arith.constant true
    %reduce_sum3A_346 = vector.broadcast %reduce_sum3A_345 : i1 to vector<16xi1>
    %reduce_sum3A_347 = tpu.scan <sum>, %select_n3A_344 masked %reduce_sum3A_346 : vector<16xi32>, vector<16xi1> -> vector<16xi32>
    %reduce_sum3A_348 = vector.extract %reduce_sum3A_347[15] : i32 from vector<16xi32>
    %get3A_349 = arith.constant 9 : i32
    %get3A_350 = arith.index_cast %get3A_349 : i32 to index
    %get3A_351 = arith.constant 0 : index
    %get3A_352 = tpu.vector_load %arg7[%get3A_350, %get3A_351] {strides = array<i32>} : memref<16x48xi32, #tpu.memory_space<vmem>>, vector<16xi32>,
    %bitcast_convert_type3A_353 = tpu.bitcast %get3A_352 : vector<16xi32> -> vector<16xi32>
    %eq3A_354 = arith.constant 0 : i32
    %eq3A_355 = vector.broadcast %eq3A_354 : i32 to vector<16xi32>
    %eq3A_356 = arith.cmpi eq, %iota3A, %eq3A_355 : vector<16xi32>
    %jit3A_357 = arith.constant 0 : i32
    %broadcast_in_dim3A_358 = vector.broadcast %jit3A_357 : i32 to vector<16xi32>
    %select_n3A_359 = arith.select %eq3A_356, %bitcast_convert_type3A_353, %broadcast_in_dim3A_358 : vector<16xi1>, vector<16xi32>
    %reduce_sum3A_360 = arith.constant true
    %reduce_sum3A_361 = vector.broadcast %reduce_sum3A_360 : i1 to vector<16xi1>
    %reduce_sum3A_362 = tpu.scan <sum>, %select_n3A_359 masked %reduce_sum3A_361 : vector<16xi32>, vector<16xi1> -> vector<16xi32>
    %reduce_sum3A_363 = vector.extract %reduce_sum3A_362[15] : i32 from vector<16xi32>
    %eq3A_364 = arith.constant 1 : i32
    %eq3A_365 = vector.broadcast %eq3A_364 : i32 to vector<16xi32>
    %eq3A_366 = arith.cmpi eq, %iota3A, %eq3A_365 : vector<16xi32>
    %jit3A_367 = arith.constant 0 : i32
    %broadcast_in_dim3A_368 = vector.broadcast %jit3A_367 : i32 to vector<16xi32>
    %select_n3A_369 = arith.select %eq3A_366, %get3A_352, %broadcast_in_dim3A_368 : vector<16xi1>, vector<16xi32>
    %reduce_sum3A_370 = arith.constant true
    %reduce_sum3A_371 = vector.broadcast %reduce_sum3A_370 : i1 to vector<16xi1>
    %reduce_sum3A_372 = tpu.scan <sum>, %select_n3A_369 masked %reduce_sum3A_371 : vector<16xi32>, vector<16xi1> -> vector<16xi32>
    %reduce_sum3A_373 = vector.extract %reduce_sum3A_372[15] : i32 from vector<16xi32>
    %broadcast_in_dim3A_374 = arith.constant 9 : i32
    %broadcast_in_dim3A_375 = vector.broadcast %broadcast_in_dim3A_374 : i32 to vector<16xi32>
    %gather3A_376 = tpu.vector_load_idx %arg7[%broadcast_in_dim3A_375, %add3A_13] : memref<16x48xi32, #tpu.memory_space<vmem>>[vector<16xi32>, vector<16xi32>], vector<16xi32>,
    %eq3A_377 = arith.constant 0 : i32
    %eq3A_378 = vector.broadcast %eq3A_377 : i32 to vector<16xi32>
    %eq3A_379 = arith.cmpi eq, %iota3A, %eq3A_378 : vector<16xi32>
    %jit3A_380 = arith.constant 0 : i32
    %broadcast_in_dim3A_381 = vector.broadcast %jit3A_380 : i32 to vector<16xi32>
    %select_n3A_382 = arith.select %eq3A_379, %gather3A_376, %broadcast_in_dim3A_381 : vector<16xi1>, vector<16xi32>
    %reduce_sum3A_383 = arith.constant true
    %reduce_sum3A_384 = vector.broadcast %reduce_sum3A_383 : i1 to vector<16xi1>
    %reduce_sum3A_385 = tpu.scan <sum>, %select_n3A_382 masked %reduce_sum3A_384 : vector<16xi32>, vector<16xi1> -> vector<16xi32>
    %reduce_sum3A_386 = vector.extract %reduce_sum3A_385[15] : i32 from vector<16xi32>
    %get3A_387 = arith.constant 10 : i32
    %get3A_388 = arith.index_cast %get3A_387 : i32 to index
    %get3A_389 = arith.constant 0 : index
    %get3A_390 = tpu.vector_load %arg7[%get3A_388, %get3A_389] {strides = array<i32>} : memref<16x48xi32, #tpu.memory_space<vmem>>, vector<16xi32>,
    %bitcast_convert_type3A_391 = tpu.bitcast %get3A_390 : vector<16xi32> -> vector<16xi32>
    %eq3A_392 = arith.constant 0 : i32
    %eq3A_393 = vector.broadcast %eq3A_392 : i32 to vector<16xi32>
    %eq3A_394 = arith.cmpi eq, %iota3A, %eq3A_393 : vector<16xi32>
    %jit3A_395 = arith.constant 0 : i32
    %broadcast_in_dim3A_396 = vector.broadcast %jit3A_395 : i32 to vector<16xi32>
    %select_n3A_397 = arith.select %eq3A_394, %bitcast_convert_type3A_391, %broadcast_in_dim3A_396 : vector<16xi1>, vector<16xi32>
    %reduce_sum3A_398 = arith.constant true
    %reduce_sum3A_399 = vector.broadcast %reduce_sum3A_398 : i1 to vector<16xi1>
    %reduce_sum3A_400 = tpu.scan <sum>, %select_n3A_397 masked %reduce_sum3A_399 : vector<16xi32>, vector<16xi1> -> vector<16xi32>
    %reduce_sum3A_401 = vector.extract %reduce_sum3A_400[15] : i32 from vector<16xi32>
    %eq3A_402 = arith.constant 1 : i32
    %eq3A_403 = vector.broadcast %eq3A_402 : i32 to vector<16xi32>
    %eq3A_404 = arith.cmpi eq, %iota3A, %eq3A_403 : vector<16xi32>
    %jit3A_405 = arith.constant 0 : i32
    %broadcast_in_dim3A_406 = vector.broadcast %jit3A_405 : i32 to vector<16xi32>
    %select_n3A_407 = arith.select %eq3A_404, %get3A_390, %broadcast_in_dim3A_406 : vector<16xi1>, vector<16xi32>
    %reduce_sum3A_408 = arith.constant true
    %reduce_sum3A_409 = vector.broadcast %reduce_sum3A_408 : i1 to vector<16xi1>
    %reduce_sum3A_410 = tpu.scan <sum>, %select_n3A_407 masked %reduce_sum3A_409 : vector<16xi32>, vector<16xi1> -> vector<16xi32>
    %reduce_sum3A_411 = vector.extract %reduce_sum3A_410[15] : i32 from vector<16xi32>
    %broadcast_in_dim3A_412 = arith.constant 10 : i32
    %broadcast_in_dim3A_413 = vector.broadcast %broadcast_in_dim3A_412 : i32 to vector<16xi32>
    %gather3A_414 = tpu.vector_load_idx %arg7[%broadcast_in_dim3A_413, %add3A_13] : memref<16x48xi32, #tpu.memory_space<vmem>>[vector<16xi32>, vector<16xi32>], vector<16xi32>,
    %eq3A_415 = arith.constant 0 : i32
    %eq3A_416 = vector.broadcast %eq3A_415 : i32 to vector<16xi32>
    %eq3A_417 = arith.cmpi eq, %iota3A, %eq3A_416 : vector<16xi32>
    %jit3A_418 = arith.constant 0 : i32
    %broadcast_in_dim3A_419 = vector.broadcast %jit3A_418 : i32 to vector<16xi32>
    %select_n3A_420 = arith.select %eq3A_417, %gather3A_414, %broadcast_in_dim3A_419 : vector<16xi1>, vector<16xi32>
    %reduce_sum3A_421 = arith.constant true
    %reduce_sum3A_422 = vector.broadcast %reduce_sum3A_421 : i1 to vector<16xi1>
    %reduce_sum3A_423 = tpu.scan <sum>, %select_n3A_420 masked %reduce_sum3A_422 : vector<16xi32>, vector<16xi1> -> vector<16xi32>
    %reduce_sum3A_424 = vector.extract %reduce_sum3A_423[15] : i32 from vector<16xi32>
    %get3A_425 = arith.constant 11 : i32
    %get3A_426 = arith.index_cast %get3A_425 : i32 to index
    %get3A_427 = arith.constant 0 : index
    %get3A_428 = tpu.vector_load %arg7[%get3A_426, %get3A_427] {strides = array<i32>} : memref<16x48xi32, #tpu.memory_space<vmem>>, vector<16xi32>,
    %bitcast_convert_type3A_429 = tpu.bitcast %get3A_428 : vector<16xi32> -> vector<16xi32>
    %eq3A_430 = arith.constant 0 : i32
    %eq3A_431 = vector.broadcast %eq3A_430 : i32 to vector<16xi32>
    %eq3A_432 = arith.cmpi eq, %iota3A, %eq3A_431 : vector<16xi32>
    %jit3A_433 = arith.constant 0 : i32
    %broadcast_in_dim3A_434 = vector.broadcast %jit3A_433 : i32 to vector<16xi32>
    %select_n3A_435 = arith.select %eq3A_432, %bitcast_convert_type3A_429, %broadcast_in_dim3A_434 : vector<16xi1>, vector<16xi32>
    %reduce_sum3A_436 = arith.constant true
    %reduce_sum3A_437 = vector.broadcast %reduce_sum3A_436 : i1 to vector<16xi1>
    %reduce_sum3A_438 = tpu.scan <sum>, %select_n3A_435 masked %reduce_sum3A_437 : vector<16xi32>, vector<16xi1> -> vector<16xi32>
    %reduce_sum3A_439 = vector.extract %reduce_sum3A_438[15] : i32 from vector<16xi32>
    %eq3A_440 = arith.constant 1 : i32
    %eq3A_441 = vector.broadcast %eq3A_440 : i32 to vector<16xi32>
    %eq3A_442 = arith.cmpi eq, %iota3A, %eq3A_441 : vector<16xi32>
    %jit3A_443 = arith.constant 0 : i32
    %broadcast_in_dim3A_444 = vector.broadcast %jit3A_443 : i32 to vector<16xi32>
    %select_n3A_445 = arith.select %eq3A_442, %get3A_428, %broadcast_in_dim3A_444 : vector<16xi1>, vector<16xi32>
    %reduce_sum3A_446 = arith.constant true
    %reduce_sum3A_447 = vector.broadcast %reduce_sum3A_446 : i1 to vector<16xi1>
    %reduce_sum3A_448 = tpu.scan <sum>, %select_n3A_445 masked %reduce_sum3A_447 : vector<16xi32>, vector<16xi1> -> vector<16xi32>
    %reduce_sum3A_449 = vector.extract %reduce_sum3A_448[15] : i32 from vector<16xi32>
    %broadcast_in_dim3A_450 = arith.constant 11 : i32
    %broadcast_in_dim3A_451 = vector.broadcast %broadcast_in_dim3A_450 : i32 to vector<16xi32>
    %gather3A_452 = tpu.vector_load_idx %arg7[%broadcast_in_dim3A_451, %add3A_13] : memref<16x48xi32, #tpu.memory_space<vmem>>[vector<16xi32>, vector<16xi32>], vector<16xi32>,
    %eq3A_453 = arith.constant 0 : i32
    %eq3A_454 = vector.broadcast %eq3A_453 : i32 to vector<16xi32>
    %eq3A_455 = arith.cmpi eq, %iota3A, %eq3A_454 : vector<16xi32>
    %jit3A_456 = arith.constant 0 : i32
    %broadcast_in_dim3A_457 = vector.broadcast %jit3A_456 : i32 to vector<16xi32>
    %select_n3A_458 = arith.select %eq3A_455, %gather3A_452, %broadcast_in_dim3A_457 : vector<16xi1>, vector<16xi32>
    %reduce_sum3A_459 = arith.constant true
    %reduce_sum3A_460 = vector.broadcast %reduce_sum3A_459 : i1 to vector<16xi1>
    %reduce_sum3A_461 = tpu.scan <sum>, %select_n3A_458 masked %reduce_sum3A_460 : vector<16xi32>, vector<16xi1> -> vector<16xi32>
    %reduce_sum3A_462 = vector.extract %reduce_sum3A_461[15] : i32 from vector<16xi32>
    %get3A_463 = arith.constant 12 : i32
    %get3A_464 = arith.index_cast %get3A_463 : i32 to index
    %get3A_465 = arith.constant 0 : index
    %get3A_466 = tpu.vector_load %arg7[%get3A_464, %get3A_465] {strides = array<i32>} : memref<16x48xi32, #tpu.memory_space<vmem>>, vector<16xi32>,
    %bitcast_convert_type3A_467 = tpu.bitcast %get3A_466 : vector<16xi32> -> vector<16xi32>
    %eq3A_468 = arith.constant 0 : i32
    %eq3A_469 = vector.broadcast %eq3A_468 : i32 to vector<16xi32>
    %eq3A_470 = arith.cmpi eq, %iota3A, %eq3A_469 : vector<16xi32>
    %jit3A_471 = arith.constant 0 : i32
    %broadcast_in_dim3A_472 = vector.broadcast %jit3A_471 : i32 to vector<16xi32>
    %select_n3A_473 = arith.select %eq3A_470, %bitcast_convert_type3A_467, %broadcast_in_dim3A_472 : vector<16xi1>, vector<16xi32>
    %reduce_sum3A_474 = arith.constant true
    %reduce_sum3A_475 = vector.broadcast %reduce_sum3A_474 : i1 to vector<16xi1>
    %reduce_sum3A_476 = tpu.scan <sum>, %select_n3A_473 masked %reduce_sum3A_475 : vector<16xi32>, vector<16xi1> -> vector<16xi32>
    %reduce_sum3A_477 = vector.extract %reduce_sum3A_476[15] : i32 from vector<16xi32>
    %eq3A_478 = arith.constant 1 : i32
    %eq3A_479 = vector.broadcast %eq3A_478 : i32 to vector<16xi32>
    %eq3A_480 = arith.cmpi eq, %iota3A, %eq3A_479 : vector<16xi32>
    %jit3A_481 = arith.constant 0 : i32
    %broadcast_in_dim3A_482 = vector.broadcast %jit3A_481 : i32 to vector<16xi32>
    %select_n3A_483 = arith.select %eq3A_480, %get3A_466, %broadcast_in_dim3A_482 : vector<16xi1>, vector<16xi32>
    %reduce_sum3A_484 = arith.constant true
    %reduce_sum3A_485 = vector.broadcast %reduce_sum3A_484 : i1 to vector<16xi1>
    %reduce_sum3A_486 = tpu.scan <sum>, %select_n3A_483 masked %reduce_sum3A_485 : vector<16xi32>, vector<16xi1> -> vector<16xi32>
    %reduce_sum3A_487 = vector.extract %reduce_sum3A_486[15] : i32 from vector<16xi32>
    %broadcast_in_dim3A_488 = arith.constant 12 : i32
    %broadcast_in_dim3A_489 = vector.broadcast %broadcast_in_dim3A_488 : i32 to vector<16xi32>
    %gather3A_490 = tpu.vector_load_idx %arg7[%broadcast_in_dim3A_489, %add3A_13] : memref<16x48xi32, #tpu.memory_space<vmem>>[vector<16xi32>, vector<16xi32>], vector<16xi32>,
    %eq3A_491 = arith.constant 0 : i32
    %eq3A_492 = vector.broadcast %eq3A_491 : i32 to vector<16xi32>
    %eq3A_493 = arith.cmpi eq, %iota3A, %eq3A_492 : vector<16xi32>
    %jit3A_494 = arith.constant 0 : i32
    %broadcast_in_dim3A_495 = vector.broadcast %jit3A_494 : i32 to vector<16xi32>
    %select_n3A_496 = arith.select %eq3A_493, %gather3A_490, %broadcast_in_dim3A_495 : vector<16xi1>, vector<16xi32>
    %reduce_sum3A_497 = arith.constant true
    %reduce_sum3A_498 = vector.broadcast %reduce_sum3A_497 : i1 to vector<16xi1>
    %reduce_sum3A_499 = tpu.scan <sum>, %select_n3A_496 masked %reduce_sum3A_498 : vector<16xi32>, vector<16xi1> -> vector<16xi32>
    %reduce_sum3A_500 = vector.extract %reduce_sum3A_499[15] : i32 from vector<16xi32>
    %get3A_501 = arith.constant 13 : i32
    %get3A_502 = arith.index_cast %get3A_501 : i32 to index
    %get3A_503 = arith.constant 0 : index
    %get3A_504 = tpu.vector_load %arg7[%get3A_502, %get3A_503] {strides = array<i32>} : memref<16x48xi32, #tpu.memory_space<vmem>>, vector<16xi32>,
    %bitcast_convert_type3A_505 = tpu.bitcast %get3A_504 : vector<16xi32> -> vector<16xi32>
    %eq3A_506 = arith.constant 0 : i32
    %eq3A_507 = vector.broadcast %eq3A_506 : i32 to vector<16xi32>
    %eq3A_508 = arith.cmpi eq, %iota3A, %eq3A_507 : vector<16xi32>
    %jit3A_509 = arith.constant 0 : i32
    %broadcast_in_dim3A_510 = vector.broadcast %jit3A_509 : i32 to vector<16xi32>
    %select_n3A_511 = arith.select %eq3A_508, %bitcast_convert_type3A_505, %broadcast_in_dim3A_510 : vector<16xi1>, vector<16xi32>
    %reduce_sum3A_512 = arith.constant true
    %reduce_sum3A_513 = vector.broadcast %reduce_sum3A_512 : i1 to vector<16xi1>
    %reduce_sum3A_514 = tpu.scan <sum>, %select_n3A_511 masked %reduce_sum3A_513 : vector<16xi32>, vector<16xi1> -> vector<16xi32>
    %reduce_sum3A_515 = vector.extract %reduce_sum3A_514[15] : i32 from vector<16xi32>
    %eq3A_516 = arith.constant 1 : i32
    %eq3A_517 = vector.broadcast %eq3A_516 : i32 to vector<16xi32>
    %eq3A_518 = arith.cmpi eq, %iota3A, %eq3A_517 : vector<16xi32>
    %jit3A_519 = arith.constant 0 : i32
    %broadcast_in_dim3A_520 = vector.broadcast %jit3A_519 : i32 to vector<16xi32>
    %select_n3A_521 = arith.select %eq3A_518, %get3A_504, %broadcast_in_dim3A_520 : vector<16xi1>, vector<16xi32>
    %reduce_sum3A_522 = arith.constant true
    %reduce_sum3A_523 = vector.broadcast %reduce_sum3A_522 : i1 to vector<16xi1>
    %reduce_sum3A_524 = tpu.scan <sum>, %select_n3A_521 masked %reduce_sum3A_523 : vector<16xi32>, vector<16xi1> -> vector<16xi32>
    %reduce_sum3A_525 = vector.extract %reduce_sum3A_524[15] : i32 from vector<16xi32>
    %broadcast_in_dim3A_526 = arith.constant 13 : i32
    %broadcast_in_dim3A_527 = vector.broadcast %broadcast_in_dim3A_526 : i32 to vector<16xi32>
    %gather3A_528 = tpu.vector_load_idx %arg7[%broadcast_in_dim3A_527, %add3A_13] : memref<16x48xi32, #tpu.memory_space<vmem>>[vector<16xi32>, vector<16xi32>], vector<16xi32>,
    %eq3A_529 = arith.constant 0 : i32
    %eq3A_530 = vector.broadcast %eq3A_529 : i32 to vector<16xi32>
    %eq3A_531 = arith.cmpi eq, %iota3A, %eq3A_530 : vector<16xi32>
    %jit3A_532 = arith.constant 0 : i32
    %broadcast_in_dim3A_533 = vector.broadcast %jit3A_532 : i32 to vector<16xi32>
    %select_n3A_534 = arith.select %eq3A_531, %gather3A_528, %broadcast_in_dim3A_533 : vector<16xi1>, vector<16xi32>
    %reduce_sum3A_535 = arith.constant true
    %reduce_sum3A_536 = vector.broadcast %reduce_sum3A_535 : i1 to vector<16xi1>
    %reduce_sum3A_537 = tpu.scan <sum>, %select_n3A_534 masked %reduce_sum3A_536 : vector<16xi32>, vector<16xi1> -> vector<16xi32>
    %reduce_sum3A_538 = vector.extract %reduce_sum3A_537[15] : i32 from vector<16xi32>
    %get3A_539 = arith.constant 14 : i32
    %get3A_540 = arith.index_cast %get3A_539 : i32 to index
    %get3A_541 = arith.constant 0 : index
    %get3A_542 = tpu.vector_load %arg7[%get3A_540, %get3A_541] {strides = array<i32>} : memref<16x48xi32, #tpu.memory_space<vmem>>, vector<16xi32>,
    %bitcast_convert_type3A_543 = tpu.bitcast %get3A_542 : vector<16xi32> -> vector<16xi32>
    %eq3A_544 = arith.constant 0 : i32
    %eq3A_545 = vector.broadcast %eq3A_544 : i32 to vector<16xi32>
    %eq3A_546 = arith.cmpi eq, %iota3A, %eq3A_545 : vector<16xi32>
    %jit3A_547 = arith.constant 0 : i32
    %broadcast_in_dim3A_548 = vector.broadcast %jit3A_547 : i32 to vector<16xi32>
    %select_n3A_549 = arith.select %eq3A_546, %bitcast_convert_type3A_543, %broadcast_in_dim3A_548 : vector<16xi1>, vector<16xi32>
    %reduce_sum3A_550 = arith.constant true
    %reduce_sum3A_551 = vector.broadcast %reduce_sum3A_550 : i1 to vector<16xi1>
    %reduce_sum3A_552 = tpu.scan <sum>, %select_n3A_549 masked %reduce_sum3A_551 : vector<16xi32>, vector<16xi1> -> vector<16xi32>
    %reduce_sum3A_553 = vector.extract %reduce_sum3A_552[15] : i32 from vector<16xi32>
    %eq3A_554 = arith.constant 1 : i32
    %eq3A_555 = vector.broadcast %eq3A_554 : i32 to vector<16xi32>
    %eq3A_556 = arith.cmpi eq, %iota3A, %eq3A_555 : vector<16xi32>
    %jit3A_557 = arith.constant 0 : i32
    %broadcast_in_dim3A_558 = vector.broadcast %jit3A_557 : i32 to vector<16xi32>
    %select_n3A_559 = arith.select %eq3A_556, %get3A_542, %broadcast_in_dim3A_558 : vector<16xi1>, vector<16xi32>
    %reduce_sum3A_560 = arith.constant true
    %reduce_sum3A_561 = vector.broadcast %reduce_sum3A_560 : i1 to vector<16xi1>
    %reduce_sum3A_562 = tpu.scan <sum>, %select_n3A_559 masked %reduce_sum3A_561 : vector<16xi32>, vector<16xi1> -> vector<16xi32>
    %reduce_sum3A_563 = vector.extract %reduce_sum3A_562[15] : i32 from vector<16xi32>
    %broadcast_in_dim3A_564 = arith.constant 14 : i32
    %broadcast_in_dim3A_565 = vector.broadcast %broadcast_in_dim3A_564 : i32 to vector<16xi32>
    %gather3A_566 = tpu.vector_load_idx %arg7[%broadcast_in_dim3A_565, %add3A_13] : memref<16x48xi32, #tpu.memory_space<vmem>>[vector<16xi32>, vector<16xi32>], vector<16xi32>,
    %eq3A_567 = arith.constant 0 : i32
    %eq3A_568 = vector.broadcast %eq3A_567 : i32 to vector<16xi32>
    %eq3A_569 = arith.cmpi eq, %iota3A, %eq3A_568 : vector<16xi32>
    %jit3A_570 = arith.constant 0 : i32
    %broadcast_in_dim3A_571 = vector.broadcast %jit3A_570 : i32 to vector<16xi32>
    %select_n3A_572 = arith.select %eq3A_569, %gather3A_566, %broadcast_in_dim3A_571 : vector<16xi1>, vector<16xi32>
    %reduce_sum3A_573 = arith.constant true
    %reduce_sum3A_574 = vector.broadcast %reduce_sum3A_573 : i1 to vector<16xi1>
    %reduce_sum3A_575 = tpu.scan <sum>, %select_n3A_572 masked %reduce_sum3A_574 : vector<16xi32>, vector<16xi1> -> vector<16xi32>
    %reduce_sum3A_576 = vector.extract %reduce_sum3A_575[15] : i32 from vector<16xi32>
    %get3A_577 = arith.constant 15 : i32
    %get3A_578 = arith.index_cast %get3A_577 : i32 to index
    %get3A_579 = arith.constant 0 : index
    %get3A_580 = tpu.vector_load %arg7[%get3A_578, %get3A_579] {strides = array<i32>} : memref<16x48xi32, #tpu.memory_space<vmem>>, vector<16xi32>,
    %bitcast_convert_type3A_581 = tpu.bitcast %get3A_580 : vector<16xi32> -> vector<16xi32>
    %eq3A_582 = arith.constant 0 : i32
    %eq3A_583 = vector.broadcast %eq3A_582 : i32 to vector<16xi32>
    %eq3A_584 = arith.cmpi eq, %iota3A, %eq3A_583 : vector<16xi32>
    %jit3A_585 = arith.constant 0 : i32
    %broadcast_in_dim3A_586 = vector.broadcast %jit3A_585 : i32 to vector<16xi32>
    %select_n3A_587 = arith.select %eq3A_584, %bitcast_convert_type3A_581, %broadcast_in_dim3A_586 : vector<16xi1>, vector<16xi32>
    %reduce_sum3A_588 = arith.constant true
    %reduce_sum3A_589 = vector.broadcast %reduce_sum3A_588 : i1 to vector<16xi1>
    %reduce_sum3A_590 = tpu.scan <sum>, %select_n3A_587 masked %reduce_sum3A_589 : vector<16xi32>, vector<16xi1> -> vector<16xi32>
    %reduce_sum3A_591 = vector.extract %reduce_sum3A_590[15] : i32 from vector<16xi32>
    %eq3A_592 = arith.constant 1 : i32
    %eq3A_593 = vector.broadcast %eq3A_592 : i32 to vector<16xi32>
    %eq3A_594 = arith.cmpi eq, %iota3A, %eq3A_593 : vector<16xi32>
    %jit3A_595 = arith.constant 0 : i32
    %broadcast_in_dim3A_596 = vector.broadcast %jit3A_595 : i32 to vector<16xi32>
    %select_n3A_597 = arith.select %eq3A_594, %get3A_580, %broadcast_in_dim3A_596 : vector<16xi1>, vector<16xi32>
    %reduce_sum3A_598 = arith.constant true
    %reduce_sum3A_599 = vector.broadcast %reduce_sum3A_598 : i1 to vector<16xi1>
    %reduce_sum3A_600 = tpu.scan <sum>, %select_n3A_597 masked %reduce_sum3A_599 : vector<16xi32>, vector<16xi1> -> vector<16xi32>
    %reduce_sum3A_601 = vector.extract %reduce_sum3A_600[15] : i32 from vector<16xi32>
    %broadcast_in_dim3A_602 = arith.constant 15 : i32
    %broadcast_in_dim3A_603 = vector.broadcast %broadcast_in_dim3A_602 : i32 to vector<16xi32>
    %gather3A_604 = tpu.vector_load_idx %arg7[%broadcast_in_dim3A_603, %add3A_13] : memref<16x48xi32, #tpu.memory_space<vmem>>[vector<16xi32>, vector<16xi32>], vector<16xi32>,
    %eq3A_605 = arith.constant 0 : i32
    %eq3A_606 = vector.broadcast %eq3A_605 : i32 to vector<16xi32>
    %eq3A_607 = arith.cmpi eq, %iota3A, %eq3A_606 : vector<16xi32>
    %jit3A_608 = arith.constant 0 : i32
    %broadcast_in_dim3A_609 = vector.broadcast %jit3A_608 : i32 to vector<16xi32>
    %select_n3A_610 = arith.select %eq3A_607, %gather3A_604, %broadcast_in_dim3A_609 : vector<16xi1>, vector<16xi32>
    %reduce_sum3A_611 = arith.constant true
    %reduce_sum3A_612 = vector.broadcast %reduce_sum3A_611 : i1 to vector<16xi1>
    %reduce_sum3A_613 = tpu.scan <sum>, %select_n3A_610 masked %reduce_sum3A_612 : vector<16xi32>, vector<16xi1> -> vector<16xi32>
    %reduce_sum3A_614 = vector.extract %reduce_sum3A_613[15] : i32 from vector<16xi32>
    %broadcast_in_dim3A_615 = arith.constant 0xFF800000 : f32
    %broadcast_in_dim3A_616 = vector.broadcast %broadcast_in_dim3A_615 : f32 to vector<16xf32>
    %scan3A = arith.constant 0 : i32
    %scan3A_617 = arith.constant 0 : i32
    %scan3A_618 = arith.constant 0 : i32
    %scan3A_619 = arith.constant 0 : i32
    %scan3A_620 = arith.constant 0 : i32
    %scan3A_621 = arith.constant 0 : i32
    %scan3A_622 = arith.constant 0 : i32
    %scan3A_623 = arith.constant 0 : i32
    %scan3A_624 = arith.constant 0 : i32
    %scan3A_625 = arith.constant 0 : i32
    %scan3A_626 = arith.constant 0 : i32
    %scan3A_627 = arith.constant 0 : i32
    %scan3A_628 = arith.constant 0 : i32
    %scan3A_629 = arith.constant 0 : i32
    %scan3A_630 = arith.constant 0 : i32
    %scan3A_631 = arith.constant 0 : i32
    %scan3A_632 = arith.constant 0 : i32
    %scan3A_633 = arith.constant 16 : i32
    %scan3A_634 = arith.addi %scan3A_632, %scan3A_633 : i32
    %scan3A_635 = arith.constant 1 : i32
    %scan3A_636:16 = scf.for %scan3A_638 = %scan3A_632 to %scan3A_634 step %scan3A_635 iter_args(%scan3A_639 = %scan3A, %scan3A_640 = %scan3A_617, %scan3A_641 = %scan3A_618, %scan3A_642 = %scan3A_619, %scan3A_643 = %scan3A_620, %scan3A_644 = %scan3A_621, %scan3A_645 = %scan3A_622, %scan3A_646 = %scan3A_623, %scan3A_647 = %scan3A_624, %scan3A_648 = %scan3A_625, %scan3A_649 = %scan3A_626, %scan3A_650 = %scan3A_627, %scan3A_651 = %scan3A_628, %scan3A_652 = %scan3A_629, %scan3A_653 = %scan3A_630, %scan3A_654 = %scan3A_631) -> (i32, i32, i32, i32, i32, i32, i32, i32, i32, i32, i32, i32, i32, i32, i32, i32)  : i32 {
      %mul3A_655 = arith.constant 16 : i32
      %mul3A_656 = arith.muli %scan3A_638, %mul3A_655 : i32
      %get3A_657 = arith.constant 0 : i32
      %get3A_658 = arith.index_cast %get3A_657 : i32 to index
      %get3A_659 = arith.index_cast %mul3A_656 : i32 to index
      %get3A_660 = tpu.vector_load %arg6[%get3A_658, %get3A_659] {strides = array<i32>} : memref<16x256xf32, #tpu.memory_space<vmem>>, vector<16xf32>,
      %mul3A_661 = arith.constant 16 : i32
      %mul3A_662 = arith.muli %scan3A_638, %mul3A_661 : i32
      %get3A_663 = arith.constant 1 : i32
      %get3A_664 = arith.index_cast %get3A_663 : i32 to index
      %get3A_665 = arith.index_cast %mul3A_662 : i32 to index
      %get3A_666 = tpu.vector_load %arg6[%get3A_664, %get3A_665] {strides = array<i32>} : memref<16x256xf32, #tpu.memory_space<vmem>>, vector<16xf32>,
      %mul3A_667 = arith.constant 16 : i32
      %mul3A_668 = arith.muli %scan3A_638, %mul3A_667 : i32
      %get3A_669 = arith.constant 2 : i32
      %get3A_670 = arith.index_cast %get3A_669 : i32 to index
      %get3A_671 = arith.index_cast %mul3A_668 : i32 to index
      %get3A_672 = tpu.vector_load %arg6[%get3A_670, %get3A_671] {strides = array<i32>} : memref<16x256xf32, #tpu.memory_space<vmem>>, vector<16xf32>,
      %mul3A_673 = arith.constant 16 : i32
      %mul3A_674 = arith.muli %scan3A_638, %mul3A_673 : i32
      %get3A_675 = arith.constant 3 : i32
      %get3A_676 = arith.index_cast %get3A_675 : i32 to index
      %get3A_677 = arith.index_cast %mul3A_674 : i32 to index
      %get3A_678 = tpu.vector_load %arg6[%get3A_676, %get3A_677] {strides = array<i32>} : memref<16x256xf32, #tpu.memory_space<vmem>>, vector<16xf32>,
      %mul3A_679 = arith.constant 16 : i32
      %mul3A_680 = arith.muli %scan3A_638, %mul3A_679 : i32
      %get3A_681 = arith.constant 4 : i32
      %get3A_682 = arith.index_cast %get3A_681 : i32 to index
      %get3A_683 = arith.index_cast %mul3A_680 : i32 to index
      %get3A_684 = tpu.vector_load %arg6[%get3A_682, %get3A_683] {strides = array<i32>} : memref<16x256xf32, #tpu.memory_space<vmem>>, vector<16xf32>,
      %mul3A_685 = arith.constant 16 : i32
      %mul3A_686 = arith.muli %scan3A_638, %mul3A_685 : i32
      %get3A_687 = arith.constant 5 : i32
      %get3A_688 = arith.index_cast %get3A_687 : i32 to index
      %get3A_689 = arith.index_cast %mul3A_686 : i32 to index
      %get3A_690 = tpu.vector_load %arg6[%get3A_688, %get3A_689] {strides = array<i32>} : memref<16x256xf32, #tpu.memory_space<vmem>>, vector<16xf32>,
      %mul3A_691 = arith.constant 16 : i32
      %mul3A_692 = arith.muli %scan3A_638, %mul3A_691 : i32
      %get3A_693 = arith.constant 6 : i32
      %get3A_694 = arith.index_cast %get3A_693 : i32 to index
      %get3A_695 = arith.index_cast %mul3A_692 : i32 to index
      %get3A_696 = tpu.vector_load %arg6[%get3A_694, %get3A_695] {strides = array<i32>} : memref<16x256xf32, #tpu.memory_space<vmem>>, vector<16xf32>,
      %mul3A_697 = arith.constant 16 : i32
      %mul3A_698 = arith.muli %scan3A_638, %mul3A_697 : i32
      %get3A_699 = arith.constant 7 : i32
      %get3A_700 = arith.index_cast %get3A_699 : i32 to index
      %get3A_701 = arith.index_cast %mul3A_698 : i32 to index
      %get3A_702 = tpu.vector_load %arg6[%get3A_700, %get3A_701] {strides = array<i32>} : memref<16x256xf32, #tpu.memory_space<vmem>>, vector<16xf32>,
      %mul3A_703 = arith.constant 16 : i32
      %mul3A_704 = arith.muli %scan3A_638, %mul3A_703 : i32
      %get3A_705 = arith.constant 8 : i32
      %get3A_706 = arith.index_cast %get3A_705 : i32 to index
      %get3A_707 = arith.index_cast %mul3A_704 : i32 to index
      %get3A_708 = tpu.vector_load %arg6[%get3A_706, %get3A_707] {strides = array<i32>} : memref<16x256xf32, #tpu.memory_space<vmem>>, vector<16xf32>,
      %mul3A_709 = arith.constant 16 : i32
      %mul3A_710 = arith.muli %scan3A_638, %mul3A_709 : i32
      %get3A_711 = arith.constant 9 : i32
      %get3A_712 = arith.index_cast %get3A_711 : i32 to index
      %get3A_713 = arith.index_cast %mul3A_710 : i32 to index
      %get3A_714 = tpu.vector_load %arg6[%get3A_712, %get3A_713] {strides = array<i32>} : memref<16x256xf32, #tpu.memory_space<vmem>>, vector<16xf32>,
      %mul3A_715 = arith.constant 16 : i32
      %mul3A_716 = arith.muli %scan3A_638, %mul3A_715 : i32
      %get3A_717 = arith.constant 10 : i32
      %get3A_718 = arith.index_cast %get3A_717 : i32 to index
      %get3A_719 = arith.index_cast %mul3A_716 : i32 to index
      %get3A_720 = tpu.vector_load %arg6[%get3A_718, %get3A_719] {strides = array<i32>} : memref<16x256xf32, #tpu.memory_space<vmem>>, vector<16xf32>,
      %mul3A_721 = arith.constant 16 : i32
      %mul3A_722 = arith.muli %scan3A_638, %mul3A_721 : i32
      %get3A_723 = arith.constant 11 : i32
      %get3A_724 = arith.index_cast %get3A_723 : i32 to index
      %get3A_725 = arith.index_cast %mul3A_722 : i32 to index
      %get3A_726 = tpu.vector_load %arg6[%get3A_724, %get3A_725] {strides = array<i32>} : memref<16x256xf32, #tpu.memory_space<vmem>>, vector<16xf32>,
      %mul3A_727 = arith.constant 16 : i32
      %mul3A_728 = arith.muli %scan3A_638, %mul3A_727 : i32
      %get3A_729 = arith.constant 12 : i32
      %get3A_730 = arith.index_cast %get3A_729 : i32 to index
      %get3A_731 = arith.index_cast %mul3A_728 : i32 to index
      %get3A_732 = tpu.vector_load %arg6[%get3A_730, %get3A_731] {strides = array<i32>} : memref<16x256xf32, #tpu.memory_space<vmem>>, vector<16xf32>,
      %mul3A_733 = arith.constant 16 : i32
      %mul3A_734 = arith.muli %scan3A_638, %mul3A_733 : i32
      %get3A_735 = arith.constant 13 : i32
      %get3A_736 = arith.index_cast %get3A_735 : i32 to index
      %get3A_737 = arith.index_cast %mul3A_734 : i32 to index
      %get3A_738 = tpu.vector_load %arg6[%get3A_736, %get3A_737] {strides = array<i32>} : memref<16x256xf32, #tpu.memory_space<vmem>>, vector<16xf32>,
      %mul3A_739 = arith.constant 16 : i32
      %mul3A_740 = arith.muli %scan3A_638, %mul3A_739 : i32
      %get3A_741 = arith.constant 14 : i32
      %get3A_742 = arith.index_cast %get3A_741 : i32 to index
      %get3A_743 = arith.index_cast %mul3A_740 : i32 to index
      %get3A_744 = tpu.vector_load %arg6[%get3A_742, %get3A_743] {strides = array<i32>} : memref<16x256xf32, #tpu.memory_space<vmem>>, vector<16xf32>,
      %mul3A_745 = arith.constant 16 : i32
      %mul3A_746 = arith.muli %scan3A_638, %mul3A_745 : i32
      %get3A_747 = arith.constant 15 : i32
      %get3A_748 = arith.index_cast %get3A_747 : i32 to index
      %get3A_749 = arith.index_cast %mul3A_746 : i32 to index
      %get3A_750 = tpu.vector_load %arg6[%get3A_748, %get3A_749] {strides = array<i32>} : memref<16x256xf32, #tpu.memory_space<vmem>>, vector<16xf32>,
      %max3A = arith.maximumf %broadcast_in_dim3A_616, %get3A_660 : vector<16xf32>
      %max3A_751 = arith.maximumf %max3A, %get3A_666 : vector<16xf32>
      %max3A_752 = arith.maximumf %max3A_751, %get3A_672 : vector<16xf32>
      %max3A_753 = arith.maximumf %max3A_752, %get3A_678 : vector<16xf32>
      %max3A_754 = arith.maximumf %max3A_753, %get3A_684 : vector<16xf32>
      %max3A_755 = arith.maximumf %max3A_754, %get3A_690 : vector<16xf32>
      %max3A_756 = arith.maximumf %max3A_755, %get3A_696 : vector<16xf32>
      %max3A_757 = arith.maximumf %max3A_756, %get3A_702 : vector<16xf32>
      %max3A_758 = arith.maximumf %max3A_757, %get3A_708 : vector<16xf32>
      %max3A_759 = arith.maximumf %max3A_758, %get3A_714 : vector<16xf32>
      %max3A_760 = arith.maximumf %max3A_759, %get3A_720 : vector<16xf32>
      %max3A_761 = arith.maximumf %max3A_760, %get3A_726 : vector<16xf32>
      %max3A_762 = arith.maximumf %max3A_761, %get3A_732 : vector<16xf32>
      %max3A_763 = arith.maximumf %max3A_762, %get3A_738 : vector<16xf32>
      %max3A_764 = arith.maximumf %max3A_763, %get3A_744 : vector<16xf32>
      %max3A_765 = arith.maximumf %max3A_764, %get3A_750 : vector<16xf32>
      %broadcast_in_dim3A_766 = arith.constant 0.000000e+00 : f32
      %broadcast_in_dim3A_767 = vector.broadcast %broadcast_in_dim3A_766 : f32 to vector<16xf32>
      %sub3A = arith.subf %get3A_660, %max3A_765 : vector<16xf32>
      %exp3A = math.exp %sub3A : vector<16xf32>
      %add3A_768 = arith.addf %broadcast_in_dim3A_767, %exp3A : vector<16xf32>
      %sub3A_769 = arith.subf %get3A_666, %max3A_765 : vector<16xf32>
      %exp3A_770 = math.exp %sub3A_769 : vector<16xf32>
      %add3A_771 = arith.addf %add3A_768, %exp3A_770 : vector<16xf32>
      %sub3A_772 = arith.subf %get3A_672, %max3A_765 : vector<16xf32>
      %exp3A_773 = math.exp %sub3A_772 : vector<16xf32>
      %add3A_774 = arith.addf %add3A_771, %exp3A_773 : vector<16xf32>
      %sub3A_775 = arith.subf %get3A_678, %max3A_765 : vector<16xf32>
      %exp3A_776 = math.exp %sub3A_775 : vector<16xf32>
      %add3A_777 = arith.addf %add3A_774, %exp3A_776 : vector<16xf32>
      %sub3A_778 = arith.subf %get3A_684, %max3A_765 : vector<16xf32>
      %exp3A_779 = math.exp %sub3A_778 : vector<16xf32>
      %add3A_780 = arith.addf %add3A_777, %exp3A_779 : vector<16xf32>
      %sub3A_781 = arith.subf %get3A_690, %max3A_765 : vector<16xf32>
      %exp3A_782 = math.exp %sub3A_781 : vector<16xf32>
      %add3A_783 = arith.addf %add3A_780, %exp3A_782 : vector<16xf32>
      %sub3A_784 = arith.subf %get3A_696, %max3A_765 : vector<16xf32>
      %exp3A_785 = math.exp %sub3A_784 : vector<16xf32>
      %add3A_786 = arith.addf %add3A_783, %exp3A_785 : vector<16xf32>
      %sub3A_787 = arith.subf %get3A_702, %max3A_765 : vector<16xf32>
      %exp3A_788 = math.exp %sub3A_787 : vector<16xf32>
      %add3A_789 = arith.addf %add3A_786, %exp3A_788 : vector<16xf32>
      %sub3A_790 = arith.subf %get3A_708, %max3A_765 : vector<16xf32>
      %exp3A_791 = math.exp %sub3A_790 : vector<16xf32>
      %add3A_792 = arith.addf %add3A_789, %exp3A_791 : vector<16xf32>
      %sub3A_793 = arith.subf %get3A_714, %max3A_765 : vector<16xf32>
      %exp3A_794 = math.exp %sub3A_793 : vector<16xf32>
      %add3A_795 = arith.addf %add3A_792, %exp3A_794 : vector<16xf32>
      %sub3A_796 = arith.subf %get3A_720, %max3A_765 : vector<16xf32>
      %exp3A_797 = math.exp %sub3A_796 : vector<16xf32>
      %add3A_798 = arith.addf %add3A_795, %exp3A_797 : vector<16xf32>
      %sub3A_799 = arith.subf %get3A_726, %max3A_765 : vector<16xf32>
      %exp3A_800 = math.exp %sub3A_799 : vector<16xf32>
      %add3A_801 = arith.addf %add3A_798, %exp3A_800 : vector<16xf32>
      %sub3A_802 = arith.subf %get3A_732, %max3A_765 : vector<16xf32>
      %exp3A_803 = math.exp %sub3A_802 : vector<16xf32>
      %add3A_804 = arith.addf %add3A_801, %exp3A_803 : vector<16xf32>
      %sub3A_805 = arith.subf %get3A_738, %max3A_765 : vector<16xf32>
      %exp3A_806 = math.exp %sub3A_805 : vector<16xf32>
      %add3A_807 = arith.addf %add3A_804, %exp3A_806 : vector<16xf32>
      %sub3A_808 = arith.subf %get3A_744, %max3A_765 : vector<16xf32>
      %exp3A_809 = math.exp %sub3A_808 : vector<16xf32>
      %add3A_810 = arith.addf %add3A_807, %exp3A_809 : vector<16xf32>
      %sub3A_811 = arith.subf %get3A_750, %max3A_765 : vector<16xf32>
      %exp3A_812 = math.exp %sub3A_811 : vector<16xf32>
      %add3A_813 = arith.addf %add3A_810, %exp3A_812 : vector<16xf32>
      %broadcast_in_dim3A_814 = arith.constant -1 : i32
      %broadcast_in_dim3A_815 = vector.broadcast %broadcast_in_dim3A_814 : i32 to vector<16xi32>
      %broadcast_in_dim3A_816 = arith.constant 0.000000e+00 : f32
      %broadcast_in_dim3A_817 = vector.broadcast %broadcast_in_dim3A_816 : f32 to vector<16xf32>
      %bitcast_convert_type3A_818 = tpu.bitcast %get3A_660 : vector<16xf32> -> vector<16xi32>
      %shift_right_logical3A = arith.constant 31 : i32
      %shift_right_logical3A_819 = vector.broadcast %shift_right_logical3A : i32 to vector<16xi32>
      %shift_right_logical3A_820 = arith.shrui %bitcast_convert_type3A_818, %shift_right_logical3A_819 : vector<16xi32>
      %eq3A_821 = arith.constant 0 : i32
      %eq3A_822 = vector.broadcast %eq3A_821 : i32 to vector<16xi32>
      %eq3A_823 = arith.cmpi eq, %shift_right_logical3A_820, %eq3A_822 : vector<16xi32>
      %or3A = arith.constant -2147483648 : i32
      %or3A_824 = vector.broadcast %or3A : i32 to vector<16xi32>
      %or3A_825 = arith.ori %bitcast_convert_type3A_818, %or3A_824 : vector<16xi32>
      %not3A = arith.constant dense<-1> : vector<16xi32>
      %not3A_826 = arith.xori %bitcast_convert_type3A_818, %not3A : vector<16xi32>
      %select_n3A_827 = arith.select %eq3A_823, %or3A_825, %not3A_826 : vector<16xi1>, vector<16xi32>
      %eq3A_828 = arith.constant 0.000000e+00 : f32
      %eq3A_829 = vector.broadcast %eq3A_828 : f32 to vector<16xf32>
      %eq3A_830 = arith.cmpf oeq, %get3A_660, %eq3A_829 : vector<16xf32>
      %jit3A_831 = arith.constant -2147483648 : i32
      %broadcast_in_dim3A_832 = vector.broadcast %jit3A_831 : i32 to vector<16xi32>
      %select_n3A_833 = arith.select %eq3A_830, %broadcast_in_dim3A_832, %select_n3A_827 : vector<16xi1>, vector<16xi32>
      %eq3A_834 = vector.broadcast %reduce_sum3A_22 : i32 to vector<16xi32>
      %eq3A_835 = arith.cmpi eq, %select_n3A_833, %eq3A_834 : vector<16xi32>
      %convert_element_type3A = arith.extui %eq3A_835 : vector<16xi1> to vector<16xi32>
      %broadcast_in_dim3A_836 = arith.constant true
      %broadcast_in_dim3A_837 = vector.broadcast %broadcast_in_dim3A_836 : i1 to vector<16xi1>
      %masked_cumsum3A = tpu.scan <sum>, %convert_element_type3A masked %broadcast_in_dim3A_837 : vector<16xi32>, vector<16xi1> -> vector<16xi32>
      %gt3A = vector.broadcast %reduce_sum3A_22 : i32 to vector<16xi32>
      %gt3A_838 = arith.cmpi ugt, %select_n3A_833, %gt3A : vector<16xi32>
      %add3A_839 = arith.addi %reduce_sum3A_44, %scan3A_639 : i32
      %add3A_840 = vector.broadcast %add3A_839 : i32 to vector<16xi32>
      %add3A_841 = arith.addi %add3A_840, %masked_cumsum3A : vector<16xi32>
      %le3A = vector.broadcast %reduce_sum3A_32 : i32 to vector<16xi32>
      %le3A_842 = arith.cmpi sle, %add3A_841, %le3A : vector<16xi32>
      %and3A = arith.andi %eq3A_835, %le3A_842 : vector<16xi1>
      %or3A_843 = arith.ori %gt3A_838, %and3A : vector<16xi1>
      %jit3A_844 = arith.constant 0 : i32
      %broadcast_in_dim3A_845 = vector.broadcast %jit3A_844 : i32 to vector<16xi32>
      %select_n3A_846 = arith.select %or3A_843, %broadcast_in_dim3A_845, %broadcast_in_dim3A_815 : vector<16xi1>, vector<16xi32>
      %select_n3A_847 = arith.select %or3A_843, %get3A_660, %broadcast_in_dim3A_817 : vector<16xi1>, vector<16xf32>
      %eq3A_848 = arith.constant 15 : i32
      %eq3A_849 = vector.broadcast %eq3A_848 : i32 to vector<16xi32>
      %eq3A_850 = arith.cmpi eq, %iota3A, %eq3A_849 : vector<16xi32>
      %jit3A_851 = arith.constant 0 : i32
      %broadcast_in_dim3A_852 = vector.broadcast %jit3A_851 : i32 to vector<16xi32>
      %select_n3A_853 = arith.select %eq3A_850, %masked_cumsum3A, %broadcast_in_dim3A_852 : vector<16xi1>, vector<16xi32>
      %reduce_sum3A_854 = arith.constant true
      %reduce_sum3A_855 = vector.broadcast %reduce_sum3A_854 : i1 to vector<16xi1>
      %reduce_sum3A_856 = tpu.scan <sum>, %select_n3A_853 masked %reduce_sum3A_855 : vector<16xi32>, vector<16xi1> -> vector<16xi32>
      %reduce_sum3A_857 = vector.extract %reduce_sum3A_856[15] : i32 from vector<16xi32>
      %add3A_858 = arith.addi %scan3A_639, %reduce_sum3A_857 : i32
      %bitcast_convert_type3A_859 = tpu.bitcast %get3A_666 : vector<16xf32> -> vector<16xi32>
      %shift_right_logical3A_860 = arith.constant 31 : i32
      %shift_right_logical3A_861 = vector.broadcast %shift_right_logical3A_860 : i32 to vector<16xi32>
      %shift_right_logical3A_862 = arith.shrui %bitcast_convert_type3A_859, %shift_right_logical3A_861 : vector<16xi32>
      %eq3A_863 = arith.constant 0 : i32
      %eq3A_864 = vector.broadcast %eq3A_863 : i32 to vector<16xi32>
      %eq3A_865 = arith.cmpi eq, %shift_right_logical3A_862, %eq3A_864 : vector<16xi32>
      %or3A_866 = arith.constant -2147483648 : i32
      %or3A_867 = vector.broadcast %or3A_866 : i32 to vector<16xi32>
      %or3A_868 = arith.ori %bitcast_convert_type3A_859, %or3A_867 : vector<16xi32>
      %not3A_869 = arith.constant dense<-1> : vector<16xi32>
      %not3A_870 = arith.xori %bitcast_convert_type3A_859, %not3A_869 : vector<16xi32>
      %select_n3A_871 = arith.select %eq3A_865, %or3A_868, %not3A_870 : vector<16xi1>, vector<16xi32>
      %eq3A_872 = arith.constant 0.000000e+00 : f32
      %eq3A_873 = vector.broadcast %eq3A_872 : f32 to vector<16xf32>
      %eq3A_874 = arith.cmpf oeq, %get3A_666, %eq3A_873 : vector<16xf32>
      %jit3A_875 = arith.constant -2147483648 : i32
      %broadcast_in_dim3A_876 = vector.broadcast %jit3A_875 : i32 to vector<16xi32>
      %select_n3A_877 = arith.select %eq3A_874, %broadcast_in_dim3A_876, %select_n3A_871 : vector<16xi1>, vector<16xi32>
      %eq3A_878 = vector.broadcast %reduce_sum3A_59 : i32 to vector<16xi32>
      %eq3A_879 = arith.cmpi eq, %select_n3A_877, %eq3A_878 : vector<16xi32>
      %convert_element_type3A_880 = arith.extui %eq3A_879 : vector<16xi1> to vector<16xi32>
      %broadcast_in_dim3A_881 = arith.constant true
      %broadcast_in_dim3A_882 = vector.broadcast %broadcast_in_dim3A_881 : i1 to vector<16xi1>
      %masked_cumsum3A_883 = tpu.scan <sum>, %convert_element_type3A_880 masked %broadcast_in_dim3A_882 : vector<16xi32>, vector<16xi1> -> vector<16xi32>
      %gt3A_884 = vector.broadcast %reduce_sum3A_59 : i32 to vector<16xi32>
      %gt3A_885 = arith.cmpi ugt, %select_n3A_877, %gt3A_884 : vector<16xi32>
      %add3A_886 = arith.addi %reduce_sum3A_82, %scan3A_640 : i32
      %add3A_887 = vector.broadcast %add3A_886 : i32 to vector<16xi32>
      %add3A_888 = arith.addi %add3A_887, %masked_cumsum3A_883 : vector<16xi32>
      %le3A_889 = vector.broadcast %reduce_sum3A_69 : i32 to vector<16xi32>
      %le3A_890 = arith.cmpi sle, %add3A_888, %le3A_889 : vector<16xi32>
      %and3A_891 = arith.andi %eq3A_879, %le3A_890 : vector<16xi1>
      %or3A_892 = arith.ori %gt3A_885, %and3A_891 : vector<16xi1>
      %jit3A_893 = arith.constant 1 : i32
      %broadcast_in_dim3A_894 = vector.broadcast %jit3A_893 : i32 to vector<16xi32>
      %select_n3A_895 = arith.select %or3A_892, %broadcast_in_dim3A_894, %select_n3A_846 : vector<16xi1>, vector<16xi32>
      %select_n3A_896 = arith.select %or3A_892, %get3A_666, %select_n3A_847 : vector<16xi1>, vector<16xf32>
      %eq3A_897 = arith.constant 15 : i32
      %eq3A_898 = vector.broadcast %eq3A_897 : i32 to vector<16xi32>
      %eq3A_899 = arith.cmpi eq, %iota3A, %eq3A_898 : vector<16xi32>
      %jit3A_900 = arith.constant 0 : i32
      %broadcast_in_dim3A_901 = vector.broadcast %jit3A_900 : i32 to vector<16xi32>
      %select_n3A_902 = arith.select %eq3A_899, %masked_cumsum3A_883, %broadcast_in_dim3A_901 : vector<16xi1>, vector<16xi32>
      %reduce_sum3A_903 = arith.constant true
      %reduce_sum3A_904 = vector.broadcast %reduce_sum3A_903 : i1 to vector<16xi1>
      %reduce_sum3A_905 = tpu.scan <sum>, %select_n3A_902 masked %reduce_sum3A_904 : vector<16xi32>, vector<16xi1> -> vector<16xi32>
      %reduce_sum3A_906 = vector.extract %reduce_sum3A_905[15] : i32 from vector<16xi32>
      %add3A_907 = arith.addi %scan3A_640, %reduce_sum3A_906 : i32
      %bitcast_convert_type3A_908 = tpu.bitcast %get3A_672 : vector<16xf32> -> vector<16xi32>
      %shift_right_logical3A_909 = arith.constant 31 : i32
      %shift_right_logical3A_910 = vector.broadcast %shift_right_logical3A_909 : i32 to vector<16xi32>
      %shift_right_logical3A_911 = arith.shrui %bitcast_convert_type3A_908, %shift_right_logical3A_910 : vector<16xi32>
      %eq3A_912 = arith.constant 0 : i32
      %eq3A_913 = vector.broadcast %eq3A_912 : i32 to vector<16xi32>
      %eq3A_914 = arith.cmpi eq, %shift_right_logical3A_911, %eq3A_913 : vector<16xi32>
      %or3A_915 = arith.constant -2147483648 : i32
      %or3A_916 = vector.broadcast %or3A_915 : i32 to vector<16xi32>
      %or3A_917 = arith.ori %bitcast_convert_type3A_908, %or3A_916 : vector<16xi32>
      %not3A_918 = arith.constant dense<-1> : vector<16xi32>
      %not3A_919 = arith.xori %bitcast_convert_type3A_908, %not3A_918 : vector<16xi32>
      %select_n3A_920 = arith.select %eq3A_914, %or3A_917, %not3A_919 : vector<16xi1>, vector<16xi32>
      %eq3A_921 = arith.constant 0.000000e+00 : f32
      %eq3A_922 = vector.broadcast %eq3A_921 : f32 to vector<16xf32>
      %eq3A_923 = arith.cmpf oeq, %get3A_672, %eq3A_922 : vector<16xf32>
      %jit3A_924 = arith.constant -2147483648 : i32
      %broadcast_in_dim3A_925 = vector.broadcast %jit3A_924 : i32 to vector<16xi32>
      %select_n3A_926 = arith.select %eq3A_923, %broadcast_in_dim3A_925, %select_n3A_920 : vector<16xi1>, vector<16xi32>
      %eq3A_927 = vector.broadcast %reduce_sum3A_97 : i32 to vector<16xi32>
      %eq3A_928 = arith.cmpi eq, %select_n3A_926, %eq3A_927 : vector<16xi32>
      %convert_element_type3A_929 = arith.extui %eq3A_928 : vector<16xi1> to vector<16xi32>
      %broadcast_in_dim3A_930 = arith.constant true
      %broadcast_in_dim3A_931 = vector.broadcast %broadcast_in_dim3A_930 : i1 to vector<16xi1>
      %masked_cumsum3A_932 = tpu.scan <sum>, %convert_element_type3A_929 masked %broadcast_in_dim3A_931 : vector<16xi32>, vector<16xi1> -> vector<16xi32>
      %gt3A_933 = vector.broadcast %reduce_sum3A_97 : i32 to vector<16xi32>
      %gt3A_934 = arith.cmpi ugt, %select_n3A_926, %gt3A_933 : vector<16xi32>
      %add3A_935 = arith.addi %reduce_sum3A_120, %scan3A_641 : i32
      %add3A_936 = vector.broadcast %add3A_935 : i32 to vector<16xi32>
      %add3A_937 = arith.addi %add3A_936, %masked_cumsum3A_932 : vector<16xi32>
      %le3A_938 = vector.broadcast %reduce_sum3A_107 : i32 to vector<16xi32>
      %le3A_939 = arith.cmpi sle, %add3A_937, %le3A_938 : vector<16xi32>
      %and3A_940 = arith.andi %eq3A_928, %le3A_939 : vector<16xi1>
      %or3A_941 = arith.ori %gt3A_934, %and3A_940 : vector<16xi1>
      %jit3A_942 = arith.constant 2 : i32
      %broadcast_in_dim3A_943 = vector.broadcast %jit3A_942 : i32 to vector<16xi32>
      %select_n3A_944 = arith.select %or3A_941, %broadcast_in_dim3A_943, %select_n3A_895 : vector<16xi1>, vector<16xi32>
      %select_n3A_945 = arith.select %or3A_941, %get3A_672, %select_n3A_896 : vector<16xi1>, vector<16xf32>
      %eq3A_946 = arith.constant 15 : i32
      %eq3A_947 = vector.broadcast %eq3A_946 : i32 to vector<16xi32>
      %eq3A_948 = arith.cmpi eq, %iota3A, %eq3A_947 : vector<16xi32>
      %jit3A_949 = arith.constant 0 : i32
      %broadcast_in_dim3A_950 = vector.broadcast %jit3A_949 : i32 to vector<16xi32>
      %select_n3A_951 = arith.select %eq3A_948, %masked_cumsum3A_932, %broadcast_in_dim3A_950 : vector<16xi1>, vector<16xi32>
      %reduce_sum3A_952 = arith.constant true
      %reduce_sum3A_953 = vector.broadcast %reduce_sum3A_952 : i1 to vector<16xi1>
      %reduce_sum3A_954 = tpu.scan <sum>, %select_n3A_951 masked %reduce_sum3A_953 : vector<16xi32>, vector<16xi1> -> vector<16xi32>
      %reduce_sum3A_955 = vector.extract %reduce_sum3A_954[15] : i32 from vector<16xi32>
      %add3A_956 = arith.addi %scan3A_641, %reduce_sum3A_955 : i32
      %bitcast_convert_type3A_957 = tpu.bitcast %get3A_678 : vector<16xf32> -> vector<16xi32>
      %shift_right_logical3A_958 = arith.constant 31 : i32
      %shift_right_logical3A_959 = vector.broadcast %shift_right_logical3A_958 : i32 to vector<16xi32>
      %shift_right_logical3A_960 = arith.shrui %bitcast_convert_type3A_957, %shift_right_logical3A_959 : vector<16xi32>
      %eq3A_961 = arith.constant 0 : i32
      %eq3A_962 = vector.broadcast %eq3A_961 : i32 to vector<16xi32>
      %eq3A_963 = arith.cmpi eq, %shift_right_logical3A_960, %eq3A_962 : vector<16xi32>
      %or3A_964 = arith.constant -2147483648 : i32
      %or3A_965 = vector.broadcast %or3A_964 : i32 to vector<16xi32>
      %or3A_966 = arith.ori %bitcast_convert_type3A_957, %or3A_965 : vector<16xi32>
      %not3A_967 = arith.constant dense<-1> : vector<16xi32>
      %not3A_968 = arith.xori %bitcast_convert_type3A_957, %not3A_967 : vector<16xi32>
      %select_n3A_969 = arith.select %eq3A_963, %or3A_966, %not3A_968 : vector<16xi1>, vector<16xi32>
      %eq3A_970 = arith.constant 0.000000e+00 : f32
      %eq3A_971 = vector.broadcast %eq3A_970 : f32 to vector<16xf32>
      %eq3A_972 = arith.cmpf oeq, %get3A_678, %eq3A_971 : vector<16xf32>
      %jit3A_973 = arith.constant -2147483648 : i32
      %broadcast_in_dim3A_974 = vector.broadcast %jit3A_973 : i32 to vector<16xi32>
      %select_n3A_975 = arith.select %eq3A_972, %broadcast_in_dim3A_974, %select_n3A_969 : vector<16xi1>, vector<16xi32>
      %eq3A_976 = vector.broadcast %reduce_sum3A_135 : i32 to vector<16xi32>
      %eq3A_977 = arith.cmpi eq, %select_n3A_975, %eq3A_976 : vector<16xi32>
      %convert_element_type3A_978 = arith.extui %eq3A_977 : vector<16xi1> to vector<16xi32>
      %broadcast_in_dim3A_979 = arith.constant true
      %broadcast_in_dim3A_980 = vector.broadcast %broadcast_in_dim3A_979 : i1 to vector<16xi1>
      %masked_cumsum3A_981 = tpu.scan <sum>, %convert_element_type3A_978 masked %broadcast_in_dim3A_980 : vector<16xi32>, vector<16xi1> -> vector<16xi32>
      %gt3A_982 = vector.broadcast %reduce_sum3A_135 : i32 to vector<16xi32>
      %gt3A_983 = arith.cmpi ugt, %select_n3A_975, %gt3A_982 : vector<16xi32>
      %add3A_984 = arith.addi %reduce_sum3A_158, %scan3A_642 : i32
      %add3A_985 = vector.broadcast %add3A_984 : i32 to vector<16xi32>
      %add3A_986 = arith.addi %add3A_985, %masked_cumsum3A_981 : vector<16xi32>
      %le3A_987 = vector.broadcast %reduce_sum3A_145 : i32 to vector<16xi32>
      %le3A_988 = arith.cmpi sle, %add3A_986, %le3A_987 : vector<16xi32>
      %and3A_989 = arith.andi %eq3A_977, %le3A_988 : vector<16xi1>
      %or3A_990 = arith.ori %gt3A_983, %and3A_989 : vector<16xi1>
      %jit3A_991 = arith.constant 3 : i32
      %broadcast_in_dim3A_992 = vector.broadcast %jit3A_991 : i32 to vector<16xi32>
      %select_n3A_993 = arith.select %or3A_990, %broadcast_in_dim3A_992, %select_n3A_944 : vector<16xi1>, vector<16xi32>
      %select_n3A_994 = arith.select %or3A_990, %get3A_678, %select_n3A_945 : vector<16xi1>, vector<16xf32>
      %eq3A_995 = arith.constant 15 : i32
      %eq3A_996 = vector.broadcast %eq3A_995 : i32 to vector<16xi32>
      %eq3A_997 = arith.cmpi eq, %iota3A, %eq3A_996 : vector<16xi32>
      %jit3A_998 = arith.constant 0 : i32
      %broadcast_in_dim3A_999 = vector.broadcast %jit3A_998 : i32 to vector<16xi32>
      %select_n3A_1000 = arith.select %eq3A_997, %masked_cumsum3A_981, %broadcast_in_dim3A_999 : vector<16xi1>, vector<16xi32>
      %reduce_sum3A_1001 = arith.constant true
      %reduce_sum3A_1002 = vector.broadcast %reduce_sum3A_1001 : i1 to vector<16xi1>
      %reduce_sum3A_1003 = tpu.scan <sum>, %select_n3A_1000 masked %reduce_sum3A_1002 : vector<16xi32>, vector<16xi1> -> vector<16xi32>
      %reduce_sum3A_1004 = vector.extract %reduce_sum3A_1003[15] : i32 from vector<16xi32>
      %add3A_1005 = arith.addi %scan3A_642, %reduce_sum3A_1004 : i32
      %bitcast_convert_type3A_1006 = tpu.bitcast %get3A_684 : vector<16xf32> -> vector<16xi32>
      %shift_right_logical3A_1007 = arith.constant 31 : i32
      %shift_right_logical3A_1008 = vector.broadcast %shift_right_logical3A_1007 : i32 to vector<16xi32>
      %shift_right_logical3A_1009 = arith.shrui %bitcast_convert_type3A_1006, %shift_right_logical3A_1008 : vector<16xi32>
      %eq3A_1010 = arith.constant 0 : i32
      %eq3A_1011 = vector.broadcast %eq3A_1010 : i32 to vector<16xi32>
      %eq3A_1012 = arith.cmpi eq, %shift_right_logical3A_1009, %eq3A_1011 : vector<16xi32>
      %or3A_1013 = arith.constant -2147483648 : i32
      %or3A_1014 = vector.broadcast %or3A_1013 : i32 to vector<16xi32>
      %or3A_1015 = arith.ori %bitcast_convert_type3A_1006, %or3A_1014 : vector<16xi32>
      %not3A_1016 = arith.constant dense<-1> : vector<16xi32>
      %not3A_1017 = arith.xori %bitcast_convert_type3A_1006, %not3A_1016 : vector<16xi32>
      %select_n3A_1018 = arith.select %eq3A_1012, %or3A_1015, %not3A_1017 : vector<16xi1>, vector<16xi32>
      %eq3A_1019 = arith.constant 0.000000e+00 : f32
      %eq3A_1020 = vector.broadcast %eq3A_1019 : f32 to vector<16xf32>
      %eq3A_1021 = arith.cmpf oeq, %get3A_684, %eq3A_1020 : vector<16xf32>
      %jit3A_1022 = arith.constant -2147483648 : i32
      %broadcast_in_dim3A_1023 = vector.broadcast %jit3A_1022 : i32 to vector<16xi32>
      %select_n3A_1024 = arith.select %eq3A_1021, %broadcast_in_dim3A_1023, %select_n3A_1018 : vector<16xi1>, vector<16xi32>
      %eq3A_1025 = vector.broadcast %reduce_sum3A_173 : i32 to vector<16xi32>
      %eq3A_1026 = arith.cmpi eq, %select_n3A_1024, %eq3A_1025 : vector<16xi32>
      %convert_element_type3A_1027 = arith.extui %eq3A_1026 : vector<16xi1> to vector<16xi32>
      %broadcast_in_dim3A_1028 = arith.constant true
      %broadcast_in_dim3A_1029 = vector.broadcast %broadcast_in_dim3A_1028 : i1 to vector<16xi1>
      %masked_cumsum3A_1030 = tpu.scan <sum>, %convert_element_type3A_1027 masked %broadcast_in_dim3A_1029 : vector<16xi32>, vector<16xi1> -> vector<16xi32>
      %gt3A_1031 = vector.broadcast %reduce_sum3A_173 : i32 to vector<16xi32>
      %gt3A_1032 = arith.cmpi ugt, %select_n3A_1024, %gt3A_1031 : vector<16xi32>
      %add3A_1033 = arith.addi %reduce_sum3A_196, %scan3A_643 : i32
      %add3A_1034 = vector.broadcast %add3A_1033 : i32 to vector<16xi32>
      %add3A_1035 = arith.addi %add3A_1034, %masked_cumsum3A_1030 : vector<16xi32>
      %le3A_1036 = vector.broadcast %reduce_sum3A_183 : i32 to vector<16xi32>
      %le3A_1037 = arith.cmpi sle, %add3A_1035, %le3A_1036 : vector<16xi32>
      %and3A_1038 = arith.andi %eq3A_1026, %le3A_1037 : vector<16xi1>
      %or3A_1039 = arith.ori %gt3A_1032, %and3A_1038 : vector<16xi1>
      %jit3A_1040 = arith.constant 4 : i32
      %broadcast_in_dim3A_1041 = vector.broadcast %jit3A_1040 : i32 to vector<16xi32>
      %select_n3A_1042 = arith.select %or3A_1039, %broadcast_in_dim3A_1041, %select_n3A_993 : vector<16xi1>, vector<16xi32>
      %select_n3A_1043 = arith.select %or3A_1039, %get3A_684, %select_n3A_994 : vector<16xi1>, vector<16xf32>
      %eq3A_1044 = arith.constant 15 : i32
      %eq3A_1045 = vector.broadcast %eq3A_1044 : i32 to vector<16xi32>
      %eq3A_1046 = arith.cmpi eq, %iota3A, %eq3A_1045 : vector<16xi32>
      %jit3A_1047 = arith.constant 0 : i32
      %broadcast_in_dim3A_1048 = vector.broadcast %jit3A_1047 : i32 to vector<16xi32>
      %select_n3A_1049 = arith.select %eq3A_1046, %masked_cumsum3A_1030, %broadcast_in_dim3A_1048 : vector<16xi1>, vector<16xi32>
      %reduce_sum3A_1050 = arith.constant true
      %reduce_sum3A_1051 = vector.broadcast %reduce_sum3A_1050 : i1 to vector<16xi1>
      %reduce_sum3A_1052 = tpu.scan <sum>, %select_n3A_1049 masked %reduce_sum3A_1051 : vector<16xi32>, vector<16xi1> -> vector<16xi32>
      %reduce_sum3A_1053 = vector.extract %reduce_sum3A_1052[15] : i32 from vector<16xi32>
      %add3A_1054 = arith.addi %scan3A_643, %reduce_sum3A_1053 : i32
      %bitcast_convert_type3A_1055 = tpu.bitcast %get3A_690 : vector<16xf32> -> vector<16xi32>
      %shift_right_logical3A_1056 = arith.constant 31 : i32
      %shift_right_logical3A_1057 = vector.broadcast %shift_right_logical3A_1056 : i32 to vector<16xi32>
      %shift_right_logical3A_1058 = arith.shrui %bitcast_convert_type3A_1055, %shift_right_logical3A_1057 : vector<16xi32>
      %eq3A_1059 = arith.constant 0 : i32
      %eq3A_1060 = vector.broadcast %eq3A_1059 : i32 to vector<16xi32>
      %eq3A_1061 = arith.cmpi eq, %shift_right_logical3A_1058, %eq3A_1060 : vector<16xi32>
      %or3A_1062 = arith.constant -2147483648 : i32
      %or3A_1063 = vector.broadcast %or3A_1062 : i32 to vector<16xi32>
      %or3A_1064 = arith.ori %bitcast_convert_type3A_1055, %or3A_1063 : vector<16xi32>
      %not3A_1065 = arith.constant dense<-1> : vector<16xi32>
      %not3A_1066 = arith.xori %bitcast_convert_type3A_1055, %not3A_1065 : vector<16xi32>
      %select_n3A_1067 = arith.select %eq3A_1061, %or3A_1064, %not3A_1066 : vector<16xi1>, vector<16xi32>
      %eq3A_1068 = arith.constant 0.000000e+00 : f32
      %eq3A_1069 = vector.broadcast %eq3A_1068 : f32 to vector<16xf32>
      %eq3A_1070 = arith.cmpf oeq, %get3A_690, %eq3A_1069 : vector<16xf32>
      %jit3A_1071 = arith.constant -2147483648 : i32
      %broadcast_in_dim3A_1072 = vector.broadcast %jit3A_1071 : i32 to vector<16xi32>
      %select_n3A_1073 = arith.select %eq3A_1070, %broadcast_in_dim3A_1072, %select_n3A_1067 : vector<16xi1>, vector<16xi32>
      %eq3A_1074 = vector.broadcast %reduce_sum3A_211 : i32 to vector<16xi32>
      %eq3A_1075 = arith.cmpi eq, %select_n3A_1073, %eq3A_1074 : vector<16xi32>
      %convert_element_type3A_1076 = arith.extui %eq3A_1075 : vector<16xi1> to vector<16xi32>
      %broadcast_in_dim3A_1077 = arith.constant true
      %broadcast_in_dim3A_1078 = vector.broadcast %broadcast_in_dim3A_1077 : i1 to vector<16xi1>
      %masked_cumsum3A_1079 = tpu.scan <sum>, %convert_element_type3A_1076 masked %broadcast_in_dim3A_1078 : vector<16xi32>, vector<16xi1> -> vector<16xi32>
      %gt3A_1080 = vector.broadcast %reduce_sum3A_211 : i32 to vector<16xi32>
      %gt3A_1081 = arith.cmpi ugt, %select_n3A_1073, %gt3A_1080 : vector<16xi32>
      %add3A_1082 = arith.addi %reduce_sum3A_234, %scan3A_644 : i32
      %add3A_1083 = vector.broadcast %add3A_1082 : i32 to vector<16xi32>
      %add3A_1084 = arith.addi %add3A_1083, %masked_cumsum3A_1079 : vector<16xi32>
      %le3A_1085 = vector.broadcast %reduce_sum3A_221 : i32 to vector<16xi32>
      %le3A_1086 = arith.cmpi sle, %add3A_1084, %le3A_1085 : vector<16xi32>
      %and3A_1087 = arith.andi %eq3A_1075, %le3A_1086 : vector<16xi1>
      %or3A_1088 = arith.ori %gt3A_1081, %and3A_1087 : vector<16xi1>
      %jit3A_1089 = arith.constant 5 : i32
      %broadcast_in_dim3A_1090 = vector.broadcast %jit3A_1089 : i32 to vector<16xi32>
      %select_n3A_1091 = arith.select %or3A_1088, %broadcast_in_dim3A_1090, %select_n3A_1042 : vector<16xi1>, vector<16xi32>
      %select_n3A_1092 = arith.select %or3A_1088, %get3A_690, %select_n3A_1043 : vector<16xi1>, vector<16xf32>
      %eq3A_1093 = arith.constant 15 : i32
      %eq3A_1094 = vector.broadcast %eq3A_1093 : i32 to vector<16xi32>
      %eq3A_1095 = arith.cmpi eq, %iota3A, %eq3A_1094 : vector<16xi32>
      %jit3A_1096 = arith.constant 0 : i32
      %broadcast_in_dim3A_1097 = vector.broadcast %jit3A_1096 : i32 to vector<16xi32>
      %select_n3A_1098 = arith.select %eq3A_1095, %masked_cumsum3A_1079, %broadcast_in_dim3A_1097 : vector<16xi1>, vector<16xi32>
      %reduce_sum3A_1099 = arith.constant true
      %reduce_sum3A_1100 = vector.broadcast %reduce_sum3A_1099 : i1 to vector<16xi1>
      %reduce_sum3A_1101 = tpu.scan <sum>, %select_n3A_1098 masked %reduce_sum3A_1100 : vector<16xi32>, vector<16xi1> -> vector<16xi32>
      %reduce_sum3A_1102 = vector.extract %reduce_sum3A_1101[15] : i32 from vector<16xi32>
      %add3A_1103 = arith.addi %scan3A_644, %reduce_sum3A_1102 : i32
      %bitcast_convert_type3A_1104 = tpu.bitcast %get3A_696 : vector<16xf32> -> vector<16xi32>
      %shift_right_logical3A_1105 = arith.constant 31 : i32
      %shift_right_logical3A_1106 = vector.broadcast %shift_right_logical3A_1105 : i32 to vector<16xi32>
      %shift_right_logical3A_1107 = arith.shrui %bitcast_convert_type3A_1104, %shift_right_logical3A_1106 : vector<16xi32>
      %eq3A_1108 = arith.constant 0 : i32
      %eq3A_1109 = vector.broadcast %eq3A_1108 : i32 to vector<16xi32>
      %eq3A_1110 = arith.cmpi eq, %shift_right_logical3A_1107, %eq3A_1109 : vector<16xi32>
      %or3A_1111 = arith.constant -2147483648 : i32
      %or3A_1112 = vector.broadcast %or3A_1111 : i32 to vector<16xi32>
      %or3A_1113 = arith.ori %bitcast_convert_type3A_1104, %or3A_1112 : vector<16xi32>
      %not3A_1114 = arith.constant dense<-1> : vector<16xi32>
      %not3A_1115 = arith.xori %bitcast_convert_type3A_1104, %not3A_1114 : vector<16xi32>
      %select_n3A_1116 = arith.select %eq3A_1110, %or3A_1113, %not3A_1115 : vector<16xi1>, vector<16xi32>
      %eq3A_1117 = arith.constant 0.000000e+00 : f32
      %eq3A_1118 = vector.broadcast %eq3A_1117 : f32 to vector<16xf32>
      %eq3A_1119 = arith.cmpf oeq, %get3A_696, %eq3A_1118 : vector<16xf32>
      %jit3A_1120 = arith.constant -2147483648 : i32
      %broadcast_in_dim3A_1121 = vector.broadcast %jit3A_1120 : i32 to vector<16xi32>
      %select_n3A_1122 = arith.select %eq3A_1119, %broadcast_in_dim3A_1121, %select_n3A_1116 : vector<16xi1>, vector<16xi32>
      %eq3A_1123 = vector.broadcast %reduce_sum3A_249 : i32 to vector<16xi32>
      %eq3A_1124 = arith.cmpi eq, %select_n3A_1122, %eq3A_1123 : vector<16xi32>
      %convert_element_type3A_1125 = arith.extui %eq3A_1124 : vector<16xi1> to vector<16xi32>
      %broadcast_in_dim3A_1126 = arith.constant true
      %broadcast_in_dim3A_1127 = vector.broadcast %broadcast_in_dim3A_1126 : i1 to vector<16xi1>
      %masked_cumsum3A_1128 = tpu.scan <sum>, %convert_element_type3A_1125 masked %broadcast_in_dim3A_1127 : vector<16xi32>, vector<16xi1> -> vector<16xi32>
      %gt3A_1129 = vector.broadcast %reduce_sum3A_249 : i32 to vector<16xi32>
      %gt3A_1130 = arith.cmpi ugt, %select_n3A_1122, %gt3A_1129 : vector<16xi32>
      %add3A_1131 = arith.addi %reduce_sum3A_272, %scan3A_645 : i32
      %add3A_1132 = vector.broadcast %add3A_1131 : i32 to vector<16xi32>
      %add3A_1133 = arith.addi %add3A_1132, %masked_cumsum3A_1128 : vector<16xi32>
      %le3A_1134 = vector.broadcast %reduce_sum3A_259 : i32 to vector<16xi32>
      %le3A_1135 = arith.cmpi sle, %add3A_1133, %le3A_1134 : vector<16xi32>
      %and3A_1136 = arith.andi %eq3A_1124, %le3A_1135 : vector<16xi1>
      %or3A_1137 = arith.ori %gt3A_1130, %and3A_1136 : vector<16xi1>
      %jit3A_1138 = arith.constant 6 : i32
      %broadcast_in_dim3A_1139 = vector.broadcast %jit3A_1138 : i32 to vector<16xi32>
      %select_n3A_1140 = arith.select %or3A_1137, %broadcast_in_dim3A_1139, %select_n3A_1091 : vector<16xi1>, vector<16xi32>
      %select_n3A_1141 = arith.select %or3A_1137, %get3A_696, %select_n3A_1092 : vector<16xi1>, vector<16xf32>
      %eq3A_1142 = arith.constant 15 : i32
      %eq3A_1143 = vector.broadcast %eq3A_1142 : i32 to vector<16xi32>
      %eq3A_1144 = arith.cmpi eq, %iota3A, %eq3A_1143 : vector<16xi32>
      %jit3A_1145 = arith.constant 0 : i32
      %broadcast_in_dim3A_1146 = vector.broadcast %jit3A_1145 : i32 to vector<16xi32>
      %select_n3A_1147 = arith.select %eq3A_1144, %masked_cumsum3A_1128, %broadcast_in_dim3A_1146 : vector<16xi1>, vector<16xi32>
      %reduce_sum3A_1148 = arith.constant true
      %reduce_sum3A_1149 = vector.broadcast %reduce_sum3A_1148 : i1 to vector<16xi1>
      %reduce_sum3A_1150 = tpu.scan <sum>, %select_n3A_1147 masked %reduce_sum3A_1149 : vector<16xi32>, vector<16xi1> -> vector<16xi32>
      %reduce_sum3A_1151 = vector.extract %reduce_sum3A_1150[15] : i32 from vector<16xi32>
      %add3A_1152 = arith.addi %scan3A_645, %reduce_sum3A_1151 : i32
      %bitcast_convert_type3A_1153 = tpu.bitcast %get3A_702 : vector<16xf32> -> vector<16xi32>
      %shift_right_logical3A_1154 = arith.constant 31 : i32
      %shift_right_logical3A_1155 = vector.broadcast %shift_right_logical3A_1154 : i32 to vector<16xi32>
      %shift_right_logical3A_1156 = arith.shrui %bitcast_convert_type3A_1153, %shift_right_logical3A_1155 : vector<16xi32>
      %eq3A_1157 = arith.constant 0 : i32
      %eq3A_1158 = vector.broadcast %eq3A_1157 : i32 to vector<16xi32>
      %eq3A_1159 = arith.cmpi eq, %shift_right_logical3A_1156, %eq3A_1158 : vector<16xi32>
      %or3A_1160 = arith.constant -2147483648 : i32
      %or3A_1161 = vector.broadcast %or3A_1160 : i32 to vector<16xi32>
      %or3A_1162 = arith.ori %bitcast_convert_type3A_1153, %or3A_1161 : vector<16xi32>
      %not3A_1163 = arith.constant dense<-1> : vector<16xi32>
      %not3A_1164 = arith.xori %bitcast_convert_type3A_1153, %not3A_1163 : vector<16xi32>
      %select_n3A_1165 = arith.select %eq3A_1159, %or3A_1162, %not3A_1164 : vector<16xi1>, vector<16xi32>
      %eq3A_1166 = arith.constant 0.000000e+00 : f32
      %eq3A_1167 = vector.broadcast %eq3A_1166 : f32 to vector<16xf32>
      %eq3A_1168 = arith.cmpf oeq, %get3A_702, %eq3A_1167 : vector<16xf32>
      %jit3A_1169 = arith.constant -2147483648 : i32
      %broadcast_in_dim3A_1170 = vector.broadcast %jit3A_1169 : i32 to vector<16xi32>
      %select_n3A_1171 = arith.select %eq3A_1168, %broadcast_in_dim3A_1170, %select_n3A_1165 : vector<16xi1>, vector<16xi32>
      %eq3A_1172 = vector.broadcast %reduce_sum3A_287 : i32 to vector<16xi32>
      %eq3A_1173 = arith.cmpi eq, %select_n3A_1171, %eq3A_1172 : vector<16xi32>
      %convert_element_type3A_1174 = arith.extui %eq3A_1173 : vector<16xi1> to vector<16xi32>
      %broadcast_in_dim3A_1175 = arith.constant true
      %broadcast_in_dim3A_1176 = vector.broadcast %broadcast_in_dim3A_1175 : i1 to vector<16xi1>
      %masked_cumsum3A_1177 = tpu.scan <sum>, %convert_element_type3A_1174 masked %broadcast_in_dim3A_1176 : vector<16xi32>, vector<16xi1> -> vector<16xi32>
      %gt3A_1178 = vector.broadcast %reduce_sum3A_287 : i32 to vector<16xi32>
      %gt3A_1179 = arith.cmpi ugt, %select_n3A_1171, %gt3A_1178 : vector<16xi32>
      %add3A_1180 = arith.addi %reduce_sum3A_310, %scan3A_646 : i32
      %add3A_1181 = vector.broadcast %add3A_1180 : i32 to vector<16xi32>
      %add3A_1182 = arith.addi %add3A_1181, %masked_cumsum3A_1177 : vector<16xi32>
      %le3A_1183 = vector.broadcast %reduce_sum3A_297 : i32 to vector<16xi32>
      %le3A_1184 = arith.cmpi sle, %add3A_1182, %le3A_1183 : vector<16xi32>
      %and3A_1185 = arith.andi %eq3A_1173, %le3A_1184 : vector<16xi1>
      %or3A_1186 = arith.ori %gt3A_1179, %and3A_1185 : vector<16xi1>
      %jit3A_1187 = arith.constant 7 : i32
      %broadcast_in_dim3A_1188 = vector.broadcast %jit3A_1187 : i32 to vector<16xi32>
      %select_n3A_1189 = arith.select %or3A_1186, %broadcast_in_dim3A_1188, %select_n3A_1140 : vector<16xi1>, vector<16xi32>
      %select_n3A_1190 = arith.select %or3A_1186, %get3A_702, %select_n3A_1141 : vector<16xi1>, vector<16xf32>
      %eq3A_1191 = arith.constant 15 : i32
      %eq3A_1192 = vector.broadcast %eq3A_1191 : i32 to vector<16xi32>
      %eq3A_1193 = arith.cmpi eq, %iota3A, %eq3A_1192 : vector<16xi32>
      %jit3A_1194 = arith.constant 0 : i32
      %broadcast_in_dim3A_1195 = vector.broadcast %jit3A_1194 : i32 to vector<16xi32>
      %select_n3A_1196 = arith.select %eq3A_1193, %masked_cumsum3A_1177, %broadcast_in_dim3A_1195 : vector<16xi1>, vector<16xi32>
      %reduce_sum3A_1197 = arith.constant true
      %reduce_sum3A_1198 = vector.broadcast %reduce_sum3A_1197 : i1 to vector<16xi1>
      %reduce_sum3A_1199 = tpu.scan <sum>, %select_n3A_1196 masked %reduce_sum3A_1198 : vector<16xi32>, vector<16xi1> -> vector<16xi32>
      %reduce_sum3A_1200 = vector.extract %reduce_sum3A_1199[15] : i32 from vector<16xi32>
      %add3A_1201 = arith.addi %scan3A_646, %reduce_sum3A_1200 : i32
      %bitcast_convert_type3A_1202 = tpu.bitcast %get3A_708 : vector<16xf32> -> vector<16xi32>
      %shift_right_logical3A_1203 = arith.constant 31 : i32
      %shift_right_logical3A_1204 = vector.broadcast %shift_right_logical3A_1203 : i32 to vector<16xi32>
      %shift_right_logical3A_1205 = arith.shrui %bitcast_convert_type3A_1202, %shift_right_logical3A_1204 : vector<16xi32>
      %eq3A_1206 = arith.constant 0 : i32
      %eq3A_1207 = vector.broadcast %eq3A_1206 : i32 to vector<16xi32>
      %eq3A_1208 = arith.cmpi eq, %shift_right_logical3A_1205, %eq3A_1207 : vector<16xi32>
      %or3A_1209 = arith.constant -2147483648 : i32
      %or3A_1210 = vector.broadcast %or3A_1209 : i32 to vector<16xi32>
      %or3A_1211 = arith.ori %bitcast_convert_type3A_1202, %or3A_1210 : vector<16xi32>
      %not3A_1212 = arith.constant dense<-1> : vector<16xi32>
      %not3A_1213 = arith.xori %bitcast_convert_type3A_1202, %not3A_1212 : vector<16xi32>
      %select_n3A_1214 = arith.select %eq3A_1208, %or3A_1211, %not3A_1213 : vector<16xi1>, vector<16xi32>
      %eq3A_1215 = arith.constant 0.000000e+00 : f32
      %eq3A_1216 = vector.broadcast %eq3A_1215 : f32 to vector<16xf32>
      %eq3A_1217 = arith.cmpf oeq, %get3A_708, %eq3A_1216 : vector<16xf32>
      %jit3A_1218 = arith.constant -2147483648 : i32
      %broadcast_in_dim3A_1219 = vector.broadcast %jit3A_1218 : i32 to vector<16xi32>
      %select_n3A_1220 = arith.select %eq3A_1217, %broadcast_in_dim3A_1219, %select_n3A_1214 : vector<16xi1>, vector<16xi32>
      %eq3A_1221 = vector.broadcast %reduce_sum3A_325 : i32 to vector<16xi32>
      %eq3A_1222 = arith.cmpi eq, %select_n3A_1220, %eq3A_1221 : vector<16xi32>
      %convert_element_type3A_1223 = arith.extui %eq3A_1222 : vector<16xi1> to vector<16xi32>
      %broadcast_in_dim3A_1224 = arith.constant true
      %broadcast_in_dim3A_1225 = vector.broadcast %broadcast_in_dim3A_1224 : i1 to vector<16xi1>
      %masked_cumsum3A_1226 = tpu.scan <sum>, %convert_element_type3A_1223 masked %broadcast_in_dim3A_1225 : vector<16xi32>, vector<16xi1> -> vector<16xi32>
      %gt3A_1227 = vector.broadcast %reduce_sum3A_325 : i32 to vector<16xi32>
      %gt3A_1228 = arith.cmpi ugt, %select_n3A_1220, %gt3A_1227 : vector<16xi32>
      %add3A_1229 = arith.addi %reduce_sum3A_348, %scan3A_647 : i32
      %add3A_1230 = vector.broadcast %add3A_1229 : i32 to vector<16xi32>
      %add3A_1231 = arith.addi %add3A_1230, %masked_cumsum3A_1226 : vector<16xi32>
      %le3A_1232 = vector.broadcast %reduce_sum3A_335 : i32 to vector<16xi32>
      %le3A_1233 = arith.cmpi sle, %add3A_1231, %le3A_1232 : vector<16xi32>
      %and3A_1234 = arith.andi %eq3A_1222, %le3A_1233 : vector<16xi1>
      %or3A_1235 = arith.ori %gt3A_1228, %and3A_1234 : vector<16xi1>
      %jit3A_1236 = arith.constant 8 : i32
      %broadcast_in_dim3A_1237 = vector.broadcast %jit3A_1236 : i32 to vector<16xi32>
      %select_n3A_1238 = arith.select %or3A_1235, %broadcast_in_dim3A_1237, %select_n3A_1189 : vector<16xi1>, vector<16xi32>
      %select_n3A_1239 = arith.select %or3A_1235, %get3A_708, %select_n3A_1190 : vector<16xi1>, vector<16xf32>
      %eq3A_1240 = arith.constant 15 : i32
      %eq3A_1241 = vector.broadcast %eq3A_1240 : i32 to vector<16xi32>
      %eq3A_1242 = arith.cmpi eq, %iota3A, %eq3A_1241 : vector<16xi32>
      %jit3A_1243 = arith.constant 0 : i32
      %broadcast_in_dim3A_1244 = vector.broadcast %jit3A_1243 : i32 to vector<16xi32>
      %select_n3A_1245 = arith.select %eq3A_1242, %masked_cumsum3A_1226, %broadcast_in_dim3A_1244 : vector<16xi1>, vector<16xi32>
      %reduce_sum3A_1246 = arith.constant true
      %reduce_sum3A_1247 = vector.broadcast %reduce_sum3A_1246 : i1 to vector<16xi1>
      %reduce_sum3A_1248 = tpu.scan <sum>, %select_n3A_1245 masked %reduce_sum3A_1247 : vector<16xi32>, vector<16xi1> -> vector<16xi32>
      %reduce_sum3A_1249 = vector.extract %reduce_sum3A_1248[15] : i32 from vector<16xi32>
      %add3A_1250 = arith.addi %scan3A_647, %reduce_sum3A_1249 : i32
      %bitcast_convert_type3A_1251 = tpu.bitcast %get3A_714 : vector<16xf32> -> vector<16xi32>
      %shift_right_logical3A_1252 = arith.constant 31 : i32
      %shift_right_logical3A_1253 = vector.broadcast %shift_right_logical3A_1252 : i32 to vector<16xi32>
      %shift_right_logical3A_1254 = arith.shrui %bitcast_convert_type3A_1251, %shift_right_logical3A_1253 : vector<16xi32>
      %eq3A_1255 = arith.constant 0 : i32
      %eq3A_1256 = vector.broadcast %eq3A_1255 : i32 to vector<16xi32>
      %eq3A_1257 = arith.cmpi eq, %shift_right_logical3A_1254, %eq3A_1256 : vector<16xi32>
      %or3A_1258 = arith.constant -2147483648 : i32
      %or3A_1259 = vector.broadcast %or3A_1258 : i32 to vector<16xi32>
      %or3A_1260 = arith.ori %bitcast_convert_type3A_1251, %or3A_1259 : vector<16xi32>
      %not3A_1261 = arith.constant dense<-1> : vector<16xi32>
      %not3A_1262 = arith.xori %bitcast_convert_type3A_1251, %not3A_1261 : vector<16xi32>
      %select_n3A_1263 = arith.select %eq3A_1257, %or3A_1260, %not3A_1262 : vector<16xi1>, vector<16xi32>
      %eq3A_1264 = arith.constant 0.000000e+00 : f32
      %eq3A_1265 = vector.broadcast %eq3A_1264 : f32 to vector<16xf32>
      %eq3A_1266 = arith.cmpf oeq, %get3A_714, %eq3A_1265 : vector<16xf32>
      %jit3A_1267 = arith.constant -2147483648 : i32
      %broadcast_in_dim3A_1268 = vector.broadcast %jit3A_1267 : i32 to vector<16xi32>
      %select_n3A_1269 = arith.select %eq3A_1266, %broadcast_in_dim3A_1268, %select_n3A_1263 : vector<16xi1>, vector<16xi32>
      %eq3A_1270 = vector.broadcast %reduce_sum3A_363 : i32 to vector<16xi32>
      %eq3A_1271 = arith.cmpi eq, %select_n3A_1269, %eq3A_1270 : vector<16xi32>
      %convert_element_type3A_1272 = arith.extui %eq3A_1271 : vector<16xi1> to vector<16xi32>
      %broadcast_in_dim3A_1273 = arith.constant true
      %broadcast_in_dim3A_1274 = vector.broadcast %broadcast_in_dim3A_1273 : i1 to vector<16xi1>
      %masked_cumsum3A_1275 = tpu.scan <sum>, %convert_element_type3A_1272 masked %broadcast_in_dim3A_1274 : vector<16xi32>, vector<16xi1> -> vector<16xi32>
      %gt3A_1276 = vector.broadcast %reduce_sum3A_363 : i32 to vector<16xi32>
      %gt3A_1277 = arith.cmpi ugt, %select_n3A_1269, %gt3A_1276 : vector<16xi32>
      %add3A_1278 = arith.addi %reduce_sum3A_386, %scan3A_648 : i32
      %add3A_1279 = vector.broadcast %add3A_1278 : i32 to vector<16xi32>
      %add3A_1280 = arith.addi %add3A_1279, %masked_cumsum3A_1275 : vector<16xi32>
      %le3A_1281 = vector.broadcast %reduce_sum3A_373 : i32 to vector<16xi32>
      %le3A_1282 = arith.cmpi sle, %add3A_1280, %le3A_1281 : vector<16xi32>
      %and3A_1283 = arith.andi %eq3A_1271, %le3A_1282 : vector<16xi1>
      %or3A_1284 = arith.ori %gt3A_1277, %and3A_1283 : vector<16xi1>
      %jit3A_1285 = arith.constant 9 : i32
      %broadcast_in_dim3A_1286 = vector.broadcast %jit3A_1285 : i32 to vector<16xi32>
      %select_n3A_1287 = arith.select %or3A_1284, %broadcast_in_dim3A_1286, %select_n3A_1238 : vector<16xi1>, vector<16xi32>
      %select_n3A_1288 = arith.select %or3A_1284, %get3A_714, %select_n3A_1239 : vector<16xi1>, vector<16xf32>
      %eq3A_1289 = arith.constant 15 : i32
      %eq3A_1290 = vector.broadcast %eq3A_1289 : i32 to vector<16xi32>
      %eq3A_1291 = arith.cmpi eq, %iota3A, %eq3A_1290 : vector<16xi32>
      %jit3A_1292 = arith.constant 0 : i32
      %broadcast_in_dim3A_1293 = vector.broadcast %jit3A_1292 : i32 to vector<16xi32>
      %select_n3A_1294 = arith.select %eq3A_1291, %masked_cumsum3A_1275, %broadcast_in_dim3A_1293 : vector<16xi1>, vector<16xi32>
      %reduce_sum3A_1295 = arith.constant true
      %reduce_sum3A_1296 = vector.broadcast %reduce_sum3A_1295 : i1 to vector<16xi1>
      %reduce_sum3A_1297 = tpu.scan <sum>, %select_n3A_1294 masked %reduce_sum3A_1296 : vector<16xi32>, vector<16xi1> -> vector<16xi32>
      %reduce_sum3A_1298 = vector.extract %reduce_sum3A_1297[15] : i32 from vector<16xi32>
      %add3A_1299 = arith.addi %scan3A_648, %reduce_sum3A_1298 : i32
      %bitcast_convert_type3A_1300 = tpu.bitcast %get3A_720 : vector<16xf32> -> vector<16xi32>
      %shift_right_logical3A_1301 = arith.constant 31 : i32
      %shift_right_logical3A_1302 = vector.broadcast %shift_right_logical3A_1301 : i32 to vector<16xi32>
      %shift_right_logical3A_1303 = arith.shrui %bitcast_convert_type3A_1300, %shift_right_logical3A_1302 : vector<16xi32>
      %eq3A_1304 = arith.constant 0 : i32
      %eq3A_1305 = vector.broadcast %eq3A_1304 : i32 to vector<16xi32>
      %eq3A_1306 = arith.cmpi eq, %shift_right_logical3A_1303, %eq3A_1305 : vector<16xi32>
      %or3A_1307 = arith.constant -2147483648 : i32
      %or3A_1308 = vector.broadcast %or3A_1307 : i32 to vector<16xi32>
      %or3A_1309 = arith.ori %bitcast_convert_type3A_1300, %or3A_1308 : vector<16xi32>
      %not3A_1310 = arith.constant dense<-1> : vector<16xi32>
      %not3A_1311 = arith.xori %bitcast_convert_type3A_1300, %not3A_1310 : vector<16xi32>
      %select_n3A_1312 = arith.select %eq3A_1306, %or3A_1309, %not3A_1311 : vector<16xi1>, vector<16xi32>
      %eq3A_1313 = arith.constant 0.000000e+00 : f32
      %eq3A_1314 = vector.broadcast %eq3A_1313 : f32 to vector<16xf32>
      %eq3A_1315 = arith.cmpf oeq, %get3A_720, %eq3A_1314 : vector<16xf32>
      %jit3A_1316 = arith.constant -2147483648 : i32
      %broadcast_in_dim3A_1317 = vector.broadcast %jit3A_1316 : i32 to vector<16xi32>
      %select_n3A_1318 = arith.select %eq3A_1315, %broadcast_in_dim3A_1317, %select_n3A_1312 : vector<16xi1>, vector<16xi32>
      %eq3A_1319 = vector.broadcast %reduce_sum3A_401 : i32 to vector<16xi32>
      %eq3A_1320 = arith.cmpi eq, %select_n3A_1318, %eq3A_1319 : vector<16xi32>
      %convert_element_type3A_1321 = arith.extui %eq3A_1320 : vector<16xi1> to vector<16xi32>
      %broadcast_in_dim3A_1322 = arith.constant true
      %broadcast_in_dim3A_1323 = vector.broadcast %broadcast_in_dim3A_1322 : i1 to vector<16xi1>
      %masked_cumsum3A_1324 = tpu.scan <sum>, %convert_element_type3A_1321 masked %broadcast_in_dim3A_1323 : vector<16xi32>, vector<16xi1> -> vector<16xi32>
      %gt3A_1325 = vector.broadcast %reduce_sum3A_401 : i32 to vector<16xi32>
      %gt3A_1326 = arith.cmpi ugt, %select_n3A_1318, %gt3A_1325 : vector<16xi32>
      %add3A_1327 = arith.addi %reduce_sum3A_424, %scan3A_649 : i32
      %add3A_1328 = vector.broadcast %add3A_1327 : i32 to vector<16xi32>
      %add3A_1329 = arith.addi %add3A_1328, %masked_cumsum3A_1324 : vector<16xi32>
      %le3A_1330 = vector.broadcast %reduce_sum3A_411 : i32 to vector<16xi32>
      %le3A_1331 = arith.cmpi sle, %add3A_1329, %le3A_1330 : vector<16xi32>
      %and3A_1332 = arith.andi %eq3A_1320, %le3A_1331 : vector<16xi1>
      %or3A_1333 = arith.ori %gt3A_1326, %and3A_1332 : vector<16xi1>
      %jit3A_1334 = arith.constant 10 : i32
      %broadcast_in_dim3A_1335 = vector.broadcast %jit3A_1334 : i32 to vector<16xi32>
      %select_n3A_1336 = arith.select %or3A_1333, %broadcast_in_dim3A_1335, %select_n3A_1287 : vector<16xi1>, vector<16xi32>
      %select_n3A_1337 = arith.select %or3A_1333, %get3A_720, %select_n3A_1288 : vector<16xi1>, vector<16xf32>
      %eq3A_1338 = arith.constant 15 : i32
      %eq3A_1339 = vector.broadcast %eq3A_1338 : i32 to vector<16xi32>
      %eq3A_1340 = arith.cmpi eq, %iota3A, %eq3A_1339 : vector<16xi32>
      %jit3A_1341 = arith.constant 0 : i32
      %broadcast_in_dim3A_1342 = vector.broadcast %jit3A_1341 : i32 to vector<16xi32>
      %select_n3A_1343 = arith.select %eq3A_1340, %masked_cumsum3A_1324, %broadcast_in_dim3A_1342 : vector<16xi1>, vector<16xi32>
      %reduce_sum3A_1344 = arith.constant true
      %reduce_sum3A_1345 = vector.broadcast %reduce_sum3A_1344 : i1 to vector<16xi1>
      %reduce_sum3A_1346 = tpu.scan <sum>, %select_n3A_1343 masked %reduce_sum3A_1345 : vector<16xi32>, vector<16xi1> -> vector<16xi32>
      %reduce_sum3A_1347 = vector.extract %reduce_sum3A_1346[15] : i32 from vector<16xi32>
      %add3A_1348 = arith.addi %scan3A_649, %reduce_sum3A_1347 : i32
      %bitcast_convert_type3A_1349 = tpu.bitcast %get3A_726 : vector<16xf32> -> vector<16xi32>
      %shift_right_logical3A_1350 = arith.constant 31 : i32
      %shift_right_logical3A_1351 = vector.broadcast %shift_right_logical3A_1350 : i32 to vector<16xi32>
      %shift_right_logical3A_1352 = arith.shrui %bitcast_convert_type3A_1349, %shift_right_logical3A_1351 : vector<16xi32>
      %eq3A_1353 = arith.constant 0 : i32
      %eq3A_1354 = vector.broadcast %eq3A_1353 : i32 to vector<16xi32>
      %eq3A_1355 = arith.cmpi eq, %shift_right_logical3A_1352, %eq3A_1354 : vector<16xi32>
      %or3A_1356 = arith.constant -2147483648 : i32
      %or3A_1357 = vector.broadcast %or3A_1356 : i32 to vector<16xi32>
      %or3A_1358 = arith.ori %bitcast_convert_type3A_1349, %or3A_1357 : vector<16xi32>
      %not3A_1359 = arith.constant dense<-1> : vector<16xi32>
      %not3A_1360 = arith.xori %bitcast_convert_type3A_1349, %not3A_1359 : vector<16xi32>
      %select_n3A_1361 = arith.select %eq3A_1355, %or3A_1358, %not3A_1360 : vector<16xi1>, vector<16xi32>
      %eq3A_1362 = arith.constant 0.000000e+00 : f32
      %eq3A_1363 = vector.broadcast %eq3A_1362 : f32 to vector<16xf32>
      %eq3A_1364 = arith.cmpf oeq, %get3A_726, %eq3A_1363 : vector<16xf32>
      %jit3A_1365 = arith.constant -2147483648 : i32
      %broadcast_in_dim3A_1366 = vector.broadcast %jit3A_1365 : i32 to vector<16xi32>
      %select_n3A_1367 = arith.select %eq3A_1364, %broadcast_in_dim3A_1366, %select_n3A_1361 : vector<16xi1>, vector<16xi32>
      %eq3A_1368 = vector.broadcast %reduce_sum3A_439 : i32 to vector<16xi32>
      %eq3A_1369 = arith.cmpi eq, %select_n3A_1367, %eq3A_1368 : vector<16xi32>
      %convert_element_type3A_1370 = arith.extui %eq3A_1369 : vector<16xi1> to vector<16xi32>
      %broadcast_in_dim3A_1371 = arith.constant true
      %broadcast_in_dim3A_1372 = vector.broadcast %broadcast_in_dim3A_1371 : i1 to vector<16xi1>
      %masked_cumsum3A_1373 = tpu.scan <sum>, %convert_element_type3A_1370 masked %broadcast_in_dim3A_1372 : vector<16xi32>, vector<16xi1> -> vector<16xi32>
      %gt3A_1374 = vector.broadcast %reduce_sum3A_439 : i32 to vector<16xi32>
      %gt3A_1375 = arith.cmpi ugt, %select_n3A_1367, %gt3A_1374 : vector<16xi32>
      %add3A_1376 = arith.addi %reduce_sum3A_462, %scan3A_650 : i32
      %add3A_1377 = vector.broadcast %add3A_1376 : i32 to vector<16xi32>
      %add3A_1378 = arith.addi %add3A_1377, %masked_cumsum3A_1373 : vector<16xi32>
      %le3A_1379 = vector.broadcast %reduce_sum3A_449 : i32 to vector<16xi32>
      %le3A_1380 = arith.cmpi sle, %add3A_1378, %le3A_1379 : vector<16xi32>
      %and3A_1381 = arith.andi %eq3A_1369, %le3A_1380 : vector<16xi1>
      %or3A_1382 = arith.ori %gt3A_1375, %and3A_1381 : vector<16xi1>
      %jit3A_1383 = arith.constant 11 : i32
      %broadcast_in_dim3A_1384 = vector.broadcast %jit3A_1383 : i32 to vector<16xi32>
      %select_n3A_1385 = arith.select %or3A_1382, %broadcast_in_dim3A_1384, %select_n3A_1336 : vector<16xi1>, vector<16xi32>
      %select_n3A_1386 = arith.select %or3A_1382, %get3A_726, %select_n3A_1337 : vector<16xi1>, vector<16xf32>
      %eq3A_1387 = arith.constant 15 : i32
      %eq3A_1388 = vector.broadcast %eq3A_1387 : i32 to vector<16xi32>
      %eq3A_1389 = arith.cmpi eq, %iota3A, %eq3A_1388 : vector<16xi32>
      %jit3A_1390 = arith.constant 0 : i32
      %broadcast_in_dim3A_1391 = vector.broadcast %jit3A_1390 : i32 to vector<16xi32>
      %select_n3A_1392 = arith.select %eq3A_1389, %masked_cumsum3A_1373, %broadcast_in_dim3A_1391 : vector<16xi1>, vector<16xi32>
      %reduce_sum3A_1393 = arith.constant true
      %reduce_sum3A_1394 = vector.broadcast %reduce_sum3A_1393 : i1 to vector<16xi1>
      %reduce_sum3A_1395 = tpu.scan <sum>, %select_n3A_1392 masked %reduce_sum3A_1394 : vector<16xi32>, vector<16xi1> -> vector<16xi32>
      %reduce_sum3A_1396 = vector.extract %reduce_sum3A_1395[15] : i32 from vector<16xi32>
      %add3A_1397 = arith.addi %scan3A_650, %reduce_sum3A_1396 : i32
      %bitcast_convert_type3A_1398 = tpu.bitcast %get3A_732 : vector<16xf32> -> vector<16xi32>
      %shift_right_logical3A_1399 = arith.constant 31 : i32
      %shift_right_logical3A_1400 = vector.broadcast %shift_right_logical3A_1399 : i32 to vector<16xi32>
      %shift_right_logical3A_1401 = arith.shrui %bitcast_convert_type3A_1398, %shift_right_logical3A_1400 : vector<16xi32>
      %eq3A_1402 = arith.constant 0 : i32
      %eq3A_1403 = vector.broadcast %eq3A_1402 : i32 to vector<16xi32>
      %eq3A_1404 = arith.cmpi eq, %shift_right_logical3A_1401, %eq3A_1403 : vector<16xi32>
      %or3A_1405 = arith.constant -2147483648 : i32
      %or3A_1406 = vector.broadcast %or3A_1405 : i32 to vector<16xi32>
      %or3A_1407 = arith.ori %bitcast_convert_type3A_1398, %or3A_1406 : vector<16xi32>
      %not3A_1408 = arith.constant dense<-1> : vector<16xi32>
      %not3A_1409 = arith.xori %bitcast_convert_type3A_1398, %not3A_1408 : vector<16xi32>
      %select_n3A_1410 = arith.select %eq3A_1404, %or3A_1407, %not3A_1409 : vector<16xi1>, vector<16xi32>
      %eq3A_1411 = arith.constant 0.000000e+00 : f32
      %eq3A_1412 = vector.broadcast %eq3A_1411 : f32 to vector<16xf32>
      %eq3A_1413 = arith.cmpf oeq, %get3A_732, %eq3A_1412 : vector<16xf32>
      %jit3A_1414 = arith.constant -2147483648 : i32
      %broadcast_in_dim3A_1415 = vector.broadcast %jit3A_1414 : i32 to vector<16xi32>
      %select_n3A_1416 = arith.select %eq3A_1413, %broadcast_in_dim3A_1415, %select_n3A_1410 : vector<16xi1>, vector<16xi32>
      %eq3A_1417 = vector.broadcast %reduce_sum3A_477 : i32 to vector<16xi32>
      %eq3A_1418 = arith.cmpi eq, %select_n3A_1416, %eq3A_1417 : vector<16xi32>
      %convert_element_type3A_1419 = arith.extui %eq3A_1418 : vector<16xi1> to vector<16xi32>
      %broadcast_in_dim3A_1420 = arith.constant true
      %broadcast_in_dim3A_1421 = vector.broadcast %broadcast_in_dim3A_1420 : i1 to vector<16xi1>
      %masked_cumsum3A_1422 = tpu.scan <sum>, %convert_element_type3A_1419 masked %broadcast_in_dim3A_1421 : vector<16xi32>, vector<16xi1> -> vector<16xi32>
      %gt3A_1423 = vector.broadcast %reduce_sum3A_477 : i32 to vector<16xi32>
      %gt3A_1424 = arith.cmpi ugt, %select_n3A_1416, %gt3A_1423 : vector<16xi32>
      %add3A_1425 = arith.addi %reduce_sum3A_500, %scan3A_651 : i32
      %add3A_1426 = vector.broadcast %add3A_1425 : i32 to vector<16xi32>
      %add3A_1427 = arith.addi %add3A_1426, %masked_cumsum3A_1422 : vector<16xi32>
      %le3A_1428 = vector.broadcast %reduce_sum3A_487 : i32 to vector<16xi32>
      %le3A_1429 = arith.cmpi sle, %add3A_1427, %le3A_1428 : vector<16xi32>
      %and3A_1430 = arith.andi %eq3A_1418, %le3A_1429 : vector<16xi1>
      %or3A_1431 = arith.ori %gt3A_1424, %and3A_1430 : vector<16xi1>
      %jit3A_1432 = arith.constant 12 : i32
      %broadcast_in_dim3A_1433 = vector.broadcast %jit3A_1432 : i32 to vector<16xi32>
      %select_n3A_1434 = arith.select %or3A_1431, %broadcast_in_dim3A_1433, %select_n3A_1385 : vector<16xi1>, vector<16xi32>
      %select_n3A_1435 = arith.select %or3A_1431, %get3A_732, %select_n3A_1386 : vector<16xi1>, vector<16xf32>
      %eq3A_1436 = arith.constant 15 : i32
      %eq3A_1437 = vector.broadcast %eq3A_1436 : i32 to vector<16xi32>
      %eq3A_1438 = arith.cmpi eq, %iota3A, %eq3A_1437 : vector<16xi32>
      %jit3A_1439 = arith.constant 0 : i32
      %broadcast_in_dim3A_1440 = vector.broadcast %jit3A_1439 : i32 to vector<16xi32>
      %select_n3A_1441 = arith.select %eq3A_1438, %masked_cumsum3A_1422, %broadcast_in_dim3A_1440 : vector<16xi1>, vector<16xi32>
      %reduce_sum3A_1442 = arith.constant true
      %reduce_sum3A_1443 = vector.broadcast %reduce_sum3A_1442 : i1 to vector<16xi1>
      %reduce_sum3A_1444 = tpu.scan <sum>, %select_n3A_1441 masked %reduce_sum3A_1443 : vector<16xi32>, vector<16xi1> -> vector<16xi32>
      %reduce_sum3A_1445 = vector.extract %reduce_sum3A_1444[15] : i32 from vector<16xi32>
      %add3A_1446 = arith.addi %scan3A_651, %reduce_sum3A_1445 : i32
      %bitcast_convert_type3A_1447 = tpu.bitcast %get3A_738 : vector<16xf32> -> vector<16xi32>
      %shift_right_logical3A_1448 = arith.constant 31 : i32
      %shift_right_logical3A_1449 = vector.broadcast %shift_right_logical3A_1448 : i32 to vector<16xi32>
      %shift_right_logical3A_1450 = arith.shrui %bitcast_convert_type3A_1447, %shift_right_logical3A_1449 : vector<16xi32>
      %eq3A_1451 = arith.constant 0 : i32
      %eq3A_1452 = vector.broadcast %eq3A_1451 : i32 to vector<16xi32>
      %eq3A_1453 = arith.cmpi eq, %shift_right_logical3A_1450, %eq3A_1452 : vector<16xi32>
      %or3A_1454 = arith.constant -2147483648 : i32
      %or3A_1455 = vector.broadcast %or3A_1454 : i32 to vector<16xi32>
      %or3A_1456 = arith.ori %bitcast_convert_type3A_1447, %or3A_1455 : vector<16xi32>
      %not3A_1457 = arith.constant dense<-1> : vector<16xi32>
      %not3A_1458 = arith.xori %bitcast_convert_type3A_1447, %not3A_1457 : vector<16xi32>
      %select_n3A_1459 = arith.select %eq3A_1453, %or3A_1456, %not3A_1458 : vector<16xi1>, vector<16xi32>
      %eq3A_1460 = arith.constant 0.000000e+00 : f32
      %eq3A_1461 = vector.broadcast %eq3A_1460 : f32 to vector<16xf32>
      %eq3A_1462 = arith.cmpf oeq, %get3A_738, %eq3A_1461 : vector<16xf32>
      %jit3A_1463 = arith.constant -2147483648 : i32
      %broadcast_in_dim3A_1464 = vector.broadcast %jit3A_1463 : i32 to vector<16xi32>
      %select_n3A_1465 = arith.select %eq3A_1462, %broadcast_in_dim3A_1464, %select_n3A_1459 : vector<16xi1>, vector<16xi32>
      %eq3A_1466 = vector.broadcast %reduce_sum3A_515 : i32 to vector<16xi32>
      %eq3A_1467 = arith.cmpi eq, %select_n3A_1465, %eq3A_1466 : vector<16xi32>
      %convert_element_type3A_1468 = arith.extui %eq3A_1467 : vector<16xi1> to vector<16xi32>
      %broadcast_in_dim3A_1469 = arith.constant true
      %broadcast_in_dim3A_1470 = vector.broadcast %broadcast_in_dim3A_1469 : i1 to vector<16xi1>
      %masked_cumsum3A_1471 = tpu.scan <sum>, %convert_element_type3A_1468 masked %broadcast_in_dim3A_1470 : vector<16xi32>, vector<16xi1> -> vector<16xi32>
      %gt3A_1472 = vector.broadcast %reduce_sum3A_515 : i32 to vector<16xi32>
      %gt3A_1473 = arith.cmpi ugt, %select_n3A_1465, %gt3A_1472 : vector<16xi32>
      %add3A_1474 = arith.addi %reduce_sum3A_538, %scan3A_652 : i32
      %add3A_1475 = vector.broadcast %add3A_1474 : i32 to vector<16xi32>
      %add3A_1476 = arith.addi %add3A_1475, %masked_cumsum3A_1471 : vector<16xi32>
      %le3A_1477 = vector.broadcast %reduce_sum3A_525 : i32 to vector<16xi32>
      %le3A_1478 = arith.cmpi sle, %add3A_1476, %le3A_1477 : vector<16xi32>
      %and3A_1479 = arith.andi %eq3A_1467, %le3A_1478 : vector<16xi1>
      %or3A_1480 = arith.ori %gt3A_1473, %and3A_1479 : vector<16xi1>
      %jit3A_1481 = arith.constant 13 : i32
      %broadcast_in_dim3A_1482 = vector.broadcast %jit3A_1481 : i32 to vector<16xi32>
      %select_n3A_1483 = arith.select %or3A_1480, %broadcast_in_dim3A_1482, %select_n3A_1434 : vector<16xi1>, vector<16xi32>
      %select_n3A_1484 = arith.select %or3A_1480, %get3A_738, %select_n3A_1435 : vector<16xi1>, vector<16xf32>
      %eq3A_1485 = arith.constant 15 : i32
      %eq3A_1486 = vector.broadcast %eq3A_1485 : i32 to vector<16xi32>
      %eq3A_1487 = arith.cmpi eq, %iota3A, %eq3A_1486 : vector<16xi32>
      %jit3A_1488 = arith.constant 0 : i32
      %broadcast_in_dim3A_1489 = vector.broadcast %jit3A_1488 : i32 to vector<16xi32>
      %select_n3A_1490 = arith.select %eq3A_1487, %masked_cumsum3A_1471, %broadcast_in_dim3A_1489 : vector<16xi1>, vector<16xi32>
      %reduce_sum3A_1491 = arith.constant true
      %reduce_sum3A_1492 = vector.broadcast %reduce_sum3A_1491 : i1 to vector<16xi1>
      %reduce_sum3A_1493 = tpu.scan <sum>, %select_n3A_1490 masked %reduce_sum3A_1492 : vector<16xi32>, vector<16xi1> -> vector<16xi32>
      %reduce_sum3A_1494 = vector.extract %reduce_sum3A_1493[15] : i32 from vector<16xi32>
      %add3A_1495 = arith.addi %scan3A_652, %reduce_sum3A_1494 : i32
      %bitcast_convert_type3A_1496 = tpu.bitcast %get3A_744 : vector<16xf32> -> vector<16xi32>
      %shift_right_logical3A_1497 = arith.constant 31 : i32
      %shift_right_logical3A_1498 = vector.broadcast %shift_right_logical3A_1497 : i32 to vector<16xi32>
      %shift_right_logical3A_1499 = arith.shrui %bitcast_convert_type3A_1496, %shift_right_logical3A_1498 : vector<16xi32>
      %eq3A_1500 = arith.constant 0 : i32
      %eq3A_1501 = vector.broadcast %eq3A_1500 : i32 to vector<16xi32>
      %eq3A_1502 = arith.cmpi eq, %shift_right_logical3A_1499, %eq3A_1501 : vector<16xi32>
      %or3A_1503 = arith.constant -2147483648 : i32
      %or3A_1504 = vector.broadcast %or3A_1503 : i32 to vector<16xi32>
      %or3A_1505 = arith.ori %bitcast_convert_type3A_1496, %or3A_1504 : vector<16xi32>
      %not3A_1506 = arith.constant dense<-1> : vector<16xi32>
      %not3A_1507 = arith.xori %bitcast_convert_type3A_1496, %not3A_1506 : vector<16xi32>
      %select_n3A_1508 = arith.select %eq3A_1502, %or3A_1505, %not3A_1507 : vector<16xi1>, vector<16xi32>
      %eq3A_1509 = arith.constant 0.000000e+00 : f32
      %eq3A_1510 = vector.broadcast %eq3A_1509 : f32 to vector<16xf32>
      %eq3A_1511 = arith.cmpf oeq, %get3A_744, %eq3A_1510 : vector<16xf32>
      %jit3A_1512 = arith.constant -2147483648 : i32
      %broadcast_in_dim3A_1513 = vector.broadcast %jit3A_1512 : i32 to vector<16xi32>
      %select_n3A_1514 = arith.select %eq3A_1511, %broadcast_in_dim3A_1513, %select_n3A_1508 : vector<16xi1>, vector<16xi32>
      %eq3A_1515 = vector.broadcast %reduce_sum3A_553 : i32 to vector<16xi32>
      %eq3A_1516 = arith.cmpi eq, %select_n3A_1514, %eq3A_1515 : vector<16xi32>
      %convert_element_type3A_1517 = arith.extui %eq3A_1516 : vector<16xi1> to vector<16xi32>
      %broadcast_in_dim3A_1518 = arith.constant true
      %broadcast_in_dim3A_1519 = vector.broadcast %broadcast_in_dim3A_1518 : i1 to vector<16xi1>
      %masked_cumsum3A_1520 = tpu.scan <sum>, %convert_element_type3A_1517 masked %broadcast_in_dim3A_1519 : vector<16xi32>, vector<16xi1> -> vector<16xi32>
      %gt3A_1521 = vector.broadcast %reduce_sum3A_553 : i32 to vector<16xi32>
      %gt3A_1522 = arith.cmpi ugt, %select_n3A_1514, %gt3A_1521 : vector<16xi32>
      %add3A_1523 = arith.addi %reduce_sum3A_576, %scan3A_653 : i32
      %add3A_1524 = vector.broadcast %add3A_1523 : i32 to vector<16xi32>
      %add3A_1525 = arith.addi %add3A_1524, %masked_cumsum3A_1520 : vector<16xi32>
      %le3A_1526 = vector.broadcast %reduce_sum3A_563 : i32 to vector<16xi32>
      %le3A_1527 = arith.cmpi sle, %add3A_1525, %le3A_1526 : vector<16xi32>
      %and3A_1528 = arith.andi %eq3A_1516, %le3A_1527 : vector<16xi1>
      %or3A_1529 = arith.ori %gt3A_1522, %and3A_1528 : vector<16xi1>
      %jit3A_1530 = arith.constant 14 : i32
      %broadcast_in_dim3A_1531 = vector.broadcast %jit3A_1530 : i32 to vector<16xi32>
      %select_n3A_1532 = arith.select %or3A_1529, %broadcast_in_dim3A_1531, %select_n3A_1483 : vector<16xi1>, vector<16xi32>
      %select_n3A_1533 = arith.select %or3A_1529, %get3A_744, %select_n3A_1484 : vector<16xi1>, vector<16xf32>
      %eq3A_1534 = arith.constant 15 : i32
      %eq3A_1535 = vector.broadcast %eq3A_1534 : i32 to vector<16xi32>
      %eq3A_1536 = arith.cmpi eq, %iota3A, %eq3A_1535 : vector<16xi32>
      %jit3A_1537 = arith.constant 0 : i32
      %broadcast_in_dim3A_1538 = vector.broadcast %jit3A_1537 : i32 to vector<16xi32>
      %select_n3A_1539 = arith.select %eq3A_1536, %masked_cumsum3A_1520, %broadcast_in_dim3A_1538 : vector<16xi1>, vector<16xi32>
      %reduce_sum3A_1540 = arith.constant true
      %reduce_sum3A_1541 = vector.broadcast %reduce_sum3A_1540 : i1 to vector<16xi1>
      %reduce_sum3A_1542 = tpu.scan <sum>, %select_n3A_1539 masked %reduce_sum3A_1541 : vector<16xi32>, vector<16xi1> -> vector<16xi32>
      %reduce_sum3A_1543 = vector.extract %reduce_sum3A_1542[15] : i32 from vector<16xi32>
      %add3A_1544 = arith.addi %scan3A_653, %reduce_sum3A_1543 : i32
      %bitcast_convert_type3A_1545 = tpu.bitcast %get3A_750 : vector<16xf32> -> vector<16xi32>
      %shift_right_logical3A_1546 = arith.constant 31 : i32
      %shift_right_logical3A_1547 = vector.broadcast %shift_right_logical3A_1546 : i32 to vector<16xi32>
      %shift_right_logical3A_1548 = arith.shrui %bitcast_convert_type3A_1545, %shift_right_logical3A_1547 : vector<16xi32>
      %eq3A_1549 = arith.constant 0 : i32
      %eq3A_1550 = vector.broadcast %eq3A_1549 : i32 to vector<16xi32>
      %eq3A_1551 = arith.cmpi eq, %shift_right_logical3A_1548, %eq3A_1550 : vector<16xi32>
      %or3A_1552 = arith.constant -2147483648 : i32
      %or3A_1553 = vector.broadcast %or3A_1552 : i32 to vector<16xi32>
      %or3A_1554 = arith.ori %bitcast_convert_type3A_1545, %or3A_1553 : vector<16xi32>
      %not3A_1555 = arith.constant dense<-1> : vector<16xi32>
      %not3A_1556 = arith.xori %bitcast_convert_type3A_1545, %not3A_1555 : vector<16xi32>
      %select_n3A_1557 = arith.select %eq3A_1551, %or3A_1554, %not3A_1556 : vector<16xi1>, vector<16xi32>
      %eq3A_1558 = arith.constant 0.000000e+00 : f32
      %eq3A_1559 = vector.broadcast %eq3A_1558 : f32 to vector<16xf32>
      %eq3A_1560 = arith.cmpf oeq, %get3A_750, %eq3A_1559 : vector<16xf32>
      %jit3A_1561 = arith.constant -2147483648 : i32
      %broadcast_in_dim3A_1562 = vector.broadcast %jit3A_1561 : i32 to vector<16xi32>
      %select_n3A_1563 = arith.select %eq3A_1560, %broadcast_in_dim3A_1562, %select_n3A_1557 : vector<16xi1>, vector<16xi32>
      %eq3A_1564 = vector.broadcast %reduce_sum3A_591 : i32 to vector<16xi32>
      %eq3A_1565 = arith.cmpi eq, %select_n3A_1563, %eq3A_1564 : vector<16xi32>
      %convert_element_type3A_1566 = arith.extui %eq3A_1565 : vector<16xi1> to vector<16xi32>
      %broadcast_in_dim3A_1567 = arith.constant true
      %broadcast_in_dim3A_1568 = vector.broadcast %broadcast_in_dim3A_1567 : i1 to vector<16xi1>
      %masked_cumsum3A_1569 = tpu.scan <sum>, %convert_element_type3A_1566 masked %broadcast_in_dim3A_1568 : vector<16xi32>, vector<16xi1> -> vector<16xi32>
      %gt3A_1570 = vector.broadcast %reduce_sum3A_591 : i32 to vector<16xi32>
      %gt3A_1571 = arith.cmpi ugt, %select_n3A_1563, %gt3A_1570 : vector<16xi32>
      %add3A_1572 = arith.addi %reduce_sum3A_614, %scan3A_654 : i32
      %add3A_1573 = vector.broadcast %add3A_1572 : i32 to vector<16xi32>
      %add3A_1574 = arith.addi %add3A_1573, %masked_cumsum3A_1569 : vector<16xi32>
      %le3A_1575 = vector.broadcast %reduce_sum3A_601 : i32 to vector<16xi32>
      %le3A_1576 = arith.cmpi sle, %add3A_1574, %le3A_1575 : vector<16xi32>
      %and3A_1577 = arith.andi %eq3A_1565, %le3A_1576 : vector<16xi1>
      %or3A_1578 = arith.ori %gt3A_1571, %and3A_1577 : vector<16xi1>
      %jit3A_1579 = arith.constant 15 : i32
      %broadcast_in_dim3A_1580 = vector.broadcast %jit3A_1579 : i32 to vector<16xi32>
      %select_n3A_1581 = arith.select %or3A_1578, %broadcast_in_dim3A_1580, %select_n3A_1532 : vector<16xi1>, vector<16xi32>
      %select_n3A_1582 = arith.select %or3A_1578, %get3A_750, %select_n3A_1533 : vector<16xi1>, vector<16xf32>
      %eq3A_1583 = arith.constant 15 : i32
      %eq3A_1584 = vector.broadcast %eq3A_1583 : i32 to vector<16xi32>
      %eq3A_1585 = arith.cmpi eq, %iota3A, %eq3A_1584 : vector<16xi32>
      %jit3A_1586 = arith.constant 0 : i32
      %broadcast_in_dim3A_1587 = vector.broadcast %jit3A_1586 : i32 to vector<16xi32>
      %select_n3A_1588 = arith.select %eq3A_1585, %masked_cumsum3A_1569, %broadcast_in_dim3A_1587 : vector<16xi1>, vector<16xi32>
      %reduce_sum3A_1589 = arith.constant true
      %reduce_sum3A_1590 = vector.broadcast %reduce_sum3A_1589 : i1 to vector<16xi1>
      %reduce_sum3A_1591 = tpu.scan <sum>, %select_n3A_1588 masked %reduce_sum3A_1590 : vector<16xi32>, vector<16xi1> -> vector<16xi32>
      %reduce_sum3A_1592 = vector.extract %reduce_sum3A_1591[15] : i32 from vector<16xi32>
      %add3A_1593 = arith.addi %scan3A_654, %reduce_sum3A_1592 : i32
      %ge3A = arith.constant 0 : i32
      %ge3A_1594 = vector.broadcast %ge3A : i32 to vector<16xi32>
      %ge3A_1595 = arith.cmpi sge, %select_n3A_1581, %ge3A_1594 : vector<16xi32>
      %sub3A_1596 = arith.subf %select_n3A_1582, %max3A_765 : vector<16xf32>
      %exp3A_1597 = math.exp %sub3A_1596 : vector<16xf32>
      %div3A = arith.divf %exp3A_1597, %add3A_813 : vector<16xf32>
      %max3A_1598 = arith.constant 0 : i32
      %max3A_1599 = vector.broadcast %max3A_1598 : i32 to vector<16xi32>
      %max3A_1600 = arith.maxsi %select_n3A_1581, %max3A_1599 : vector<16xi32>
      %mul3A_1601 = arith.constant 16 : i32
      %mul3A_1602 = arith.muli %scan3A_638, %mul3A_1601 : i32
      %swap3A = arith.index_cast %mul3A_1602 : i32 to index
      %swap3A_1603 = tpu.vector_load %arg8[%swap3A] {strides = array<i32>} : memref<256xi32, #tpu.memory_space<vmem>>, vector<16xi32>,
      tpu.vector_store %arg8[%swap3A], %max3A_1600 {strides = array<i32>} : memref<256xi32, #tpu.memory_space<vmem>>, vector<16xi32>,
      %jit3A_1604 = arith.constant 1.000000e+00 : f32
      %broadcast_in_dim3A_1605 = vector.broadcast %jit3A_1604 : f32 to vector<16xf32>
      %select_n3A_1606 = arith.select %ge3A_1595, %div3A, %broadcast_in_dim3A_1605 : vector<16xi1>, vector<16xf32>
      %mul3A_1607 = arith.constant 16 : i32
      %mul3A_1608 = arith.muli %scan3A_638, %mul3A_1607 : i32
      %swap3A_1609 = arith.index_cast %mul3A_1608 : i32 to index
      %swap3A_1610 = tpu.vector_load %arg9[%swap3A_1609] {strides = array<i32>} : memref<256xf32, #tpu.memory_space<vmem>>, vector<16xf32>,
      tpu.vector_store %arg9[%swap3A_1609], %select_n3A_1606 {strides = array<i32>} : memref<256xf32, #tpu.memory_space<vmem>>, vector<16xf32>,
      scf.yield %add3A_858, %add3A_907, %add3A_956, %add3A_1005, %add3A_1054, %add3A_1103, %add3A_1152, %add3A_1201, %add3A_1250, %add3A_1299, %add3A_1348, %add3A_1397, %add3A_1446, %add3A_1495, %add3A_1544, %add3A_1593 : i32, i32, i32, i32, i32, i32, i32, i32, i32, i32, i32, i32, i32, i32, i32, i32
    }
    %scan3A_637 = arith.constant 16 : i32
    "tpu.region"() ({
      %run_scoped3A = tpu.sem_alloc : memref<!tpu.dma_semaphore, #tpu.memory_space<semaphore_mem>>
      %dma_start3A_638 = tpu.memref_slice %arg4[%mul3A_2] : memref<8192xi32, #tpu.memory_space<hbm>> -> memref<256xi32, #tpu.memory_space<hbm>>
      %dma_start3A_639 = tpu.memref_slice %arg4[%mul3A_2] : memref<8192xi32, #tpu.memory_space<hbm>> -> memref<256xi32, #tpu.memory_space<hbm>>
      tpu.enqueue_dma source(%arg8 : memref<256xi32, #tpu.memory_space<vmem>>) target(%dma_start3A_639 : memref<256xi32, #tpu.memory_space<hbm>>) target_semaphore(%run_scoped3A : memref<!tpu.dma_semaphore, #tpu.memory_space<semaphore_mem>>)
      %dma_wait3A_640 = tpu.memref_slice %arg4[%mul3A_2] : memref<8192xi32, #tpu.memory_space<hbm>> -> memref<256xi32, #tpu.memory_space<hbm>>
      %dma_wait3A_641 = tpu.memref_slice %arg4[%mul3A_2] : memref<8192xi32, #tpu.memory_space<hbm>> -> memref<256xi32, #tpu.memory_space<hbm>>
      tpu.wait_dma2 semaphore(%run_scoped3A : memref<!tpu.dma_semaphore, #tpu.memory_space<semaphore_mem>>) src(%arg8 : memref<256xi32, #tpu.memory_space<vmem>>) dst(%dma_wait3A_641 : memref<256xi32, #tpu.memory_space<hbm>>)
      tpu.yield
    }) : () -> ()
    "tpu.region"() ({
      %run_scoped3A = tpu.sem_alloc : memref<!tpu.dma_semaphore, #tpu.memory_space<semaphore_mem>>
      %dma_start3A_638 = tpu.memref_slice %arg5[%mul3A_2] : memref<8192xf32, #tpu.memory_space<hbm>> -> memref<256xf32, #tpu.memory_space<hbm>>
      %dma_start3A_639 = tpu.memref_slice %arg5[%mul3A_2] : memref<8192xf32, #tpu.memory_space<hbm>> -> memref<256xf32, #tpu.memory_space<hbm>>
      tpu.enqueue_dma source(%arg9 : memref<256xf32, #tpu.memory_space<vmem>>) target(%dma_start3A_639 : memref<256xf32, #tpu.memory_space<hbm>>) target_semaphore(%run_scoped3A : memref<!tpu.dma_semaphore, #tpu.memory_space<semaphore_mem>>)
      %dma_wait3A_640 = tpu.memref_slice %arg5[%mul3A_2] : memref<8192xf32, #tpu.memory_space<hbm>> -> memref<256xf32, #tpu.memory_space<hbm>>
      %dma_wait3A_641 = tpu.memref_slice %arg5[%mul3A_2] : memref<8192xf32, #tpu.memory_space<hbm>> -> memref<256xf32, #tpu.memory_space<hbm>>
      tpu.wait_dma2 semaphore(%run_scoped3A : memref<!tpu.dma_semaphore, #tpu.memory_space<semaphore_mem>>) src(%arg9 : memref<256xf32, #tpu.memory_space<vmem>>) dst(%dma_wait3A_641 : memref<256xf32, #tpu.memory_space<hbm>>)
      tpu.yield
    }) : () -> ()
    return
  }
}

module attributes {stable_mosaic.version = 14 : i64} {
  func.func @_matmul_body(%arg0: i32, %arg1: memref<16x2048xf32, #tpu.memory_space<vmem>>, %arg2: memref<1024x2048xf32, #tpu.memory_space<vmem>>, %arg3: memref<16x1024xf32, #tpu.memory_space<vmem>>) attributes {dimension_semantics = [#tpu.dimension_semantics<arbitrary>], iteration_bounds = array<i64: 8>, scalar_prefetch = 0 : i64, scratch_operands = 0 : i64, tpu.core_type = #tpu.core_type<tc>, window_params = [{pipeline_mode = #tpu.pipeline_mode<synchronous>, transform_indices = @transform_0, window_bounds = array<i64: 16, 2048>}, {transform_indices = @transform_1, window_bounds = array<i64: 1024, 2048>}, {transform_indices = @transform_2, window_bounds = array<i64: 16, 1024>}]} {
    %get3A = arith.constant 0 : index
    %get3A_0 = arith.constant 0 : index
    %get3A_1 = vector.load %arg1[%get3A, %get3A_0] : memref<16x2048xf32, #tpu.memory_space<vmem>>, vector<16x2048xf32>
    %get3A_2 = arith.constant 0 : index
    %get3A_3 = arith.constant 0 : index
    %get3A_4 = vector.load %arg2[%get3A_2, %get3A_3] : memref<1024x2048xf32, #tpu.memory_space<vmem>>, vector<512x2048xf32>
    %dot_general3A = arith.constant dense<0.000000e+00> : vector<16x512xf32>
    %dot_general3A_5 = tpu.matmul %get3A_1, %get3A_4, %dot_general3A {dimension_numbers = #tpu.dot_dimension_numbers<[1], [1], [0], [0], [0, 0, 1, 0], [], []>, transpose_lhs_hint = false} : vector<16x2048xf32>, vector<512x2048xf32>, vector<16x512xf32> -> vector<16x512xf32>
    %swap3A = arith.constant 0 : index
    %swap3A_6 = arith.constant 0 : index
    %swap3A_7 = vector.load %arg3[%swap3A, %swap3A_6] : memref<16x1024xf32, #tpu.memory_space<vmem>>, vector<16x512xf32>
    tpu.vector_store %arg3[%swap3A, %swap3A_6], %dot_general3A_5 {strides = array<i32>} : memref<16x1024xf32, #tpu.memory_space<vmem>>, vector<16x512xf32>,
    %get3A_8 = arith.constant 0 : index
    %get3A_9 = arith.constant 0 : index
    %get3A_10 = vector.load %arg1[%get3A_8, %get3A_9] : memref<16x2048xf32, #tpu.memory_space<vmem>>, vector<16x2048xf32>
    %get3A_11 = arith.constant 512 : index
    %get3A_12 = arith.constant 0 : index
    %get3A_13 = vector.load %arg2[%get3A_11, %get3A_12] : memref<1024x2048xf32, #tpu.memory_space<vmem>>, vector<512x2048xf32>
    %dot_general3A_14 = arith.constant dense<0.000000e+00> : vector<16x512xf32>
    %dot_general3A_15 = tpu.matmul %get3A_10, %get3A_13, %dot_general3A_14 {dimension_numbers = #tpu.dot_dimension_numbers<[1], [1], [0], [0], [0, 0, 1, 0], [], []>, transpose_lhs_hint = false} : vector<16x2048xf32>, vector<512x2048xf32>, vector<16x512xf32> -> vector<16x512xf32>
    %swap3A_16 = arith.constant 0 : index
    %swap3A_17 = arith.constant 512 : index
    %swap3A_18 = vector.load %arg3[%swap3A_16, %swap3A_17] : memref<16x1024xf32, #tpu.memory_space<vmem>>, vector<16x512xf32>
    tpu.vector_store %arg3[%swap3A_16, %swap3A_17], %dot_general3A_15 {strides = array<i32>} : memref<16x1024xf32, #tpu.memory_space<vmem>>, vector<16x512xf32>,
    return
  }
  func.func @transform_0(%arg0: i32) -> (i32, i32) {
    %c0_i32 = arith.constant 0 : i32
    %c0_i32_0 = arith.constant 0 : i32
    %c0_i32_1 = arith.constant 0 : i32
    return %c0_i32, %c0_i32_0 : i32, i32
  }
  func.func @transform_1(%arg0: i32) -> (i32, i32) {
    %c0_i32 = arith.constant 0 : i32
    %c0_i32_0 = arith.constant 0 : i32
    return %arg0, %c0_i32 : i32, i32
  }
  func.func @transform_2(%arg0: i32) -> (i32, i32) {
    %c0_i32 = arith.constant 0 : i32
    %c0_i32_0 = arith.constant 0 : i32
    return %c0_i32, %arg0 : i32, i32
  }
}

</mosaic_0001>

<sc_bundles>
// kernel: kernel.5.cloned.1.call-start
scs
__scs_entry_jumppad:
0x0: {  	(pc) =	sbr.rel $0x88, $3  }
0x1: {  	(tag) =	ssettag $0x0;
	lr =	simm.s32 $0x1  }
0x2: {  	[smem:$0x3F9F] =	sst lr;
	_ =	strace $0xD0000000  }
0x3: {  	_ = 	snop  }
0x4: {  	_ = 	snop  }
0x5: {  	_ = 	snop  }
0x6: {  	_ = 	snop  }
0x7: {  	_ = 	snop  }
__scs_overlays_trampoline_lowered:
0x8: {  	[smem:$0x3FAE] =	sst s0  }
0x9: {  	[smem:$0x3FAF] =	sst s1  }
0xa: {  	[smem:$0x3FB0] =	sst s2  }
0xb: {  	[smem:$0x3FB1] =	sst s3  }
0xc: {  	[smem:$0x3FB2] =	sst s4  }
0xd: {  	[smem:$0x3FB3] =	sst s5  }
0xe: {  	[smem:$0x3FB4] =	sst s6  }
0xf: {  	[smem:$0x3FB5] =	sst s7  }
0x10: {  	[smem:$0x3FB6] =	sst s8  }
0x11: {  	[smem:$0x3FB7] =	sst s9;
	s0 =	simm.s32 @!p0 $0x0  }
0x12: {  	s1 =	sld [smem:$0x3F9D];
	s0 =	simm.s32 @p0 $0x1  }
0x13: {  	[smem:$0x3FB8] =	sst s0;
	s0 =	simm.s32 @!p1 $0x0  }
0x14: {  	s2 =	sld [smem:$0x3F9C];
	s0 =	simm.s32 @p1 $0x1  }
0x15: {  	[smem:$0x3FB9] =	sst s0;
	s0 =	simm.s32 @!p2 $0x0  }
0x16: {  	s3 =	sld [smem:$0x3FDB];
	s0 =	simm.s32 @p2 $0x1  }
0x17: {  	s4 =	simm.s32 $0x1BF5;
	[smem:$0x3FBB] =	sst s0  }
0x18: {  	s0 =	sld [smem:$0x3F9E];
	_ =	swait.ge [sflag:s4], $0x0  }
0x19: {  	s7 =	sld [smem:$0x3F9F]  }
0x1a: {  	s8 =	sadd.s32 $0xFFFFE003, lr  }
0x1b: {  	s9 =	sadd.s32 $0xFFFFFEF7, lr;
	s5 =	simm.s32 $0xFFFFFFFF;
	p2 =	slt.u32 s8, $0xFFFFF086  }
0x1c: {  	p1 =	slt.u32 s9, $0xF7A;
	s5 =	simm.s32 @!p2 $0x0  }
0x1d: {  	s5 =	simm.s32 @p1 $0x1;
	p0 =	seq.s32 s7, s2  }
0x1e: {  	s7 =	smul.u32 @!p0 $0xF7A, s2;
	p2 =	seq.s32 @!p0 s5, $0x0  }
0x1f: {  	s9 =	smul.u32 $0xF7A, s1;
	s8 =	simm.s32 @!p0 $0x1BF5;
	p2 =	por !p2, p0  }
0x20: {  	[sflag:s8] =	ssyncset.s32 @!p0 $0xFFFFF086;
	s6 =	sadd.s32 @!p0 s3, s7;
	s7 =	simm.s32 @!p0 $0x108  }
0x21: {  	s3 =	sadd.s32 s3, s9;
	s6 =	sadd.s32 @!p0 $0x88, s6;
	s7 =	simm.s32 @p2 $0x1082  }
0x22: {  	[simem:s7], [sflag:s8] =	dma.local @!p0 [hbm:s6], $0xF7A  }
0x23: {  	s9 =	sor.u32 $0xD0000000, s2;
	s6 =	simm.s32 $0x108;
	_ =	swait.ge @!p0 [sflag:s8], $0x0  }
0x24: {  	s3 =	sadd.s32 $0x88, s3;
	s6 =	simm.s32 @!p1 $0x1082;
	[sflag:s4] =	ssyncset.s32 $0xFFFFF086  }
0x25: {  	[simem:s6], [sflag:s4] =	dma.local [hbm:s3], $0xF7A  }
0x26: {  	[smem:$0x3F9F] =	sst s1;
	(tag) =	ssettag s2;
	_ =	strace s9  }
0x27: {  	s1 =	sld [smem:$0x3FAF]  }
0x28: {  	s2 =	sld [smem:$0x3FB0]  }
0x29: {  	s4 =	sld [smem:$0x3FB2]  }
0x2a: {  	p0 =	seq.s32 s5, $0x0;
	s5 =	sld [smem:$0x3FB3]  }
0x2b: {  	s6 =	sld [smem:$0x3FB4]  }
0x2c: {  	s7 =	sld [smem:$0x3FB5]  }
0x2d: {  	s3 =	simm.s32 $0x108;
	s8 =	sld [smem:$0x3FB6]  }
0x2e: {  	s3 =	simm.s32 @!p0 $0x1082;
	s9 =	sld [smem:$0x3FB7]  }
0x2f: {  	lr =	sadd.s32 s0, s3;
	s0 =	sld [smem:$0x3FAE]  }
0x30: {  	s3 =	sld [smem:$0x3FB1]  }
0x31: {  	[smem:$0x3FBA] =	sst s10  }
0x32: {  	s10 =	sld [smem:$0x3FB8];
	_ =	sdelay $0x3  }
0x33: {  	p0 =	seq.s32 s10, $0x1;
	s10 =	sld [smem:$0x3FBA];
	_ =	sdelay $0x3  }
0x34: {  	[smem:$0x3FBA] =	sst s10  }
0x35: {  	s10 =	sld [smem:$0x3FB9];
	_ =	sdelay $0x3  }
0x36: {  	p1 =	seq.s32 s10, $0x1;
	s10 =	sld [smem:$0x3FBA];
	_ =	sdelay $0x3  }
0x37: {  	[smem:$0x3FBA] =	sst s10  }
0x38: {  	s10 =	sld [smem:$0x3FBB]  }
0x39: {  	_ = 	snop;
	(pc) =	sbr.ind lr, $3  }
0x3a: {  	_ = 	snop  }
0x3b: {  	_ = 	snop  }
0x3c: {  	p2 =	seq.s32 s10, $0x1;
	s10 =	sld [smem:$0x3FBA]  }
0x3d: {  	_ =	shalt  }
0x3e: {  	_ =	shalt  }
0x3f: {  	_ =	shalt  }
0x40: {  	_ =	shalt  }
0x41: {  	_ =	shalt  }
0x42: {  	_ =	shalt  }
0x43: {  	_ =	shalt  }
0x44: {  	_ =	shalt  }
0x45: {  	_ =	shalt  }
0x46: {  	_ =	shalt  }
0x47: {  	_ =	shalt  }
0x48: {  	_ =	shalt  }
0x49: {  	_ =	shalt  }
0x4a: {  	_ =	shalt  }
0x4b: {  	_ =	shalt  }
0x4c: {  	_ =	shalt  }
0x4d: {  	_ =	shalt  }
0x4e: {  	_ =	shalt  }
0x4f: {  	_ =	shalt  }
0x50: {  	_ =	shalt  }
0x51: {  	_ =	shalt  }
0x52: {  	_ =	shalt  }
0x53: {  	_ =	shalt  }
0x54: {  	_ =	shalt  }
0x55: {  	_ =	shalt  }
0x56: {  	_ =	shalt  }
0x57: {  	_ =	shalt  }
0x58: {  	_ =	shalt  }
0x59: {  	_ =	shalt  }
0x5a: {  	_ =	shalt  }
0x5b: {  	_ =	shalt  }
0x5c: {  	_ =	shalt  }
0x5d: {  	_ =	shalt  }
0x5e: {  	_ =	shalt  }
0x5f: {  	_ =	shalt  }
0x60: {  	_ =	shalt  }
0x61: {  	_ =	shalt  }
0x62: {  	_ =	shalt  }
0x63: {  	_ =	shalt  }
0x64: {  	_ =	shalt  }
0x65: {  	_ =	shalt  }
0x66: {  	_ =	shalt  }
0x67: {  	_ =	shalt  }
0x68: {  	_ =	shalt  }
0x69: {  	_ =	shalt  }
0x6a: {  	_ =	shalt  }
0x6b: {  	_ =	shalt  }
0x6c: {  	_ =	shalt  }
0x6d: {  	_ =	shalt  }
0x6e: {  	_ =	shalt  }
0x6f: {  	_ =	shalt  }
0x70: {  	_ =	shalt  }
0x71: {  	_ =	shalt  }
0x72: {  	_ =	shalt  }
0x73: {  	_ =	shalt  }
0x74: {  	_ =	shalt  }
0x75: {  	_ =	shalt  }
0x76: {  	_ =	shalt  }
0x77: {  	_ =	shalt  }
0x78: {  	_ =	shalt  }
0x79: {  	_ =	shalt  }
0x7a: {  	_ =	shalt  }
0x7b: {  	_ =	shalt  }
0x7c: {  	_ =	shalt  }
0x7d: {  	_ =	shalt  }
0x7e: {  	_ =	shalt  }
0x7f: {  	_ =	shalt  }
0x80: {  	_ =	shalt  }
0x81: {  	_ =	shalt  }
0x82: {  	_ =	shalt  }
0x83: {  	_ =	shalt  }
0x84: {  	_ =	shalt  }
0x85: {  	_ =	shalt  }
0x86: {  	_ =	shalt  }
0x87: {  	_ =	shalt  }
.Lfunc_end0:
.L_simem_size_0:
called_computation_lowered:
.L_overlay_start_0:
0x88: {  	s2 =	sld [smem:$0x3FD9]  }
0x89: {  	s3 =	sld [smem:$0x3FFE];
	_ =	sdelay $0x1  }
0x8a: {  	s1 =	srdreg.scid  }
0x8b: {  	s0 =	sand.u32 $0x1, s1  }
0x8c: {  	s16 =	sshll.u32 s0, $0xA;
	s2 =	sadd.s32 s3, s2  }
0x8d: {  	s2 =	sadd.s32 s2, s16  }
0x8e: {  	[smem:$0x3FC6] =	sst s2  }
0x8f: {  	_ = 	snop  }
0x90: {  	(tm) =	ssettm $0x1  }
0x91: {  	s17 =	sld [smem:$0x3FFB];
	_ =	sdelay $0x3  }
0x92: {  	_ =	strace s17  }
0x93: {  	s2 =	sld [smem:$0x3FFC];
	_ =	sdelay $0x3  }
0x94: {  	_ =	strace s2  }
0x95: {  	s2 =	sld [smem:$0x3FFD];
	_ =	sdelay $0x3  }
0x96: {  	_ =	strace s2  }
0x97: {  	_ =	strace $0x8FFFFFFF  }
0x98: {  	s18 =	sld [smem:$0x3FDB];
	_ =	sdelay $0x1  }
0x99: {  	s19 =	simm.s32 $_scs_section_size  }
0x9a: {  	s4 =	simm.s32 $_size__tile_overlayer_lowered;
	s5 =	simm.s32 $_tile_overlayer_lowered  }
0x9b: {  	s22 =	simm.s32 $0x1BFF;
	s21 =	sshll.u32 s5, $0x1;
	s2 =	sadd.s32 s19, s18  }
0x9c: {  	s6 =	simm.s32 $0x0;
	s20 =	sshll.u32 s4, $0x1;
	s4 =	sadd.s32 s21, s2  }
0x9d: {  	[timem:s6], [sflag:s22] =	dma.local [hbm:s4], s20  }
0x9e: {  	_ =	swait.ge [sflag:s22], s20  }
0x9f: {  	s3 =	ssub.s32 $0x0, s20;
	[sflag:s22] =	ssyncset.done $0x0  }
0xa0: {  	[sflag:s22] =	ssyncadd.s32 s3;
	_ =	sdelay $0x1  }
0xa1: {  	s23 =	simm.s32 $0x1B8B  }
0xa2: {  	_ =	swait.ge [sflag:s23], $0x1  }
0xa3: {  	[sflag:s23] =	ssyncset.done $0x0  }
0xa4: {  	s25 =	simm.s32 $0x1B8E;
	s24 =	sld [smem:$0x3FFE];
	[sflag:s23] =	ssyncadd.s32 $0xFFFFFFFF  }
0xa5: {  	s26 =	simm.s32 $execute0_lowered;
	[smem:$0x3FD2] =	sst s25  }
0xa6: {  	s4 =	sshll.u32 s26, $0x1;
	_ =	strace $0x80000046;
	[dreg:$0x1] =	wrdreg $0xFFFFFFFF  }
0xa7: {  	s28 =	simm.s32 $_size_execute0_lowered;
	s2 =	sadd.s32 s2, s4;
	[dreg:$0x0] =	wrdreg $0x0  }
0xa8: {  	s4 =	sshll.u32 s28, $0x1;
	[dreg:$0x2] =	wrdreg s2  }
0xa9: {  	[dreg:$0x3] =	wrdreg s4  }
0xaa: {  	[dreg:$0x4] =	wrdreg $0xC0  }
0xab: {  	_ =	task [dreg:s6], $0x5FFFF  }
0xac: {  	[dreg:$0x1] =	wrdreg $0xFFFFFFFF  }
0xad: {  	[dreg:$0x0] =	wrdreg $0x60  }
0xae: {  	[dreg:$0x2] =	wrdreg s24  }
0xaf: {  	[dreg:$0x3] =	wrdreg $0x9  }
0xb0: {  	_ =	task.clear_ibuf [dreg:s6], $0x4FFFF;
	_ =	strace $0x90000046  }
0xb1: {  	s29 =	simm.s32 $0x9;
	_ =	strace $0x80000048  }
0xb2: {  	_ =	swait.ge [sflag:s29], $0x1  }
0xb3: {  	[sflag:s29] =	ssyncadd.s32 $0xFFFFFFFF  }
0xb4: {  	_ =	strace $0x90000048  }
0xb5: {  	_ =	sfence  }
0xb6: {  	s30 =	sld [smem:$0x0];
	_ =	sdelay $0x2  }
0xb7: {  	s31 =	sshll.u32 s1, $0xD;
	s1 =	sshrl.u32 s1, $0x2  }
0xb8: {  	s3 =	sand.u32 $0x4000, s31;
	s1 =	sadd.s32 s1, s30  }
0xb9: {  	s0 =	sor.u32 s3, s0;
	s1 =	sshll.u32 s1, $0x11  }
0xba: {  	s0 =	sor.u32 s1, s0  }
0xbb: {  	s0 =	sadd.s32 $0x8F2B, s0  }
0xbc: {  	[sflag:s0] =	ssyncadd.remote.s32 $0x1  }
0xbd: {  	_ =	sfence.sel $0xFFFF  }
0xbe: {  	[dreg:$0x0] =	wrdreg $0xFFFFFFFF;
	(pc) =	sbr.abs _section_cstart, $3  }
0xbf: {  	[dreg:$0x1] =	wrdreg $0xFFFFFFFF  }
0xc0: {  	_ =	task.clear_ibuf [dreg:s6], $0x2FFFF;
	_ =	strace $0x9FFFFFFF  }
0xc1: {  	(tm) =	ssettm $0x7FFFFFFF  }
tec
execute0_lowered:
.L_overlay_start_1:
0x0: {  	(tag) =	ssettag $0x1  }
0x1: {  	s3 =	rddreg [dreg:$0x0]  }
0x2: {  	s0 =	rddreg [dreg:$0x1];
	s2 =	simm.s32 $0x0;
	s1 =	stileid.u32  }
0x3: {  	s7 =	srdreg.scid;
	s8 =	simm.s32 $0x1;
	s9 =	simm.s32 $0x4000  }
0x4: {  	s10 =	simm.s32 $0x5000;
	s11 =	simm.s32 $0x5100;
	[smem:$0x7FF] =	sst s2  }
0x5: {  	s4 =	sshll.u32 s1, $0x7;
	s5 =	sshrl.u32 s1, $0x3;
	s12 =	sand.u32 $0x1, s7  }
0x6: {  	s7 =	simm.s32 $0x400;
	_ =	strace $0x80000047;
	s4 =	sand.u32 $0x380, s4  }
0x7: {  	s6 =	sshll.u32 s5, $0x10;
	s5 =	sshll.u32 s5, $0xA;
	s30 =	ssub.s32 $0x2, s12  }
.Ltmp0:
0x8: {  	p0 =	sne.s32 s12, $0x0;
	s6 =	sor.u32 s4, s6;
	(pc) =	sbr.rel .LBB2_1-.Ltmp0, $4  }
0x9: {  	v0 =	vlaneseq.u32;
	s12 =	simm.s32 $0x0;
	s4 =	sor.u32 s4, s5;
	s29 =	sshrl.u32 s6, $0x3  }
0xa: {  	v5 =	vmul.u32 $0xFFFFFFFF, v0;
	s31 =	sshrl.u32 s30, $0x1;
	s4 =	sshrl.u32 s4, $0x3;
	s5 =	sadd.s32 s29, s3  }
0xb: {  	v1 =	vimm.s32 $0x0;
	v3 =	vimm.s32 $0x1;
	s6 =	ssub.s32 s30, s31;
	s4 =	sadd.s32 s4, s3;
	s3 =	sadd.s32 $0x1000, s5  }
0xc: {  	v2 =	vmul.u32 $0x100, v0;
	v4 =	vmul.u32 $0x10, v0;
	v5 =	vadd.s32 $0xF, v5;
	s4 =	sadd.s32 $0x5000, s4;
	s5 =	smax.u32 s6, $0x1;
	s6 =	simm.s32 $0x80  }
.LBB2_59:
0xd: {  	s13 =	simm.s32 @!p0 $0x0;
	s14 =	simm.s32 @!p0 $0x5100;
	s12 =	sadd.s32 $0x1, s12  }
0xe: {  	[hbm4b:s4+s13] =	stream.linear.scatter @!p0 [tilespmem:s14], [sflag:$0x1], $0x80, $0x38;
	[tilespmem:$0xB300] =	vst v63  }
0xf: {  	p1 =	sne.s32 s12, s5  }
.Ltmp1:
0x10: {  	_ = 	snop;
	(pc) =	sbr.rel @!p1 .LBB2_60-.Ltmp1, $4  }
0x11: {  	s13 =	simm.s32 @!p0 $0x1  }
0x12: {  	_ =	swait.ge @!p0 [sflag:s13], $0x80  }
0x13: {  	[sflag:s13] =	ssyncset.done @!p0 $0x0  }
0x14: {  	[sflag:s13] =	ssyncadd.s32 @!p0 $0xFFFFFF80  }
.LBB2_1:
0x15: {  	[tilespmem:s2], [sflag:$0x1] =	stream.strided.gather [hbm4b:s3+s6], $0x2000, s7, s6, $0x38;
	[tilespmem:$0xB300] =	vst v63  }
0x16: {  	_ =	swait.ge [sflag:s8], $0x2000  }
0x17: {  	[sflag:s8] =	ssyncset.done $0x0  }
0x18: {  	s16 =	simm.s32 $0x4040;
	[sflag:s8] =	ssyncadd.s32 $0xFFFFE000  }
0x19: {  	[tilespmem:s16+$0xFFFFFFC0] =	vst v1  }
0x1a: {  	[tilespmem:s16+$0x30] =	vst v1  }
0x1b: {  	[tilespmem:s16+$0x20] =	vst v1  }
0x1c: {  	[tilespmem:s16+$0x10] =	vst v1  }
0x1d: {  	[tilespmem:s16+$0x0] =	vst v1  }
0x1e: {  	[tilespmem:s16+$0xFFFFFFF0] =	vst v1  }
0x1f: {  	s13 =	simm.s32 $0xFFFFFFF8;
	s17 =	simm.s32 $0x0;
	s14 =	simm.s32 $0x2040;
	[tilespmem:s16+$0xFFFFFFE0] =	vst v1  }
.LBB2_2:
0x20: {  	s17 =	sadd.s32 $0x8, s17;
	[tilespmem:s16+$0xFFFFFFD0] =	vst v1;
	s16 =	sadd.s32 $0x80, s16;
	s15 =	simm.s32 $0x40  }
0x21: {  	[tilespmem:s16+$0xFFFFFFC0] =	vst v1;
	p1 =	slt.u32 s17, $0xF8  }
0x22: {  	[tilespmem:s16+$0x30] =	vst v1  }
.Ltmp2:
0x23: {  	[tilespmem:s16+$0x20] =	vst v1;
	(pc) =	sbr.rel @p1 .LBB2_2-.Ltmp2, $4  }
0x24: {  	[tilespmem:s16+$0x10] =	vst v1  }
0x25: {  	[tilespmem:s16+$0x0] =	vst v1  }
0x26: {  	[tilespmem:s16+$0xFFFFFFF0] =	vst v1  }
0x27: {  	[tilespmem:s16+$0xFFFFFFE0] =	vst v1  }
0x28: {  	[tilespmem:s16+$0xFFFFFFD0] =	vst v1  }
.LBB2_4:
0x29: {  	v6 =	vld [tilespmem:s15+$0xFFFFFFC0];
	_ =	sdelay $0x4  }
0x2a: {  	v7 =	vand.u32 $0x7FFFFFFF, v6  }
0x2b: {  	v8 =	vxor.u32 $0xFFFFFFFF, v6;
	vm0 =	vlt.s32 v6, $0x0;
	v7 =	vxor.u32 $0x80000000, v7  }
0x2c: {  	vm13 =	veq.f32 v6, $0.0e+00;
	v7 =	vsel vm0, v8, v7  }
0x2d: {  	v6 =	vsel vm13, $0x80000000, v7  }
0x2e: {  	v7 =	vshrl.u32 v6, $0x18  }
0x2f: {  	v49 =	vand.u32 $0x80, v7  }
0x30: {  	v7 =	vand.u32 $0x7F, v7;
	v8 =	vor.u32 v2, v49  }
0x31: {  	v7 =	vor.u32 v7, v8;
	_ =	sdelay $0x3  }
0x32: {  	[tilespmem:s14+$0xFFFFFFC0] =	vst v6  }
0x33: {  	[tilespmem:v7+s9+$0x0] =	vst.idx.add.s32.msk $0xffff, v3  }
0x34: {  	v6 =	vld [tilespmem:s15+$0xFFFFFFD0];
	_ =	sdelay $0x4  }
0x35: {  	v7 =	vand.u32 $0x7FFFFFFF, v6  }
0x36: {  	v50 =	vxor.u32 $0xFFFFFFFF, v6;
	vm14 =	vlt.s32 v6, $0x0;
	v7 =	vxor.u32 $0x80000000, v7  }
0x37: {  	vm15 =	veq.f32 v6, $0.0e+00;
	v7 =	vsel vm14, v50, v7  }
0x38: {  	v6 =	vsel vm15, $0x80000000, v7  }
0x39: {  	v7 =	vshrl.u32 v6, $0x18  }
0x3a: {  	v51 =	vand.u32 $0x80, v7  }
0x3b: {  	v7 =	vand.u32 $0x7F, v7;
	v8 =	vor.u32 v2, v51  }
0x3c: {  	v7 =	vor.u32 v7, v8;
	_ =	sdelay $0x3  }
0x3d: {  	[tilespmem:s14+$0xFFFFFFD0] =	vst v6  }
0x3e: {  	[tilespmem:v7+s9+$0x0] =	vst.idx.add.s32.msk $0xffff, v3  }
0x3f: {  	v6 =	vld [tilespmem:s15+$0xFFFFFFE0];
	_ =	sdelay $0x4  }
0x40: {  	v7 =	vand.u32 $0x7FFFFFFF, v6  }
0x41: {  	v52 =	vxor.u32 $0xFFFFFFFF, v6;
	vm4 =	vlt.s32 v6, $0x0;
	v7 =	vxor.u32 $0x80000000, v7  }
0x42: {  	vm5 =	veq.f32 v6, $0.0e+00;
	v7 =	vsel vm4, v52, v7  }
0x43: {  	v6 =	vsel vm5, $0x80000000, v7  }
0x44: {  	v7 =	vshrl.u32 v6, $0x18  }
0x45: {  	v53 =	vand.u32 $0x80, v7  }
0x46: {  	v7 =	vand.u32 $0x7F, v7;
	v8 =	vor.u32 v2, v53  }
0x47: {  	v7 =	vor.u32 v7, v8;
	_ =	sdelay $0x3  }
0x48: {  	[tilespmem:s14+$0xFFFFFFE0] =	vst v6  }
0x49: {  	[tilespmem:v7+s9+$0x0] =	vst.idx.add.s32.msk $0xffff, v3  }
0x4a: {  	v6 =	vld [tilespmem:s15+$0xFFFFFFF0];
	_ =	sdelay $0x4  }
0x4b: {  	v7 =	vand.u32 $0x7FFFFFFF, v6  }
0x4c: {  	v54 =	vxor.u32 $0xFFFFFFFF, v6;
	vm6 =	vlt.s32 v6, $0x0;
	v7 =	vxor.u32 $0x80000000, v7  }
0x4d: {  	vm7 =	veq.f32 v6, $0.0e+00;
	v7 =	vsel vm6, v54, v7  }
0x4e: {  	v6 =	vsel vm7, $0x80000000, v7  }
0x4f: {  	v7 =	vshrl.u32 v6, $0x18  }
0x50: {  	v55 =	vand.u32 $0x80, v7  }
0x51: {  	v7 =	vand.u32 $0x7F, v7;
	v8 =	vor.u32 v2, v55  }
0x52: {  	v7 =	vor.u32 v7, v8;
	_ =	sdelay $0x3  }
0x53: {  	[tilespmem:s14+$0xFFFFFFF0] =	vst v6  }
0x54: {  	[tilespmem:v7+s9+$0x0] =	vst.idx.add.s32.msk $0xffff, v3  }
0x55: {  	v6 =	vld [tilespmem:s15+$0x0];
	_ =	sdelay $0x4  }
0x56: {  	v7 =	vand.u32 $0x7FFFFFFF, v6  }
0x57: {  	v56 =	vxor.u32 $0xFFFFFFFF, v6;
	vm8 =	vlt.s32 v6, $0x0;
	v7 =	vxor.u32 $0x80000000, v7  }
0x58: {  	vm9 =	veq.f32 v6, $0.0e+00;
	v7 =	vsel vm8, v56, v7  }
0x59: {  	v6 =	vsel vm9, $0x80000000, v7  }
0x5a: {  	v7 =	vshrl.u32 v6, $0x18  }
0x5b: {  	v57 =	vand.u32 $0x80, v7  }
0x5c: {  	v7 =	vand.u32 $0x7F, v7;
	v8 =	vor.u32 v2, v57  }
0x5d: {  	v7 =	vor.u32 v7, v8;
	_ =	sdelay $0x3  }
0x5e: {  	[tilespmem:s14+$0x0] =	vst v6  }
0x5f: {  	[tilespmem:v7+s9+$0x0] =	vst.idx.add.s32.msk $0xffff, v3  }
0x60: {  	v6 =	vld [tilespmem:s15+$0x10];
	_ =	sdelay $0x4  }
0x61: {  	v7 =	vand.u32 $0x7FFFFFFF, v6  }
0x62: {  	v58 =	vxor.u32 $0xFFFFFFFF, v6;
	vm10 =	vlt.s32 v6, $0x0;
	v7 =	vxor.u32 $0x80000000, v7  }
0x63: {  	vm11 =	veq.f32 v6, $0.0e+00;
	v7 =	vsel vm10, v58, v7  }
0x64: {  	v6 =	vsel vm11, $0x80000000, v7  }
0x65: {  	v7 =	vshrl.u32 v6, $0x18  }
0x66: {  	v59 =	vand.u32 $0x80, v7  }
0x67: {  	v7 =	vand.u32 $0x7F, v7;
	v8 =	vor.u32 v2, v59  }
0x68: {  	v7 =	vor.u32 v7, v8;
	_ =	sdelay $0x3  }
0x69: {  	[tilespmem:s14+$0x10] =	vst v6  }
0x6a: {  	[tilespmem:v7+s9+$0x0] =	vst.idx.add.s32.msk $0xffff, v3  }
0x6b: {  	v6 =	vld [tilespmem:s15+$0x20];
	_ =	sdelay $0x4  }
0x6c: {  	v7 =	vand.u32 $0x7FFFFFFF, v6  }
0x6d: {  	v60 =	vxor.u32 $0xFFFFFFFF, v6;
	vm12 =	vlt.s32 v6, $0x0;
	v7 =	vxor.u32 $0x80000000, v7  }
0x6e: {  	vm13 =	veq.f32 v6, $0.0e+00;
	v7 =	vsel vm12, v60, v7  }
0x6f: {  	v6 =	vsel vm13, $0x80000000, v7  }
0x70: {  	v7 =	vshrl.u32 v6, $0x18  }
0x71: {  	v61 =	vand.u32 $0x80, v7  }
0x72: {  	v7 =	vand.u32 $0x7F, v7;
	v8 =	vor.u32 v2, v61  }
0x73: {  	v7 =	vor.u32 v7, v8;
	_ =	sdelay $0x3  }
0x74: {  	[tilespmem:s14+$0x20] =	vst v6  }
0x75: {  	[tilespmem:v7+s9+$0x0] =	vst.idx.add.s32.msk $0xffff, v3  }
0x76: {  	v6 =	vld [tilespmem:s15+$0x30];
	_ =	sdelay $0x4  }
0x77: {  	v7 =	vand.u32 $0x7FFFFFFF, v6  }
0x78: {  	v62 =	vxor.u32 $0xFFFFFFFF, v6;
	vm14 =	vlt.s32 v6, $0x0;
	v7 =	vxor.u32 $0x80000000, v7  }
0x79: {  	vm15 =	veq.f32 v6, $0.0e+00;
	v7 =	vsel vm14, v62, v7  }
0x7a: {  	v6 =	vsel vm15, $0x80000000, v7  }
0x7b: {  	v7 =	vshrl.u32 v6, $0x18  }
0x7c: {  	v63 =	vand.u32 $0x80, v7  }
0x7d: {  	s13 =	sadd.s32 $0x8, s13;
	v7 =	vand.u32 $0x7F, v7;
	v8 =	vor.u32 v2, v63  }
0x7e: {  	p1 =	slt.u32 s13, $0x1F8;
	v7 =	vor.u32 v7, v8  }
.Ltmp3:
0x7f: {  	_ = 	snop;
	(pc) =	sbr.rel @p1 .LBB2_4-.Ltmp3, $3  }
0x80: {  	_ =	sdelay $0x1  }
0x81: {  	[tilespmem:s14+$0x30] =	vst v6  }
0x82: {  	s16 =	simm.s32 $0x0;
	s15 =	sadd.s32 $0x80, s15;
	s14 =	sadd.s32 $0x80, s14;
	[tilespmem:v7+s9+$0x0] =	vst.idx.add.s32.msk $0xffff, v3  }
0x83: {  	s14 =	sand.u32 $0xF0, s16  }
0x84: {  	v6 =	vld [tilespmem:s14+$0x4000]  }
0x85: {  	v7 =	vld [tilespmem:s14+$0x4100]  }
0x86: {  	v8 =	vld [tilespmem:s14+$0x4200]  }
0x87: {  	v9 =	vld [tilespmem:s14+$0x4300]  }
0x88: {  	v10 =	vld [tilespmem:s14+$0x4400]  }
0x89: {  	[tilespmem:s14+$0x4200] =	vst v1;
	v11 =	vld [tilespmem:s14+$0x4500]  }
0x8a: {  	[tilespmem:s14+$0x4000] =	vst v1;
	v12 =	vld [tilespmem:s14+$0x4600]  }
0x8b: {  	[tilespmem:s14+$0x4100] =	vst v1;
	v63 =	vld [tilespmem:s14+$0x4C00]  }
0x8c: {  	[tilespmem:s14+$0x4300] =	vst v1;
	v13 =	vld [tilespmem:s14+$0x4D00];
	v6 =	vadd.s32 v7, v6  }
0x8d: {  	[tilespmem:s14+$0x4400] =	vst v1;
	v7 =	vld [tilespmem:s14+$0x4700];
	v6 =	vadd.s32 v8, v6  }
0x8e: {  	[tilespmem:s14+$0x4500] =	vst v1;
	v8 =	vld [tilespmem:s14+$0x4800];
	v6 =	vadd.s32 v9, v6  }
0x8f: {  	[tilespmem:s14+$0x4600] =	vst v1;
	v9 =	vld [tilespmem:s14+$0x4900];
	v6 =	vadd.s32 v6, v10  }
0x90: {  	[tilespmem:s14+$0x4C00] =	vst v1;
	v10 =	vld [tilespmem:s14+$0x4A00];
	v6 =	vadd.s32 v11, v6  }
0x91: {  	[tilespmem:s14+$0x4D00] =	vst v1;
	v11 =	vld [tilespmem:s14+$0x4B00];
	v6 =	vadd.s32 v12, v6  }
0x92: {  	[tilespmem:s14+$0x4700] =	vst v1;
	v6 =	vadd.s32 v7, v6  }
0x93: {  	[tilespmem:s14+$0x4800] =	vst v1;
	v6 =	vadd.s32 v6, v8  }
0x94: {  	[tilespmem:s14+$0x4900] =	vst v1;
	v6 =	vadd.s32 v9, v6  }
0x95: {  	[tilespmem:s14+$0x4A00] =	vst v1;
	v7 =	vadd.s32 v10, v6;
	v6 =	vld [tilespmem:s14+$0x4E00]  }
0x96: {  	[tilespmem:s14+$0x4B00] =	vst v1;
	v8 =	vadd.s32 v11, v7;
	v7 =	vld [tilespmem:s14+$0x4F00]  }
0x97: {  	[tilespmem:s14+$0x4E00] =	vst v1;
	v9 =	vadd.s32 v8, v63;
	v8 =	vor.u32 s16, v4  }
0x98: {  	s13 =	simm.s32 $0x1;
	[tilespmem:s14+$0x4F00] =	vst v1;
	v9 =	vadd.s32 v13, v9  }
.LBB2_6:
0x99: {  	p1 =	sne.s32 s13, $0xF  }
0x9a: {  	v6 =	vadd.s32 v6, v9;
	s16 =	sadd.s32 $0x10, s16;
	s14 =	smov.u32 s13;
	s13 =	sadd.s32 $0x1, s13  }
0x9b: {  	v6 =	vadd.s32 v7, v6  }
0x9c: {  	s15 =	sand.u32 $0xF0, s16;
	[tilespmem:v8+s10+$0x0] =	vst.idx.msk $0xffff, v6  }
0x9d: {  	v6 =	vld [tilespmem:s15+$0x4200]  }
0x9e: {  	v7 =	vld [tilespmem:s15+$0x4000];
	[tilespmem:s15+$0x4200] =	vst v1  }
0x9f: {  	[tilespmem:s15+$0x4000] =	vst v1;
	v8 =	vld [tilespmem:s15+$0x4100]  }
0xa0: {  	[tilespmem:s15+$0x4100] =	vst v1;
	v9 =	vld [tilespmem:s15+$0x4300]  }
0xa1: {  	[tilespmem:s15+$0x4300] =	vst v1;
	v10 =	vld [tilespmem:s15+$0x4400]  }
0xa2: {  	[tilespmem:s15+$0x4400] =	vst v1;
	v11 =	vld [tilespmem:s15+$0x4500]  }
0xa3: {  	[tilespmem:s15+$0x4500] =	vst v1;
	v12 =	vld [tilespmem:s15+$0x4600]  }
0xa4: {  	v7 =	vadd.s32 v8, v7;
	[tilespmem:s15+$0x4600] =	vst v1;
	v8 =	vld [tilespmem:s15+$0x4700]  }
0xa5: {  	v6 =	vadd.s32 v6, v7;
	[tilespmem:s15+$0x4700] =	vst v1;
	v7 =	vld [tilespmem:s15+$0x4800]  }
0xa6: {  	v6 =	vadd.s32 v9, v6;
	[tilespmem:s15+$0x4800] =	vst v1;
	v9 =	vld [tilespmem:s15+$0x4900]  }
0xa7: {  	v6 =	vadd.s32 v6, v10;
	[tilespmem:s15+$0x4900] =	vst v1;
	v10 =	vld [tilespmem:s15+$0x4A00]  }
0xa8: {  	v6 =	vadd.s32 v11, v6;
	[tilespmem:s15+$0x4A00] =	vst v1;
	v11 =	vld [tilespmem:s15+$0x4B00]  }
0xa9: {  	v6 =	vadd.s32 v12, v6;
	[tilespmem:s15+$0x4B00] =	vst v1;
	v12 =	vld [tilespmem:s15+$0x4C00]  }
0xaa: {  	v6 =	vadd.s32 v8, v6;
	[tilespmem:s15+$0x4C00] =	vst v1;
	v13 =	vld [tilespmem:s15+$0x4D00]  }
0xab: {  	v7 =	vadd.s32 v6, v7;
	[tilespmem:s15+$0x4D00] =	vst v1;
	v6 =	vld [tilespmem:s15+$0x4E00]  }
.Ltmp4:
0xac: {  	v8 =	vadd.s32 v9, v7;
	[tilespmem:s15+$0x4E00] =	vst v1;
	v7 =	vld [tilespmem:s15+$0x4F00];
	(pc) =	sbr.rel @p1 .LBB2_6-.Ltmp4, $4  }
0xad: {  	v9 =	vadd.s32 v10, v8;
	[tilespmem:s15+$0x4F00] =	vst v1;
	v8 =	vor.u32 s14, v4  }
0xae: {  	v9 =	vadd.s32 v11, v9  }
0xaf: {  	v9 =	vadd.s32 v9, v12  }
0xb0: {  	v9 =	vadd.s32 v13, v9  }
0xb1: {  	_ =	sdelay $0x1  }
0xb2: {  	v6 =	vadd.s32 v6, v9  }
0xb3: {  	v6 =	vadd.s32 v7, v6  }
0xb4: {  	[tilespmem:v8+s10+$0x0] =	vst.idx.msk $0xffff, v6  }
0xb5: {  	v6 =	vld [tilespmem:$0x5000]  }
0xb6: {  	v7 =	vld [tilespmem:$0x5010]  }
0xb7: {  	v8 =	vld [tilespmem:$0x5020]  }
0xb8: {  	v9 =	vld [tilespmem:$0x5030]  }
0xb9: {  	v10 =	vld [tilespmem:$0x5040]  }
0xba: {  	v11 =	vld [tilespmem:$0x5050]  }
0xbb: {  	v6 =	vadd.s32 v6, v7;
	v7 =	vld [tilespmem:$0x5060]  }
0xbc: {  	v6 =	vadd.s32 v6, v8;
	v8 =	vld [tilespmem:$0x5070]  }
0xbd: {  	v6 =	vadd.s32 v6, v9;
	v9 =	vld [tilespmem:$0x5080]  }
0xbe: {  	v6 =	vadd.s32 v6, v10;
	v10 =	vld [tilespmem:$0x5090]  }
0xbf: {  	v6 =	vadd.s32 v6, v11;
	v11 =	vld [tilespmem:$0x50A0]  }
0xc0: {  	v6 =	vadd.s32 v6, v7;
	v7 =	vld [tilespmem:$0x50B0]  }
0xc1: {  	v6 =	vadd.s32 v6, v8;
	v8 =	vld [tilespmem:$0x50C0]  }
0xc2: {  	v6 =	vadd.s32 v6, v9;
	v9 =	vld [tilespmem:$0x50D0]  }
0xc3: {  	v6 =	vadd.s32 v6, v10;
	v10 =	vld [tilespmem:$0x50E0]  }
0xc4: {  	v6 =	vadd.s32 v6, v11;
	v11 =	vld [tilespmem:$0x50F0]  }
0xc5: {  	v6 =	vadd.s32 v6, v7  }
0xc6: {  	v6 =	vadd.s32 v6, v8  }
0xc7: {  	v6 =	vadd.s32 v6, v9  }
0xc8: {  	v6 =	vadd.s32 v6, v10  }
0xc9: {  	v6 =	vadd.s32 v6, v11  }
0xca: {  	v7 =	vperm.xlane v6, v5;
	_ =	sdelay $0x1  }
0xcb: {  	(xrf0) =	vadd.scan.msk.s32 $0xffff, v7;
	_ =	sdelay $0x5  }
0xcc: {  	v7, _, _ =	vpop (xrf0)  }
0xcd: {  	v7 =	vperm.xlane v7, v5;
	_ =	sdelay $0x1  }
0xce: {  	v6 =	vsub.s32 v7, v6  }
0xcf: {  	vm1 =	vgt.s32 v7, $0x1FF;
	vm0 =	vlt.s32 v6, $0x200  }
0xd0: {  	vm0 =	vmand vm1, vm0  }
0xd1: {  	v7 =	vnsel vm0, $0x0, v0  }
0xd2: {  	(xrf0) =	vadd.scan.msk.s32 $0xffff, v7;
	_ =	sdelay $0x5  }
0xd3: {  	v7, _, _ =	vpop (xrf0)  }
0xd4: {  	v8 =	vbroadcast v7, $0xF;
	_ =	sdelay $0x1  }
0xd5: {  	v8 =	vadd.s32 v4, v8;
	_ =	sdelay $0x4  }
0xd6: {  	v8 =	vld.idx.msk [tilespmem:v8+s10+$0x0], $0xffff;
	_ =	sdelay $0x4  }
0xd7: {  	v6 =	vnsel vm0, $0x0, v6;
	v9 =	vperm.xlane v8, v5  }
0xd8: {  	(xrf0) =	vadd.scan.msk.s32 $0xffff, v6  }
0xd9: {  	(xrf0) =	vadd.scan.msk.s32 $0xffff, v9;
	_ =	sdelay $0x4  }
0xda: {  	v6, _, _ =	vpop (xrf0)  }
0xdb: {  	v9, _, _ =	vpop (xrf0)  }
0xdc: {  	v9 =	vperm.xlane v9, v5  }
0xdd: {  	v10 =	vbroadcast v6, $0xF  }
0xde: {  	v6 =	vsub.s32 v9, v8  }
0xdf: {  	v8 =	vadd.s32 v9, v10;
	v6 =	vadd.s32 v6, v10  }
0xe0: {  	vm1 =	vgt.s32 v8, $0x1FF;
	vm0 =	vlt.s32 v6, $0x200  }
0xe1: {  	vm0 =	vmand vm0, vm1  }
0xe2: {  	v8 =	vnsel vm0, $0x0, v0  }
0xe3: {  	(xrf0) =	vadd.scan.msk.s32 $0xffff, v8;
	_ =	sdelay $0x5  }
0xe4: {  	(v2sf) =	vpush v7, $0xF;
	v7, _, _ =	vpop (xrf0)  }
0xe5: {  	(v2sf) =	vpush v7, $0xF;
	_ =	sdelay $0xc  }
0xe6: {  	s13 =	simm.s32 $0x2040  }
0xe7: {  	s14 =	spop (v2sf);
	v8 =	vld [tilespmem:s13+$0xFFFFFFC0]  }
0xe8: {  	s15 =	spop (v2sf)  }
0xe9: {  	s14 =	sshll.u32 s14, $0x1C;
	s15 =	sshll.u32 s15, $0x18  }
0xea: {  	s14 =	sadd.s32 s14, s15  }
0xeb: {  	s15 =	sshrl.u32 s14, $0x18  }
0xec: {  	v9 =	vshrl.u32 v8, $0x18;
	v7 =	vmov s15  }
0xed: {  	s31 =	simm.s32 $0x0;
	s16 =	simm.s32 $0x0;
	vm1 =	veq.s32 v9, v7  }
0xee: {  	[tilespmem:s31+$0x5180] =	vst.msk vm1, v8;
	v8 =	vor.u32 s16, v0;
	v9 =	vsel vm1, $0x1, v1  }
0xef: {  	[tilespmem:s31+$0x7200] =	vst.msk vm1, v8;
	(xrf0) =	vadd.scan.msk.s32 $0xffff, v9  }
0xf0: {  	v8 =	vld [tilespmem:s13+$0xFFFFFFD0];
	_ =	sdelay $0x4  }
0xf1: {  	v9 =	vshrl.u32 v8, $0x18;
	v10, _, _ =	vpop (xrf0)  }
0xf2: {  	vm1 =	veq.s32 v9, v7;
	(v2sf) =	vpush v10, $0xF  }
0xf3: {  	v9 =	vsel vm1, $0x1, v1  }
0xf4: {  	(xrf0) =	vadd.scan.msk.s32 $0xffff, v9;
	_ =	sdelay $0x5  }
0xf5: {  	v9, _, _ =	vpop (xrf0)  }
0xf6: {  	(v2sf) =	vpush v9, $0xF;
	_ =	sdelay $0x5  }
0xf7: {  	s17 =	spop (v2sf)  }
0xf8: {  	s18 =	simm.s32 $0x10;
	s15 =	sadd.s32 $0x0, s17  }
0xf9: {  	[tilespmem:s15+$0x5180] =	vst.msk vm1, v8;
	v8 =	vor.u32 s18, v0  }
0xfa: {  	[tilespmem:s15+$0x7200] =	vst.msk vm1, v8  }
0xfb: {  	v8 =	vld [tilespmem:s13+$0xFFFFFFE0];
	_ =	sdelay $0x4  }
0xfc: {  	v9 =	vshrl.u32 v8, $0x18;
	s19 =	spop (v2sf)  }
0xfd: {  	s20 =	simm.s32 $0x20;
	s15 =	sadd.s32 s15, s19;
	vm1 =	veq.s32 v9, v7  }
0xfe: {  	[tilespmem:s15+$0x5180] =	vst.msk vm1, v8;
	v8 =	vor.u32 s20, v0;
	v9 =	vsel vm1, $0x1, v1  }
0xff: {  	[tilespmem:s15+$0x7200] =	vst.msk vm1, v8;
	(xrf0) =	vadd.scan.msk.s32 $0xffff, v9  }
0x100: {  	v8 =	vld [tilespmem:s13+$0xFFFFFFF0];
	_ =	sdelay $0x4  }
0x101: {  	v9 =	vshrl.u32 v8, $0x18;
	v10, _, _ =	vpop (xrf0)  }
0x102: {  	vm1 =	veq.s32 v9, v7;
	(v2sf) =	vpush v10, $0xF  }
0x103: {  	v9 =	vsel vm1, $0x1, v1  }
0x104: {  	(xrf0) =	vadd.scan.msk.s32 $0xffff, v9;
	_ =	sdelay $0x5  }
0x105: {  	v9, _, _ =	vpop (xrf0)  }
0x106: {  	(v2sf) =	vpush v9, $0xF;
	_ =	sdelay $0x5  }
0x107: {  	s21 =	spop (v2sf)  }
0x108: {  	s22 =	simm.s32 $0x30;
	s15 =	sadd.s32 s15, s21  }
0x109: {  	[tilespmem:s15+$0x5180] =	vst.msk vm1, v8;
	v8 =	vor.u32 s22, v0  }
0x10a: {  	[tilespmem:s15+$0x7200] =	vst.msk vm1, v8  }
0x10b: {  	v8 =	vld [tilespmem:s13+$0x0];
	_ =	sdelay $0x4  }
0x10c: {  	v9 =	vshrl.u32 v8, $0x18;
	s23 =	spop (v2sf)  }
0x10d: {  	s24 =	simm.s32 $0x40;
	s15 =	sadd.s32 s15, s23;
	vm1 =	veq.s32 v9, v7  }
0x10e: {  	[tilespmem:s15+$0x5180] =	vst.msk vm1, v8;
	v8 =	vor.u32 s24, v0;
	v9 =	vsel vm1, $0x1, v1  }
0x10f: {  	[tilespmem:s15+$0x7200] =	vst.msk vm1, v8;
	(xrf0) =	vadd.scan.msk.s32 $0xffff, v9  }
0x110: {  	v8 =	vld [tilespmem:s13+$0x10];
	_ =	sdelay $0x4  }
0x111: {  	v9 =	vshrl.u32 v8, $0x18;
	v10, _, _ =	vpop (xrf0)  }
0x112: {  	vm1 =	veq.s32 v9, v7;
	(v2sf) =	vpush v10, $0xF  }
0x113: {  	v9 =	vsel vm1, $0x1, v1  }
0x114: {  	(xrf0) =	vadd.scan.msk.s32 $0xffff, v9;
	_ =	sdelay $0x5  }
0x115: {  	v9, _, _ =	vpop (xrf0)  }
0x116: {  	(v2sf) =	vpush v9, $0xF;
	_ =	sdelay $0x5  }
0x117: {  	s25 =	spop (v2sf)  }
0x118: {  	s26 =	simm.s32 $0x50;
	s15 =	sadd.s32 s15, s25  }
0x119: {  	[tilespmem:s15+$0x5180] =	vst.msk vm1, v8;
	v8 =	vor.u32 s26, v0  }
0x11a: {  	[tilespmem:s15+$0x7200] =	vst.msk vm1, v8  }
0x11b: {  	v8 =	vld [tilespmem:s13+$0x20];
	_ =	sdelay $0x4  }
0x11c: {  	v9 =	vshrl.u32 v8, $0x18;
	s28 =	spop (v2sf)  }
0x11d: {  	s29 =	simm.s32 $0x60;
	s15 =	sadd.s32 s15, s28;
	vm1 =	veq.s32 v9, v7  }
0x11e: {  	[tilespmem:s15+$0x5180] =	vst.msk vm1, v8;
	v8 =	vor.u32 s29, v0;
	v9 =	vsel vm1, $0x1, v1  }
0x11f: {  	[tilespmem:s15+$0x7200] =	vst.msk vm1, v8;
	(xrf0) =	vadd.scan.msk.s32 $0xffff, v9  }
0x120: {  	v8 =	vld [tilespmem:s13+$0x30];
	_ =	sdelay $0x4  }
0x121: {  	v9 =	vshrl.u32 v8, $0x18;
	v10, _, _ =	vpop (xrf0)  }
0x122: {  	vm1 =	veq.s32 v9, v7;
	(v2sf) =	vpush v10, $0xF  }
0x123: {  	v9 =	vsel vm1, $0x1, v1  }
0x124: {  	(xrf0) =	vadd.scan.msk.s32 $0xffff, v9;
	_ =	sdelay $0x5  }
0x125: {  	v9, _, _ =	vpop (xrf0)  }
0x126: {  	(v2sf) =	vpush v9, $0xF;
	_ =	sdelay $0x5  }
0x127: {  	s30 =	spop (v2sf)  }
0x128: {  	s31 =	simm.s32 $0x70;
	s17 =	sadd.s32 s15, s30  }
0x129: {  	[tilespmem:s17+$0x5180] =	vst.msk vm1, v8;
	v8 =	vor.u32 s31, v0  }
0x12a: {  	s13 =	simm.s32 $0x20C0;
	[tilespmem:s17+$0x7200] =	vst.msk vm1, v8  }
0x12b: {  	v8 =	vld [tilespmem:s13+$0xFFFFFFC0];
	_ =	sdelay $0x4  }
0x12c: {  	s16 =	simm.s32 $0x8;
	s15 =	simm.s32 $0xF0;
	v9 =	vshrl.u32 v8, $0x18;
	s18 =	spop (v2sf)  }
.LBB2_8:
0x12d: {  	s16 =	sadd.s32 $0x8, s16;
	s19 =	sadd.s32 $0xFFFFFF90, s15;
	vm1 =	veq.s32 v9, v7;
	s17 =	sadd.s32 s17, s18  }
0x12e: {  	p1 =	slt.u32 s16, $0x1F8;
	[tilespmem:s17+$0x5180] =	vst.msk vm1, v8;
	v8 =	vor.u32 s19, v0;
	v9 =	vsel vm1, $0x1, v1  }
0x12f: {  	[tilespmem:s17+$0x7200] =	vst.msk vm1, v8;
	(xrf0) =	vadd.scan.msk.s32 $0xffff, v9  }
0x130: {  	v8 =	vld [tilespmem:s13+$0xFFFFFFD0];
	_ =	sdelay $0x4  }
0x131: {  	v9 =	vshrl.u32 v8, $0x18;
	v10, _, _ =	vpop (xrf0)  }
0x132: {  	vm1 =	veq.s32 v9, v7;
	(v2sf) =	vpush v10, $0xF  }
0x133: {  	v9 =	vsel vm1, $0x1, v1  }
0x134: {  	(xrf0) =	vadd.scan.msk.s32 $0xffff, v9;
	_ =	sdelay $0x5  }
0x135: {  	v9, _, _ =	vpop (xrf0)  }
0x136: {  	(v2sf) =	vpush v9, $0xF;
	_ =	sdelay $0x5  }
0x137: {  	s18 =	spop (v2sf)  }
0x138: {  	s17 =	sadd.s32 s17, s18;
	s18 =	sadd.s32 $0xFFFFFFA0, s15  }
0x139: {  	[tilespmem:s17+$0x5180] =	vst.msk vm1, v8;
	v8 =	vor.u32 s18, v0  }
0x13a: {  	[tilespmem:s17+$0x7200] =	vst.msk vm1, v8  }
0x13b: {  	v8 =	vld [tilespmem:s13+$0xFFFFFFE0];
	_ =	sdelay $0x4  }
0x13c: {  	v9 =	vshrl.u32 v8, $0x18;
	s18 =	spop (v2sf)  }
0x13d: {  	s17 =	sadd.s32 s17, s18;
	s18 =	sadd.s32 $0xFFFFFFB0, s15;
	vm1 =	veq.s32 v9, v7  }
0x13e: {  	[tilespmem:s17+$0x5180] =	vst.msk vm1, v8;
	v8 =	vor.u32 s18, v0;
	v9 =	vsel vm1, $0x1, v1  }
0x13f: {  	[tilespmem:s17+$0x7200] =	vst.msk vm1, v8;
	(xrf0) =	vadd.scan.msk.s32 $0xffff, v9  }
0x140: {  	v8 =	vld [tilespmem:s13+$0xFFFFFFF0];
	_ =	sdelay $0x4  }
0x141: {  	v9 =	vshrl.u32 v8, $0x18;
	v10, _, _ =	vpop (xrf0)  }
0x142: {  	vm1 =	veq.s32 v9, v7;
	(v2sf) =	vpush v10, $0xF  }
0x143: {  	v9 =	vsel vm1, $0x1, v1  }
0x144: {  	(xrf0) =	vadd.scan.msk.s32 $0xffff, v9;
	_ =	sdelay $0x5  }
0x145: {  	v9, _, _ =	vpop (xrf0)  }
0x146: {  	(v2sf) =	vpush v9, $0xF;
	_ =	sdelay $0x5  }
0x147: {  	s18 =	spop (v2sf)  }
0x148: {  	s17 =	sadd.s32 s17, s18;
	s18 =	sadd.s32 $0xFFFFFFC0, s15  }
0x149: {  	[tilespmem:s17+$0x5180] =	vst.msk vm1, v8;
	v8 =	vor.u32 s18, v0  }
0x14a: {  	[tilespmem:s17+$0x7200] =	vst.msk vm1, v8  }
0x14b: {  	v8 =	vld [tilespmem:s13+$0x0];
	_ =	sdelay $0x4  }
0x14c: {  	v9 =	vshrl.u32 v8, $0x18;
	s18 =	spop (v2sf)  }
0x14d: {  	s17 =	sadd.s32 s17, s18;
	s18 =	sadd.s32 $0xFFFFFFD0, s15;
	vm1 =	veq.s32 v9, v7  }
0x14e: {  	[tilespmem:s17+$0x5180] =	vst.msk vm1, v8;
	v8 =	vor.u32 s18, v0;
	v9 =	vsel vm1, $0x1, v1  }
0x14f: {  	[tilespmem:s17+$0x7200] =	vst.msk vm1, v8;
	(xrf0) =	vadd.scan.msk.s32 $0xffff, v9  }
0x150: {  	v8 =	vld [tilespmem:s13+$0x10];
	_ =	sdelay $0x4  }
0x151: {  	v9 =	vshrl.u32 v8, $0x18;
	v10, _, _ =	vpop (xrf0)  }
0x152: {  	vm1 =	veq.s32 v9, v7;
	(v2sf) =	vpush v10, $0xF  }
0x153: {  	v9 =	vsel vm1, $0x1, v1  }
0x154: {  	(xrf0) =	vadd.scan.msk.s32 $0xffff, v9;
	_ =	sdelay $0x5  }
0x155: {  	v9, _, _ =	vpop (xrf0)  }
0x156: {  	(v2sf) =	vpush v9, $0xF;
	_ =	sdelay $0x5  }
0x157: {  	s18 =	spop (v2sf)  }
0x158: {  	s17 =	sadd.s32 s17, s18;
	s18 =	sadd.s32 $0xFFFFFFE0, s15  }
0x159: {  	[tilespmem:s17+$0x5180] =	vst.msk vm1, v8;
	v8 =	vor.u32 s18, v0  }
0x15a: {  	[tilespmem:s17+$0x7200] =	vst.msk vm1, v8  }
0x15b: {  	v8 =	vld [tilespmem:s13+$0x20];
	_ =	sdelay $0x4  }
0x15c: {  	v9 =	vshrl.u32 v8, $0x18;
	s18 =	spop (v2sf)  }
0x15d: {  	s17 =	sadd.s32 s17, s18;
	s18 =	sadd.s32 $0xFFFFFFF0, s15;
	vm1 =	veq.s32 v9, v7  }
0x15e: {  	[tilespmem:s17+$0x5180] =	vst.msk vm1, v8;
	v8 =	vor.u32 s18, v0;
	v9 =	vsel vm1, $0x1, v1  }
0x15f: {  	[tilespmem:s17+$0x7200] =	vst.msk vm1, v8;
	(xrf0) =	vadd.scan.msk.s32 $0xffff, v9  }
0x160: {  	v8 =	vld [tilespmem:s13+$0x30];
	_ =	sdelay $0x4  }
0x161: {  	v9 =	vshrl.u32 v8, $0x18;
	v10, _, _ =	vpop (xrf0)  }
0x162: {  	vm1 =	veq.s32 v9, v7;
	(v2sf) =	vpush v10, $0xF  }
0x163: {  	v9 =	vsel vm1, $0x1, v1  }
0x164: {  	(xrf0) =	vadd.scan.msk.s32 $0xffff, v9;
	_ =	sdelay $0x5  }
0x165: {  	v9, _, _ =	vpop (xrf0)  }
0x166: {  	(v2sf) =	vpush v9, $0xF;
	_ =	sdelay $0x5  }
0x167: {  	s18 =	spop (v2sf)  }
0x168: {  	s17 =	sadd.s32 s17, s18  }
0x169: {  	[tilespmem:s17+$0x5180] =	vst.msk vm1, v8;
	v8 =	vor.u32 s15, v0  }
0x16a: {  	s13 =	sadd.s32 $0x80, s13;
	[tilespmem:s17+$0x7200] =	vst.msk vm1, v8  }
0x16b: {  	v8 =	vld [tilespmem:s13+$0xFFFFFFC0]  }
.Ltmp5:
0x16c: {  	(pc) =	sbr.rel @p1 .LBB2_8-.Ltmp5, $2  }
0x16d: {  	_ =	sdelay $0x2  }
0x16e: {  	s15 =	sadd.s32 $0x80, s15;
	v9 =	vshrl.u32 v8, $0x18;
	s18 =	spop (v2sf)  }
0x16f: {  	s16 =	sadd.s32 $0xFFFFFF90, s15;
	vm1 =	veq.s32 v9, v7;
	s17 =	sadd.s32 s17, s18  }
0x170: {  	[tilespmem:s17+$0x5180] =	vst.msk vm1, v8;
	v8 =	vor.u32 s16, v0;
	v9 =	vsel vm1, $0x1, v1  }
0x171: {  	[tilespmem:s17+$0x7200] =	vst.msk vm1, v8;
	(xrf0) =	vadd.scan.msk.s32 $0xffff, v9  }
0x172: {  	v8 =	vld [tilespmem:s13+$0xFFFFFFD0];
	_ =	sdelay $0x4  }
0x173: {  	v53 =	vshrl.u32 v8, $0x18;
	v10, _, _ =	vpop (xrf0)  }
0x174: {  	vm9 =	veq.s32 v53, v7;
	(v2sf) =	vpush v10, $0xF  }
0x175: {  	v9 =	vsel vm9, $0x1, v1  }
0x176: {  	(xrf0) =	vadd.scan.msk.s32 $0xffff, v9;
	_ =	sdelay $0x5  }
0x177: {  	v9, _, _ =	vpop (xrf0)  }
0x178: {  	(v2sf) =	vpush v9, $0xF;
	_ =	sdelay $0x5  }
0x179: {  	s30 =	spop (v2sf)  }
0x17a: {  	s31 =	sadd.s32 $0xFFFFFFA0, s15;
	s16 =	sadd.s32 s17, s30  }
0x17b: {  	[tilespmem:s16+$0x5180] =	vst.msk vm9, v8;
	v8 =	vor.u32 s31, v0  }
0x17c: {  	[tilespmem:s16+$0x7200] =	vst.msk vm9, v8  }
0x17d: {  	v8 =	vld [tilespmem:s13+$0xFFFFFFE0];
	_ =	sdelay $0x4  }
0x17e: {  	v54 =	vshrl.u32 v8, $0x18;
	s18 =	spop (v2sf)  }
0x17f: {  	s19 =	sadd.s32 $0xFFFFFFB0, s15;
	s16 =	sadd.s32 s16, s18;
	vm10 =	veq.s32 v54, v7  }
0x180: {  	[tilespmem:s16+$0x5180] =	vst.msk vm10, v8;
	v8 =	vor.u32 s19, v0;
	v9 =	vsel vm10, $0x1, v1  }
0x181: {  	[tilespmem:s16+$0x7200] =	vst.msk vm10, v8;
	(xrf0) =	vadd.scan.msk.s32 $0xffff, v9  }
0x182: {  	v8 =	vld [tilespmem:s13+$0xFFFFFFF0];
	_ =	sdelay $0x4  }
0x183: {  	v55 =	vshrl.u32 v8, $0x18;
	v56, _, _ =	vpop (xrf0)  }
0x184: {  	vm11 =	veq.s32 v55, v7;
	(v2sf) =	vpush v56, $0xF  }
0x185: {  	v9 =	vsel vm11, $0x1, v1  }
0x186: {  	(xrf0) =	vadd.scan.msk.s32 $0xffff, v9;
	_ =	sdelay $0x5  }
0x187: {  	v9, _, _ =	vpop (xrf0)  }
0x188: {  	(v2sf) =	vpush v9, $0xF;
	_ =	sdelay $0x5  }
0x189: {  	s20 =	spop (v2sf)  }
0x18a: {  	s21 =	sadd.s32 $0xFFFFFFC0, s15;
	s16 =	sadd.s32 s16, s20  }
0x18b: {  	[tilespmem:s16+$0x5180] =	vst.msk vm11, v8;
	v8 =	vor.u32 s21, v0  }
0x18c: {  	[tilespmem:s16+$0x7200] =	vst.msk vm11, v8  }
0x18d: {  	v8 =	vld [tilespmem:s13+$0x0];
	_ =	sdelay $0x4  }
0x18e: {  	v57 =	vshrl.u32 v8, $0x18;
	s22 =	spop (v2sf)  }
0x18f: {  	s23 =	sadd.s32 $0xFFFFFFD0, s15;
	s16 =	sadd.s32 s16, s22;
	vm12 =	veq.s32 v57, v7  }
0x190: {  	[tilespmem:s16+$0x5180] =	vst.msk vm12, v8;
	v8 =	vor.u32 s23, v0;
	v9 =	vsel vm12, $0x1, v1  }
0x191: {  	[tilespmem:s16+$0x7200] =	vst.msk vm12, v8;
	(xrf0) =	vadd.scan.msk.s32 $0xffff, v9  }
0x192: {  	v8 =	vld [tilespmem:s13+$0x10];
	_ =	sdelay $0x4  }
0x193: {  	v58 =	vshrl.u32 v8, $0x18;
	v59, _, _ =	vpop (xrf0)  }
0x194: {  	vm13 =	veq.s32 v58, v7;
	(v2sf) =	vpush v59, $0xF  }
0x195: {  	v9 =	vsel vm13, $0x1, v1  }
0x196: {  	(xrf0) =	vadd.scan.msk.s32 $0xffff, v9;
	_ =	sdelay $0x5  }
0x197: {  	v9, _, _ =	vpop (xrf0)  }
0x198: {  	(v2sf) =	vpush v9, $0xF;
	_ =	sdelay $0x5  }
0x199: {  	s24 =	spop (v2sf)  }
0x19a: {  	s25 =	sadd.s32 $0xFFFFFFE0, s15;
	s16 =	sadd.s32 s16, s24  }
0x19b: {  	[tilespmem:s16+$0x5180] =	vst.msk vm13, v8;
	v8 =	vor.u32 s25, v0  }
0x19c: {  	[tilespmem:s16+$0x7200] =	vst.msk vm13, v8  }
0x19d: {  	v8 =	vld [tilespmem:s13+$0x20];
	_ =	sdelay $0x4  }
0x19e: {  	v60 =	vshrl.u32 v8, $0x18;
	s26 =	spop (v2sf)  }
0x19f: {  	s28 =	sadd.s32 $0xFFFFFFF0, s15;
	s16 =	sadd.s32 s16, s26;
	vm14 =	veq.s32 v60, v7  }
0x1a0: {  	[tilespmem:s16+$0x5180] =	vst.msk vm14, v8;
	v8 =	vor.u32 s28, v0  }
0x1a1: {  	[tilespmem:s16+$0x7200] =	vst.msk vm14, v8  }
0x1a2: {  	v8 =	vld [tilespmem:s13+$0x30];
	_ =	sdelay $0x4  }
0x1a3: {  	v61 =	vshrl.u32 v8, $0x18  }
0x1a4: {  	v62 =	vsel vm14, $0x1, v1;
	vm15 =	veq.s32 v61, v7  }
0x1a5: {  	(xrf0) =	vadd.scan.msk.s32 $0xffff, v62;
	v9 =	vsel vm15, $0x1, v1  }
0x1a6: {  	(xrf0) =	vadd.scan.msk.s32 $0xffff, v9;
	_ =	sdelay $0x2  }
0x1a7: {  	v6 =	vnsel vm0, $0x0, v6;
	_ =	sdelay $0x1  }
0x1a8: {  	v63, _, _ =	vpop (xrf0)  }
0x1a9: {  	(v2sf) =	vpush v63, $0xF;
	(xrf0) =	vadd.scan.msk.s32 $0xffff, v6;
	v6, _, _ =	vpop (xrf0)  }
0x1aa: {  	(v2sf) =	vpush v6, $0xF;
	_ =	sdelay $0x7  }
0x1ab: {  	v6, _, _ =	vpop (xrf0)  }
0x1ac: {  	(v2sf) =	vpush v6, $0xF;
	_ =	sdelay $0x4  }
0x1ad: {  	s29 =	spop (v2sf)  }
0x1ae: {  	s16 =	sadd.s32 s16, s29;
	s30 =	spop (v2sf)  }
0x1af: {  	s31 =	sadd.s32 s16, s30  }
0x1b0: {  	s13 =	sadd.s32 $0xF, s31  }
0x1b1: {  	s13 =	sshra.s32 s13, $0x4  }
0x1b2: {  	p2 =	slt.s32 s13, $0x1  }
.Ltmp6:
0x1b3: {  	_ = 	snop;
	(pc) =	sbr.rel @p2 .LBB2_16-.Ltmp6, $3  }
0x1b4: {  	_ =	sdelay $0x1  }
0x1b5: {  	v6 =	vor.u32 s15, v0;
	[tilespmem:s16+$0x5180] =	vst.msk vm15, v8  }
0x1b6: {  	[tilespmem:s16+$0x7200] =	vst.msk vm15, v6;
	s15 =	spop (v2sf);
	v6 =	vmov s31;
	p1 =	sne.s32 s13, $0x1  }
.Ltmp7:
0x1b7: {  	(pc) =	sbr.rel @!p1 .LBB2_11-.Ltmp7, $3  }
0x1b8: {  	_ =	sdelay $0x1  }
0x1b9: {  	s17 =	simm.s32 $0x5180  }
0x1ba: {  	s16 =	simm.s32 $0x0;
	p3 =	por $0x0, $0x0;
	v8 =	vld [tilespmem:s17+$0x0];
	s17 =	sadd.s32 $0xFFFFFFFF, s13  }
0x1bb: {  	_ =	sdelay $0x3  }
0x1bc: {  	v10 =	vor.u32 s16, v0;
	v9 =	vshrl.u32 v8, $0x18  }
0x1bd: {  	vm1 =	vlt.s32 v10, v6;
	v8 =	vshrl.u32 v8, $0x10;
	vm0 =	veq.s32 v9, v7  }
0x1be: {  	v8 =	vand.u32 $0xFF, v8;
	vm0 =	vmand vm1, vm0  }
0x1bf: {  	v8 =	vor.u32 v2, v8  }
0x1c0: {  	p4 =	sne.s32 s17, $0x1  }
.Ltmp8:
0x1c1: {  	_ = 	snop;
	(pc) =	sbr.rel @!p4 .LBB2_13-.Ltmp8, $3  }
0x1c2: {  	_ =	sdelay $0x1  }
0x1c3: {  	s18 =	simm.s32 $0x5190;
	[tilespmem:v8+s9+$0x0] =	vst.idx.add.s32.msk vm0, v3  }
0x1c4: {  	s19 =	sadd.s32 $0xFFFFFFFF, s17;
	p3 =	por $0x1, $0x1;
	s17 =	simm.s32 $0x0;
	v8 =	vld [tilespmem:s18+$0x0]  }
.LBB2_14:
0x1c5: {  	p4 =	sne.s32 s19, $0x1;
	_ =	sdelay $0x2  }
0x1c6: {  	s17 =	sadd.s32 $0x10, s17  }
0x1c7: {  	v10 =	vor.u32 s17, v0;
	v9 =	vshrl.u32 v8, $0x18  }
0x1c8: {  	vm1 =	vlt.s32 v10, v6;
	v8 =	vshrl.u32 v8, $0x10;
	vm0 =	veq.s32 v9, v7  }
0x1c9: {  	v8 =	vand.u32 $0xFF, v8;
	vm0 =	vmand vm1, vm0  }
0x1ca: {  	v8 =	vor.u32 v2, v8;
	_ =	sdelay $0x1  }
.Ltmp9:
0x1cb: {  	(pc) =	sbr.rel @p4 .LBB2_14-.Ltmp9, $3  }
0x1cc: {  	_ =	sdelay $0x1  }
0x1cd: {  	s18 =	sadd.s32 $0x10, s18;
	[tilespmem:v8+s9+$0x0] =	vst.idx.add.s32.msk vm0, v3  }
0x1ce: {  	s19 =	sadd.s32 $0xFFFFFFFF, s19;
	v8 =	vld [tilespmem:s18+$0x0]  }
.LBB2_15:
0x1cf: {  	_ =	sdelay $0x1  }
0x1d0: {  	s17 =	sadd.s32 @p3 $0x10, s17  }
0x1d1: {  	s16 =	smov.u32 @p3 s17  }
0x1d2: {  	v10 =	vor.u32 s16, v0;
	v9 =	vshrl.u32 v8, $0x18  }
0x1d3: {  	vm1 =	vlt.s32 v10, v6;
	vm0 =	veq.s32 v9, v7;
	v7 =	vshrl.u32 v8, $0x10  }
0x1d4: {  	vm0 =	vmand vm1, vm0;
	v7 =	vand.u32 $0xFF, v7  }
0x1d5: {  	v7 =	vor.u32 v2, v7;
	_ =	sdelay $0x4  }
0x1d6: {  	[tilespmem:v7+s9+$0x0] =	vst.idx.add.s32.msk vm0, v3  }
.LBB2_16:
0x1d7: {  	s16 =	simm.s32 $0x0  }
0x1d8: {  	s18 =	sand.u32 $0xF0, s16  }
0x1d9: {  	v7 =	vld [tilespmem:s18+$0x4000]  }
0x1da: {  	v8 =	vld [tilespmem:s18+$0x4100]  }
0x1db: {  	v9 =	vld [tilespmem:s18+$0x4200]  }
0x1dc: {  	v10 =	vld [tilespmem:s18+$0x4300]  }
0x1dd: {  	[tilespmem:s18+$0x4200] =	vst v1;
	v11 =	vld [tilespmem:s18+$0x4400]  }
0x1de: {  	[tilespmem:s18+$0x4000] =	vst v1;
	v12 =	vld [tilespmem:s18+$0x4500]  }
0x1df: {  	[tilespmem:s18+$0x4100] =	vst v1;
	v13 =	vld [tilespmem:s18+$0x4600]  }
0x1e0: {  	[tilespmem:s18+$0x4300] =	vst v1;
	v62 =	vld [tilespmem:s18+$0x4B00];
	v7 =	vadd.s32 v8, v7  }
0x1e1: {  	[tilespmem:s18+$0x4400] =	vst v1;
	v8 =	vld [tilespmem:s18+$0x4700];
	v7 =	vadd.s32 v9, v7  }
0x1e2: {  	[tilespmem:s18+$0x4500] =	vst v1;
	v9 =	vld [tilespmem:s18+$0x4800];
	v7 =	vadd.s32 v10, v7  }
0x1e3: {  	[tilespmem:s18+$0x4600] =	vst v1;
	v10 =	vld [tilespmem:s18+$0x4900];
	v7 =	vadd.s32 v7, v11  }
0x1e4: {  	[tilespmem:s18+$0x4B00] =	vst v1;
	v11 =	vld [tilespmem:s18+$0x4A00];
	v7 =	vadd.s32 v12, v7  }
0x1e5: {  	v63 =	vld [tilespmem:s18+$0x4C00];
	[tilespmem:s18+$0x4C00] =	vst v1;
	v7 =	vadd.s32 v13, v7  }
0x1e6: {  	v14 =	vld [tilespmem:s18+$0x4D00];
	[tilespmem:s18+$0x4D00] =	vst v1;
	v7 =	vadd.s32 v8, v7  }
0x1e7: {  	[tilespmem:s18+$0x4700] =	vst v1;
	v7 =	vadd.s32 v7, v9  }
0x1e8: {  	[tilespmem:s18+$0x4800] =	vst v1;
	v7 =	vadd.s32 v10, v7  }
0x1e9: {  	[tilespmem:s18+$0x4900] =	vst v1;
	v8 =	vadd.s32 v11, v7;
	v7 =	vld [tilespmem:s18+$0x4E00]  }
0x1ea: {  	[tilespmem:s18+$0x4A00] =	vst v1;
	v9 =	vadd.s32 v62, v8;
	v8 =	vld [tilespmem:s18+$0x4F00]  }
0x1eb: {  	[tilespmem:s18+$0x4E00] =	vst v1;
	v10 =	vadd.s32 v9, v63;
	v9 =	vor.u32 s16, v4  }
0x1ec: {  	s15 =	ssub.s32 $0x200, s15;
	s17 =	simm.s32 $0x1;
	[tilespmem:s18+$0x4F00] =	vst v1;
	v10 =	vadd.s32 v14, v10  }
.LBB2_17:
0x1ed: {  	p3 =	sne.s32 s17, $0xF  }
0x1ee: {  	v7 =	vadd.s32 v7, v10;
	s16 =	sadd.s32 $0x10, s16;
	s18 =	smov.u32 s17;
	s17 =	sadd.s32 $0x1, s17  }
0x1ef: {  	v7 =	vadd.s32 v8, v7  }
0x1f0: {  	s19 =	sand.u32 $0xF0, s16;
	[tilespmem:v9+s10+$0x0] =	vst.idx.msk $0xffff, v7  }
0x1f1: {  	v7 =	vld [tilespmem:s19+$0x4200]  }
0x1f2: {  	v8 =	vld [tilespmem:s19+$0x4000];
	[tilespmem:s19+$0x4200] =	vst v1  }
0x1f3: {  	[tilespmem:s19+$0x4000] =	vst v1;
	v9 =	vld [tilespmem:s19+$0x4100]  }
0x1f4: {  	[tilespmem:s19+$0x4100] =	vst v1;
	v10 =	vld [tilespmem:s19+$0x4300]  }
0x1f5: {  	[tilespmem:s19+$0x4300] =	vst v1;
	v11 =	vld [tilespmem:s19+$0x4400]  }
0x1f6: {  	[tilespmem:s19+$0x4400] =	vst v1;
	v12 =	vld [tilespmem:s19+$0x4500]  }
0x1f7: {  	[tilespmem:s19+$0x4500] =	vst v1;
	v13 =	vld [tilespmem:s19+$0x4600]  }
0x1f8: {  	v8 =	vadd.s32 v9, v8;
	[tilespmem:s19+$0x4600] =	vst v1;
	v9 =	vld [tilespmem:s19+$0x4700]  }
0x1f9: {  	v7 =	vadd.s32 v7, v8;
	[tilespmem:s19+$0x4700] =	vst v1;
	v8 =	vld [tilespmem:s19+$0x4800]  }
0x1fa: {  	v7 =	vadd.s32 v10, v7;
	[tilespmem:s19+$0x4800] =	vst v1;
	v10 =	vld [tilespmem:s19+$0x4900]  }
0x1fb: {  	v7 =	vadd.s32 v7, v11;
	[tilespmem:s19+$0x4900] =	vst v1;
	v11 =	vld [tilespmem:s19+$0x4A00]  }
0x1fc: {  	v7 =	vadd.s32 v12, v7;
	[tilespmem:s19+$0x4A00] =	vst v1;
	v12 =	vld [tilespmem:s19+$0x4B00]  }
0x1fd: {  	v7 =	vadd.s32 v13, v7;
	[tilespmem:s19+$0x4B00] =	vst v1;
	v13 =	vld [tilespmem:s19+$0x4C00]  }
0x1fe: {  	v7 =	vadd.s32 v9, v7;
	[tilespmem:s19+$0x4C00] =	vst v1;
	v14 =	vld [tilespmem:s19+$0x4D00]  }
0x1ff: {  	v8 =	vadd.s32 v7, v8;
	[tilespmem:s19+$0x4D00] =	vst v1;
	v7 =	vld [tilespmem:s19+$0x4E00]  }
.Ltmp10:
0x200: {  	v9 =	vadd.s32 v10, v8;
	[tilespmem:s19+$0x4E00] =	vst v1;
	v8 =	vld [tilespmem:s19+$0x4F00];
	(pc) =	sbr.rel @p3 .LBB2_17-.Ltmp10, $4  }
0x201: {  	v10 =	vadd.s32 v11, v9;
	[tilespmem:s19+$0x4F00] =	vst v1;
	v9 =	vor.u32 s18, v4  }
0x202: {  	v10 =	vadd.s32 v12, v10  }
0x203: {  	v10 =	vadd.s32 v10, v13  }
0x204: {  	v10 =	vadd.s32 v14, v10  }
0x205: {  	_ =	sdelay $0x1  }
0x206: {  	v7 =	vadd.s32 v7, v10  }
0x207: {  	v7 =	vadd.s32 v8, v7  }
0x208: {  	[tilespmem:v9+s10+$0x0] =	vst.idx.msk $0xffff, v7  }
0x209: {  	v7 =	vld [tilespmem:$0x5000]  }
0x20a: {  	v8 =	vld [tilespmem:$0x5010]  }
0x20b: {  	v9 =	vld [tilespmem:$0x5020]  }
0x20c: {  	v53 =	vld [tilespmem:$0x5030]  }
0x20d: {  	v11 =	vld [tilespmem:$0x5040]  }
0x20e: {  	v12 =	vld [tilespmem:$0x5050]  }
0x20f: {  	v7 =	vadd.s32 v7, v8;
	v8 =	vld [tilespmem:$0x5060]  }
0x210: {  	v54 =	vld [tilespmem:$0x5070];
	v7 =	vadd.s32 v7, v9  }
0x211: {  	v55 =	vld [tilespmem:$0x5080];
	v7 =	vadd.s32 v7, v53  }
0x212: {  	v56 =	vld [tilespmem:$0x5090];
	v7 =	vadd.s32 v7, v11  }
0x213: {  	v57 =	vld [tilespmem:$0x50A0];
	v7 =	vadd.s32 v7, v12  }
0x214: {  	v7 =	vadd.s32 v7, v8;
	v8 =	vld [tilespmem:$0x50B0]  }
0x215: {  	v58 =	vld [tilespmem:$0x50C0];
	v7 =	vadd.s32 v7, v54  }
0x216: {  	v59 =	vld [tilespmem:$0x50D0];
	v7 =	vadd.s32 v7, v55  }
0x217: {  	v60 =	vld [tilespmem:$0x50E0];
	v7 =	vadd.s32 v7, v56  }
0x218: {  	v61 =	vld [tilespmem:$0x50F0];
	v7 =	vadd.s32 v7, v57  }
0x219: {  	v7 =	vadd.s32 v7, v8  }
0x21a: {  	v7 =	vadd.s32 v7, v58  }
0x21b: {  	v7 =	vadd.s32 v7, v59  }
0x21c: {  	v7 =	vadd.s32 v7, v60  }
0x21d: {  	v7 =	vadd.s32 v7, v61  }
0x21e: {  	v8 =	vperm.xlane v7, v5;
	_ =	sdelay $0x1  }
0x21f: {  	(xrf0) =	vadd.scan.msk.s32 $0xffff, v8;
	_ =	sdelay $0x5  }
0x220: {  	v8, _, _ =	vpop (xrf0)  }
0x221: {  	v8 =	vperm.xlane v8, v5;
	_ =	sdelay $0x1  }
0x222: {  	v7 =	vsub.s32 v8, v7  }
0x223: {  	vm1 =	vge.s32 v8, s15;
	vm0 =	vlt.s32 v7, s15  }
0x224: {  	vm0 =	vmand vm1, vm0  }
0x225: {  	v8 =	vnsel vm0, $0x0, v0  }
0x226: {  	(xrf0) =	vadd.scan.msk.s32 $0xffff, v8;
	_ =	sdelay $0x5  }
0x227: {  	v8, _, _ =	vpop (xrf0)  }
0x228: {  	v62 =	vbroadcast v8, $0xF;
	_ =	sdelay $0x1  }
0x229: {  	v9 =	vadd.s32 v4, v62;
	_ =	sdelay $0x4  }
0x22a: {  	v9 =	vld.idx.msk [tilespmem:v9+s10+$0x0], $0xffff;
	_ =	sdelay $0x4  }
0x22b: {  	v7 =	vnsel vm0, $0x0, v7;
	v63 =	vperm.xlane v9, v5  }
0x22c: {  	(xrf0) =	vadd.scan.msk.s32 $0xffff, v7  }
0x22d: {  	(xrf0) =	vadd.scan.msk.s32 $0xffff, v63;
	_ =	sdelay $0x4  }
0x22e: {  	v7, _, _ =	vpop (xrf0)  }
0x22f: {  	v10, _, _ =	vpop (xrf0)  }
0x230: {  	v10 =	vperm.xlane v10, v5  }
0x231: {  	v7 =	vbroadcast v7, $0xF  }
0x232: {  	v9 =	vsub.s32 v10, v9  }
0x233: {  	v9 =	vadd.s32 v9, v7;
	v7 =	vadd.s32 v10, v7  }
0x234: {  	vm14 =	vlt.s32 v9, s15;
	vm15 =	vge.s32 v7, s15  }
0x235: {  	vm0 =	vmand vm14, vm15  }
0x236: {  	v7 =	vnsel vm0, $0x0, v0  }
0x237: {  	(xrf0) =	vadd.scan.msk.s32 $0xffff, v7;
	_ =	sdelay $0x1  }
0x238: {  	v7 =	vnsel vm0, $0x0, v9  }
0x239: {  	(xrf0) =	vadd.scan.msk.s32 $0xffff, v7;
	_ =	sdelay $0x2  }
0x23a: {  	(v2sf) =	vpush v8, $0xF;
	v7, _, _ =	vpop (xrf0)  }
0x23b: {  	(v2sf) =	vpush v7, $0xF;
	_ =	sdelay $0x1  }
0x23c: {  	v7, _, _ =	vpop (xrf0)  }
0x23d: {  	(v2sf) =	vpush v7, $0xF;
	_ =	sdelay $0xa  }
.Ltmp11:
0x23e: {  	s16 =	spop (v2sf);
	(pc) =	sbr.rel @p2 .LBB2_25-.Ltmp11, $4  }
0x23f: {  	s17 =	spop (v2sf)  }
0x240: {  	s16 =	sshll.u32 s16, $0x14;
	s17 =	sshll.u32 s17, $0x10  }
0x241: {  	s16 =	sadd.s32 s16, s17  }
0x242: {  	s17 =	spop (v2sf);
	s14 =	sor.u32 s14, s16  }
.Ltmp12:
0x243: {  	(pc) =	sbr.rel @!p1 .LBB2_20-.Ltmp12, $3  }
0x244: {  	_ =	sdelay $0x1  }
0x245: {  	s16 =	sshrl.u32 s14, $0x10;
	s18 =	simm.s32 $0x5180  }
0x246: {  	p3 =	por $0x0, $0x0;
	v7 =	vmov s16;
	s16 =	simm.s32 $0x0;
	v8 =	vld [tilespmem:s18+$0x0];
	s18 =	sadd.s32 $0xFFFFFFFF, s13  }
0x247: {  	_ =	sdelay $0x3  }
0x248: {  	v10 =	vor.u32 s16, v0;
	v9 =	vshrl.u32 v8, $0x10  }
0x249: {  	vm1 =	vlt.s32 v10, v6;
	v8 =	vshrl.u32 v8, $0x8;
	vm0 =	veq.s32 v9, v7  }
0x24a: {  	v8 =	vand.u32 $0xFF, v8;
	vm0 =	vmand vm1, vm0  }
0x24b: {  	v8 =	vor.u32 v2, v8  }
0x24c: {  	p4 =	sne.s32 s18, $0x1  }
.Ltmp13:
0x24d: {  	_ = 	snop;
	(pc) =	sbr.rel @!p4 .LBB2_22-.Ltmp13, $3  }
0x24e: {  	_ =	sdelay $0x1  }
0x24f: {  	s19 =	simm.s32 $0x5190;
	[tilespmem:v8+s9+$0x0] =	vst.idx.add.s32.msk vm0, v3  }
0x250: {  	s20 =	sadd.s32 $0xFFFFFFFF, s18;
	p3 =	por $0x1, $0x1;
	s18 =	simm.s32 $0x0;
	v8 =	vld [tilespmem:s19+$0x0]  }
.LBB2_23:
0x251: {  	p4 =	sne.s32 s20, $0x1;
	_ =	sdelay $0x2  }
0x252: {  	s18 =	sadd.s32 $0x10, s18  }
0x253: {  	v10 =	vor.u32 s18, v0;
	v9 =	vshrl.u32 v8, $0x10  }
0x254: {  	vm1 =	vlt.s32 v10, v6;
	v8 =	vshrl.u32 v8, $0x8;
	vm0 =	veq.s32 v9, v7  }
0x255: {  	v8 =	vand.u32 $0xFF, v8;
	vm0 =	vmand vm1, vm0  }
0x256: {  	v8 =	vor.u32 v2, v8;
	_ =	sdelay $0x1  }
.Ltmp14:
0x257: {  	(pc) =	sbr.rel @p4 .LBB2_23-.Ltmp14, $3  }
0x258: {  	_ =	sdelay $0x1  }
0x259: {  	s19 =	sadd.s32 $0x10, s19;
	[tilespmem:v8+s9+$0x0] =	vst.idx.add.s32.msk vm0, v3  }
0x25a: {  	s20 =	sadd.s32 $0xFFFFFFFF, s20;
	v8 =	vld [tilespmem:s19+$0x0]  }
.LBB2_24:
0x25b: {  	_ =	sdelay $0x1  }
0x25c: {  	s18 =	sadd.s32 @p3 $0x10, s18  }
0x25d: {  	s16 =	smov.u32 @p3 s18  }
0x25e: {  	v10 =	vor.u32 s16, v0;
	v9 =	vshrl.u32 v8, $0x10  }
0x25f: {  	vm1 =	vlt.s32 v10, v6;
	vm0 =	veq.s32 v9, v7;
	v7 =	vshrl.u32 v8, $0x8  }
0x260: {  	vm0 =	vmand vm1, vm0;
	v7 =	vand.u32 $0xFF, v7  }
0x261: {  	v7 =	vor.u32 v2, v7;
	_ =	sdelay $0x4  }
0x262: {  	[tilespmem:v7+s9+$0x0] =	vst.idx.add.s32.msk vm0, v3  }
.LBB2_25:
0x263: {  	s16 =	simm.s32 $0x0  }
0x264: {  	s18 =	sand.u32 $0xF0, s16  }
0x265: {  	v7 =	vld [tilespmem:s18+$0x4000]  }
0x266: {  	v8 =	vld [tilespmem:s18+$0x4100]  }
0x267: {  	v9 =	vld [tilespmem:s18+$0x4200]  }
0x268: {  	v10 =	vld [tilespmem:s18+$0x4300]  }
0x269: {  	[tilespmem:s18+$0x4200] =	vst v1;
	v11 =	vld [tilespmem:s18+$0x4400]  }
0x26a: {  	[tilespmem:s18+$0x4000] =	vst v1;
	v12 =	vld [tilespmem:s18+$0x4500]  }
0x26b: {  	[tilespmem:s18+$0x4100] =	vst v1;
	v13 =	vld [tilespmem:s18+$0x4600]  }
0x26c: {  	[tilespmem:s18+$0x4300] =	vst v1;
	v62 =	vld [tilespmem:s18+$0x4B00];
	v7 =	vadd.s32 v8, v7  }
0x26d: {  	[tilespmem:s18+$0x4400] =	vst v1;
	v8 =	vld [tilespmem:s18+$0x4700];
	v7 =	vadd.s32 v9, v7  }
0x26e: {  	[tilespmem:s18+$0x4500] =	vst v1;
	v9 =	vld [tilespmem:s18+$0x4800];
	v7 =	vadd.s32 v10, v7  }
0x26f: {  	[tilespmem:s18+$0x4600] =	vst v1;
	v10 =	vld [tilespmem:s18+$0x4900];
	v7 =	vadd.s32 v7, v11  }
0x270: {  	[tilespmem:s18+$0x4B00] =	vst v1;
	v11 =	vld [tilespmem:s18+$0x4A00];
	v7 =	vadd.s32 v12, v7  }
0x271: {  	v63 =	vld [tilespmem:s18+$0x4C00];
	[tilespmem:s18+$0x4C00] =	vst v1;
	v7 =	vadd.s32 v13, v7  }
0x272: {  	v14 =	vld [tilespmem:s18+$0x4D00];
	[tilespmem:s18+$0x4D00] =	vst v1;
	v7 =	vadd.s32 v8, v7  }
0x273: {  	[tilespmem:s18+$0x4700] =	vst v1;
	v7 =	vadd.s32 v7, v9  }
0x274: {  	[tilespmem:s18+$0x4800] =	vst v1;
	v7 =	vadd.s32 v10, v7  }
0x275: {  	[tilespmem:s18+$0x4900] =	vst v1;
	v8 =	vadd.s32 v11, v7;
	v7 =	vld [tilespmem:s18+$0x4E00]  }
0x276: {  	[tilespmem:s18+$0x4A00] =	vst v1;
	v9 =	vadd.s32 v62, v8;
	v8 =	vld [tilespmem:s18+$0x4F00]  }
0x277: {  	[tilespmem:s18+$0x4E00] =	vst v1;
	v10 =	vadd.s32 v9, v63;
	v9 =	vor.u32 s16, v4  }
0x278: {  	s15 =	ssub.s32 s15, s17;
	s17 =	simm.s32 $0x1;
	[tilespmem:s18+$0x4F00] =	vst v1;
	v10 =	vadd.s32 v14, v10  }
.LBB2_26:
0x279: {  	p3 =	sne.s32 s17, $0xF  }
0x27a: {  	v7 =	vadd.s32 v7, v10;
	s16 =	sadd.s32 $0x10, s16;
	s18 =	smov.u32 s17;
	s17 =	sadd.s32 $0x1, s17  }
0x27b: {  	v7 =	vadd.s32 v8, v7  }
0x27c: {  	s19 =	sand.u32 $0xF0, s16;
	[tilespmem:v9+s10+$0x0] =	vst.idx.msk $0xffff, v7  }
0x27d: {  	v7 =	vld [tilespmem:s19+$0x4200]  }
0x27e: {  	v8 =	vld [tilespmem:s19+$0x4000];
	[tilespmem:s19+$0x4200] =	vst v1  }
0x27f: {  	[tilespmem:s19+$0x4000] =	vst v1;
	v9 =	vld [tilespmem:s19+$0x4100]  }
0x280: {  	[tilespmem:s19+$0x4100] =	vst v1;
	v10 =	vld [tilespmem:s19+$0x4300]  }
0x281: {  	[tilespmem:s19+$0x4300] =	vst v1;
	v11 =	vld [tilespmem:s19+$0x4400]  }
0x282: {  	[tilespmem:s19+$0x4400] =	vst v1;
	v12 =	vld [tilespmem:s19+$0x4500]  }
0x283: {  	[tilespmem:s19+$0x4500] =	vst v1;
	v13 =	vld [tilespmem:s19+$0x4600]  }
0x284: {  	v8 =	vadd.s32 v9, v8;
	[tilespmem:s19+$0x4600] =	vst v1;
	v9 =	vld [tilespmem:s19+$0x4700]  }
0x285: {  	v7 =	vadd.s32 v7, v8;
	[tilespmem:s19+$0x4700] =	vst v1;
	v8 =	vld [tilespmem:s19+$0x4800]  }
0x286: {  	v7 =	vadd.s32 v10, v7;
	[tilespmem:s19+$0x4800] =	vst v1;
	v10 =	vld [tilespmem:s19+$0x4900]  }
0x287: {  	v7 =	vadd.s32 v7, v11;
	[tilespmem:s19+$0x4900] =	vst v1;
	v11 =	vld [tilespmem:s19+$0x4A00]  }
0x288: {  	v7 =	vadd.s32 v12, v7;
	[tilespmem:s19+$0x4A00] =	vst v1;
	v12 =	vld [tilespmem:s19+$0x4B00]  }
0x289: {  	v7 =	vadd.s32 v13, v7;
	[tilespmem:s19+$0x4B00] =	vst v1;
	v13 =	vld [tilespmem:s19+$0x4C00]  }
0x28a: {  	v7 =	vadd.s32 v9, v7;
	[tilespmem:s19+$0x4C00] =	vst v1;
	v14 =	vld [tilespmem:s19+$0x4D00]  }
0x28b: {  	v8 =	vadd.s32 v7, v8;
	[tilespmem:s19+$0x4D00] =	vst v1;
	v7 =	vld [tilespmem:s19+$0x4E00]  }
.Ltmp15:
0x28c: {  	v9 =	vadd.s32 v10, v8;
	[tilespmem:s19+$0x4E00] =	vst v1;
	v8 =	vld [tilespmem:s19+$0x4F00];
	(pc) =	sbr.rel @p3 .LBB2_26-.Ltmp15, $4  }
0x28d: {  	v10 =	vadd.s32 v11, v9;
	[tilespmem:s19+$0x4F00] =	vst v1;
	v9 =	vor.u32 s18, v4  }
0x28e: {  	v10 =	vadd.s32 v12, v10  }
0x28f: {  	v10 =	vadd.s32 v10, v13  }
0x290: {  	v10 =	vadd.s32 v14, v10  }
0x291: {  	_ =	sdelay $0x1  }
0x292: {  	v7 =	vadd.s32 v7, v10  }
0x293: {  	v7 =	vadd.s32 v8, v7  }
0x294: {  	[tilespmem:v9+s10+$0x0] =	vst.idx.msk $0xffff, v7  }
0x295: {  	v7 =	vld [tilespmem:$0x5000]  }
0x296: {  	v8 =	vld [tilespmem:$0x5010]  }
0x297: {  	v9 =	vld [tilespmem:$0x5020]  }
0x298: {  	v53 =	vld [tilespmem:$0x5030]  }
0x299: {  	v11 =	vld [tilespmem:$0x5040]  }
0x29a: {  	v12 =	vld [tilespmem:$0x5050]  }
0x29b: {  	v7 =	vadd.s32 v7, v8;
	v8 =	vld [tilespmem:$0x5060]  }
0x29c: {  	v54 =	vld [tilespmem:$0x5070];
	v7 =	vadd.s32 v7, v9  }
0x29d: {  	v55 =	vld [tilespmem:$0x5080];
	v7 =	vadd.s32 v7, v53  }
0x29e: {  	v56 =	vld [tilespmem:$0x5090];
	v7 =	vadd.s32 v7, v11  }
0x29f: {  	v57 =	vld [tilespmem:$0x50A0];
	v7 =	vadd.s32 v7, v12  }
0x2a0: {  	v7 =	vadd.s32 v7, v8;
	v8 =	vld [tilespmem:$0x50B0]  }
0x2a1: {  	v58 =	vld [tilespmem:$0x50C0];
	v7 =	vadd.s32 v7, v54  }
0x2a2: {  	v59 =	vld [tilespmem:$0x50D0];
	v7 =	vadd.s32 v7, v55  }
0x2a3: {  	v60 =	vld [tilespmem:$0x50E0];
	v7 =	vadd.s32 v7, v56  }
0x2a4: {  	v61 =	vld [tilespmem:$0x50F0];
	v7 =	vadd.s32 v7, v57  }
0x2a5: {  	v7 =	vadd.s32 v7, v8  }
0x2a6: {  	v7 =	vadd.s32 v7, v58  }
0x2a7: {  	v7 =	vadd.s32 v7, v59  }
0x2a8: {  	v7 =	vadd.s32 v7, v60  }
0x2a9: {  	v7 =	vadd.s32 v7, v61  }
0x2aa: {  	v8 =	vperm.xlane v7, v5;
	_ =	sdelay $0x1  }
0x2ab: {  	(xrf0) =	vadd.scan.msk.s32 $0xffff, v8;
	_ =	sdelay $0x5  }
0x2ac: {  	v8, _, _ =	vpop (xrf0)  }
0x2ad: {  	v8 =	vperm.xlane v8, v5;
	_ =	sdelay $0x1  }
0x2ae: {  	v7 =	vsub.s32 v8, v7  }
0x2af: {  	vm1 =	vge.s32 v8, s15;
	vm0 =	vlt.s32 v7, s15  }
0x2b0: {  	vm0 =	vmand vm1, vm0  }
0x2b1: {  	v8 =	vnsel vm0, $0x0, v0  }
0x2b2: {  	(xrf0) =	vadd.scan.msk.s32 $0xffff, v8;
	_ =	sdelay $0x5  }
0x2b3: {  	v8, _, _ =	vpop (xrf0)  }
0x2b4: {  	v62 =	vbroadcast v8, $0xF;
	_ =	sdelay $0x1  }
0x2b5: {  	v9 =	vadd.s32 v4, v62;
	_ =	sdelay $0x4  }
0x2b6: {  	v9 =	vld.idx.msk [tilespmem:v9+s10+$0x0], $0xffff;
	_ =	sdelay $0x4  }
0x2b7: {  	v7 =	vnsel vm0, $0x0, v7;
	v63 =	vperm.xlane v9, v5  }
0x2b8: {  	(xrf0) =	vadd.scan.msk.s32 $0xffff, v7  }
0x2b9: {  	(xrf0) =	vadd.scan.msk.s32 $0xffff, v63;
	_ =	sdelay $0x4  }
0x2ba: {  	v7, _, _ =	vpop (xrf0)  }
0x2bb: {  	v10, _, _ =	vpop (xrf0)  }
0x2bc: {  	v10 =	vperm.xlane v10, v5  }
0x2bd: {  	v7 =	vbroadcast v7, $0xF  }
0x2be: {  	v9 =	vsub.s32 v10, v9  }
0x2bf: {  	v9 =	vadd.s32 v9, v7;
	v7 =	vadd.s32 v10, v7  }
0x2c0: {  	vm14 =	vlt.s32 v9, s15;
	vm15 =	vge.s32 v7, s15  }
0x2c1: {  	vm0 =	vmand vm14, vm15  }
0x2c2: {  	v7 =	vnsel vm0, $0x0, v0  }
0x2c3: {  	(xrf0) =	vadd.scan.msk.s32 $0xffff, v7;
	_ =	sdelay $0x1  }
0x2c4: {  	v7 =	vnsel vm0, $0x0, v9  }
0x2c5: {  	(xrf0) =	vadd.scan.msk.s32 $0xffff, v7;
	_ =	sdelay $0x2  }
0x2c6: {  	(v2sf) =	vpush v8, $0xF;
	v7, _, _ =	vpop (xrf0)  }
0x2c7: {  	(v2sf) =	vpush v7, $0xF;
	_ =	sdelay $0x1  }
0x2c8: {  	v7, _, _ =	vpop (xrf0)  }
0x2c9: {  	(v2sf) =	vpush v7, $0xF;
	_ =	sdelay $0xa  }
.Ltmp16:
0x2ca: {  	s16 =	spop (v2sf);
	(pc) =	sbr.rel @p2 .LBB2_34-.Ltmp16, $4  }
0x2cb: {  	s17 =	spop (v2sf)  }
0x2cc: {  	s16 =	sshll.u32 s16, $0xC;
	s17 =	sshll.u32 s17, $0x8  }
0x2cd: {  	s16 =	sadd.s32 s16, s17  }
0x2ce: {  	s17 =	spop (v2sf);
	s14 =	sor.u32 s14, s16  }
.Ltmp17:
0x2cf: {  	(pc) =	sbr.rel @!p1 .LBB2_29-.Ltmp17, $3  }
0x2d0: {  	_ =	sdelay $0x1  }
0x2d1: {  	s16 =	sshrl.u32 s14, $0x8;
	s18 =	simm.s32 $0x5180  }
0x2d2: {  	p3 =	por $0x0, $0x0;
	v7 =	vmov s16;
	s16 =	simm.s32 $0x0;
	v8 =	vld [tilespmem:s18+$0x0];
	s18 =	sadd.s32 $0xFFFFFFFF, s13  }
0x2d3: {  	_ =	sdelay $0x3  }
0x2d4: {  	v10 =	vor.u32 s16, v0;
	v9 =	vshrl.u32 v8, $0x8  }
0x2d5: {  	vm1 =	vlt.s32 v10, v6;
	vm0 =	veq.s32 v9, v7  }
0x2d6: {  	v8 =	vand.u32 $0xFF, v8;
	vm0 =	vmand vm1, vm0  }
0x2d7: {  	v8 =	vor.u32 v2, v8  }
0x2d8: {  	p4 =	sne.s32 s18, $0x1  }
.Ltmp18:
0x2d9: {  	_ = 	snop;
	(pc) =	sbr.rel @!p4 .LBB2_31-.Ltmp18, $3  }
0x2da: {  	_ =	sdelay $0x1  }
0x2db: {  	s19 =	simm.s32 $0x5190;
	[tilespmem:v8+s9+$0x0] =	vst.idx.add.s32.msk vm0, v3  }
0x2dc: {  	s20 =	sadd.s32 $0xFFFFFFFF, s18;
	p3 =	por $0x1, $0x1;
	s18 =	simm.s32 $0x0;
	v8 =	vld [tilespmem:s19+$0x0]  }
.LBB2_32:
0x2dd: {  	p4 =	sne.s32 s20, $0x1;
	_ =	sdelay $0x2  }
0x2de: {  	s18 =	sadd.s32 $0x10, s18  }
0x2df: {  	v10 =	vor.u32 s18, v0;
	v9 =	vshrl.u32 v8, $0x8  }
0x2e0: {  	vm1 =	vlt.s32 v10, v6;
	vm0 =	veq.s32 v9, v7  }
0x2e1: {  	v8 =	vand.u32 $0xFF, v8;
	vm0 =	vmand vm1, vm0  }
0x2e2: {  	v8 =	vor.u32 v2, v8;
	_ =	sdelay $0x1  }
.Ltmp19:
0x2e3: {  	(pc) =	sbr.rel @p4 .LBB2_32-.Ltmp19, $3  }
0x2e4: {  	_ =	sdelay $0x1  }
0x2e5: {  	s19 =	sadd.s32 $0x10, s19;
	[tilespmem:v8+s9+$0x0] =	vst.idx.add.s32.msk vm0, v3  }
0x2e6: {  	s20 =	sadd.s32 $0xFFFFFFFF, s20;
	v8 =	vld [tilespmem:s19+$0x0]  }
.LBB2_33:
0x2e7: {  	_ =	sdelay $0x1  }
0x2e8: {  	s18 =	sadd.s32 @p3 $0x10, s18  }
0x2e9: {  	s16 =	smov.u32 @p3 s18  }
0x2ea: {  	v10 =	vor.u32 s16, v0;
	v9 =	vshrl.u32 v8, $0x8  }
0x2eb: {  	vm1 =	vlt.s32 v10, v6;
	vm0 =	veq.s32 v9, v7  }
0x2ec: {  	v7 =	vand.u32 $0xFF, v8;
	vm0 =	vmand vm1, vm0  }
0x2ed: {  	v7 =	vor.u32 v2, v7;
	_ =	sdelay $0x4  }
0x2ee: {  	[tilespmem:v7+s9+$0x0] =	vst.idx.add.s32.msk vm0, v3  }
.LBB2_34:
0x2ef: {  	s16 =	simm.s32 $0x0  }
0x2f0: {  	s18 =	sand.u32 $0xF0, s16  }
0x2f1: {  	v7 =	vld [tilespmem:s18+$0x4000]  }
0x2f2: {  	v8 =	vld [tilespmem:s18+$0x4100]  }
0x2f3: {  	v9 =	vld [tilespmem:s18+$0x4200]  }
0x2f4: {  	v10 =	vld [tilespmem:s18+$0x4300]  }
0x2f5: {  	[tilespmem:s18+$0x4200] =	vst v1;
	v11 =	vld [tilespmem:s18+$0x4400]  }
0x2f6: {  	[tilespmem:s18+$0x4000] =	vst v1;
	v12 =	vld [tilespmem:s18+$0x4500]  }
0x2f7: {  	[tilespmem:s18+$0x4100] =	vst v1;
	v13 =	vld [tilespmem:s18+$0x4600]  }
0x2f8: {  	[tilespmem:s18+$0x4300] =	vst v1;
	v62 =	vld [tilespmem:s18+$0x4B00];
	v7 =	vadd.s32 v8, v7  }
0x2f9: {  	[tilespmem:s18+$0x4400] =	vst v1;
	v8 =	vld [tilespmem:s18+$0x4700];
	v7 =	vadd.s32 v9, v7  }
0x2fa: {  	[tilespmem:s18+$0x4500] =	vst v1;
	v9 =	vld [tilespmem:s18+$0x4800];
	v7 =	vadd.s32 v10, v7  }
0x2fb: {  	[tilespmem:s18+$0x4600] =	vst v1;
	v10 =	vld [tilespmem:s18+$0x4900];
	v7 =	vadd.s32 v7, v11  }
0x2fc: {  	[tilespmem:s18+$0x4B00] =	vst v1;
	v11 =	vld [tilespmem:s18+$0x4A00];
	v7 =	vadd.s32 v12, v7  }
0x2fd: {  	v63 =	vld [tilespmem:s18+$0x4C00];
	[tilespmem:s18+$0x4C00] =	vst v1;
	v7 =	vadd.s32 v13, v7  }
0x2fe: {  	v14 =	vld [tilespmem:s18+$0x4D00];
	[tilespmem:s18+$0x4D00] =	vst v1;
	v7 =	vadd.s32 v8, v7  }
0x2ff: {  	[tilespmem:s18+$0x4700] =	vst v1;
	v7 =	vadd.s32 v7, v9  }
0x300: {  	[tilespmem:s18+$0x4800] =	vst v1;
	v7 =	vadd.s32 v10, v7  }
0x301: {  	[tilespmem:s18+$0x4900] =	vst v1;
	v8 =	vadd.s32 v11, v7;
	v7 =	vld [tilespmem:s18+$0x4E00]  }
0x302: {  	[tilespmem:s18+$0x4A00] =	vst v1;
	v9 =	vadd.s32 v62, v8;
	v8 =	vld [tilespmem:s18+$0x4F00]  }
0x303: {  	[tilespmem:s18+$0x4E00] =	vst v1;
	v10 =	vadd.s32 v9, v63;
	v9 =	vor.u32 s16, v4  }
0x304: {  	s15 =	ssub.s32 s15, s17;
	s17 =	simm.s32 $0x1;
	[tilespmem:s18+$0x4F00] =	vst v1;
	v10 =	vadd.s32 v14, v10  }
.LBB2_35:
0x305: {  	p3 =	sne.s32 s17, $0xF  }
0x306: {  	v7 =	vadd.s32 v7, v10;
	s16 =	sadd.s32 $0x10, s16;
	s18 =	smov.u32 s17;
	s17 =	sadd.s32 $0x1, s17  }
0x307: {  	v7 =	vadd.s32 v8, v7  }
0x308: {  	s19 =	sand.u32 $0xF0, s16;
	[tilespmem:v9+s10+$0x0] =	vst.idx.msk $0xffff, v7  }
0x309: {  	v7 =	vld [tilespmem:s19+$0x4200]  }
0x30a: {  	v8 =	vld [tilespmem:s19+$0x4000];
	[tilespmem:s19+$0x4200] =	vst v1  }
0x30b: {  	[tilespmem:s19+$0x4000] =	vst v1;
	v9 =	vld [tilespmem:s19+$0x4100]  }
0x30c: {  	[tilespmem:s19+$0x4100] =	vst v1;
	v10 =	vld [tilespmem:s19+$0x4300]  }
0x30d: {  	[tilespmem:s19+$0x4300] =	vst v1;
	v11 =	vld [tilespmem:s19+$0x4400]  }
0x30e: {  	[tilespmem:s19+$0x4400] =	vst v1;
	v12 =	vld [tilespmem:s19+$0x4500]  }
0x30f: {  	[tilespmem:s19+$0x4500] =	vst v1;
	v13 =	vld [tilespmem:s19+$0x4600]  }
0x310: {  	v8 =	vadd.s32 v9, v8;
	[tilespmem:s19+$0x4600] =	vst v1;
	v9 =	vld [tilespmem:s19+$0x4700]  }
0x311: {  	v7 =	vadd.s32 v7, v8;
	[tilespmem:s19+$0x4700] =	vst v1;
	v8 =	vld [tilespmem:s19+$0x4800]  }
0x312: {  	v7 =	vadd.s32 v10, v7;
	[tilespmem:s19+$0x4800] =	vst v1;
	v10 =	vld [tilespmem:s19+$0x4900]  }
0x313: {  	v7 =	vadd.s32 v7, v11;
	[tilespmem:s19+$0x4900] =	vst v1;
	v11 =	vld [tilespmem:s19+$0x4A00]  }
0x314: {  	v7 =	vadd.s32 v12, v7;
	[tilespmem:s19+$0x4A00] =	vst v1;
	v12 =	vld [tilespmem:s19+$0x4B00]  }
0x315: {  	v7 =	vadd.s32 v13, v7;
	[tilespmem:s19+$0x4B00] =	vst v1;
	v13 =	vld [tilespmem:s19+$0x4C00]  }
0x316: {  	v7 =	vadd.s32 v9, v7;
	[tilespmem:s19+$0x4C00] =	vst v1;
	v14 =	vld [tilespmem:s19+$0x4D00]  }
0x317: {  	v8 =	vadd.s32 v7, v8;
	[tilespmem:s19+$0x4D00] =	vst v1;
	v7 =	vld [tilespmem:s19+$0x4E00]  }
.Ltmp20:
0x318: {  	v9 =	vadd.s32 v10, v8;
	[tilespmem:s19+$0x4E00] =	vst v1;
	v8 =	vld [tilespmem:s19+$0x4F00];
	(pc) =	sbr.rel @p3 .LBB2_35-.Ltmp20, $4  }
0x319: {  	v10 =	vadd.s32 v11, v9;
	[tilespmem:s19+$0x4F00] =	vst v1;
	v9 =	vor.u32 s18, v4  }
0x31a: {  	v10 =	vadd.s32 v12, v10  }
0x31b: {  	v10 =	vadd.s32 v10, v13  }
0x31c: {  	v10 =	vadd.s32 v14, v10  }
0x31d: {  	_ =	sdelay $0x1  }
0x31e: {  	v7 =	vadd.s32 v7, v10  }
0x31f: {  	v7 =	vadd.s32 v8, v7  }
0x320: {  	[tilespmem:v9+s10+$0x0] =	vst.idx.msk $0xffff, v7  }
0x321: {  	v7 =	vld [tilespmem:$0x5000]  }
0x322: {  	v8 =	vld [tilespmem:$0x5010]  }
0x323: {  	v9 =	vld [tilespmem:$0x5020]  }
0x324: {  	v53 =	vld [tilespmem:$0x5030]  }
0x325: {  	v11 =	vld [tilespmem:$0x5040]  }
0x326: {  	v12 =	vld [tilespmem:$0x5050]  }
0x327: {  	v7 =	vadd.s32 v7, v8;
	v8 =	vld [tilespmem:$0x5060]  }
0x328: {  	v54 =	vld [tilespmem:$0x5070];
	v7 =	vadd.s32 v7, v9  }
0x329: {  	v55 =	vld [tilespmem:$0x5080];
	v7 =	vadd.s32 v7, v53  }
0x32a: {  	v56 =	vld [tilespmem:$0x5090];
	v7 =	vadd.s32 v7, v11  }
0x32b: {  	v57 =	vld [tilespmem:$0x50A0];
	v7 =	vadd.s32 v7, v12  }
0x32c: {  	v7 =	vadd.s32 v7, v8;
	v8 =	vld [tilespmem:$0x50B0]  }
0x32d: {  	v58 =	vld [tilespmem:$0x50C0];
	v7 =	vadd.s32 v7, v54  }
0x32e: {  	v59 =	vld [tilespmem:$0x50D0];
	v7 =	vadd.s32 v7, v55  }
0x32f: {  	v60 =	vld [tilespmem:$0x50E0];
	v7 =	vadd.s32 v7, v56  }
0x330: {  	v61 =	vld [tilespmem:$0x50F0];
	v7 =	vadd.s32 v7, v57  }
0x331: {  	v7 =	vadd.s32 v7, v8  }
0x332: {  	v7 =	vadd.s32 v7, v58  }
0x333: {  	v7 =	vadd.s32 v7, v59  }
0x334: {  	v7 =	vadd.s32 v7, v60  }
0x335: {  	v7 =	vadd.s32 v7, v61  }
0x336: {  	v8 =	vperm.xlane v7, v5;
	_ =	sdelay $0x1  }
0x337: {  	(xrf0) =	vadd.scan.msk.s32 $0xffff, v8;
	_ =	sdelay $0x5  }
0x338: {  	v8, _, _ =	vpop (xrf0)  }
0x339: {  	v8 =	vperm.xlane v8, v5;
	_ =	sdelay $0x1  }
0x33a: {  	v7 =	vsub.s32 v8, v7  }
0x33b: {  	vm1 =	vge.s32 v8, s15;
	vm0 =	vlt.s32 v7, s15  }
0x33c: {  	vm0 =	vmand vm1, vm0  }
0x33d: {  	v8 =	vnsel vm0, $0x0, v0  }
0x33e: {  	(xrf0) =	vadd.scan.msk.s32 $0xffff, v8;
	_ =	sdelay $0x5  }
0x33f: {  	v8, _, _ =	vpop (xrf0)  }
0x340: {  	v62 =	vbroadcast v8, $0xF;
	_ =	sdelay $0x1  }
0x341: {  	v9 =	vadd.s32 v4, v62;
	_ =	sdelay $0x4  }
0x342: {  	v9 =	vld.idx.msk [tilespmem:v9+s10+$0x0], $0xffff;
	_ =	sdelay $0x4  }
0x343: {  	v7 =	vnsel vm0, $0x0, v7;
	v63 =	vperm.xlane v9, v5  }
0x344: {  	(xrf0) =	vadd.scan.msk.s32 $0xffff, v7  }
0x345: {  	(xrf0) =	vadd.scan.msk.s32 $0xffff, v63;
	_ =	sdelay $0x4  }
0x346: {  	v7, _, _ =	vpop (xrf0)  }
0x347: {  	v10, _, _ =	vpop (xrf0)  }
0x348: {  	v10 =	vperm.xlane v10, v5  }
0x349: {  	v7 =	vbroadcast v7, $0xF  }
0x34a: {  	v9 =	vsub.s32 v10, v9  }
0x34b: {  	v9 =	vadd.s32 v9, v7;
	v7 =	vadd.s32 v10, v7  }
0x34c: {  	vm13 =	vlt.s32 v9, s15;
	vm14 =	vge.s32 v7, s15  }
0x34d: {  	vm0 =	vmand vm13, vm14  }
0x34e: {  	v7 =	vnsel vm0, $0x0, v0  }
0x34f: {  	(xrf0) =	vadd.scan.msk.s32 $0xffff, v7;
	v7 =	vnsel vm0, $0x0, v9  }
0x350: {  	(xrf0) =	vadd.scan.msk.s32 $0xffff, v7;
	_ =	sdelay $0x4  }
0x351: {  	(v2sf) =	vpush v8, $0xF;
	v7, _, _ =	vpop (xrf0)  }
0x352: {  	(v2sf) =	vpush v7, $0xF;
	v7, _, _ =	vpop (xrf0)  }
0x353: {  	(v2sf) =	vpush v7, $0xF;
	_ =	sdelay $0xc  }
0x354: {  	s16 =	spop (v2sf)  }
0x355: {  	s17 =	spop (v2sf)  }
.Ltmp21:
0x356: {  	s16 =	sshll.u32 s16, $0x4;
	s18 =	spop (v2sf);
	(pc) =	sbr.rel @p2 .LBB2_43-.Ltmp21, $4  }
0x357: {  	s16 =	sadd.s32 s16, s17;
	s31 =	ssub.s32 s15, s18  }
0x358: {  	vm15 =	vmmov $0x1;
	s15 =	sor.u32 s14, s16;
	v7 =	vmov s31  }
0x359: {  	v7 =	vsel vm15, s15, v7  }
0x35a: {  	s14 =	simm.s32 $0x0;
	s16 =	simm.s32 $0x0;
	[tilespmem:v0+s11+$0x0] =	vst.idx.msk $0x3, v7  }
.Ltmp22:
0x35b: {  	(pc) =	sbr.rel @!p1 .LBB2_38-.Ltmp22, $3  }
0x35c: {  	_ =	sdelay $0x1  }
0x35d: {  	s17 =	simm.s32 $0x5180;
	s16 =	simm.s32 $0x7200  }
0x35e: {  	v7 =	vmov s15;
	s15 =	simm.s32 $0x0;
	s13 =	sadd.s32 $0xFFFFFFFF, s13;
	p2 =	por $0x0, $0x0;
	v8 =	vld [tilespmem:s17+$0x0]  }
0x35f: {  	_ =	sdelay $0x2  }
0x360: {  	v9 =	vor.u32 s15, v0  }
0x361: {  	vm1 =	vlt.s32 v9, v6;
	vm0 =	veq.s32 v8, v7  }
0x362: {  	vm0 =	vmand vm1, vm0  }
0x363: {  	v8 =	vsel vm0, $0x1, v1  }
0x364: {  	(xrf0) =	vadd.scan.msk.s32 $0xffff, v8;
	_ =	sdelay $0x2  }
0x365: {  	v8 =	vld [tilespmem:s16+$0x0]  }
0x366: {  	p1 =	sne.s32 s13, $0x1  }
.Ltmp23:
0x367: {  	_ = 	snop;
	(pc) =	sbr.rel @!p1 .LBB2_40-.Ltmp23, $4  }
0x368: {  	v9, _, _ =	vpop (xrf0)  }
0x369: {  	(v2sf) =	vpush v9, $0xF  }
0x36a: {  	s19 =	simm.s32 $0x5190;
	s20 =	sadd.s32 $0xFFFFFFFF, s13;
	p2 =	por $0x1, $0x1;
	[tilespmem:s15+$0x9280] =	vst.msk vm0, v8  }
0x36b: {  	s18 =	simm.s32 $0x0;
	s13 =	simm.s32 $0x7200;
	s17 =	simm.s32 $0x0;
	v8 =	vld [tilespmem:s19+$0x0]  }
.LBB2_41:
0x36c: {  	p1 =	sne.s32 s20, $0x1;
	_ =	sdelay $0x1  }
0x36d: {  	s18 =	sadd.s32 $0x10, s18  }
0x36e: {  	v9 =	vor.u32 s18, v0  }
0x36f: {  	vm1 =	vlt.s32 v9, v6;
	vm0 =	veq.s32 v8, v7  }
0x370: {  	vm0 =	vmand vm1, vm0  }
0x371: {  	v8 =	vsel vm0, $0x1, v1  }
0x372: {  	(xrf0) =	vadd.scan.msk.s32 $0xffff, v8  }
0x373: {  	s13 =	sadd.s32 $0x10, s13  }
0x374: {  	v8 =	vld [tilespmem:s13+$0x0];
	_ =	sdelay $0x2  }
.Ltmp24:
0x375: {  	s21 =	spop (v2sf);
	(pc) =	sbr.rel @p1 .LBB2_41-.Ltmp24, $4  }
0x376: {  	v9, _, _ =	vpop (xrf0);
	s17 =	sadd.s32 s17, s21  }
0x377: {  	[tilespmem:s17+$0x9280] =	vst.msk vm0, v8;
	(v2sf) =	vpush v9, $0xF  }
0x378: {  	s19 =	sadd.s32 $0x10, s19  }
0x379: {  	s20 =	sadd.s32 $0xFFFFFFFF, s20;
	v8 =	vld [tilespmem:s19+$0x0]  }
.LBB2_42:
0x37a: {  	_ = 	snop  }
0x37b: {  	s18 =	sadd.s32 @p2 $0x10, s18;
	s19 =	simm.s32 $0x0  }
0x37c: {  	s19 =	smov.u32 @p2 s18  }
0x37d: {  	v9 =	vor.u32 s19, v0  }
0x37e: {  	vm1 =	vlt.s32 v9, v6;
	vm0 =	veq.s32 v8, v7  }
0x37f: {  	vm0 =	vmand vm1, vm0  }
0x380: {  	v6 =	vsel vm0, $0x1, v1  }
0x381: {  	(xrf0) =	vadd.scan.msk.s32 $0xffff, v6;
	_ =	sdelay $0x5  }
0x382: {  	v6, _, _ =	vpop (xrf0)  }
0x383: {  	(v2sf) =	vpush v6, $0xF;
	_ =	sdelay $0x8  }
0x384: {  	s13 =	sadd.s32 @p2 $0x10, s13  }
0x385: {  	s16 =	smov.u32 @p2 s13  }
0x386: {  	v6 =	vld [tilespmem:s16+$0x0];
	_ =	sdelay $0x1  }
0x387: {  	s13 =	spop @p2 (v2sf)  }
0x388: {  	s13 =	sadd.s32 @p2 s17, s13  }
0x389: {  	s15 =	smov.u32 @p2 s13;
	s31 =	spop (v2sf)  }
0x38a: {  	[tilespmem:s15+$0x9280] =	vst.msk vm0, v6;
	s16 =	sadd.s32 s15, s31  }
.LBB2_43:
.Ltmp25:
0x38b: {  	(pc) =	sbr.rel .LBB2_44-.Ltmp25, $4  }
0x38c: {  	_ = 	snop  }
0x38d: {  	s13 =	sadd.s32 $0xF, s16  }
0x38e: {  	s13 =	sshra.s32 s13, $0x4  }
0x38f: {  	v6 =	vmov s16;
	p1 =	slt.s32 s13, $0x1  }
.LBB2_45:
0x390: {  	s15 =	simm.s32 $0x0  }
.LBB2_58:
0x391: {  	v7 =	vmov s14  }
0x392: {  	v7 =	vadd.s32 $0x2, v7  }
0x393: {  	s14 =	sadd.s32 $0x1, s14;
	v7 =	vbroadcast v7, $0x0  }
0x394: {  	p2 =	sne.s32 s14, $0x20  }
.Ltmp26:
0x395: {  	_ = 	snop;
	(pc) =	sbr.rel @!p2 .LBB2_59-.Ltmp26, $3  }
0x396: {  	_ =	sdelay $0x1  }
0x397: {  	v8 =	vmov s15  }
0x398: {  	[tilespmem:v7+s11+$0x0] =	vst.idx.msk $0x1, v8  }
.LBB2_44:
.Ltmp27:
0x399: {  	(pc) =	sbr.rel @p1 .LBB2_45-.Ltmp27, $1  }
0x39a: {  	_ =	sdelay $0x3  }
0x39b: {  	s15 =	simm.s32 $0x9280  }
0x39c: {  	p6 =	sne.s32 s13, $0x1;
	v8 =	vld [tilespmem:s15+$0x0]  }
.Ltmp28:
0x39d: {  	_ = 	snop;
	(pc) =	sbr.rel @!p6 .LBB2_47-.Ltmp28, $4  }
0x39e: {  	_ = 	snop  }
0x39f: {  	s16 =	sshll.u32 s14, $0x8;
	s15 =	simm.s32 $0x0  }
0x3a0: {  	s17 =	simm.s32 $0x9290;
	p2 =	por $0x0, $0x0;
	p3 =	por $0x0, $0x0;
	v7 =	vmov s16;
	v9 =	vor.u32 s15, v0  }
0x3a1: {  	p4 =	por $0x0, $0x0;
	p5 =	por $0x0, $0x0;
	s16 =	sadd.s32 $0xFFFFFFFF, s13;
	vm1 =	vlt.s32 v9, v6;
	vm0 =	vlt.s32 v8, v7  }
0x3a2: {  	v8 =	vld [tilespmem:s17+$0x0];
	p6 =	sne.s32 s16, $0x1  }
.Ltmp29:
0x3a3: {  	_ = 	snop;
	(pc) =	sbr.rel @!p6 .LBB2_49-.Ltmp29, $4  }
0x3a4: {  	_ = 	snop  }
0x3a5: {  	vm0 =	vmand vm1, vm0;
	s31 =	simm.s32 $0x10  }
0x3a6: {  	v9 =	vsel vm0, $0x1, v1;
	v10 =	vor.u32 s31, v0  }
0x3a7: {  	s16 =	sadd.s32 $0xFFFFFFFF, s16;
	s17 =	simm.s32 $0x92A0;
	p2 =	por $0x1, $0x1;
	(xrf0) =	vadd.scan.msk.s32 $0xffff, v9;
	vm1 =	vlt.s32 v10, v6;
	vm0 =	vlt.s32 v8, v7  }
0x3a8: {  	_ =	sdelay $0x4  }
0x3a9: {  	v10, _, _ =	vpop (xrf0)  }
0x3aa: {  	(v2sf) =	vpush v10, $0xF;
	_ =	sdelay $0x8  }
0x3ab: {  	v8 =	vld [tilespmem:s17+$0x0];
	p6 =	sne.s32 s16, $0x1  }
.Ltmp30:
0x3ac: {  	_ = 	snop;
	(pc) =	sbr.rel @!p6 .LBB2_51-.Ltmp30, $4  }
0x3ad: {  	_ = 	snop  }
0x3ae: {  	vm0 =	vmand vm1, vm0;
	s31 =	simm.s32 $0x20  }
0x3af: {  	v9 =	vsel vm0, $0x1, v1;
	v11 =	vor.u32 s31, v0  }
0x3b0: {  	s16 =	sadd.s32 $0xFFFFFFFF, s16;
	s17 =	simm.s32 $0x92B0;
	p3 =	por $0x1, $0x1;
	vm1 =	vlt.s32 v11, v6;
	(xrf0) =	vadd.scan.msk.s32 $0xffff, v9;
	vm0 =	vlt.s32 v8, v7  }
0x3b1: {  	_ =	sdelay $0x4  }
0x3b2: {  	v10, _, _ =	vpop (xrf0)  }
0x3b3: {  	(v2sf) =	vpush v10, $0xF;
	_ =	sdelay $0x3  }
0x3b4: {  	v8 =	vld [tilespmem:s17+$0x0];
	p6 =	sne.s32 s16, $0x1  }
.Ltmp31:
0x3b5: {  	_ = 	snop;
	(pc) =	sbr.rel @!p6 .LBB2_53-.Ltmp31, $4  }
0x3b6: {  	_ = 	snop  }
0x3b7: {  	vm0 =	vmand vm1, vm0;
	s31 =	simm.s32 $0x30  }
0x3b8: {  	v9 =	vsel vm0, $0x1, v1;
	v11 =	vor.u32 s31, v0  }
0x3b9: {  	s16 =	sadd.s32 $0xFFFFFFFF, s16;
	s17 =	simm.s32 $0x92C0;
	p4 =	por $0x1, $0x1;
	vm1 =	vlt.s32 v11, v6;
	(xrf0) =	vadd.scan.msk.s32 $0xffff, v9;
	vm0 =	vlt.s32 v8, v7  }
0x3ba: {  	_ =	sdelay $0x4  }
0x3bb: {  	v10, _, _ =	vpop (xrf0)  }
0x3bc: {  	(v2sf) =	vpush v10, $0xF;
	_ =	sdelay $0x3  }
0x3bd: {  	v8 =	vld [tilespmem:s17+$0x0];
	vm0 =	vmand vm1, vm0;
	p6 =	sne.s32 s16, $0x1  }
.Ltmp32:
0x3be: {  	v9 =	vsel vm0, $0x1, v1;
	(pc) =	sbr.rel @!p6 .LBB2_55-.Ltmp32, $4  }
0x3bf: {  	(xrf0) =	vadd.scan.msk.s32 $0xffff, v9  }
0x3c0: {  	s17 =	simm.s32 $0x40  }
0x3c1: {  	s18 =	sadd.s32 $0xFFFFFFFF, s16;
	v11 =	vor.u32 s17, v0  }
0x3c2: {  	s19 =	simm.s32 $0x92D0;
	p5 =	por $0x1, $0x1;
	s16 =	simm.s32 $0x0;
	vm1 =	vlt.s32 v11, v6;
	vm0 =	vlt.s32 v8, v7  }
.LBB2_56:
0x3c3: {  	v8 =	vld [tilespmem:s19+$0x0];
	p6 =	sne.s32 s18, $0x1;
	s18 =	sadd.s32 $0xFFFFFFFF, s18;
	vm0 =	vmand vm1, vm0;
	s20 =	spop (v2sf)  }
.Ltmp33:
0x3c4: {  	v10 =	vsel vm0, $0x1, v1;
	s16 =	sadd.s32 s16, s20;
	(pc) =	sbr.rel @p6 .LBB2_56-.Ltmp33, $4  }
0x3c5: {  	(xrf0) =	vadd.scan.msk.s32 $0xffff, v10;
	v9, _, _ =	vpop (xrf0)  }
0x3c6: {  	s17 =	sadd.s32 $0x10, s17;
	(v2sf) =	vpush v9, $0xF  }
0x3c7: {  	v9 =	vor.u32 s17, v0  }
0x3c8: {  	s19 =	sadd.s32 $0x10, s19;
	vm1 =	vlt.s32 v9, v6;
	vm0 =	vlt.s32 v8, v7  }
.LBB2_57:
0x3c9: {  	vm0 =	vmand vm1, vm0  }
0x3ca: {  	v7 =	vsel vm0, $0x1, v1  }
0x3cb: {  	(xrf0) =	vadd.scan.msk.s32 $0xffff, v7;
	_ =	sdelay $0x3  }
0x3cc: {  	v7, _, _ =	vpop @p2 (xrf0)  }
0x3cd: {  	(v2sf) =	vpush @p2 v7, $0xF  }
0x3ce: {  	v7, _, _ =	vpop (xrf0)  }
0x3cf: {  	(v2sf) =	vpush v7, $0xF;
	_ =	sdelay $0x6  }
0x3d0: {  	s17 =	spop @p5 (v2sf)  }
0x3d1: {  	s16 =	sadd.s32 @p5 s16, s17;
	s17 =	simm.s32 $0x0  }
0x3d2: {  	s17 =	smov.u32 @p5 s16;
	s16 =	spop @p4 (v2sf)  }
0x3d3: {  	s16 =	sadd.s32 @p4 s17, s16;
	s17 =	simm.s32 $0x0  }
0x3d4: {  	s17 =	smov.u32 @p4 s16;
	s16 =	spop @p3 (v2sf)  }
.Ltmp34:
0x3d5: {  	s16 =	sadd.s32 @p3 s17, s16;
	s17 =	simm.s32 $0x0;
	(pc) =	sbr.rel .LBB2_58-.Ltmp34, $4  }
0x3d6: {  	s17 =	smov.u32 @p3 s16;
	s16 =	spop @p2 (v2sf)  }
0x3d7: {  	s16 =	sadd.s32 @p2 s17, s16  }
0x3d8: {  	s15 =	smov.u32 @p2 s16;
	s31 =	spop (v2sf)  }
0x3d9: {  	s15 =	sadd.s32 s15, s31  }
.LBB2_47:
.Ltmp35:
0x3da: {  	(pc) =	sbr.rel .LBB2_57-.Ltmp35, $2  }
0x3db: {  	_ =	sdelay $0x2  }
0x3dc: {  	s16 =	simm.s32 $0x0  }
.LBB2_49:
.Ltmp36:
0x3dd: {  	(pc) =	sbr.rel .LBB2_57-.Ltmp36, $2  }
0x3de: {  	_ =	sdelay $0x2  }
0x3df: {  	s16 =	simm.s32 $0x0  }
.LBB2_51:
.Ltmp37:
0x3e0: {  	(pc) =	sbr.rel .LBB2_57-.Ltmp37, $2  }
0x3e1: {  	_ =	sdelay $0x2  }
0x3e2: {  	s16 =	simm.s32 $0x0  }
.LBB2_53:
.Ltmp38:
0x3e3: {  	(pc) =	sbr.rel .LBB2_57-.Ltmp38, $2  }
0x3e4: {  	_ =	sdelay $0x3  }
0x3e5: {  	s16 =	simm.s32 $0x0  }
.LBB2_55:
.Ltmp39:
0x3e6: {  	(pc) =	sbr.rel .LBB2_57-.Ltmp39, $2  }
0x3e7: {  	_ =	sdelay $0x2  }
0x3e8: {  	s16 =	simm.s32 $0x0  }
.LBB2_11:
.Ltmp40:
0x3e9: {  	(pc) =	sbr.rel .LBB2_15-.Ltmp40, $2  }
0x3ea: {  	_ =	sdelay $0x2  }
0x3eb: {  	s17 =	simm.s32 $0x0  }
.LBB2_20:
.Ltmp41:
0x3ec: {  	(pc) =	sbr.rel .LBB2_24-.Ltmp41, $2  }
0x3ed: {  	_ =	sdelay $0x2  }
0x3ee: {  	s18 =	simm.s32 $0x0  }
.LBB2_29:
.Ltmp42:
0x3ef: {  	(pc) =	sbr.rel .LBB2_33-.Ltmp42, $2  }
0x3f0: {  	_ =	sdelay $0x2  }
0x3f1: {  	s18 =	simm.s32 $0x0  }
.LBB2_38:
.Ltmp43:
0x3f2: {  	(pc) =	sbr.rel .LBB2_42-.Ltmp43, $2  }
0x3f3: {  	_ =	sdelay $0x2  }
0x3f4: {  	s18 =	simm.s32 $0x0;
	s13 =	simm.s32 $0x7200;
	s17 =	simm.s32 $0x0  }
.LBB2_13:
.Ltmp44:
0x3f5: {  	(pc) =	sbr.rel .LBB2_15-.Ltmp44, $2  }
0x3f6: {  	_ =	sdelay $0x2  }
0x3f7: {  	s17 =	simm.s32 $0x0  }
.LBB2_22:
.Ltmp45:
0x3f8: {  	(pc) =	sbr.rel .LBB2_24-.Ltmp45, $2  }
0x3f9: {  	_ =	sdelay $0x2  }
0x3fa: {  	s18 =	simm.s32 $0x0  }
.LBB2_31:
.Ltmp46:
0x3fb: {  	(pc) =	sbr.rel .LBB2_33-.Ltmp46, $2  }
0x3fc: {  	_ =	sdelay $0x2  }
0x3fd: {  	s18 =	simm.s32 $0x0  }
.LBB2_40:
.Ltmp47:
0x3fe: {  	(pc) =	sbr.rel .LBB2_42-.Ltmp47, $2  }
0x3ff: {  	_ =	sdelay $0x2  }
0x400: {  	s18 =	simm.s32 $0x0;
	s13 =	simm.s32 $0x7200;
	s17 =	simm.s32 $0x0  }
.LBB2_60:
0x401: {  	_ =	sfence.sel $0x180000  }
0x402: {  	[bflag:$0x0] =	sbarrier.arrive $0xFFFF  }
0x403: {  	p0 =	sne.s32 s1, $0x0;
	_ =	strace $0x90000047  }
0x404: {  	s0 =	sadd.s32 @!p0 $0x100000, s0;
	[bflag:$0x2] =	sbarrier.arrive $0xFFFF  }
0x405: {  	[sflag:s0] =	ssyncadd.tile.s32 @!p0 $0x1;
	_ =	shalt  }
.Lfunc_end2:
_tile_overlayer_lowered:
.L_overlay_start_2:
0x406: {  	(tag) =	ssettag $0x2  }
0x407: {  	s0 =	rddreg [dreg:$0x0];
	s2 =	stileid.u32  }
0x408: {  	s1 =	rddreg [dreg:$0x1];
	p0 =	sne.s32 s2, $0x0  }
0x409: {  	s3 =	rddreg [dreg:$0x2];
	[bflag:$0x3] =	sbarrier.arrive $0xFFFF;
	s2 =	simm.s32 @!p0 $0x1C01  }
0x40a: {  	[timem:s3], [sflag:s2] =	dma.local @!p0 [hbm:s0], s1  }
0x40b: {  	s0 =	simm.s32 @!p0 $0x1  }
0x40c: {  	_ =	swait.ge @!p0 [sflag:s0], s1  }
0x40d: {  	s1 =	ssub.s32 @!p0 $0x0, s1;
	[sflag:s0] =	ssyncset.done @!p0 $0x0  }
0x40e: {  	[sflag:s0] =	ssyncadd.s32 @!p0 s1  }
0x40f: {  	[bflag:$0x3] =	sbarrier.arrive $0xFFFF  }
0x410: {  	_ =	shalt  }

// kernel: kernel.8.cloned.1.call-start
scs
__scs_entry_jumppad:
0x0: {  	(pc) =	sbr.rel $0x88, $3  }
0x1: {  	(tag) =	ssettag $0x0;
	lr =	simm.s32 $0x1  }
0x2: {  	[smem:$0x3F9F] =	sst lr;
	_ =	strace $0xD0000000  }
0x3: {  	_ = 	snop  }
0x4: {  	_ = 	snop  }
0x5: {  	_ = 	snop  }
0x6: {  	_ = 	snop  }
0x7: {  	_ = 	snop  }
__scs_overlays_trampoline_lowered:
0x8: {  	[smem:$0x3FAE] =	sst s0  }
0x9: {  	[smem:$0x3FAF] =	sst s1  }
0xa: {  	[smem:$0x3FB0] =	sst s2  }
0xb: {  	[smem:$0x3FB1] =	sst s3  }
0xc: {  	[smem:$0x3FB2] =	sst s4  }
0xd: {  	[smem:$0x3FB3] =	sst s5  }
0xe: {  	[smem:$0x3FB4] =	sst s6  }
0xf: {  	[smem:$0x3FB5] =	sst s7  }
0x10: {  	[smem:$0x3FB6] =	sst s8  }
0x11: {  	[smem:$0x3FB7] =	sst s9;
	s0 =	simm.s32 @!p0 $0x0  }
0x12: {  	s1 =	sld [smem:$0x3F9D];
	s0 =	simm.s32 @p0 $0x1  }
0x13: {  	[smem:$0x3FB8] =	sst s0;
	s0 =	simm.s32 @!p1 $0x0  }
0x14: {  	s2 =	sld [smem:$0x3F9C];
	s0 =	simm.s32 @p1 $0x1  }
0x15: {  	[smem:$0x3FB9] =	sst s0;
	s0 =	simm.s32 @!p2 $0x0  }
0x16: {  	s3 =	sld [smem:$0x3FDB];
	s0 =	simm.s32 @p2 $0x1  }
0x17: {  	s4 =	simm.s32 $0x1BF5;
	[smem:$0x3FBB] =	sst s0  }
0x18: {  	s0 =	sld [smem:$0x3F9E];
	_ =	swait.ge [sflag:s4], $0x0  }
0x19: {  	s7 =	sld [smem:$0x3F9F]  }
0x1a: {  	s8 =	sadd.s32 $0xFFFFE003, lr  }
0x1b: {  	s9 =	sadd.s32 $0xFFFFFEF7, lr;
	s5 =	simm.s32 $0xFFFFFFFF;
	p2 =	slt.u32 s8, $0xFFFFF086  }
0x1c: {  	p1 =	slt.u32 s9, $0xF7A;
	s5 =	simm.s32 @!p2 $0x0  }
0x1d: {  	s5 =	simm.s32 @p1 $0x1;
	p0 =	seq.s32 s7, s2  }
0x1e: {  	s7 =	smul.u32 @!p0 $0xF7A, s2;
	p2 =	seq.s32 @!p0 s5, $0x0  }
0x1f: {  	s9 =	smul.u32 $0xF7A, s1;
	s8 =	simm.s32 @!p0 $0x1BF5;
	p2 =	por !p2, p0  }
0x20: {  	[sflag:s8] =	ssyncset.s32 @!p0 $0xFFFFF086;
	s6 =	sadd.s32 @!p0 s3, s7;
	s7 =	simm.s32 @!p0 $0x108  }
0x21: {  	s3 =	sadd.s32 s3, s9;
	s6 =	sadd.s32 @!p0 $0x88, s6;
	s7 =	simm.s32 @p2 $0x1082  }
0x22: {  	[simem:s7], [sflag:s8] =	dma.local @!p0 [hbm:s6], $0xF7A  }
0x23: {  	s9 =	sor.u32 $0xD0000000, s2;
	s6 =	simm.s32 $0x108;
	_ =	swait.ge @!p0 [sflag:s8], $0x0  }
0x24: {  	s3 =	sadd.s32 $0x88, s3;
	s6 =	simm.s32 @!p1 $0x1082;
	[sflag:s4] =	ssyncset.s32 $0xFFFFF086  }
0x25: {  	[simem:s6], [sflag:s4] =	dma.local [hbm:s3], $0xF7A  }
0x26: {  	[smem:$0x3F9F] =	sst s1;
	(tag) =	ssettag s2;
	_ =	strace s9  }
0x27: {  	s1 =	sld [smem:$0x3FAF]  }
0x28: {  	s2 =	sld [smem:$0x3FB0]  }
0x29: {  	s4 =	sld [smem:$0x3FB2]  }
0x2a: {  	p0 =	seq.s32 s5, $0x0;
	s5 =	sld [smem:$0x3FB3]  }
0x2b: {  	s6 =	sld [smem:$0x3FB4]  }
0x2c: {  	s7 =	sld [smem:$0x3FB5]  }
0x2d: {  	s3 =	simm.s32 $0x108;
	s8 =	sld [smem:$0x3FB6]  }
0x2e: {  	s3 =	simm.s32 @!p0 $0x1082;
	s9 =	sld [smem:$0x3FB7]  }
0x2f: {  	lr =	sadd.s32 s0, s3;
	s0 =	sld [smem:$0x3FAE]  }
0x30: {  	s3 =	sld [smem:$0x3FB1]  }
0x31: {  	[smem:$0x3FBA] =	sst s10  }
0x32: {  	s10 =	sld [smem:$0x3FB8];
	_ =	sdelay $0x3  }
0x33: {  	p0 =	seq.s32 s10, $0x1;
	s10 =	sld [smem:$0x3FBA];
	_ =	sdelay $0x3  }
0x34: {  	[smem:$0x3FBA] =	sst s10  }
0x35: {  	s10 =	sld [smem:$0x3FB9];
	_ =	sdelay $0x3  }
0x36: {  	p1 =	seq.s32 s10, $0x1;
	s10 =	sld [smem:$0x3FBA];
	_ =	sdelay $0x3  }
0x37: {  	[smem:$0x3FBA] =	sst s10  }
0x38: {  	s10 =	sld [smem:$0x3FBB]  }
0x39: {  	_ = 	snop;
	(pc) =	sbr.ind lr, $3  }
0x3a: {  	_ = 	snop  }
0x3b: {  	_ = 	snop  }
0x3c: {  	p2 =	seq.s32 s10, $0x1;
	s10 =	sld [smem:$0x3FBA]  }
0x3d: {  	_ =	shalt  }
0x3e: {  	_ =	shalt  }
0x3f: {  	_ =	shalt  }
0x40: {  	_ =	shalt  }
0x41: {  	_ =	shalt  }
0x42: {  	_ =	shalt  }
0x43: {  	_ =	shalt  }
0x44: {  	_ =	shalt  }
0x45: {  	_ =	shalt  }
0x46: {  	_ =	shalt  }
0x47: {  	_ =	shalt  }
0x48: {  	_ =	shalt  }
0x49: {  	_ =	shalt  }
0x4a: {  	_ =	shalt  }
0x4b: {  	_ =	shalt  }
0x4c: {  	_ =	shalt  }
0x4d: {  	_ =	shalt  }
0x4e: {  	_ =	shalt  }
0x4f: {  	_ =	shalt  }
0x50: {  	_ =	shalt  }
0x51: {  	_ =	shalt  }
0x52: {  	_ =	shalt  }
0x53: {  	_ =	shalt  }
0x54: {  	_ =	shalt  }
0x55: {  	_ =	shalt  }
0x56: {  	_ =	shalt  }
0x57: {  	_ =	shalt  }
0x58: {  	_ =	shalt  }
0x59: {  	_ =	shalt  }
0x5a: {  	_ =	shalt  }
0x5b: {  	_ =	shalt  }
0x5c: {  	_ =	shalt  }
0x5d: {  	_ =	shalt  }
0x5e: {  	_ =	shalt  }
0x5f: {  	_ =	shalt  }
0x60: {  	_ =	shalt  }
0x61: {  	_ =	shalt  }
0x62: {  	_ =	shalt  }
0x63: {  	_ =	shalt  }
0x64: {  	_ =	shalt  }
0x65: {  	_ =	shalt  }
0x66: {  	_ =	shalt  }
0x67: {  	_ =	shalt  }
0x68: {  	_ =	shalt  }
0x69: {  	_ =	shalt  }
0x6a: {  	_ =	shalt  }
0x6b: {  	_ =	shalt  }
0x6c: {  	_ =	shalt  }
0x6d: {  	_ =	shalt  }
0x6e: {  	_ =	shalt  }
0x6f: {  	_ =	shalt  }
0x70: {  	_ =	shalt  }
0x71: {  	_ =	shalt  }
0x72: {  	_ =	shalt  }
0x73: {  	_ =	shalt  }
0x74: {  	_ =	shalt  }
0x75: {  	_ =	shalt  }
0x76: {  	_ =	shalt  }
0x77: {  	_ =	shalt  }
0x78: {  	_ =	shalt  }
0x79: {  	_ =	shalt  }
0x7a: {  	_ =	shalt  }
0x7b: {  	_ =	shalt  }
0x7c: {  	_ =	shalt  }
0x7d: {  	_ =	shalt  }
0x7e: {  	_ =	shalt  }
0x7f: {  	_ =	shalt  }
0x80: {  	_ =	shalt  }
0x81: {  	_ =	shalt  }
0x82: {  	_ =	shalt  }
0x83: {  	_ =	shalt  }
0x84: {  	_ =	shalt  }
0x85: {  	_ =	shalt  }
0x86: {  	_ =	shalt  }
0x87: {  	_ =	shalt  }
.Lfunc_end0:
.L_simem_size_0:
called_computation.1_lowered:
.L_overlay_start_0:
0x88: {  	s2 =	sld [smem:$0x3FD9]  }
0x89: {  	s3 =	sld [smem:$0x3FFE];
	_ =	sdelay $0x1  }
0x8a: {  	s1 =	srdreg.scid  }
0x8b: {  	s0 =	sand.u32 $0x1, s1  }
0x8c: {  	s14 =	sshll.u32 s0, $0xA;
	s2 =	sadd.s32 s3, s2  }
0x8d: {  	s2 =	sadd.s32 s2, s14  }
0x8e: {  	[smem:$0x3FC6] =	sst s2  }
0x8f: {  	_ = 	snop  }
0x90: {  	s2 =	sld [smem:$0x3FD0];
	_ =	sdelay $0x2  }
0x91: {  	s15 =	simm.s32 $0xA;
	s4 =	simm.s32 $0x10  }
0x92: {  	[smem:s4], [sflag:s15] =	dma.local [hbm:s2], $0x1  }
0x93: {  	_ =	swait.eq [sflag:s15], $0x1  }
0x94: {  	[sflag:s15] =	ssyncset.done $0x0  }
0x95: {  	s16 =	sld [smem:$0x10];
	[sflag:s15] =	ssyncadd.s32 $0xFFFFFFFF  }
0x96: {  	s17 =	sld [smem:$0x11];
	(tm) =	ssettm $0x1  }
0x97: {  	s18 =	sld [smem:$0x3FFB];
	_ =	sdelay $0x3  }
0x98: {  	_ =	strace s18  }
0x99: {  	s4 =	sld [smem:$0x3FFC];
	_ =	sdelay $0x3  }
0x9a: {  	_ =	strace s4  }
0x9b: {  	s4 =	sld [smem:$0x3FFD];
	_ =	sdelay $0x3  }
0x9c: {  	_ =	strace s4  }
0x9d: {  	_ =	strace $0x8FFFFFFF  }
0x9e: {  	s19 =	sld [smem:$0x3FDB];
	_ =	sdelay $0x1  }
0x9f: {  	s5 =	simm.s32 $_scs_section_size  }
0xa0: {  	s6 =	simm.s32 $_size__tile_overlayer_lowered;
	s7 =	simm.s32 $_tile_overlayer_lowered  }
0xa1: {  	s22 =	simm.s32 $0x1BFF;
	s21 =	sshll.u32 s7, $0x1;
	s4 =	sadd.s32 s5, s19  }
0xa2: {  	s8 =	simm.s32 $0x0;
	s20 =	sshll.u32 s6, $0x1;
	s6 =	sadd.s32 s21, s4  }
0xa3: {  	[timem:s8], [sflag:s22] =	dma.local [hbm:s6], s20  }
0xa4: {  	_ =	swait.ge [sflag:s22], s20  }
0xa5: {  	s5 =	ssub.s32 $0x0, s20;
	[sflag:s22] =	ssyncset.done $0x0  }
0xa6: {  	[sflag:s22] =	ssyncadd.s32 s5;
	_ =	sdelay $0x1  }
0xa7: {  	s23 =	simm.s32 $0x1B8B  }
0xa8: {  	_ =	swait.ge [sflag:s23], $0x1  }
0xa9: {  	[sflag:s23] =	ssyncset.done $0x0  }
0xaa: {  	s25 =	simm.s32 $0x1B8E;
	s24 =	sld [smem:$0x3FFE];
	[sflag:s23] =	ssyncadd.s32 $0xFFFFFFFF  }
0xab: {  	s26 =	simm.s32 $execute0_lowered;
	[smem:$0x3FD2] =	sst s25  }
0xac: {  	s6 =	sshll.u32 s26, $0x1;
	_ =	strace $0x80000049;
	[dreg:$0x1] =	wrdreg $0xFFFFFFFF  }
0xad: {  	s28 =	simm.s32 $_size_execute0_lowered;
	s4 =	sadd.s32 s4, s6;
	[dreg:$0x0] =	wrdreg $0x0  }
0xae: {  	s6 =	sshll.u32 s28, $0x1;
	[dreg:$0x2] =	wrdreg s4  }
0xaf: {  	[dreg:$0x3] =	wrdreg s6  }
0xb0: {  	[dreg:$0x4] =	wrdreg $0xC0  }
0xb1: {  	_ =	task [dreg:s8], $0x5FFFF  }
0xb2: {  	[dreg:$0x1] =	wrdreg $0xFFFFFFFF  }
0xb3: {  	[dreg:$0x0] =	wrdreg $0x60  }
0xb4: {  	[dreg:$0x2] =	wrdreg s24  }
0xb5: {  	[dreg:$0x3] =	wrdreg s16  }
0xb6: {  	[dreg:$0x4] =	wrdreg s17  }
0xb7: {  	[dreg:$0x5] =	wrdreg $0x9  }
0xb8: {  	_ =	task.clear_ibuf [dreg:s8], $0x6FFFF;
	_ =	strace $0x90000049  }
0xb9: {  	s29 =	simm.s32 $0x9;
	_ =	strace $0x8000004B  }
0xba: {  	_ =	swait.ge [sflag:s29], $0x1  }
0xbb: {  	[sflag:s29] =	ssyncadd.s32 $0xFFFFFFFF  }
0xbc: {  	_ =	strace $0x9000004B  }
0xbd: {  	_ =	sfence  }
0xbe: {  	s30 =	sld [smem:$0x0];
	_ =	sdelay $0x2  }
0xbf: {  	s31 =	sshll.u32 s1, $0xD;
	s1 =	sshrl.u32 s1, $0x2  }
0xc0: {  	s3 =	sand.u32 $0x4000, s31;
	s1 =	sadd.s32 s1, s30  }
0xc1: {  	s0 =	sor.u32 s3, s0;
	s1 =	sshll.u32 s1, $0x11  }
0xc2: {  	s0 =	sor.u32 s1, s0  }
0xc3: {  	s0 =	sadd.s32 $0x8F2B, s0  }
0xc4: {  	[sflag:s0] =	ssyncadd.remote.s32 $0x1  }
0xc5: {  	_ =	sfence.sel $0xFFFF  }
0xc6: {  	[dreg:$0x0] =	wrdreg $0xFFFFFFFF;
	(pc) =	sbr.abs _section_cstart, $3  }
0xc7: {  	[dreg:$0x1] =	wrdreg $0xFFFFFFFF  }
0xc8: {  	_ =	task.clear_ibuf [dreg:s8], $0x2FFFF;
	_ =	strace $0x9FFFFFFF  }
0xc9: {  	(tm) =	ssettm $0x7FFFFFFF  }
tec
execute0_lowered:
.L_overlay_start_1:
0x0: {  	(tag) =	ssettag $0x1  }
0x1: {  	s0 =	srdreg.scid  }
0x2: {  	s0 =	sand.u32 $0x1, s0  }
0x3: {  	s3 =	stileid.u32;
	s2 =	sshll.u32 s0, $0x4  }
0x4: {  	s1 =	rddreg [dreg:$0x0];
	s4 =	sor.u32 s3, s2  }
0x5: {  	s5 =	rddreg [dreg:$0x1];
	s2 =	simm.s32 $0x0;
	s3 =	sadd.s32 $0x2, s4  }
0x6: {  	[smem:$0x7FF] =	sst s2;
	v0 =	vmov s3  }
0x7: {  	s6 =	rddreg [dreg:$0x2];
	_ =	strace $0x8000004A;
	v1 =	vor.u32 $0x80, v0;
	[tilespmem:$0x1FFD0] =	vst v0  }
0x8: {  	v50 =	vor.u32 $0x100, v0;
	[tilespmem:$0x1FEF0] =	vst v1  }
0x9: {  	v51 =	vor.u32 $0x180, v0;
	[tilespmem:$0x1FF00] =	vst v50  }
0xa: {  	v52 =	vor.u32 $0x200, v0;
	[tilespmem:$0x1FF10] =	vst v51  }
0xb: {  	v53 =	vor.u32 $0x280, v0;
	[tilespmem:$0x1FF20] =	vst v52  }
0xc: {  	v54 =	vor.u32 $0x300, v0;
	[tilespmem:$0x1FF30] =	vst v53  }
0xd: {  	v55 =	vor.u32 $0x380, v0;
	[tilespmem:$0x1FF40] =	vst v54  }
0xe: {  	v56 =	vor.u32 $0x400, v0;
	[tilespmem:$0x1FF50] =	vst v55  }
0xf: {  	v57 =	vor.u32 $0x480, v0;
	[tilespmem:$0x1FF60] =	vst v56  }
0x10: {  	s0 =	ssub.s32 $0x2, s0;
	v58 =	vor.u32 $0x500, v0;
	[tilespmem:$0x1FF70] =	vst v57  }
0x11: {  	s8 =	sshrl.u32 s0, $0x1;
	s7 =	sshll.u32 s4, $0x8;
	v59 =	vor.u32 $0x580, v0;
	[tilespmem:$0x1FF80] =	vst v58  }
0x12: {  	s29 =	sshll.u32 s4, $0x5;
	s7 =	sadd.s32 s7, s1;
	s1 =	sadd.s32 $0x5000, s1;
	v60 =	vor.u32 $0x600, v0;
	[tilespmem:$0x1FF90] =	vst v59  }
0x13: {  	s0 =	ssub.s32 s0, s8;
	s31 =	sadd.s32 s5, s29;
	[dreg:$0x14] =	wrdreg s1;
	v61 =	vor.u32 $0x680, v0;
	[tilespmem:$0x1FFA0] =	vst v60  }
0x14: {  	s0 =	smax.u32 s0, $0x1;
	[dreg:$0x16] =	wrdreg s31;
	v62 =	vor.u32 $0x700, v0;
	[tilespmem:$0x1FFB0] =	vst v61  }
0x15: {  	vm0 =	vmmov $0x1;
	v63 =	vimm.s32 $0x0;
	s30 =	sadd.s32 $0x1000, s7;
	[dreg:$0x18] =	wrdreg s0;
	v0 =	vor.u32 $0x780, v0;
	[tilespmem:$0x1FFC0] =	vst v62  }
0x16: {  	s10 =	simm.s32 $0x1000;
	s1 =	sadd.s32 s6, s29;
	[dreg:$0x15] =	wrdreg s30;
	[tilespmem:$0x1FFE0] =	vst v0;
	v0 =	vsel vm0, $0xFFFFFFFF, v63  }
0x17: {  	s11 =	simm.s32 $0x2;
	v16 =	vimm.s32 $0x0;
	s15 =	simm.s32 $0x0;
	[dreg:$0x17] =	wrdreg s1;
	[tilespmem:$0x1FFF0] =	vst v0  }
.LBB2_1:
0x18: {  	s0 =	rddreg [dreg:$0x15];
	s1 =	simm.s32 $0x800;
	s3 =	simm.s32 $0x10000  }
0x19: {  	[tilespmem:s2], [sflag:$0x1] =	stream.strided.gather [hbm4b:s0+s1], $0x1000, s3, s1, $0x38;
	[tilespmem:$0x1A00] =	vst v63  }
0x1a: {  	s6 =	rddreg [dreg:$0x14]  }
0x1b: {  	[tilespmem:s10], [sflag:$0x2] =	stream.linear.gather [hbm4b:s6+s2], $0x800, $0x38;
	[tilespmem:$0x1A00] =	vst v63  }
0x1c: {  	_ =	swait.ge [sflag:s11], $0x800  }
0x1d: {  	[sflag:s11] =	ssyncset.done $0x0  }
0x1e: {  	s7 =	simm.s32 $0x1;
	[sflag:s11] =	ssyncadd.s32 $0xFFFFF800  }
0x1f: {  	_ =	swait.ge [sflag:s7], $0x1000  }
0x20: {  	v1 =	vld [tilespmem:$0x1FFD0];
	_ =	sdelay $0x2  }
0x21: {  	v4 =	vld [tilespmem:$0x1FEF0]  }
0x22: {  	[sflag:s7] =	ssyncset.done $0x0;
	v3 =	vld [tilespmem:$0x1FFF0]  }
0x23: {  	v27 =	vld [tilespmem:$0x1FF00];
	[sflag:s7] =	ssyncadd.s32 $0xFFFFF000  }
0x24: {  	v0 =	vld [tilespmem:$0x1000]  }
0x25: {  	v31 =	vld [tilespmem:$0x1FF10]  }
0x26: {  	v1 =	vld.idx.msk [tilespmem:v1+s10+$0x0], $0xffff  }
0x27: {  	v2 =	vld [tilespmem:$0x1080]  }
0x28: {  	v36 =	vld [tilespmem:$0x1FF20];
	vm0 =	vnez.u8 v3  }
0x29: {  	vm1 =	vcmask $0x308;
	v3 =	vnsel vm0, $0x0, v0;
	v4 =	vld.idx.msk [tilespmem:v4+s10+$0x0], $0xffff  }
0x2a: {  	v24 =	vld [tilespmem:$0x1100];
	v0 =	vsel vm1, $0x0, v0;
	(xrf0) =	vadd.scan.msk.s32 $0xffff, v3  }
0x2b: {  	v39 =	vld [tilespmem:$0x1FF30];
	(xrf0) =	vadd.scan.msk.s32 $0xffff, v0;
	v25 =	vnsel vm0, $0x0, v1  }
0x2c: {  	v26 =	vnsel vm0, $0x0, v2;
	v5 =	vld.idx.msk [tilespmem:v27+s10+$0x0], $0xffff;
	(xrf0) =	vadd.scan.msk.s32 $0xffff, v25  }
0x2d: {  	v6 =	vld [tilespmem:$0x1180];
	v28 =	vsel vm1, $0x0, v2;
	(xrf0) =	vadd.scan.msk.s32 $0xffff, v26  }
0x2e: {  	v32 =	vld.idx.msk [tilespmem:v31+s10+$0x0], $0xffff;
	v29 =	vnsel vm0, $0x0, v4;
	(xrf0) =	vadd.scan.msk.s32 $0xffff, v28  }
0x2f: {  	v43 =	vld [tilespmem:$0x1FF40];
	v30 =	vnsel vm0, $0x0, v24;
	(xrf0) =	vadd.scan.msk.s32 $0xffff, v29  }
0x30: {  	v7 =	vld [tilespmem:$0x1200];
	v33 =	vsel vm1, $0x0, v24;
	v0, _, _ =	vpop (xrf0);
	(xrf0) =	vadd.scan.msk.s32 $0xffff, v30  }
0x31: {  	v47 =	vld [tilespmem:$0x1FF50];
	v34 =	vnsel vm0, $0x0, v5;
	v1, _, _ =	vpop (xrf0);
	(xrf0) =	vadd.scan.msk.s32 $0xffff, v33  }
0x32: {  	v35 =	vnsel vm0, $0x0, v6;
	v8 =	vld.idx.msk [tilespmem:v36+s10+$0x0], $0xffff;
	v17, _, _ =	vpop (xrf0);
	(xrf0) =	vadd.scan.msk.s32 $0xffff, v34  }
0x33: {  	v9 =	vld [tilespmem:$0x1280];
	v37 =	vsel vm1, $0x0, v6;
	v4 =	vnsel vm0, $0x0, v32;
	v2, _, _ =	vpop (xrf0);
	(xrf0) =	vadd.scan.msk.s32 $0xffff, v35  }
0x34: {  	v51 =	vld [tilespmem:$0x1FF60];
	v3, _, _ =	vpop (xrf0);
	(xrf0) =	vadd.scan.msk.s32 $0xffff, v37  }
0x35: {  	v38 =	vnsel vm0, $0x0, v7;
	v10 =	vld.idx.msk [tilespmem:v39+s10+$0x0], $0xffff;
	v19, _, _ =	vpop (xrf0);
	(xrf0) =	vadd.scan.msk.s32 $0xffff, v4  }
0x36: {  	v11 =	vld [tilespmem:$0x1300];
	v40 =	vsel vm1, $0x0, v7;
	v4, _, _ =	vpop (xrf0);
	(xrf0) =	vadd.scan.msk.s32 $0xffff, v38  }
0x37: {  	v55 =	vld [tilespmem:$0x1FF70];
	v41 =	vnsel vm0, $0x0, v8;
	v5, _, _ =	vpop (xrf0);
	(xrf0) =	vadd.scan.msk.s32 $0xffff, v40  }
0x38: {  	v42 =	vnsel vm0, $0x0, v9;
	v12 =	vld.idx.msk [tilespmem:v43+s10+$0x0], $0xffff;
	v20, _, _ =	vpop (xrf0);
	(xrf0) =	vadd.scan.msk.s32 $0xffff, v41  }
0x39: {  	v13 =	vld [tilespmem:$0x1380];
	v44 =	vsel vm1, $0x0, v9;
	v6, _, _ =	vpop (xrf0);
	(xrf0) =	vadd.scan.msk.s32 $0xffff, v42  }
0x3a: {  	v45 =	vnsel vm0, $0x0, v10;
	v7, _, _ =	vpop (xrf0);
	(xrf0) =	vadd.scan.msk.s32 $0xffff, v44  }
0x3b: {  	v46 =	vnsel vm0, $0x0, v11;
	v14 =	vld.idx.msk [tilespmem:v47+s10+$0x0], $0xffff;
	v21, _, _ =	vpop (xrf0);
	(xrf0) =	vadd.scan.msk.s32 $0xffff, v45  }
0x3c: {  	v15 =	vld [tilespmem:$0x1400];
	v48 =	vsel vm1, $0x0, v11;
	v8, _, _ =	vpop (xrf0);
	(xrf0) =	vadd.scan.msk.s32 $0xffff, v46  }
0x3d: {  	v23 =	vld [tilespmem:$0x1480];
	v49 =	vnsel vm0, $0x0, v12;
	v9, _, _ =	vpop (xrf0);
	(xrf0) =	vadd.scan.msk.s32 $0xffff, v48  }
0x3e: {  	v50 =	vnsel vm0, $0x0, v13;
	v18 =	vld.idx.msk [tilespmem:v51+s10+$0x0], $0xffff;
	v22, _, _ =	vpop (xrf0);
	(xrf0) =	vadd.scan.msk.s32 $0xffff, v49  }
0x3f: {  	v52 =	vsel vm1, $0x0, v13;
	v10, _, _ =	vpop (xrf0);
	(xrf0) =	vadd.scan.msk.s32 $0xffff, v50  }
0x40: {  	v53 =	vnsel vm0, $0x0, v14;
	v11, _, _ =	vpop (xrf0);
	(xrf0) =	vadd.scan.msk.s32 $0xffff, v52  }
0x41: {  	v54 =	vnsel vm0, $0x0, v15;
	v25 =	vld.idx.msk [tilespmem:v55+s10+$0x0], $0xffff;
	v24, _, _ =	vpop (xrf0);
	(xrf0) =	vadd.scan.msk.s32 $0xffff, v53  }
0x42: {  	v56 =	vsel vm1, $0x0, v15;
	v12, _, _ =	vpop (xrf0);
	(xrf0) =	vadd.scan.msk.s32 $0xffff, v54  }
0x43: {  	v15 =	vnsel vm0, $0x0, v23;
	v57 =	vnsel vm0, $0x0, v18;
	v13, _, _ =	vpop (xrf0);
	(xrf0) =	vadd.scan.msk.s32 $0xffff, v56  }
0x44: {  	v58 =	vld [tilespmem:$0x1FF80];
	v27, _, _ =	vpop (xrf0);
	(xrf0) =	vadd.scan.msk.s32 $0xffff, v57  }
0x45: {  	v18 =	vsel vm1, $0x0, v23;
	v14, _, _ =	vpop (xrf0);
	(xrf0) =	vadd.scan.msk.s32 $0xffff, v15  }
0x46: {  	v15, _, _ =	vpop (xrf0);
	(xrf0) =	vadd.scan.msk.s32 $0xffff, v18;
	v18 =	vnsel vm0, $0x0, v25  }
0x47: {  	v60, _, _ =	vpop (xrf0);
	(xrf0) =	vadd.scan.msk.s32 $0xffff, v18;
	v18 =	vld [tilespmem:$0x1FF90];
	_ =	sdelay $0x1  }
0x48: {  	v31 =	vld [tilespmem:$0x1FFA0]  }
0x49: {  	v26 =	vld [tilespmem:$0x1500]  }
0x4a: {  	v59 =	vld [tilespmem:$0x1580]  }
0x4b: {  	v28 =	vld.idx.msk [tilespmem:v58+s10+$0x0], $0xffff  }
0x4c: {  	v33 =	vld [tilespmem:$0x1FFB0]  }
0x4d: {  	v61 =	vld [tilespmem:$0x1600]  }
0x4e: {  	v29 =	vnsel vm0, $0x0, v26;
	v30 =	vld.idx.msk [tilespmem:v18+s10+$0x0], $0xffff  }
0x4f: {  	v26 =	vsel vm1, $0x0, v26;
	v35 =	vld [tilespmem:$0x1FFC0];
	v18, _, _ =	vpop (xrf0);
	(xrf0) =	vadd.scan.msk.s32 $0xffff, v29  }
0x50: {  	v31 =	vld.idx.msk [tilespmem:v31+s10+$0x0], $0xffff;
	v62 =	vnsel vm0, $0x0, v28;
	v32, _, _ =	vpop (xrf0);
	(xrf0) =	vadd.scan.msk.s32 $0xffff, v26  }
0x51: {  	v44 =	vnsel vm0, $0x0, v59;
	v45 =	vld [tilespmem:$0x1680];
	v63, _, _ =	vpop (xrf0);
	(xrf0) =	vadd.scan.msk.s32 $0xffff, v62  }
0x52: {  	v23 =	vsel vm1, $0x0, v59;
	(v2sf) =	vpush v17, $0xF;
	v56 =	vld [tilespmem:$0x1FFE0];
	v34, _, _ =	vpop (xrf0);
	(xrf0) =	vadd.scan.msk.s32 $0xffff, v44  }
0x53: {  	(v2sf) =	vpush v19, $0xF;
	v36, _, _ =	vpop (xrf0);
	(xrf0) =	vadd.scan.msk.s32 $0xffff, v23;
	v46 =	vnsel vm0, $0x0, v30  }
0x54: {  	v0 =	vbroadcast v0, $0xF;
	v33 =	vld.idx.msk [tilespmem:v33+s10+$0x0], $0xffff;
	(v2sf) =	vpush v20, $0xF;
	v48 =	vnsel vm0, $0x0, v61;
	v47, _, _ =	vpop (xrf0);
	(xrf0) =	vadd.scan.msk.s32 $0xffff, v46  }
0x55: {  	(v2sf) =	vpush v21, $0xF;
	v21 =	vbroadcast v4, $0xF;
	v49 =	vsel vm1, $0x0, v61;
	v50 =	vld [tilespmem:$0x1700];
	v37, _, _ =	vpop (xrf0);
	(xrf0) =	vadd.scan.msk.s32 $0xffff, v48  }
0x56: {  	[tilespmem:$0x1FCF0] =	vst v0;
	v51 =	vnsel vm0, $0x0, v31;
	v31 =	vbroadcast v9, $0xF;
	v38, _, _ =	vpop (xrf0);
	(xrf0) =	vadd.scan.msk.s32 $0xffff, v49  }
0x57: {  	v35 =	vld.idx.msk [tilespmem:v35+s10+$0x0], $0xffff;
	[tilespmem:$0x1FD30] =	vst v21;
	(v2sf) =	vpush v22, $0xF;
	v53 =	vnsel vm0, $0x0, v45;
	v52, _, _ =	vpop (xrf0);
	(xrf0) =	vadd.scan.msk.s32 $0xffff, v51  }
0x58: {  	v17 =	vsel vm1, $0x0, v45;
	[tilespmem:$0x1FD80] =	vst v31;
	v54 =	vld [tilespmem:$0x1780];
	(v2sf) =	vpush v24, $0xF;
	v39, _, _ =	vpop (xrf0);
	(xrf0) =	vadd.scan.msk.s32 $0xffff, v53  }
0x59: {  	v41 =	vbroadcast v12, $0xF;
	v43 =	vbroadcast v13, $0xF;
	v55, _, _ =	vpop (xrf0);
	(xrf0) =	vadd.scan.msk.s32 $0xffff, v17;
	v17 =	vnsel vm0, $0x0, v33  }
0x5a: {  	(v2sf) =	vpush v27, $0xF;
	v27 =	vbroadcast v7, $0xF;
	v20 =	vld.idx.msk [tilespmem:v56+s10+$0x0], $0xffff;
	v19, _, _ =	vpop (xrf0);
	(xrf0) =	vadd.scan.msk.s32 $0xffff, v17;
	v17 =	vnsel vm0, $0x0, v50  }
0x5b: {  	[tilespmem:$0x1FDB0] =	vst v41;
	v25 =	vbroadcast v6, $0xF;
	v40, _, _ =	vpop (xrf0);
	(xrf0) =	vadd.scan.msk.s32 $0xffff, v17;
	v17 =	vsel vm1, $0x0, v50  }
0x5c: {  	[tilespmem:$0x1FDC0] =	vst v43;
	v45 =	vbroadcast v14, $0xF;
	v22, _, _ =	vpop (xrf0);
	(xrf0) =	vadd.scan.msk.s32 $0xffff, v17;
	v17 =	vnsel vm0, $0x0, v35  }
0x5d: {  	[tilespmem:$0x1FD60] =	vst v27;
	(v2sf) =	vpush v60, $0xF;
	v57, _, _ =	vpop (xrf0);
	(xrf0) =	vadd.scan.msk.s32 $0xffff, v17;
	v17 =	vnsel vm0, $0x0, v54  }
0x5e: {  	[tilespmem:$0x1FD50] =	vst v25;
	v29 =	vbroadcast v8, $0xF;
	v58, _, _ =	vpop (xrf0);
	(xrf0) =	vadd.scan.msk.s32 $0xffff, v17;
	v17 =	vsel vm1, $0x0, v54  }
0x5f: {  	[tilespmem:$0x1FDD0] =	vst v45;
	v62 =	vbroadcast v1, $0xF;
	v42, _, _ =	vpop (xrf0);
	(xrf0) =	vadd.scan.msk.s32 $0xffff, v17;
	v17 =	vnsel vm0, $0x0, v20  }
0x60: {  	[tilespmem:$0x1FD70] =	vst v29;
	(v2sf) =	vpush v63, $0xF;
	v63 =	vbroadcast v2, $0xF;
	v59, _, _ =	vpop (xrf0);
	(xrf0) =	vadd.scan.msk.s32 $0xffff, v17  }
0x61: {  	[tilespmem:$0x1FD00] =	vst v62;
	v23 =	vbroadcast v5, $0xF;
	(v2sf) =	vpush v47, $0xF;
	v60, _, _ =	vpop (xrf0)  }
0x62: {  	[tilespmem:$0x1FD10] =	vst v63;
	v47 =	vbroadcast v15, $0xF;
	(v2sf) =	vpush v52, $0xF;
	v61, _, _ =	vpop (xrf0)  }
0x63: {  	[tilespmem:$0x1FD40] =	vst v23;
	v48 =	vbroadcast v18, $0xF;
	(v2sf) =	vpush v19, $0xF;
	v17, _, _ =	vpop (xrf0)  }
0x64: {  	[tilespmem:$0x1FDE0] =	vst v47;
	v49 =	vbroadcast v32, $0xF;
	(v2sf) =	vpush v57, $0xF;
	v44, _, _ =	vpop (xrf0)  }
0x65: {  	[tilespmem:$0x1FDF0] =	vst v48;
	v51 =	vbroadcast v36, $0xF;
	(v2sf) =	vpush v59, $0xF;
	v46, _, _ =	vpop (xrf0)  }
0x66: {  	s28 =	simm.s32 $0x0;
	v52 =	vbroadcast v37, $0xF;
	[tilespmem:$0x1FE00] =	vst v49;
	(v2sf) =	vpush v17, $0xF;
	v17, _, _ =	vpop (xrf0)  }
0x67: {  	s29 =	simm.s32 $0x0;
	s30 =	simm.s32 $0x0;
	s8 =	spop (v2sf);
	v53 =	vbroadcast v38, $0xF;
	[tilespmem:$0x1FE20] =	vst v51;
	(v2sf) =	vpush v17, $0xF  }
0x68: {  	s31 =	simm.s32 $0x0;
	[dreg:$0x4] =	wrdreg s8;
	s9 =	spop (v2sf);
	v33 =	vbroadcast v10, $0xF;
	[tilespmem:$0x1FE30] =	vst v52  }
0x69: {  	s1 =	simm.s32 $0x0;
	[dreg:$0x5] =	wrdreg s9;
	s12 =	spop (v2sf);
	v55 =	vbroadcast v55, $0xF;
	[tilespmem:$0x1FE40] =	vst v53  }
0x6a: {  	s0 =	simm.s32 $0x0;
	[dreg:$0x6] =	wrdreg s12;
	s13 =	spop (v2sf);
	[tilespmem:$0x1FD90] =	vst v33;
	v50 =	vbroadcast v34, $0xF  }
0x6b: {  	s8 =	simm.s32 $0x0;
	[dreg:$0x7] =	wrdreg s13;
	s14 =	spop (v2sf);
	[tilespmem:$0x1FE60] =	vst v55;
	v35 =	vbroadcast v11, $0xF  }
0x6c: {  	s9 =	simm.s32 $0x0;
	[dreg:$0x8] =	wrdreg s14;
	s16 =	spop (v2sf);
	v56 =	vbroadcast v40, $0xF;
	[tilespmem:$0x1FE10] =	vst v50  }
0x6d: {  	s13 =	simm.s32 $0x0;
	[dreg:$0x9] =	wrdreg s16;
	s17 =	spop (v2sf);
	[tilespmem:$0x1FDA0] =	vst v35;
	v54 =	vbroadcast v39, $0xF  }
0x6e: {  	s16 =	simm.s32 $0x1900;
	[dreg:$0xa] =	wrdreg s17;
	s18 =	spop (v2sf);
	[tilespmem:$0x1FE70] =	vst v56;
	v57 =	vbroadcast v22, $0xF  }
0x6f: {  	s17 =	simm.s32 $0x1800;
	[dreg:$0xb] =	wrdreg s18;
	v20 =	vbroadcast v3, $0xF;
	s19 =	spop (v2sf);
	[tilespmem:$0x1FE50] =	vst v54  }
0x70: {  	s18 =	simm.s32 $0x0;
	v58 =	vbroadcast v58, $0xF;
	[tilespmem:$0x1FE80] =	vst v57;
	[dreg:$0xc] =	wrdreg s19;
	s20 =	spop (v2sf)  }
0x71: {  	[tilespmem:$0x1FD20] =	vst v20;
	s19 =	simm.s32 $0x0;
	v59 =	vbroadcast v42, $0xF;
	[dreg:$0xd] =	wrdreg s20;
	s21 =	spop (v2sf)  }
0x72: {  	[tilespmem:$0x1FE90] =	vst v58;
	v60 =	vbroadcast v60, $0xF;
	s20 =	simm.s32 $0x0;
	[dreg:$0xe] =	wrdreg s21;
	s22 =	spop (v2sf)  }
0x73: {  	[tilespmem:$0x1FEA0] =	vst v59;
	v61 =	vbroadcast v61, $0xF;
	s21 =	simm.s32 $0x0;
	[dreg:$0xf] =	wrdreg s22;
	s23 =	spop (v2sf)  }
0x74: {  	[tilespmem:$0x1FEB0] =	vst v60;
	v62 =	vbroadcast v44, $0xF;
	s22 =	simm.s32 $0x0;
	[dreg:$0x10] =	wrdreg s23;
	s24 =	spop (v2sf)  }
0x75: {  	[tilespmem:$0x1FEC0] =	vst v61;
	v63 =	vbroadcast v46, $0xF;
	s23 =	simm.s32 $0x0;
	[dreg:$0x11] =	wrdreg s24;
	s25 =	spop (v2sf)  }
0x76: {  	[tilespmem:$0x1FED0] =	vst v62;
	s24 =	simm.s32 $0x0;
	[dreg:$0x12] =	wrdreg s25;
	s26 =	spop (v2sf)  }
0x77: {  	[tilespmem:$0x1FEE0] =	vst v63;
	s25 =	simm.s32 $0x0;
	[dreg:$0x13] =	wrdreg s26;
	s26 =	simm.s32 $0x0  }
.LBB2_2:
0x78: {  	s14 =	sand.u32 $0x70, s19;
	s3 =	sand.u32 $0x400, s18  }
0x79: {  	s14 =	sor.u32 s14, s3  }
0x7a: {  	v49 =	vld [tilespmem:s14+$0x0];
	_ =	sdelay $0x3  }
0x7b: {  	v27 =	vld [tilespmem:$0x1FCF0]  }
0x7c: {  	v0 =	vand.u32 $0x7FFFFFFF, v49  }
0x7d: {  	v1 =	vxor.u32 $0xFFFFFFFF, v49;
	vm0 =	vlt.s32 v49, $0x0;
	v0 =	vxor.u32 $0x80000000, v0  }
0x7e: {  	vm15 =	veq.f32 v49, $0.0e+00;
	v0 =	vsel vm0, v1, v0  }
0x7f: {  	v12 =	vsel vm15, $0x80000000, v0  }
0x80: {  	v50 =	vld [tilespmem:s14+$0x80];
	vm3 =	veq.s32 v12, v27  }
0x81: {  	v42 =	vsel vm3, $0x1, v16  }
0x82: {  	(xrf0) =	vadd.scan.msk.s32 $0xffff, v42;
	_ =	sdelay $0x1  }
0x83: {  	v29 =	vld [tilespmem:$0x1FD10]  }
0x84: {  	v43 =	vand.u32 $0x7FFFFFFF, v50  }
0x85: {  	v44 =	vxor.u32 $0xFFFFFFFF, v50;
	vm4 =	vlt.s32 v50, $0x0;
	v0 =	vxor.u32 $0x80000000, v43  }
0x86: {  	vm5 =	veq.f32 v50, $0.0e+00;
	v0 =	vsel vm4, v44, v0  }
0x87: {  	vm12 =	vmmov $0x7fff;
	v13 =	vsel vm5, $0x80000000, v0;
	v24, _, _ =	vpop (xrf0)  }
0x88: {  	v51 =	vld [tilespmem:s14+$0x100];
	vm4 =	veq.s32 v13, v29;
	v45 =	vsel vm12, $0x0, v24  }
0x89: {  	v46 =	vsel vm4, $0x1, v16;
	(xrf0) =	vadd.scan.msk.s32 $0xffff, v45  }
0x8a: {  	(xrf0) =	vadd.scan.msk.s32 $0xffff, v46;
	_ =	sdelay $0x1  }
0x8b: {  	v31 =	vld [tilespmem:$0x1FD30]  }
0x8c: {  	v47 =	vand.u32 $0x7FFFFFFF, v51  }
0x8d: {  	v48 =	vxor.u32 $0xFFFFFFFF, v51;
	vm6 =	vlt.s32 v51, $0x0;
	v0 =	vxor.u32 $0x80000000, v47  }
0x8e: {  	vm7 =	veq.f32 v51, $0.0e+00;
	v0 =	vsel vm6, v48, v0;
	v53, _, _ =	vpop (xrf0)  }
0x8f: {  	v0 =	vsel vm7, $0x80000000, v0;
	v22, _, _ =	vpop (xrf0)  }
0x90: {  	v52 =	vld [tilespmem:s14+$0x180];
	vm6 =	veq.s32 v0, v31;
	v56 =	vsel vm12, $0x0, v22  }
0x91: {  	v57 =	vsel vm6, $0x1, v16;
	(xrf0) =	vadd.scan.msk.s32 $0xffff, v56  }
0x92: {  	(xrf0) =	vadd.scan.msk.s32 $0xffff, v57;
	_ =	sdelay $0x1  }
0x93: {  	v33 =	vld [tilespmem:$0x1FD50]  }
0x94: {  	v58 =	vand.u32 $0x7FFFFFFF, v52  }
0x95: {  	v2 =	vxor.u32 $0xFFFFFFFF, v52;
	vm8 =	vlt.s32 v52, $0x0;
	v1 =	vxor.u32 $0x80000000, v58  }
0x96: {  	vm9 =	veq.f32 v52, $0.0e+00;
	v1 =	vsel vm8, v2, v1;
	v54, _, _ =	vpop (xrf0)  }
0x97: {  	v18 =	vsel vm9, $0x80000000, v1;
	v28, _, _ =	vpop (xrf0)  }
0x98: {  	v55 =	vld [tilespmem:s14+$0x200];
	vm9 =	veq.s32 v18, v33;
	v59 =	vsel vm12, $0x0, v28  }
0x99: {  	v60 =	vsel vm9, $0x1, v16;
	(xrf0) =	vadd.scan.msk.s32 $0xffff, v59  }
0x9a: {  	(xrf0) =	vadd.scan.msk.s32 $0xffff, v60;
	_ =	sdelay $0x1  }
0x9b: {  	v35 =	vld [tilespmem:$0x1FD70]  }
0x9c: {  	v61 =	vand.u32 $0x7FFFFFFF, v55  }
0x9d: {  	v62 =	vxor.u32 $0xFFFFFFFF, v55;
	vm10 =	vlt.s32 v55, $0x0;
	v1 =	vxor.u32 $0x80000000, v61  }
0x9e: {  	vm11 =	veq.f32 v55, $0.0e+00;
	v1 =	vsel vm10, v62, v1;
	v56, _, _ =	vpop (xrf0)  }
0x9f: {  	v20 =	vsel vm11, $0x80000000, v1;
	v34, _, _ =	vpop (xrf0)  }
0xa0: {  	vm2 =	veq.s32 v20, v35;
	v57 =	vld [tilespmem:s14+$0x280];
	v63 =	vsel vm12, $0x0, v34  }
0xa1: {  	v4 =	vsel vm2, $0x1, v16;
	(xrf0) =	vadd.scan.msk.s32 $0xffff, v63  }
0xa2: {  	(xrf0) =	vadd.scan.msk.s32 $0xffff, v4;
	_ =	sdelay $0x1  }
0xa3: {  	v37 =	vld [tilespmem:$0x1FD90]  }
0xa4: {  	v5 =	vand.u32 $0x7FFFFFFF, v57  }
0xa5: {  	v6 =	vxor.u32 $0xFFFFFFFF, v57;
	vm13 =	vlt.s32 v57, $0x0;
	v1 =	vxor.u32 $0x80000000, v5  }
0xa6: {  	vm14 =	veq.f32 v57, $0.0e+00;
	v1 =	vsel vm13, v6, v1;
	v59, _, _ =	vpop (xrf0)  }
0xa7: {  	v15 =	vsel vm14, $0x80000000, v1;
	v32, _, _ =	vpop (xrf0)  }
0xa8: {  	v58 =	vld [tilespmem:s14+$0x300];
	vm7 =	veq.s32 v15, v37;
	v7 =	vsel vm12, $0x0, v32  }
0xa9: {  	v8 =	vsel vm7, $0x1, v16;
	(xrf0) =	vadd.scan.msk.s32 $0xffff, v7  }
0xaa: {  	(xrf0) =	vadd.scan.msk.s32 $0xffff, v8;
	_ =	sdelay $0x1  }
0xab: {  	v39 =	vld [tilespmem:$0x1FDB0]  }
0xac: {  	v9 =	vand.u32 $0x7FFFFFFF, v58  }
0xad: {  	v10 =	vxor.u32 $0xFFFFFFFF, v58;
	vm15 =	vlt.s32 v58, $0x0;
	v1 =	vxor.u32 $0x80000000, v9  }
0xae: {  	vm5 =	veq.f32 v58, $0.0e+00;
	v1 =	vsel vm15, v10, v1;
	v60, _, _ =	vpop (xrf0)  }
0xaf: {  	v26 =	vsel vm5, $0x80000000, v1;
	v38, _, _ =	vpop (xrf0)  }
0xb0: {  	v61 =	vld [tilespmem:s14+$0x380];
	vm10 =	veq.s32 v26, v39;
	v11 =	vsel vm12, $0x0, v38  }
0xb1: {  	v14 =	vsel vm10, $0x1, v16;
	(xrf0) =	vadd.scan.msk.s32 $0xffff, v11  }
0xb2: {  	v21 =	vmax.f32 v49, v50;
	(xrf0) =	vadd.scan.msk.s32 $0xffff, v14  }
0xb3: {  	v41 =	vld [tilespmem:$0x1FDD0];
	v23 =	vmax.f32 v21, v51  }
0xb4: {  	v62 =	vld [tilespmem:s14+$0x800];
	v1 =	vmax.f32 v23, v52  }
0xb5: {  	v30 =	vand.u32 $0x7FFFFFFF, v61;
	vm8 =	vlt.s32 v61, $0x0;
	v25 =	vmax.f32 v1, v55;
	v63 =	vld [tilespmem:s14+$0x880]  }
0xb6: {  	v3 =	vxor.u32 $0x80000000, v30;
	v1 =	vld [tilespmem:s14+$0x900];
	v5 =	vmax.f32 v25, v57;
	v4 =	vxor.u32 $0xFFFFFFFF, v61  }
0xb7: {  	v2 =	vld [tilespmem:s14+$0x980];
	vm11 =	veq.f32 v61, $0.0e+00;
	v36 =	vmax.f32 v5, v58;
	v3 =	vsel vm8, v4, v3;
	v8, _, _ =	vpop (xrf0)  }
0xb8: {  	v4 =	vmax.f32 v36, v61;
	v30 =	vsel vm11, $0x80000000, v3;
	v3 =	vld [tilespmem:s14+$0xA00];
	v42, _, _ =	vpop (xrf0)  }
0xb9: {  	v6 =	vld [tilespmem:s14+$0xA80];
	v4 =	vmax.f32 v4, v62;
	vm11 =	veq.s32 v30, v41;
	v44 =	vsel vm12, $0x0, v42  }
0xba: {  	v5 =	vld [tilespmem:s14+$0xB00];
	v45 =	vsel vm11, $0x1, v16;
	v4 =	vmax.f32 v4, v63;
	(xrf0) =	vadd.scan.msk.s32 $0xffff, v44  }
0xbb: {  	v7 =	vmax.f32 v4, v1;
	v4 =	vld [tilespmem:s14+$0xB80];
	(xrf0) =	vadd.scan.msk.s32 $0xffff, v45  }
0xbc: {  	v7 =	vmax.f32 v7, v2  }
0xbd: {  	v43 =	vld [tilespmem:$0x1FDF0];
	v9 =	vand.u32 $0x7FFFFFFF, v62;
	v7 =	vmax.f32 v7, v3  }
0xbe: {  	vm13 =	vlt.s32 v62, $0x0;
	v7 =	vmax.f32 v7, v6  }
0xbf: {  	v10 =	vxor.u32 $0x80000000, v9;
	v7 =	vmax.f32 v7, v5;
	v11 =	vxor.u32 $0xFFFFFFFF, v62  }
0xc0: {  	vm14 =	veq.f32 v62, $0.0e+00;
	v7 =	vmax.f32 v7, v4;
	v10 =	vsel vm13, v11, v10;
	v9, _, _ =	vpop (xrf0)  }
0xc1: {  	v47 =	vsub.f32 v49, v7;
	v40 =	vsel vm14, $0x80000000, v10;
	v44, _, _ =	vpop (xrf0)  }
0xc2: {  	v21 =	vsub.f32 v50, v7;
	vm13 =	veq.s32 v40, v43;
	v46 =	vsel vm12, $0x0, v44  }
0xc3: {  	v14 =	vmul.f32 $1.442695020e+00, v47;
	v48 =	vsel vm13, $0x1, v16;
	(xrf0) =	vadd.scan.msk.s32 $0xffff, v46  }
0xc4: {  	v11 =	vmul.f32 $1.442695020e+00, v21;
	(xrf0) =	vadd.scan.msk.s32 $0xffff, v48  }
0xc5: {  	(erf) = vpow2.f32 v14  }
0xc6: {  	v17 =	vxor.u32 $0xFFFFFFFF, v1;
	(erf) = vpow2.f32 v11  }
0xc7: {  	vm8 =	vlt.s32 v1, $0x0;
	v23 =	vand.u32 $0x7FFFFFFF, v63;
	v36 =	vxor.u32 $0xFFFFFFFF, v63  }
0xc8: {  	vm15 =	vlt.s32 v63, $0x0;
	vm5 =	veq.f32 v63, $0.0e+00;
	v19 =	vsub.f32 v52, v7  }
0xc9: {  	vm14 =	veq.f32 v1, $0.0e+00;
	v14 =	vxor.u32 $0x80000000, v23;
	v23 =	vand.u32 $0x7FFFFFFF, v1;
	v45 =	vld [tilespmem:$0x1FE10];
	v10, _, _ =	vpop (xrf0)  }
0xca: {  	v14 =	vsel vm15, v36, v14;
	v47 =	vxor.u32 $0x80000000, v23;
	v48 =	vsub.f32 v51, v7;
	v46, _, _ =	vpop (xrf0)  }
0xcb: {  	v36 =	vsel vm5, $0x80000000, v14;
	v17 =	vsel vm8, v17, v47;
	v25 =	vsel vm12, $0x0, v46  }
0xcc: {  	v14 =	vsel vm14, $0x80000000, v17;
	v17 =	vsub.f32 v55, v7;
	v48 =	vmul.f32 $1.442695020e+00, v48  }
0xcd: {  	v19 =	vmul.f32 $1.442695020e+00, v19  }
0xce: {  	v17 =	vmul.f32 $1.442695020e+00, v17;
	vm15 =	veq.s32 v36, v45;
	(erf) = vpow2.f32 v48;
	(xrf0) =	vadd.scan.msk.s32 $0xffff, v25;
	v25 =	vpop (erf)  }
0xcf: {  	v21 =	vsel vm15, $0x1, v16;
	v48 =	vadd.f32 $0.0e+00, v25;
	v25 =	vpop (erf);
	(erf) = vpow2.f32 v19  }
0xd0: {  	(xrf0) =	vadd.scan.msk.s32 $0xffff, v21;
	(erf) = vpow2.f32 v17;
	v17 =	vld [tilespmem:$0x1FD00]  }
0xd1: {  	v47 =	vld [tilespmem:$0x1FE30]  }
0xd2: {  	s6 =	rddreg [dreg:$0x4]  }
0xd3: {  	s3 =	sadd.s32 s6, s13;
	vm1 =	vgt.u32 v12, v27;
	v27 =	vand.u32 $0x7FFFFFFF, v2  }
0xd4: {  	v12 =	vxor.u32 $0x80000000, v27;
	v25 =	vadd.f32 v48, v25;
	v48 =	vadd.s32 s3, v24  }
0xd5: {  	s7 =	rddreg [dreg:$0x5];
	vm14 =	vlt.s32 v2, $0x0;
	v11, _, _ =	vpop (xrf0);
	vm5 =	vle.s32 v48, v17;
	v17 =	vxor.u32 $0xFFFFFFFF, v2  }
0xd6: {  	vm8 =	veq.s32 v14, v47;
	s3 =	sadd.s32 s7, s9;
	v21, _, _ =	vpop (xrf0);
	v17 =	vsel vm14, v17, v12;
	vm14 =	veq.f32 v2, $0.0e+00  }
0xd7: {  	v23 =	vsel vm12, $0x0, v21;
	v48 =	vadd.s32 s3, v22;
	v22 =	vsel vm14, $0x80000000, v17;
	v17 =	vld [tilespmem:$0x1FD20]  }
0xd8: {  	(xrf0) =	vadd.scan.msk.s32 $0xffff, v23;
	v23 =	vsel vm8, $0x1, v16  }
0xd9: {  	(xrf0) =	vadd.scan.msk.s32 $0xffff, v23;
	vm0 =	vmand vm3, vm5  }
0xda: {  	vm5 =	vmor vm1, vm0;
	vm1 =	vgt.u32 v13, v29;
	v29 =	vld [tilespmem:$0x1FE50]  }
0xdb: {  	s12 =	rddreg [dreg:$0x6]  }
0xdc: {  	s4 =	rddreg [dreg:$0x7];
	vm0 =	vle.s32 v48, v17;
	v17 =	vld [tilespmem:$0x1FD40]  }
0xdd: {  	s2 =	sadd.s32 s4, s0;
	v27 =	vimm.s32 $0x0;
	s14 =	sadd.s32 s12, s8;
	v19 =	vpop (erf);
	v23 =	vld [tilespmem:$0x1FD60]  }
0xde: {  	v34 =	vadd.s32 s2, v34;
	v28 =	vadd.s32 s14, v28;
	v24 =	vadd.f32 v25, v19;
	v12, _, _ =	vpop (xrf0)  }
0xdf: {  	vm3 =	vgt.u32 v0, v31;
	v19, _, _ =	vpop (xrf0);
	vm14 =	veq.s32 v22, v29;
	v48 =	vimm.s32 $0x0  }
0xe0: {  	v25 =	vsel vm12, $0x0, v19;
	v31 =	vsel vm14, $0x1, v16;
	vm0 =	vmand vm4, vm0  }
0xe1: {  	(xrf0) =	vadd.scan.msk.s32 $0xffff, v25;
	vm0 =	vmor vm1, vm0;
	v25 =	vimm.s32 $0x0;
	vm4 =	vle.s32 v28, v17  }
0xe2: {  	s4 =	rddreg [dreg:$0x8];
	v13 =	vsel vm0, $0xFFFFFFFF, v48;
	vm0 =	vle.s32 v34, v23;
	vm1 =	vmand vm6, vm4  }
0xe3: {  	s3 =	sadd.s32 s4, s1;
	vm0 =	vmand vm9, vm0;
	vm4 =	vgt.u32 v18, v33;
	vm1 =	vmor vm3, vm1  }
0xe4: {  	(xrf0) =	vadd.scan.msk.s32 $0xffff, v31;
	v18 =	vadd.s32 s3, v32;
	v32 =	vld [tilespmem:$0x1FD80];
	vm0 =	vmor vm4, vm0;
	v0 =	vsel vm1, $0xFFFFFFFF, v25  }
0xe5: {  	v31 =	vxor.u32 $0xFFFFFFFF, v3;
	v28 =	vand.u32 $0x7FFFFFFF, v3;
	[tilespmem:$0x1FC60] =	vst v0;
	v0 =	vsel vm0, $0xFFFFFFFF, v27  }
0xe6: {  	s5 =	rddreg [dreg:$0x9];
	vm9 =	vlt.s32 v3, $0x0;
	vm1 =	vgt.u32 v20, v35;
	v35 =	vld [tilespmem:$0x1FDA0];
	[tilespmem:$0x1FC70] =	vst v0;
	v0 =	vxor.u32 $0x80000000, v28  }
0xe7: {  	s6 =	rddreg [dreg:$0xa];
	s4 =	sadd.s32 s5, s31;
	v0 =	vsel vm9, v31, v0;
	v31 =	vld [tilespmem:$0x1FE70]  }
0xe8: {  	v48 =	vimm.s32 $0x0;
	v33 =	vadd.s32 s4, v38;
	s3 =	sadd.s32 s6, s30;
	vm4 =	veq.f32 v3, $0.0e+00;
	v27 =	vld [tilespmem:$0x1FDC0]  }
0xe9: {  	[tilespmem:$0x1FC50] =	vst v13;
	v13, _, _ =	vpop (xrf0);
	v25 =	vadd.s32 s3, v42;
	v28 =	vimm.s32 $0x0;
	vm6 =	vle.s32 v18, v32  }
0xea: {  	v18, _, _ =	vpop (xrf0);
	v32 =	vimm.s32 $0x0;
	v20 =	vsel vm4, $0x80000000, v0;
	vm4 =	vmand vm2, vm6  }
0xeb: {  	v34 =	vsel vm12, $0x0, v18;
	vm6 =	vle.s32 v33, v35;
	vm0 =	vmor vm1, vm4;
	v35 =	vld [tilespmem:$0x1FDE0]  }
0xec: {  	v23 =	vsel vm0, $0xFFFFFFFF, v48;
	vm0 =	vgt.u32 v15, v37;
	vm3 =	veq.s32 v20, v31  }
0xed: {  	s7 =	rddreg [dreg:$0xb];
	(xrf0) =	vadd.scan.msk.s32 $0xffff, v34;
	vm4 =	vmand vm7, vm6;
	vm6 =	vle.s32 v25, v27;
	v38 =	vsel vm3, $0x1, v16  }
0xee: {  	s12 =	sadd.s32 s7, s29;
	vm7 =	vgt.u32 v26, v39;
	vm0 =	vmor vm0, vm4;
	vm10 =	vmand vm10, vm6;
	(xrf0) =	vadd.scan.msk.s32 $0xffff, v38  }
0xef: {  	v33 =	vadd.s32 s12, v44;
	v39 =	vld [tilespmem:$0x1FE00];
	v0 =	vsel vm0, $0xFFFFFFFF, v28;
	vm0 =	vmor vm7, vm10  }
0xf0: {  	v15 =	vand.u32 $0x7FFFFFFF, v6;
	[tilespmem:$0x1FC90] =	vst v0;
	v0 =	vsel vm0, $0xFFFFFFFF, v32;
	vm6 =	vle.s32 v33, v35;
	v33 =	vld [tilespmem:$0x1FE90]  }
0xf1: {  	s14 =	rddreg [dreg:$0xc];
	v34 =	vxor.u32 $0xFFFFFFFF, v6;
	v15 =	vxor.u32 $0x80000000, v15;
	vm4 =	vlt.s32 v6, $0x0  }
0xf2: {  	s3 =	sadd.s32 s14, s28;
	v15 =	vsel vm4, v34, v15;
	vm7 =	veq.f32 v6, $0.0e+00  }
0xf3: {  	v25 =	vsel vm7, $0x80000000, v15;
	v15 =	vadd.s32 s3, v46;
	[tilespmem:$0x1FCA0] =	vst v0;
	v0, _, _ =	vpop (xrf0)  }
0xf4: {  	vm2 =	vgt.u32 v30, v41;
	[tilespmem:$0x1FC80] =	vst v23;
	vm1 =	vmand vm11, vm6;
	vm11 =	vle.s32 v15, v39;
	v23, _, _ =	vpop (xrf0)  }
0xf5: {  	vm10 =	vmor vm2, vm1;
	vm6 =	veq.s32 v25, v33;
	v37 =	vsel vm12, $0x0, v23  }
0xf6: {  	vm0 =	vmand vm13, vm11;
	vm2 =	vgt.u32 v40, v43;
	v15 =	vsel vm6, $0x1, v16;
	(xrf0) =	vadd.scan.msk.s32 $0xffff, v37  }
0xf7: {  	vm0 =	vmor vm2, vm0;
	(xrf0) =	vadd.scan.msk.s32 $0xffff, v15;
	v15 =	vimm.s32 $0x0  }
0xf8: {  	v15 =	vsel vm0, $0xFFFFFFFF, v15  }
0xf9: {  	[tilespmem:$0x1FCC0] =	vst v15;
	v15 =	vld [tilespmem:$0x1FE20];
	_ =	sdelay $0x1  }
0xfa: {  	s2 =	rddreg [dreg:$0xd];
	v17 =	vsub.f32 v57, v7  }
0xfb: {  	s5 =	sadd.s32 s2, s26  }
0xfc: {  	v21 =	vadd.s32 s5, v21;
	v17 =	vmul.f32 $1.442695020e+00, v17  }
0xfd: {  	vm4 =	vle.s32 v21, v15;
	v15 =	vsub.f32 v58, v7  }
0xfe: {  	(erf) = vpow2.f32 v17;
	v17 =	vand.u32 $0x7FFFFFFF, v5;
	v34 =	vld [tilespmem:$0x1FEB0]  }
0xff: {  	v42 =	vsub.f32 v61, v7;
	v17 =	vxor.u32 $0x80000000, v17;
	vm9 =	veq.f32 v5, $0.0e+00  }
0x100: {  	s6 =	rddreg [dreg:$0xe];
	v44 =	vxor.u32 $0xFFFFFFFF, v4;
	vm7 =	vlt.s32 v5, $0x0;
	v40 =	vxor.u32 $0xFFFFFFFF, v5  }
0x101: {  	s3 =	sadd.s32 s6, s25;
	v38 =	vimm.s32 $0x0;
	v17 =	vsel vm7, v40, v17;
	v41 =	vmul.f32 $1.442695020e+00, v15;
	v15, _, _ =	vpop (xrf0)  }
0x102: {  	s7 =	rddreg [dreg:$0xf];
	v35 =	vimm.s32 $0x0;
	v19 =	vadd.s32 s3, v19;
	v17 =	vsel vm9, $0x80000000, v17;
	v30, _, _ =	vpop (xrf0)  }
0x103: {  	s3 =	sadd.s32 s7, s24;
	vm13 =	vmand vm15, vm4;
	vm4 =	veq.s32 v17, v34;
	v46 =	vsel vm12, $0x0, v30  }
0x104: {  	v18 =	vadd.s32 s3, v18;
	v43 =	vand.u32 $0x7FFFFFFF, v4;
	v48 =	vsel vm4, $0x1, v16;
	(xrf0) =	vadd.scan.msk.s32 $0xffff, v46  }
0x105: {  	v27 =	vsel vm10, $0xFFFFFFFF, v38;
	v28 =	vxor.u32 $0x80000000, v43;
	vm10 =	vlt.s32 v4, $0x0;
	(xrf0) =	vadd.scan.msk.s32 $0xffff, v48;
	v48 =	vld [tilespmem:$0x1FE60]  }
0x106: {  	vm11 =	vgt.u32 v36, v45;
	v40 =	vld [tilespmem:$0x1FE40];
	v43 =	vsub.f32 v1, v7;
	v28 =	vsel vm10, v44, v28  }
0x107: {  	v36 =	vpop (erf);
	vm9 =	veq.f32 v4, $0.0e+00;
	v21 =	vmul.f32 $1.442695020e+00, v42;
	(erf) = vpow2.f32 v41  }
0x108: {  	s12 =	rddreg [dreg:$0x10];
	v24 =	vadd.f32 v24, v36;
	v38 =	vsub.f32 v63, v7;
	v28 =	vsel vm9, $0x80000000, v28  }
0x109: {  	s4 =	sadd.s32 s12, s23;
	v44 =	vmul.f32 $1.442695020e+00, v43;
	v37 =	vsub.f32 v62, v7;
	(erf) = vpow2.f32 v21  }
0x10a: {  	v39 =	vpop (erf);
	vm9 =	vgt.u32 v14, v47;
	v23 =	vadd.s32 s4, v23;
	vm10 =	vle.s32 v18, v48;
	v18 =	vld [tilespmem:$0x1FE80]  }
0x10b: {  	vm7 =	vle.s32 v19, v40;
	v19 =	vadd.f32 v24, v39;
	v26 =	vmul.f32 $1.442695020e+00, v37  }
0x10c: {  	vm7 =	vmand vm8, vm7;
	v42 =	vpop (erf);
	vm15 =	vmor vm11, vm13;
	v41 =	vmul.f32 $1.442695020e+00, v38  }
0x10d: {  	[tilespmem:$0x1FCB0] =	vst v27;
	v19 =	vadd.f32 v19, v42;
	v27 =	vsel vm15, $0xFFFFFFFF, v35;
	(erf) = vpow2.f32 v26  }
0x10e: {  	vm13 =	vgt.u32 v17, v34;
	v17 =	vsub.f32 v3, v7;
	[tilespmem:$0x1FCD0] =	vst v27;
	v27 =	vld [tilespmem:$0x1FED0];
	(erf) = vpow2.f32 v41;
	v21, _, _ =	vpop (xrf0)  }
0x10f: {  	v36 =	vld [tilespmem:$0x1FEA0];
	v45, _, _ =	vpop (xrf0);
	vm14 =	vmand vm14, vm10;
	vm10 =	vgt.u32 v22, v29;
	vm11 =	vle.s32 v23, v18  }
0x110: {  	v29 =	vimm.s32 $0x0;
	v18 =	vpop (erf);
	vm8 =	vmand vm3, vm11;
	vm11 =	vgt.u32 v20, v31  }
0x111: {  	s14 =	rddreg [dreg:$0x11];
	v46 =	vsel vm12, $0x0, v45;
	v18 =	vadd.f32 v19, v18;
	vm8 =	vmor vm11, vm8  }
0x112: {  	s3 =	sadd.s32 s14, s22;
	vm15 =	vmor vm9, vm7;
	v35 =	vsub.f32 v2, v7;
	(xrf0) =	vadd.scan.msk.s32 $0xffff, v46;
	v31 =	vpop (erf);
	v14 =	vsel vm8, $0xFFFFFFFF, v29  }
0x113: {  	vm3 =	veq.s32 v28, v27;
	[tilespmem:$0x1FCE0] =	vst v14;
	v14 =	vadd.f32 v18, v31;
	v18 =	vadd.s32 s3, v30  }
0x114: {  	v37 =	vmul.f32 $1.442695020e+00, v35;
	v19 =	vsel vm3, $0x1, v16;
	vm9 =	vle.s32 v18, v36;
	v18 =	vld [tilespmem:$0x1FEC0]  }
0x115: {  	s2 =	rddreg [dreg:$0x12];
	v17 =	vmul.f32 $1.442695020e+00, v17;
	(erf) = vpow2.f32 v44;
	(xrf0) =	vadd.scan.msk.s32 $0xffff, v19  }
0x116: {  	s4 =	sadd.s32 s2, s21;
	v32 =	vpop (erf);
	(erf) = vpow2.f32 v37  }
0x117: {  	v19 =	vadd.s32 s4, v45;
	(erf) = vpow2.f32 v17;
	v17 =	vld [tilespmem:$0x1FC50]  }
0x118: {  	v41 =	vld [tilespmem:$0x1FEE0]  }
0x119: {  	vm14 =	vmor vm10, vm14;
	vm10 =	vle.s32 v19, v18;
	v18, _, _ =	vpop (xrf0)  }
0x11a: {  	s5 =	rddreg [dreg:$0x13];
	v14 =	vadd.f32 v14, v32;
	v19 =	vpop (erf)  }
0x11b: {  	v40 =	vsub.f32 v6, v7;
	s3 =	sadd.s32 s5, s20;
	vm0 =	vmand vm6, vm9;
	v38, _, _ =	vpop (xrf0)  }
0x11c: {  	vm6 =	vnez.u8 v17;
	v14 =	vadd.f32 v14, v19;
	v19 =	vadd.s32 s3, v38  }
0x11d: {  	vm1 =	vmand vm4, vm10;
	vm10 =	vle.s32 v19, v41;
	v19 =	vnsel vm5, $0x0, v49  }
0x11e: {  	v17 =	vsel vm6, v50, v19;
	v19 =	vmul.f32 $1.442695020e+00, v40;
	_ =	sdelay $0x1  }
0x11f: {  	(erf) = vpow2.f32 v19;
	v19 =	vld [tilespmem:$0x1FC70];
	_ =	sdelay $0x4  }
0x120: {  	vm4 =	vnez.u8 v19;
	v19 =	vld [tilespmem:$0x1FC80]  }
0x121: {  	(v2sf) =	vpush v53, $0xF  }
0x122: {  	(v2sf) =	vpush v54, $0xF  }
0x123: {  	(v2sf) =	vpush v56, $0xF;
	v43 =	vsub.f32 v5, v7;
	v42 =	vld [tilespmem:$0x1FC60]  }
0x124: {  	(v2sf) =	vpush v59, $0xF  }
0x125: {  	(v2sf) =	vpush v60, $0xF;
	vm9 =	vnez.u8 v19;
	v19 =	vmul.f32 $1.442695020e+00, v43  }
0x126: {  	(v2sf) =	vpush v8, $0xF;
	v44 =	vld [tilespmem:$0x1FC90]  }
0x127: {  	(v2sf) =	vpush v9, $0xF;
	v39 =	vpop (erf);
	(erf) = vpow2.f32 v19;
	v19 =	vld [tilespmem:$0x1FCA0]  }
0x128: {  	(v2sf) =	vpush v10, $0xF;
	v46 =	vld [tilespmem:$0x1FCB0];
	vm10 =	vmand vm3, vm10;
	vm3 =	vnez.u8 v42  }
0x129: {  	(v2sf) =	vpush v11, $0xF;
	v47 =	vld [tilespmem:$0x1FCC0];
	v17 =	vsel vm3, v51, v17  }
0x12a: {  	(v2sf) =	vpush v12, $0xF;
	vm2 =	vmmov vm5;
	v48 =	vld [tilespmem:$0x1FCD0];
	v17 =	vsel vm4, v52, v17  }
0x12b: {  	vm11 =	vgt.u32 v25, v33;
	vm8 =	vnez.u8 v44;
	v17 =	vsel vm9, v55, v17  }
0x12c: {  	v45 =	vsub.f32 v4, v7;
	v17 =	vsel vm8, v57, v17;
	vm5 =	vnez.u8 v19  }
0x12d: {  	vm7 =	vnez.u8 v46;
	vm13 =	vmor vm13, vm1;
	v52 =	vld [tilespmem:$0x1FCE0];
	v17 =	vsel vm5, v58, v17  }
0x12e: {  	vm1 =	vnez.u8 v47;
	v19 =	vmul.f32 $1.442695020e+00, v45;
	v8 =	vsel vm7, v61, v17  }
0x12f: {  	vm11 =	vmor vm11, vm0;
	vm0 =	vnez.u8 v48;
	v8 =	vsel vm1, v62, v8  }
0x130: {  	v14 =	vadd.f32 v14, v39;
	v17 =	vpop (erf);
	(erf) = vpow2.f32 v19;
	v8 =	vsel vm0, v63, v8  }
0x131: {  	vm2 =	vmneg vm2;
	v49 =	vsel vm12, $0x0, v38;
	v1 =	vsel vm15, v1, v8  }
0x132: {  	(xrf0) =	vadd.scan.msk.s32 $0xffff, v49;
	vm12 =	vnez.u8 v52;
	v14 =	vadd.f32 v14, v17;
	v1 =	vsel vm14, v2, v1  }
0x133: {  	(v2sf) =	vpush v13, $0xF;
	v53 =	vsel vm2, $0xFFFFFFFF, v16;
	v50 =	vpop (erf);
	v1 =	vsel vm12, v3, v1  }
0x134: {  	vm2 =	vgt.u32 v28, v27;
	v51 =	vadd.f32 v14, v50;
	v1 =	vsel vm11, v6, v1  }
0x135: {  	(v2sf) =	vpush v0, $0xF;
	vm2 =	vmor vm2, vm10;
	v54 =	vpop (erf);
	v55 =	vsel vm13, v5, v1  }
0x136: {  	(v2sf) =	vpush v15, $0xF;
	v56 =	vadd.f32 v51, v54;
	v0 =	vsel vm2, v4, v55  }
0x137: {  	(v2sf) =	vpush v21, $0xF;
	v2 =	vsel vm6, $0x1, v53;
	v57 =	vpop (erf);
	v0 =	vsub.f32 v0, v7  }
0x138: {  	(v2sf) =	vpush v18, $0xF;
	v58, _, _ =	vpop (xrf0);
	v2 =	vsel vm3, $0x2, v2;
	v1 =	vadd.f32 v56, v57  }
0x139: {  	s3 =	spop (v2sf);
	(v2sf) =	vpush v58, $0xF;
	v2 =	vsel vm4, $0x3, v2;
	v59 =	vpop (erf);
	v0 =	vmul.f32 $1.442695020e+00, v0  }
0x13a: {  	s4 =	spop (v2sf);
	v2 =	vsel vm9, $0x4, v2;
	v1 =	vadd.f32 v1, v59  }
0x13b: {  	s14 =	spop (v2sf);
	v2 =	vsel vm8, $0x5, v2;
	(erf) = vpow2.f32 v0  }
0x13c: {  	s5 =	spop (v2sf);
	v60 =	vsel vm5, $0x6, v2;
	(erf) = vrcp.f32 v1  }
0x13d: {  	s6 =	spop (v2sf);
	v0 =	vsel vm7, $0x7, v60  }
0x13e: {  	s7 =	spop (v2sf);
	v0 =	vsel vm1, $0x8, v0  }
0x13f: {  	s18 =	sadd.s32 $0x80, s18;
	s12 =	spop (v2sf);
	v0 =	vsel vm0, $0x9, v0  }
0x140: {  	p0 =	sne.s32 s19, $0xF0;
	s19 =	sadd.s32 $0x10, s19;
	s2 =	spop (v2sf);
	v0 =	vsel vm15, $0xA, v0  }
0x141: {  	s13 =	sadd.s32 s13, s3;
	s9 =	sadd.s32 s9, s4;
	s3 =	spop (v2sf);
	v0 =	vsel vm14, $0xB, v0  }
0x142: {  	s8 =	sadd.s32 s8, s14;
	s0 =	sadd.s32 s0, s5;
	s4 =	spop (v2sf);
	v0 =	vsel vm12, $0xC, v0  }
0x143: {  	s1 =	sadd.s32 s1, s6;
	s31 =	sadd.s32 s31, s7;
	s6 =	spop (v2sf);
	v0 =	vsel vm11, $0xD, v0  }
0x144: {  	s30 =	sadd.s32 s30, s12;
	s29 =	sadd.s32 s29, s2;
	s14 =	spop (v2sf);
	v0 =	vsel vm13, $0xE, v0;
	v61 =	vpop (erf)  }
.Ltmp0:
0x145: {  	s28 =	sadd.s32 s28, s3;
	s3 =	spop (v2sf);
	v0 =	vsel vm2, $0xF, v0;
	v62 =	vpop (erf);
	(pc) =	sbr.rel @p0 .LBB2_2-.Ltmp0, $4  }
0x146: {  	s26 =	sadd.s32 s26, s4;
	s25 =	sadd.s32 s25, s6;
	s7 =	spop (v2sf);
	vm14 =	vgt.s32 v0, $0x0;
	v1 =	vmul.f32 v62, v61  }
0x147: {  	s24 =	sadd.s32 s24, s14;
	s23 =	sadd.s32 s23, s3;
	s12 =	spop (v2sf);
	vm15 =	vgt.s32 v0, $0xFFFFFFFF;
	v0 =	vnsel vm14, $0x0, v0  }
0x148: {  	s22 =	sadd.s32 s22, s7;
	s21 =	sadd.s32 s21, s12;
	s14 =	spop (v2sf);
	[tilespmem:s17+$0x0] =	vst v0;
	v63 =	vnsel vm15, $0x3F800000, v1  }
0x149: {  	s20 =	sadd.s32 s20, s14;
	s17 =	sadd.s32 $0x10, s17;
	[tilespmem:s16+$0x0] =	vst v63;
	s16 =	sadd.s32 $0x10, s16  }
0x14a: {  	s2 =	simm.s32 $0x0;
	s0 =	rddreg [dreg:$0x16];
	s1 =	simm.s32 $0x1800  }
0x14b: {  	[hbm4b:s0+s2] =	stream.linear.scatter [tilespmem:s1], [sflag:$0x2], $0x100, $0x38;
	[tilespmem:$0x1A00] =	vst v63  }
0x14c: {  	_ =	swait.ge [sflag:s11], $0x100  }
0x14d: {  	[sflag:s11] =	ssyncset.done $0x0  }
0x14e: {  	s30 =	simm.s32 $0x1900;
	s29 =	rddreg [dreg:$0x17];
	[sflag:s11] =	ssyncadd.s32 $0xFFFFFF00  }
0x14f: {  	[hbm4b:s29+s2] =	stream.linear.scatter [tilespmem:s30], [sflag:$0x2], $0x100, $0x38;
	[tilespmem:$0x1A00] =	vst v63  }
0x150: {  	_ =	swait.ge [sflag:s11], $0x100  }
0x151: {  	s15 =	sadd.s32 $0x1, s15;
	s31 =	rddreg [dreg:$0x18]  }
0x152: {  	p0 =	sne.s32 s15, s31  }
.Ltmp1:
0x153: {  	_ = 	snop;
	(pc) =	sbr.rel @p0 .LBB2_1-.Ltmp1, $3  }
0x154: {  	_ =	sdelay $0x1  }
0x155: {  	[sflag:s11] =	ssyncset.done $0x0  }
0x156: {  	[sflag:s11] =	ssyncadd.s32 $0xFFFFFF00  }
0x157: {  	_ =	sfence.sel $0x180000  }
0x158: {  	[bflag:$0x0] =	sbarrier.arrive $0xFFFF  }
0x159: {  	_ =	strace $0x9000004A  }
0x15a: {  	s0 =	stileid.u32;
	[bflag:$0x2] =	sbarrier.arrive $0xFFFF  }
0x15b: {  	p0 =	sne.s32 s0, $0x0;
	s0 =	rddreg [dreg:$0x3]  }
0x15c: {  	s0 =	sadd.s32 @!p0 $0x100000, s0  }
0x15d: {  	[sflag:s0] =	ssyncadd.tile.s32 @!p0 $0x1;
	_ =	shalt  }
.Lfunc_end2:
_tile_overlayer_lowered:
.L_overlay_start_2:
0x15e: {  	(tag) =	ssettag $0x2  }
0x15f: {  	s0 =	rddreg [dreg:$0x0];
	s2 =	stileid.u32  }
0x160: {  	s1 =	rddreg [dreg:$0x1];
	p0 =	sne.s32 s2, $0x0  }
0x161: {  	s3 =	rddreg [dreg:$0x2];
	[bflag:$0x3] =	sbarrier.arrive $0xFFFF;
	s2 =	simm.s32 @!p0 $0x1C02  }
0x162: {  	[timem:s3], [sflag:s2] =	dma.local @!p0 [hbm:s0], s1  }
0x163: {  	s0 =	simm.s32 @!p0 $0x2  }
0x164: {  	_ =	swait.ge @!p0 [sflag:s0], s1  }
0x165: {  	s1 =	ssub.s32 @!p0 $0x0, s1;
	[sflag:s0] =	ssyncset.done @!p0 $0x0  }
0x166: {  	[sflag:s0] =	ssyncadd.s32 @!p0 s1  }
0x167: {  	[bflag:$0x3] =	sbarrier.arrive $0xFFFF  }
0x168: {  	_ =	shalt  }

</sc_bundles>
